<compile_context>
chip_gen: v7x
topology: tpu7x:2x2x1
jax: 0.10.2.dev20260603
libtpu: 0.0.44.dev20260713+nightly
codegen_flags: <defaults>
</compile_context>

<pallas_src>
import functools

import jax
import jax.numpy as jnp
from jax import lax
from jax.experimental import pallas as pl
from jax.experimental.pallas import tpu as pltpu
from jax.experimental.pallas import tpu_sc as plsc

N = 10000
E = 320000
D = 128
B = 256
DIM = 32
C = 10

NC = 2
NS = 16
NW = NC * NS

N_PAD = 10240
NPT = N_PAD // NW
EPT = E // NW
K = 128
NCH = (EPT + K - 1) // K
TRASH = N + 8
BP = 384
BCH = (BP + K - 1) // K
NBUF = 12
PD = 6

f32 = jnp.float32


def _sds(shape, dtype=f32):
    return jax.ShapeDtypeStruct(shape, dtype)


_MESH = plsc.VectorSubcoreMesh(
    core_axis_name="c", subcore_axis_name="s", num_cores=NC, num_subcores=NS
)


def _degcnt_body(dstp, batc, zn, deg_out, cnt_out, didx, bidx, ones_v, deg_sh, cnt_sh):
    c = lax.axis_index("c")
    s = lax.axis_index("s")
    wid = c * NS + s

    for i in range(K // 16):
        ones_v[pl.ds(i * 16, 16)] = jnp.ones((16,), f32)

    pltpu.sync_copy(zn, deg_sh.at[pl.ds(s * (N_PAD // NS), N_PAD // NS)])

    @pl.when(s == 0)
    def _():
        pltpu.sync_copy(zn.at[pl.ds(0, BP)], cnt_sh)

    pltpu.sync_copy(dstp.at[wid], didx)
    pltpu.sync_copy(batc.at[wid], bidx)
    plsc.subcore_barrier()

    def chunk(j, carry):
        pltpu.sync_copy(ones_v, deg_sh.at[didx.at[j]], add=True)
        return carry

    lax.fori_loop(0, NCH, chunk, 0)

    def bchunk(j, carry):
        pltpu.sync_copy(ones_v, cnt_sh.at[bidx.at[j]], add=True)
        return carry

    lax.fori_loop(0, BCH, bchunk, 0)

    plsc.subcore_barrier()
    pltpu.sync_copy(
        deg_sh.at[pl.ds(s * (N_PAD // NS), N_PAD // NS)],
        deg_out.at[c, pl.ds(s * (N_PAD // NS), N_PAD // NS)],
    )

    @pl.when(s == 0)
    def _():
        pltpu.sync_copy(cnt_sh, cnt_out.at[c])


_SC_PARAMS = pltpu.CompilerParams(
    use_tc_tiling_on_sc=False, needs_layout_passes=False
)

_sc_degcnt = pl.kernel(
    _degcnt_body,
    out_type=(_sds((NC, N_PAD)), _sds((NC, BP))),
    mesh=_MESH,
    compiler_params=_SC_PARAMS,
    scratch_types=(
        pltpu.VMEM((NCH, K), jnp.int32),
        pltpu.VMEM((BCH, K), jnp.int32),
        pltpu.VMEM((K,), f32),
        pltpu.VMEM_SHARED((N_PAD,), f32),
        pltpu.VMEM_SHARED((BP,), f32),
    ),
)


def _run_pool_loop(bbuf, psum, pmax, rowfn):
    lanes = lax.iota(jnp.int32, 16)

    def pnode(i, carry):
        bi = plsc.load_gather(bbuf, [jnp.full((16,), i, jnp.int32)])
        r0, r1 = rowfn(i, lanes)
        i0 = bi * DIM + lanes
        i1 = i0 + 16
        plsc.addupdate_scatter(psum, [i0], r0)
        plsc.addupdate_scatter(psum, [i1], r1)
        plsc.store_scatter(pmax, [i0], jnp.maximum(plsc.load_gather(pmax, [i0]), r0))
        plsc.store_scatter(pmax, [i1], jnp.maximum(plsc.load_gather(pmax, [i1]), r1))
        return carry

    lax.fori_loop(0, NPT, pnode, 0)


def _agg_pool_body(do_agg, do_pool, *refs):
    refs = list(refs)
    if do_agg:
        hn, srcp, dstp, z640 = refs[:4]
        del refs[:4]
    if do_pool:
        hprev_f, batp, zf, negf = refs[:4]
        del refs[:4]
    if do_agg:
        aggp = refs.pop(0)
    if do_pool:
        psump, pmaxp = refs[:2]
        del refs[:2]
    if do_agg:
        sidx, didx, rows, gsem, ssem = refs[:5]
        del refs[:5]
    if do_pool:
        hbuf, bbuf, psum, pmax = refs[:4]
        del refs[:4]
    if do_agg:
        agg_sh = refs.pop(0)

    c = lax.axis_index("c")
    s = lax.axis_index("s")
    wid = c * NS + s

    if do_agg:
        pltpu.sync_copy(z640, agg_sh.at[pl.ds(s * (N_PAD // NS), N_PAD // NS)])
        pltpu.sync_copy(srcp.at[wid], sidx)
        pltpu.sync_copy(dstp.at[wid], didx)
    if do_pool:
        pltpu.sync_copy(hprev_f.at[pl.ds(wid * NPT * DIM, NPT * DIM)], hbuf)
        pltpu.sync_copy(batp.at[wid], bbuf)
        pltpu.sync_copy(zf, psum)
        pltpu.sync_copy(negf, pmax)
    if do_agg:
        plsc.subcore_barrier()

        for b in range(PD):
            pltpu.async_copy(hn.at[sidx.at[b]], rows.at[b], gsem.at[b])

        def chunk(j, carry):
            slot = j % NBUF
            nxt = j + PD

            @pl.when(jnp.logical_and(nxt < NCH, j >= PD))
            def _():
                pltpu.make_async_copy(
                    rows.at[nxt % NBUF], agg_sh.at[didx.at[j]], ssem.at[nxt % NBUF]
                ).wait()

            @pl.when(nxt < NCH)
            def _():
                pltpu.async_copy(
                    hn.at[sidx.at[nxt]], rows.at[nxt % NBUF], gsem.at[nxt % NBUF]
                )

            pltpu.make_async_copy(
                hn.at[sidx.at[j]], rows.at[slot], gsem.at[slot]
            ).wait()
            pltpu.async_copy(
                rows.at[slot], agg_sh.at[didx.at[j]], ssem.at[slot], add=True
            )
            return carry

        lax.fori_loop(0, NCH, chunk, 0)
        for t in range(max(0, NCH - 2 * PD), NCH):
            pltpu.make_async_copy(
                rows.at[t % NBUF], agg_sh.at[didx.at[t]], ssem.at[t % NBUF]
            ).wait()

    if do_pool:
        _run_pool_loop(
            bbuf,
            psum,
            pmax,
            lambda i, lanes: (
                plsc.load_gather(hbuf, [i * DIM + lanes]),
                plsc.load_gather(hbuf, [i * DIM + 16 + lanes]),
            ),
        )

    if do_agg:
        plsc.subcore_barrier()
        pltpu.sync_copy(
            agg_sh.at[pl.ds(s * (N_PAD // NS), N_PAD // NS)],
            aggp.at[c, pl.ds(s * (N_PAD // NS), N_PAD // NS)],
        )
    if do_pool:
        pltpu.sync_copy(psum, psump.at[wid])
        pltpu.sync_copy(pmax, pmaxp.at[wid])


def _make_agg_pool(do_agg, do_pool):
    out_type = []
    scratch = []
    if do_agg:
        out_type.append(_sds((NC, N_PAD, DIM)))
        scratch += [
            pltpu.VMEM((NCH, K), jnp.int32),
            pltpu.VMEM((NCH, K), jnp.int32),
            pltpu.VMEM((NBUF, K, DIM), f32),
            pltpu.SemaphoreType.DMA((NBUF,)),
            pltpu.SemaphoreType.DMA((NBUF,)),
        ]
    if do_pool:
        out_type += [_sds((NW, BP * DIM)), _sds((NW, BP * DIM))]
        scratch += [
            pltpu.VMEM((NPT * DIM,), f32),
            pltpu.VMEM((BP,), jnp.int32),
            pltpu.VMEM((BP * DIM,), f32),
            pltpu.VMEM((BP * DIM,), f32),
        ]
    if do_agg:
        scratch.append(pltpu.VMEM_SHARED((N_PAD, DIM), f32))
    return pl.kernel(
        functools.partial(_agg_pool_body, do_agg, do_pool),
        out_type=tuple(out_type),
        mesh=_MESH,
        compiler_params=_SC_PARAMS,
        scratch_types=tuple(scratch),
    )


_sc_agg = _make_agg_pool(True, False)
_sc_agg_pool = _make_agg_pool(True, True)


def _pool3_body(
    aggf, hnf, dinv2, b3p, batp, zf, negf, psump, pmaxp,
    a0b, a1b, hnb, dib, b3b, bbuf, psum, pmax,
):
    c = lax.axis_index("c")
    s = lax.axis_index("s")
    wid = c * NS + s
    off = wid * NPT * DIM

    pltpu.sync_copy(aggf.at[0, pl.ds(off, NPT * DIM)], a0b)
    pltpu.sync_copy(aggf.at[1, pl.ds(off, NPT * DIM)], a1b)
    pltpu.sync_copy(hnf.at[pl.ds(off, NPT * DIM)], hnb)
    pltpu.sync_copy(dinv2.at[wid], dib)
    pltpu.sync_copy(b3p, b3b)
    pltpu.sync_copy(batp.at[wid], bbuf)
    pltpu.sync_copy(zf, psum)
    pltpu.sync_copy(negf, pmax)

    l16 = lax.iota(jnp.int32, 16)
    b3lo = plsc.load_gather(b3b, [l16])
    b3hi = plsc.load_gather(b3b, [l16 + 16])

    def rowfn(i, lanes):
        rep = jnp.full((16,), i, jnp.int32)
        di = plsc.load_gather(dib, [rep])
        lo = i * DIM + lanes
        hi = lo + 16
        r0 = di * (
            plsc.load_gather(a0b, [lo])
            + plsc.load_gather(a1b, [lo])
            + plsc.load_gather(hnb, [lo])
        ) + b3lo
        r1 = di * (
            plsc.load_gather(a0b, [hi])
            + plsc.load_gather(a1b, [hi])
            + plsc.load_gather(hnb, [hi])
        ) + b3hi
        return jnp.maximum(r0, 0.0), jnp.maximum(r1, 0.0)

    _run_pool_loop(bbuf, psum, pmax, rowfn)
    pltpu.sync_copy(psum, psump.at[wid])
    pltpu.sync_copy(pmax, pmaxp.at[wid])


_sc_pool3 = pl.kernel(
    _pool3_body,
    out_type=(_sds((NW, BP * DIM)), _sds((NW, BP * DIM))),
    mesh=_MESH,
    compiler_params=_SC_PARAMS,
    scratch_types=(
        pltpu.VMEM((NPT * DIM,), f32),
        pltpu.VMEM((NPT * DIM,), f32),
        pltpu.VMEM((NPT * DIM,), f32),
        pltpu.VMEM((BP,), f32),
        pltpu.VMEM((K,), f32),
        pltpu.VMEM((BP,), jnp.int32),
        pltpu.VMEM((BP * DIM,), f32),
        pltpu.VMEM((BP * DIM,), f32),
    ),
)


_RB = 1024
_GRID = N_PAD // _RB


def _t1_body(degp, x, w1, dinv, hn):
    deg = degp[0] + degp[1] + 1.0
    di = lax.rsqrt(deg)
    dinv[...] = di
    hn[...] = jnp.dot(x[...], w1[...], preferred_element_type=f32) * di


def _t1(degp, x_pad, W1):
    return pl.pallas_call(
        _t1_body,
        grid=(_GRID,),
        in_specs=[
            pl.BlockSpec((NC, _RB, 1), lambda i: (0, i, 0)),
            pl.BlockSpec((_RB, D), lambda i: (i, 0)),
            pl.BlockSpec((D, DIM), lambda i: (0, 0)),
        ],
        out_specs=[
            pl.BlockSpec((_RB, 1), lambda i: (i, 0)),
            pl.BlockSpec((_RB, DIM), lambda i: (i, 0)),
        ],
        out_shape=[_sds((N_PAD, 1)), _sds((N_PAD, DIM))],
    )(degp, x_pad, W1)


def _tmid_body(aggp, hn, dinv, b, w, hout, hnextn):
    di = dinv[...]
    h = jnp.maximum(di * (aggp[0] + aggp[1] + hn[...]) + b[...], 0.0)
    hout[...] = h
    hnextn[...] = jnp.dot(h, w[...], preferred_element_type=f32) * di


def _tmid(aggp, hn, dinv, b, Wnext):
    return pl.pallas_call(
        _tmid_body,
        grid=(_GRID,),
        in_specs=[
            pl.BlockSpec((NC, _RB, DIM), lambda i: (0, i, 0)),
            pl.BlockSpec((_RB, DIM), lambda i: (i, 0)),
            pl.BlockSpec((_RB, 1), lambda i: (i, 0)),
            pl.BlockSpec((1, DIM), lambda i: (0, 0)),
            pl.BlockSpec((DIM, DIM), lambda i: (0, 0)),
        ],
        out_specs=[
            pl.BlockSpec((_RB, DIM), lambda i: (i, 0)),
            pl.BlockSpec((_RB, DIM), lambda i: (i, 0)),
        ],
        out_shape=[_sds((N_PAD, DIM)), _sds((N_PAD, DIM))],
    )(aggp, hn, dinv, b, Wnext)


def _head_body(ps1, pm1, ps2, pm2, ps3, pm3, cntp, wl1, bl1, wl2, bl2, wl3, bl3, out):
    cnt = jnp.maximum(cntp[0] + cntp[1], 1.0)

    def pooled(ps, pm):
        sm = jnp.sum(ps[...], axis=0)
        mx = jnp.max(pm[...], axis=0)
        mx = jnp.where(jnp.isfinite(mx), mx, 0.0)
        xl = jnp.concatenate([mx, sm / cnt], axis=1)
        return jnp.maximum(xl, 0.0)

    g = pooled(ps1, pm1) + pooled(ps2, pm2) + pooled(ps3, pm3)
    g = jnp.maximum(jnp.dot(g, wl1[...], preferred_element_type=f32) + bl1[...], 0.0)
    g = jnp.maximum(jnp.dot(g, wl2[...], preferred_element_type=f32) + bl2[...], 0.0)
    lg = jnp.dot(g, wl3[...], preferred_element_type=f32) + bl3[...]
    m = jnp.max(lg, axis=-1, keepdims=True)
    lse = jnp.log(jnp.sum(jnp.exp(lg - m), axis=-1, keepdims=True))
    out[...] = (lg - m - lse)[:B]


def _head(ps1, pm1, ps2, pm2, ps3, pm3, cntp, Wl1, bl1, Wl2, bl2, Wl3, bl3):
    return pl.pallas_call(_head_body, out_shape=_sds((B, C)))(
        ps1, pm1, ps2, pm2, ps3, pm3, cntp, Wl1, bl1, Wl2, bl2, Wl3, bl3
    )


def kernel(x, edge_index, batch, W1, b1, W2, b2, W3, b3, Wl1, bl1, Wl2, bl2, Wl3, bl3):
    src = edge_index[0]
    dst = edge_index[1]
    pad_e = NCH * K - EPT
    srcp = jnp.pad(
        src.reshape(NW, EPT), ((0, 0), (0, pad_e)), constant_values=0
    ).reshape(NW, NCH, K)
    dstp = jnp.pad(
        dst.reshape(NW, EPT), ((0, 0), (0, pad_e)), constant_values=TRASH
    ).reshape(NW, NCH, K)
    batp = jnp.pad(
        jnp.pad(batch, (0, N_PAD - N), constant_values=B).reshape(NW, NPT),
        ((0, 0), (0, BP - NPT)),
        constant_values=B,
    )
    batc = jnp.pad(batch, (0, NW * BCH * K - N), constant_values=B).reshape(
        NW, BCH, K
    )
    x_pad = jnp.pad(x, ((0, N_PAD - N), (0, 0)))

    zn = jnp.zeros((N_PAD // NS,), f32)
    z640 = jnp.zeros((N_PAD // NS, DIM), f32)
    zf = jnp.zeros((BP * DIM,), f32)
    negf = jnp.full((BP * DIM,), -jnp.inf, f32)

    degp, cntp = _sc_degcnt(dstp, batc, zn)

    dinv, h1n = _t1(degp.reshape(NC, N_PAD, 1), x_pad, W1)
    (aggp1,) = _sc_agg(h1n, srcp, dstp, z640)
    h1, h2n = _tmid(aggp1, h1n, dinv, b1.reshape(1, DIM), W2)

    aggp2, ps1, pm1 = _sc_agg_pool(
        h2n, srcp, dstp, z640, h1.reshape(-1), batp, zf, negf
    )
    h2, h3n = _tmid(aggp2, h2n, dinv, b2.reshape(1, DIM), W3)

    aggp3, ps2, pm2 = _sc_agg_pool(
        h3n, srcp, dstp, z640, h2.reshape(-1), batp, zf, negf
    )

    dinv2 = jnp.pad(dinv.reshape(NW, NPT), ((0, 0), (0, BP - NPT)))
    b3p = jnp.pad(b3, (0, K - DIM))
    ps3, pm3 = _sc_pool3(
        aggp3.reshape(NC, N_PAD * DIM), h3n.reshape(-1), dinv2, b3p, batp, zf, negf
    )

    def prs(p):
        return p.reshape(NW, BP, DIM)

    return _head(
        prs(ps1), prs(pm1), prs(ps2), prs(pm2), prs(ps3), prs(pm3),
        cntp.reshape(NC, BP, 1),
        Wl1, bl1.reshape(1, DIM), Wl2, bl2.reshape(1, DIM // 2),
        Wl3, bl3.reshape(1, C),
    )

# --- scband reference (transcript-rebuilt; emitter-appended) ---
"""Pipeline reference for scband-net-69054484185309 (READ-ONLY COPY).

The authoritative reference and input builder live on the scoring server;
editing this copy changes nothing except your own understanding.
"""

import jax, jax.numpy as jnp
import numpy as np

N = 10000
E = 320000
D = 128
B = 256
DIM = 32
C = 10


def setup_inputs(seed: int = 0) -> dict:
    key = jax.random.key(seed)
    ks = jax.random.split(key, 20)
    x = jax.random.normal(ks[0], (N, D), dtype=jnp.float32)
    edge_index = jax.random.randint(ks[1], (2, E), 0, N, dtype=jnp.int32)
    batch = jnp.sort(jax.random.randint(ks[2], (N,), 0, B, dtype=jnp.int32))

    def lin_w(k, fan_in, fan_out):
        return (jax.random.normal(k, (fan_in, fan_out), dtype=jnp.float32) / np.sqrt(fan_in)).astype(jnp.float32)

    return {
        "x": x,
        "edge_index": edge_index,
        "batch": batch,
        "W1": lin_w(ks[3], D, DIM), "b1": jnp.zeros((DIM,), jnp.float32),
        "W2": lin_w(ks[4], DIM, DIM), "b2": jnp.zeros((DIM,), jnp.float32),
        "W3": lin_w(ks[5], DIM, DIM), "b3": jnp.zeros((DIM,), jnp.float32),
        "Wl1": lin_w(ks[6], DIM * 2, DIM), "bl1": jnp.zeros((DIM,), jnp.float32),
        "Wl2": lin_w(ks[7], DIM, DIM // 2), "bl2": jnp.zeros((DIM // 2,), jnp.float32),
        "Wl3": lin_w(ks[8], DIM // 2, C), "bl3": jnp.zeros((C,), jnp.float32),
    }


def gcn_conv(x, edge_index, W, b):
    # PyG GCNConv: add self-loops, symmetric normalization, sum aggregation
    n = x.shape[0]
    src = edge_index[0]
    dst = edge_index[1]
    loop = jnp.arange(n, dtype=src.dtype)
    src = jnp.concatenate([src, loop])
    dst = jnp.concatenate([dst, loop])
    h = x @ W
    ones = jnp.ones(dst.shape[0], dtype=x.dtype)
    deg = jax.ops.segment_sum(ones, dst, num_segments=n)
    dinv = jnp.where(deg > 0, deg ** -0.5, 0.0)
    norm = dinv[src] * dinv[dst]
    msg = h[src] * norm[:, None]
    out = jax.ops.segment_sum(msg, dst, num_segments=n)
    return out + b


def pool_maxmean(x, batch):
    s = jax.ops.segment_sum(x, batch, num_segments=B)
    cnt = jax.ops.segment_sum(jnp.ones(x.shape[0], dtype=x.dtype), batch, num_segments=B)
    mean = s / jnp.maximum(cnt, 1.0)[:, None]
    mx = jax.ops.segment_max(x, batch, num_segments=B)
    mx = jnp.where(jnp.isfinite(mx), mx, 0.0)
    return jnp.concatenate([mx, mean], axis=1)


def reference(x, edge_index, batch, W1, b1, W2, b2, W3, b3, Wl1, bl1, Wl2, bl2, Wl3, bl3):
    h = jax.nn.relu(gcn_conv(x, edge_index, W1, b1))
    x1 = pool_maxmean(h, batch)
    h = jax.nn.relu(gcn_conv(h, edge_index, W2, b2))
    x2 = pool_maxmean(h, batch)
    h = jax.nn.relu(gcn_conv(h, edge_index, W3, b3))
    x3 = pool_maxmean(h, batch)
    g = jax.nn.relu(x1) + jax.nn.relu(x2) + jax.nn.relu(x3)
    g = jax.nn.relu(g @ Wl1 + bl1)
    # dropout omitted (eval mode)
    g = jax.nn.relu(g @ Wl2 + bl2)
    g = jax.nn.log_softmax(g @ Wl3 + bl3, axis=-1)
    return g

if __name__ == "__main__":
    import jax
    _d = setup_inputs()
    print(jax.jit(kernel)(*tuple(_d.values())))

</pallas_src>

<mosaic_0001>
#map = affine_map<(d0, d1) -> (0, 0)>
#map1 = affine_map<(d0, d1) -> (0, 0, 0)>
module attributes {stable_mosaic.version = 14 : i64} {
  func.func @_agg_pool_body(%arg0: i32, %arg1: i32, %arg2: memref<10240x32xf32, #tpu.memory_space<hbm>>, %arg3: memref<32x79x128xi32, #tpu.memory_space<hbm>>, %arg4: memref<32x79x128xi32, #tpu.memory_space<hbm>>, %arg5: memref<640x32xf32, #tpu.memory_space<hbm>>, %arg6: memref<2x10240x32xf32, #tpu.memory_space<hbm>>, %arg7: memref<79x128xi32, #tpu.memory_space<vmem>>, %arg8: memref<79x128xi32, #tpu.memory_space<vmem>>, %arg9: memref<12x128x32xf32, #tpu.memory_space<vmem>>, %arg10: memref<12x!tpu.dma_semaphore, #tpu.memory_space<semaphore_mem>>, %arg11: memref<12x!tpu.dma_semaphore, #tpu.memory_space<semaphore_mem>>, %arg12: memref<10240x32xf32, #tpu.memory_space<vmem_shared>>) attributes {dimension_semantics = [#tpu.dimension_semantics<core_parallel>, #tpu.dimension_semantics<subcore_parallel>], iteration_bounds = array<i64: 2, 16>, scalar_prefetch = 0 : i64, scratch_operands = 6 : i64, tpu.core_type = #tpu.core_type<sc_vector_subcore>, window_params = [{transform_indices = #map}, {transform_indices = #map1}, {transform_indices = #map1}, {transform_indices = #map}, {transform_indices = #map1}]} {
    %mul3A = arith.constant 16 : i32
    %mul3A_0 = arith.muli %arg0, %mul3A : i32
    %add3A = arith.addi %mul3A_0, %arg1 : i32
    %mul3A_1 = arith.constant 640 : i32
    %mul3A_2 = arith.muli %arg1, %mul3A_1 : i32
    "tpu.region"() ({
      %run_scoped3A = tpu.sem_alloc : memref<!tpu.dma_semaphore, #tpu.memory_space<semaphore_mem>>
      %dma_start3A_281 = arith.constant 0 : i32
      %dma_start3A_282 = tpu.memref_slice %arg12[%mul3A_2, %dma_start3A_281] : memref<10240x32xf32, #tpu.memory_space<vmem_shared>> -> memref<640x32xf32, #tpu.memory_space<vmem_shared>>
      tpu.enqueue_dma source(%arg5 : memref<640x32xf32, #tpu.memory_space<hbm>>) target(%dma_start3A_282 : memref<640x32xf32, #tpu.memory_space<vmem_shared>>) target_semaphore(%run_scoped3A : memref<!tpu.dma_semaphore, #tpu.memory_space<semaphore_mem>>)
      %dma_wait3A_283 = arith.constant 0 : i32
      %dma_wait3A_284 = tpu.memref_slice %arg12[%mul3A_2, %dma_wait3A_283] : memref<10240x32xf32, #tpu.memory_space<vmem_shared>> -> memref<640x32xf32, #tpu.memory_space<vmem_shared>>
      tpu.wait_dma2 semaphore(%run_scoped3A : memref<!tpu.dma_semaphore, #tpu.memory_space<semaphore_mem>>) src(%arg5 : memref<640x32xf32, #tpu.memory_space<hbm>>) dst(%dma_wait3A_284 : memref<640x32xf32, #tpu.memory_space<vmem_shared>>)
      tpu.yield
    }) : () -> ()
    "tpu.region"() ({
      %run_scoped3A = tpu.sem_alloc : memref<!tpu.dma_semaphore, #tpu.memory_space<semaphore_mem>>
      %dma_start3A_281 = arith.constant 0 : i32
      %dma_start3A_282 = arith.constant 0 : i32
      %dma_start3A_283 = tpu.memref_slice %arg3[%add3A, %dma_start3A_281, %dma_start3A_282] : memref<32x79x128xi32, #tpu.memory_space<hbm>> -> memref<1x79x128xi32, #tpu.memory_space<hbm>>
      %dma_start3A_284 = tpu.memref_squeeze %dma_start3A_283 : memref<1x79x128xi32, #tpu.memory_space<hbm>> -> memref<79x128xi32, #tpu.memory_space<hbm>>
      %dma_start3A_285 = arith.constant 0 : i32
      %dma_start3A_286 = arith.constant 0 : i32
      %dma_start3A_287 = tpu.memref_slice %arg3[%add3A, %dma_start3A_285, %dma_start3A_286] : memref<32x79x128xi32, #tpu.memory_space<hbm>> -> memref<1x79x128xi32, #tpu.memory_space<hbm>>
      %dma_start3A_288 = tpu.memref_squeeze %dma_start3A_287 : memref<1x79x128xi32, #tpu.memory_space<hbm>> -> memref<79x128xi32, #tpu.memory_space<hbm>>
      tpu.enqueue_dma source(%dma_start3A_288 : memref<79x128xi32, #tpu.memory_space<hbm>>) target(%arg7 : memref<79x128xi32, #tpu.memory_space<vmem>>) target_semaphore(%run_scoped3A : memref<!tpu.dma_semaphore, #tpu.memory_space<semaphore_mem>>)
      %dma_wait3A_289 = arith.constant 0 : i32
      %dma_wait3A_290 = arith.constant 0 : i32
      %dma_wait3A_291 = tpu.memref_slice %arg3[%add3A, %dma_wait3A_289, %dma_wait3A_290] : memref<32x79x128xi32, #tpu.memory_space<hbm>> -> memref<1x79x128xi32, #tpu.memory_space<hbm>>
      %dma_wait3A_292 = tpu.memref_squeeze %dma_wait3A_291 : memref<1x79x128xi32, #tpu.memory_space<hbm>> -> memref<79x128xi32, #tpu.memory_space<hbm>>
      %dma_wait3A_293 = arith.constant 0 : i32
      %dma_wait3A_294 = arith.constant 0 : i32
      %dma_wait3A_295 = tpu.memref_slice %arg3[%add3A, %dma_wait3A_293, %dma_wait3A_294] : memref<32x79x128xi32, #tpu.memory_space<hbm>> -> memref<1x79x128xi32, #tpu.memory_space<hbm>>
      %dma_wait3A_296 = tpu.memref_squeeze %dma_wait3A_295 : memref<1x79x128xi32, #tpu.memory_space<hbm>> -> memref<79x128xi32, #tpu.memory_space<hbm>>
      tpu.wait_dma2 semaphore(%run_scoped3A : memref<!tpu.dma_semaphore, #tpu.memory_space<semaphore_mem>>) src(%dma_wait3A_296 : memref<79x128xi32, #tpu.memory_space<hbm>>) dst(%arg7 : memref<79x128xi32, #tpu.memory_space<vmem>>)
      tpu.yield
    }) : () -> ()
    "tpu.region"() ({
      %run_scoped3A = tpu.sem_alloc : memref<!tpu.dma_semaphore, #tpu.memory_space<semaphore_mem>>
      %dma_start3A_281 = arith.constant 0 : i32
      %dma_start3A_282 = arith.constant 0 : i32
      %dma_start3A_283 = tpu.memref_slice %arg4[%add3A, %dma_start3A_281, %dma_start3A_282] : memref<32x79x128xi32, #tpu.memory_space<hbm>> -> memref<1x79x128xi32, #tpu.memory_space<hbm>>
      %dma_start3A_284 = tpu.memref_squeeze %dma_start3A_283 : memref<1x79x128xi32, #tpu.memory_space<hbm>> -> memref<79x128xi32, #tpu.memory_space<hbm>>
      %dma_start3A_285 = arith.constant 0 : i32
      %dma_start3A_286 = arith.constant 0 : i32
      %dma_start3A_287 = tpu.memref_slice %arg4[%add3A, %dma_start3A_285, %dma_start3A_286] : memref<32x79x128xi32, #tpu.memory_space<hbm>> -> memref<1x79x128xi32, #tpu.memory_space<hbm>>
      %dma_start3A_288 = tpu.memref_squeeze %dma_start3A_287 : memref<1x79x128xi32, #tpu.memory_space<hbm>> -> memref<79x128xi32, #tpu.memory_space<hbm>>
      tpu.enqueue_dma source(%dma_start3A_288 : memref<79x128xi32, #tpu.memory_space<hbm>>) target(%arg8 : memref<79x128xi32, #tpu.memory_space<vmem>>) target_semaphore(%run_scoped3A : memref<!tpu.dma_semaphore, #tpu.memory_space<semaphore_mem>>)
      %dma_wait3A_289 = arith.constant 0 : i32
      %dma_wait3A_290 = arith.constant 0 : i32
      %dma_wait3A_291 = tpu.memref_slice %arg4[%add3A, %dma_wait3A_289, %dma_wait3A_290] : memref<32x79x128xi32, #tpu.memory_space<hbm>> -> memref<1x79x128xi32, #tpu.memory_space<hbm>>
      %dma_wait3A_292 = tpu.memref_squeeze %dma_wait3A_291 : memref<1x79x128xi32, #tpu.memory_space<hbm>> -> memref<79x128xi32, #tpu.memory_space<hbm>>
      %dma_wait3A_293 = arith.constant 0 : i32
      %dma_wait3A_294 = arith.constant 0 : i32
      %dma_wait3A_295 = tpu.memref_slice %arg4[%add3A, %dma_wait3A_293, %dma_wait3A_294] : memref<32x79x128xi32, #tpu.memory_space<hbm>> -> memref<1x79x128xi32, #tpu.memory_space<hbm>>
      %dma_wait3A_296 = tpu.memref_squeeze %dma_wait3A_295 : memref<1x79x128xi32, #tpu.memory_space<hbm>> -> memref<79x128xi32, #tpu.memory_space<hbm>>
      tpu.wait_dma2 semaphore(%run_scoped3A : memref<!tpu.dma_semaphore, #tpu.memory_space<semaphore_mem>>) src(%dma_wait3A_296 : memref<79x128xi32, #tpu.memory_space<hbm>>) dst(%arg8 : memref<79x128xi32, #tpu.memory_space<vmem>>)
      tpu.yield
    }) : () -> ()
    %barrier3A = arith.constant 0 : index
    tpu.barrier barrier_id(%barrier3A)
    %dma_start3A = arith.constant 0 : i32
    %dma_start3A_3 = arith.constant 0 : i32
    %dma_start3A_4 = arith.constant 0 : i32
    %dma_start3A_5 = arith.constant 0 : i32
    %dma_start3A_6 = arith.constant 0 : i32
    %dma_start3A_7 = tpu.memref_slice %arg9[%dma_start3A_3, %dma_start3A_5, %dma_start3A_6] : memref<12x128x32xf32, #tpu.memory_space<vmem>> -> memref<1x128x32xf32, #tpu.memory_space<vmem>>
    %dma_start3A_8 = tpu.memref_squeeze %dma_start3A_7 : memref<1x128x32xf32, #tpu.memory_space<vmem>> -> memref<128x32xf32, #tpu.memory_space<vmem>>
    %dma_start3A_9 = arith.constant 0 : i32
    %dma_start3A_10 = tpu.memref_slice %arg7[%dma_start3A, %dma_start3A_9] : memref<79x128xi32, #tpu.memory_space<vmem>> -> memref<1x128xi32, #tpu.memory_space<vmem>>
    %dma_start3A_11 = tpu.memref_squeeze %dma_start3A_10 : memref<1x128xi32, #tpu.memory_space<vmem>> -> memref<128xi32, #tpu.memory_space<vmem>>
    %dma_start3A_12 = arith.constant 0 : i32
    %dma_start3A_13 = arith.constant 0 : i32
    %dma_start3A_14 = tpu.memref_slice %arg2[%dma_start3A_12, %dma_start3A_13] : memref<10240x32xf32, #tpu.memory_space<hbm>> -> memref<10240x32xf32, #tpu.memory_space<hbm>>
    %dma_start3A_15 = tpu.memref_slice %arg10[%dma_start3A_4] : memref<12x!tpu.dma_semaphore, #tpu.memory_space<semaphore_mem>> -> memref<1x!tpu.dma_semaphore, #tpu.memory_space<semaphore_mem>>
    %dma_start3A_16 = tpu.memref_squeeze %dma_start3A_15 : memref<1x!tpu.dma_semaphore, #tpu.memory_space<semaphore_mem>> -> memref<!tpu.dma_semaphore, #tpu.memory_space<semaphore_mem>>
    tpu.enqueue_indirect_dma source(%dma_start3A_14 : memref<10240x32xf32, #tpu.memory_space<hbm>>) target(%dma_start3A_8 : memref<128x32xf32, #tpu.memory_space<vmem>>) offsets(%dma_start3A_11 : memref<128xi32, #tpu.memory_space<vmem>>) semaphore(%dma_start3A_16 : memref<!tpu.dma_semaphore, #tpu.memory_space<semaphore_mem>>)
    %dma_start3A_17 = arith.constant 1 : i32
    %dma_start3A_18 = arith.constant 1 : i32
    %dma_start3A_19 = arith.constant 1 : i32
    %dma_start3A_20 = arith.constant 0 : i32
    %dma_start3A_21 = arith.constant 0 : i32
    %dma_start3A_22 = tpu.memref_slice %arg9[%dma_start3A_18, %dma_start3A_20, %dma_start3A_21] : memref<12x128x32xf32, #tpu.memory_space<vmem>> -> memref<1x128x32xf32, #tpu.memory_space<vmem>>
    %dma_start3A_23 = tpu.memref_squeeze %dma_start3A_22 : memref<1x128x32xf32, #tpu.memory_space<vmem>> -> memref<128x32xf32, #tpu.memory_space<vmem>>
    %dma_start3A_24 = arith.constant 0 : i32
    %dma_start3A_25 = tpu.memref_slice %arg7[%dma_start3A_17, %dma_start3A_24] : memref<79x128xi32, #tpu.memory_space<vmem>> -> memref<1x128xi32, #tpu.memory_space<vmem>>
    %dma_start3A_26 = tpu.memref_squeeze %dma_start3A_25 : memref<1x128xi32, #tpu.memory_space<vmem>> -> memref<128xi32, #tpu.memory_space<vmem>>
    %dma_start3A_27 = arith.constant 0 : i32
    %dma_start3A_28 = arith.constant 0 : i32
    %dma_start3A_29 = tpu.memref_slice %arg2[%dma_start3A_27, %dma_start3A_28] : memref<10240x32xf32, #tpu.memory_space<hbm>> -> memref<10240x32xf32, #tpu.memory_space<hbm>>
    %dma_start3A_30 = tpu.memref_slice %arg10[%dma_start3A_19] : memref<12x!tpu.dma_semaphore, #tpu.memory_space<semaphore_mem>> -> memref<1x!tpu.dma_semaphore, #tpu.memory_space<semaphore_mem>>
    %dma_start3A_31 = tpu.memref_squeeze %dma_start3A_30 : memref<1x!tpu.dma_semaphore, #tpu.memory_space<semaphore_mem>> -> memref<!tpu.dma_semaphore, #tpu.memory_space<semaphore_mem>>
    tpu.enqueue_indirect_dma source(%dma_start3A_29 : memref<10240x32xf32, #tpu.memory_space<hbm>>) target(%dma_start3A_23 : memref<128x32xf32, #tpu.memory_space<vmem>>) offsets(%dma_start3A_26 : memref<128xi32, #tpu.memory_space<vmem>>) semaphore(%dma_start3A_31 : memref<!tpu.dma_semaphore, #tpu.memory_space<semaphore_mem>>)
    %dma_start3A_32 = arith.constant 2 : i32
    %dma_start3A_33 = arith.constant 2 : i32
    %dma_start3A_34 = arith.constant 2 : i32
    %dma_start3A_35 = arith.constant 0 : i32
    %dma_start3A_36 = arith.constant 0 : i32
    %dma_start3A_37 = tpu.memref_slice %arg9[%dma_start3A_33, %dma_start3A_35, %dma_start3A_36] : memref<12x128x32xf32, #tpu.memory_space<vmem>> -> memref<1x128x32xf32, #tpu.memory_space<vmem>>
    %dma_start3A_38 = tpu.memref_squeeze %dma_start3A_37 : memref<1x128x32xf32, #tpu.memory_space<vmem>> -> memref<128x32xf32, #tpu.memory_space<vmem>>
    %dma_start3A_39 = arith.constant 0 : i32
    %dma_start3A_40 = tpu.memref_slice %arg7[%dma_start3A_32, %dma_start3A_39] : memref<79x128xi32, #tpu.memory_space<vmem>> -> memref<1x128xi32, #tpu.memory_space<vmem>>
    %dma_start3A_41 = tpu.memref_squeeze %dma_start3A_40 : memref<1x128xi32, #tpu.memory_space<vmem>> -> memref<128xi32, #tpu.memory_space<vmem>>
    %dma_start3A_42 = arith.constant 0 : i32
    %dma_start3A_43 = arith.constant 0 : i32
    %dma_start3A_44 = tpu.memref_slice %arg2[%dma_start3A_42, %dma_start3A_43] : memref<10240x32xf32, #tpu.memory_space<hbm>> -> memref<10240x32xf32, #tpu.memory_space<hbm>>
    %dma_start3A_45 = tpu.memref_slice %arg10[%dma_start3A_34] : memref<12x!tpu.dma_semaphore, #tpu.memory_space<semaphore_mem>> -> memref<1x!tpu.dma_semaphore, #tpu.memory_space<semaphore_mem>>
    %dma_start3A_46 = tpu.memref_squeeze %dma_start3A_45 : memref<1x!tpu.dma_semaphore, #tpu.memory_space<semaphore_mem>> -> memref<!tpu.dma_semaphore, #tpu.memory_space<semaphore_mem>>
    tpu.enqueue_indirect_dma source(%dma_start3A_44 : memref<10240x32xf32, #tpu.memory_space<hbm>>) target(%dma_start3A_38 : memref<128x32xf32, #tpu.memory_space<vmem>>) offsets(%dma_start3A_41 : memref<128xi32, #tpu.memory_space<vmem>>) semaphore(%dma_start3A_46 : memref<!tpu.dma_semaphore, #tpu.memory_space<semaphore_mem>>)
    %dma_start3A_47 = arith.constant 3 : i32
    %dma_start3A_48 = arith.constant 3 : i32
    %dma_start3A_49 = arith.constant 3 : i32
    %dma_start3A_50 = arith.constant 0 : i32
    %dma_start3A_51 = arith.constant 0 : i32
    %dma_start3A_52 = tpu.memref_slice %arg9[%dma_start3A_48, %dma_start3A_50, %dma_start3A_51] : memref<12x128x32xf32, #tpu.memory_space<vmem>> -> memref<1x128x32xf32, #tpu.memory_space<vmem>>
    %dma_start3A_53 = tpu.memref_squeeze %dma_start3A_52 : memref<1x128x32xf32, #tpu.memory_space<vmem>> -> memref<128x32xf32, #tpu.memory_space<vmem>>
    %dma_start3A_54 = arith.constant 0 : i32
    %dma_start3A_55 = tpu.memref_slice %arg7[%dma_start3A_47, %dma_start3A_54] : memref<79x128xi32, #tpu.memory_space<vmem>> -> memref<1x128xi32, #tpu.memory_space<vmem>>
    %dma_start3A_56 = tpu.memref_squeeze %dma_start3A_55 : memref<1x128xi32, #tpu.memory_space<vmem>> -> memref<128xi32, #tpu.memory_space<vmem>>
    %dma_start3A_57 = arith.constant 0 : i32
    %dma_start3A_58 = arith.constant 0 : i32
    %dma_start3A_59 = tpu.memref_slice %arg2[%dma_start3A_57, %dma_start3A_58] : memref<10240x32xf32, #tpu.memory_space<hbm>> -> memref<10240x32xf32, #tpu.memory_space<hbm>>
    %dma_start3A_60 = tpu.memref_slice %arg10[%dma_start3A_49] : memref<12x!tpu.dma_semaphore, #tpu.memory_space<semaphore_mem>> -> memref<1x!tpu.dma_semaphore, #tpu.memory_space<semaphore_mem>>
    %dma_start3A_61 = tpu.memref_squeeze %dma_start3A_60 : memref<1x!tpu.dma_semaphore, #tpu.memory_space<semaphore_mem>> -> memref<!tpu.dma_semaphore, #tpu.memory_space<semaphore_mem>>
    tpu.enqueue_indirect_dma source(%dma_start3A_59 : memref<10240x32xf32, #tpu.memory_space<hbm>>) target(%dma_start3A_53 : memref<128x32xf32, #tpu.memory_space<vmem>>) offsets(%dma_start3A_56 : memref<128xi32, #tpu.memory_space<vmem>>) semaphore(%dma_start3A_61 : memref<!tpu.dma_semaphore, #tpu.memory_space<semaphore_mem>>)
    %dma_start3A_62 = arith.constant 4 : i32
    %dma_start3A_63 = arith.constant 4 : i32
    %dma_start3A_64 = arith.constant 4 : i32
    %dma_start3A_65 = arith.constant 0 : i32
    %dma_start3A_66 = arith.constant 0 : i32
    %dma_start3A_67 = tpu.memref_slice %arg9[%dma_start3A_63, %dma_start3A_65, %dma_start3A_66] : memref<12x128x32xf32, #tpu.memory_space<vmem>> -> memref<1x128x32xf32, #tpu.memory_space<vmem>>
    %dma_start3A_68 = tpu.memref_squeeze %dma_start3A_67 : memref<1x128x32xf32, #tpu.memory_space<vmem>> -> memref<128x32xf32, #tpu.memory_space<vmem>>
    %dma_start3A_69 = arith.constant 0 : i32
    %dma_start3A_70 = tpu.memref_slice %arg7[%dma_start3A_62, %dma_start3A_69] : memref<79x128xi32, #tpu.memory_space<vmem>> -> memref<1x128xi32, #tpu.memory_space<vmem>>
    %dma_start3A_71 = tpu.memref_squeeze %dma_start3A_70 : memref<1x128xi32, #tpu.memory_space<vmem>> -> memref<128xi32, #tpu.memory_space<vmem>>
    %dma_start3A_72 = arith.constant 0 : i32
    %dma_start3A_73 = arith.constant 0 : i32
    %dma_start3A_74 = tpu.memref_slice %arg2[%dma_start3A_72, %dma_start3A_73] : memref<10240x32xf32, #tpu.memory_space<hbm>> -> memref<10240x32xf32, #tpu.memory_space<hbm>>
    %dma_start3A_75 = tpu.memref_slice %arg10[%dma_start3A_64] : memref<12x!tpu.dma_semaphore, #tpu.memory_space<semaphore_mem>> -> memref<1x!tpu.dma_semaphore, #tpu.memory_space<semaphore_mem>>
    %dma_start3A_76 = tpu.memref_squeeze %dma_start3A_75 : memref<1x!tpu.dma_semaphore, #tpu.memory_space<semaphore_mem>> -> memref<!tpu.dma_semaphore, #tpu.memory_space<semaphore_mem>>
    tpu.enqueue_indirect_dma source(%dma_start3A_74 : memref<10240x32xf32, #tpu.memory_space<hbm>>) target(%dma_start3A_68 : memref<128x32xf32, #tpu.memory_space<vmem>>) offsets(%dma_start3A_71 : memref<128xi32, #tpu.memory_space<vmem>>) semaphore(%dma_start3A_76 : memref<!tpu.dma_semaphore, #tpu.memory_space<semaphore_mem>>)
    %dma_start3A_77 = arith.constant 5 : i32
    %dma_start3A_78 = arith.constant 5 : i32
    %dma_start3A_79 = arith.constant 5 : i32
    %dma_start3A_80 = arith.constant 0 : i32
    %dma_start3A_81 = arith.constant 0 : i32
    %dma_start3A_82 = tpu.memref_slice %arg9[%dma_start3A_78, %dma_start3A_80, %dma_start3A_81] : memref<12x128x32xf32, #tpu.memory_space<vmem>> -> memref<1x128x32xf32, #tpu.memory_space<vmem>>
    %dma_start3A_83 = tpu.memref_squeeze %dma_start3A_82 : memref<1x128x32xf32, #tpu.memory_space<vmem>> -> memref<128x32xf32, #tpu.memory_space<vmem>>
    %dma_start3A_84 = arith.constant 0 : i32
    %dma_start3A_85 = tpu.memref_slice %arg7[%dma_start3A_77, %dma_start3A_84] : memref<79x128xi32, #tpu.memory_space<vmem>> -> memref<1x128xi32, #tpu.memory_space<vmem>>
    %dma_start3A_86 = tpu.memref_squeeze %dma_start3A_85 : memref<1x128xi32, #tpu.memory_space<vmem>> -> memref<128xi32, #tpu.memory_space<vmem>>
    %dma_start3A_87 = arith.constant 0 : i32
    %dma_start3A_88 = arith.constant 0 : i32
    %dma_start3A_89 = tpu.memref_slice %arg2[%dma_start3A_87, %dma_start3A_88] : memref<10240x32xf32, #tpu.memory_space<hbm>> -> memref<10240x32xf32, #tpu.memory_space<hbm>>
    %dma_start3A_90 = tpu.memref_slice %arg10[%dma_start3A_79] : memref<12x!tpu.dma_semaphore, #tpu.memory_space<semaphore_mem>> -> memref<1x!tpu.dma_semaphore, #tpu.memory_space<semaphore_mem>>
    %dma_start3A_91 = tpu.memref_squeeze %dma_start3A_90 : memref<1x!tpu.dma_semaphore, #tpu.memory_space<semaphore_mem>> -> memref<!tpu.dma_semaphore, #tpu.memory_space<semaphore_mem>>
    tpu.enqueue_indirect_dma source(%dma_start3A_89 : memref<10240x32xf32, #tpu.memory_space<hbm>>) target(%dma_start3A_83 : memref<128x32xf32, #tpu.memory_space<vmem>>) offsets(%dma_start3A_86 : memref<128xi32, #tpu.memory_space<vmem>>) semaphore(%dma_start3A_91 : memref<!tpu.dma_semaphore, #tpu.memory_space<semaphore_mem>>)
    %scan3A = arith.constant 0 : i32
    %scan3A_92 = arith.constant 0 : i32
    %scan3A_93 = arith.constant 79 : i32
    %scan3A_94 = arith.addi %scan3A_92, %scan3A_93 : i32
    %scan3A_95 = arith.constant 1 : i32
    scf.for %scan3A_281 = %scan3A_92 to %scan3A_94 step %scan3A_95  : i32 {
      %jit3A = arith.constant 12 : i32
      %eq3A = arith.constant 0 : i32
      %eq3A_282 = arith.cmpi eq, %jit3A, %eq3A : i32
      %jit3A_283 = arith.constant 1 : i32
      %select_n3A = arith.select %eq3A_282, %jit3A_283, %jit3A : i32
      %rem3A = arith.remsi %scan3A_281, %select_n3A : i32
      %ne3A = arith.constant 0 : i32
      %ne3A_284 = arith.cmpi ne, %rem3A, %ne3A : i32
      %lt3A = arith.constant 0 : i32
      %lt3A_285 = arith.cmpi slt, %rem3A, %lt3A : i32
      %lt3A_286 = arith.constant 0 : i32
      %lt3A_287 = arith.cmpi slt, %select_n3A, %lt3A_286 : i32
      %ne3A_288 = arith.xori %lt3A_285, %lt3A_287 : i1
      %and3A = arith.andi %ne3A_288, %ne3A_284 : i1
      %add3A_289 = arith.addi %rem3A, %select_n3A : i32
      %select_n3A_290 = arith.select %and3A, %add3A_289, %rem3A : i32
      %add3A_291 = arith.constant 6 : i32
      %add3A_292 = arith.addi %scan3A_281, %add3A_291 : i32
      %lt3A_293 = arith.constant 79 : i32
      %lt3A_294 = arith.cmpi slt, %add3A_292, %lt3A_293 : i32
      %ge3A = arith.constant 6 : i32
      %ge3A_295 = arith.cmpi sge, %scan3A_281, %ge3A : i32
      %and3A_296 = arith.andi %lt3A_294, %ge3A_295 : i1
      %convert_element_type3A = arith.extui %and3A_296 : i1 to i32
      %cond3A = arith.constant 0 : i32
      %cond3A_297 = arith.cmpi ne, %convert_element_type3A, %cond3A : i32
      scf.if %cond3A_297 {
        %jit3A_327 = arith.constant 12 : i32
        %eq3A_328 = arith.constant 0 : i32
        %eq3A_329 = arith.cmpi eq, %jit3A_327, %eq3A_328 : i32
        %jit3A_330 = arith.constant 1 : i32
        %select_n3A_331 = arith.select %eq3A_329, %jit3A_330, %jit3A_327 : i32
        %rem3A_332 = arith.remsi %add3A_292, %select_n3A_331 : i32
        %ne3A_333 = arith.constant 0 : i32
        %ne3A_334 = arith.cmpi ne, %rem3A_332, %ne3A_333 : i32
        %lt3A_335 = arith.constant 0 : i32
        %lt3A_336 = arith.cmpi slt, %rem3A_332, %lt3A_335 : i32
        %lt3A_337 = arith.constant 0 : i32
        %lt3A_338 = arith.cmpi slt, %select_n3A_331, %lt3A_337 : i32
        %ne3A_339 = arith.xori %lt3A_336, %lt3A_338 : i1
        %and3A_340 = arith.andi %ne3A_339, %ne3A_334 : i1
        %add3A_341 = arith.addi %rem3A_332, %select_n3A_331 : i32
        %select_n3A_342 = arith.select %and3A_340, %add3A_341, %rem3A_332 : i32
        %jit3A_343 = arith.constant 12 : i32
        %eq3A_344 = arith.constant 0 : i32
        %eq3A_345 = arith.cmpi eq, %jit3A_343, %eq3A_344 : i32
        %jit3A_346 = arith.constant 1 : i32
        %select_n3A_347 = arith.select %eq3A_345, %jit3A_346, %jit3A_343 : i32
        %rem3A_348 = arith.remsi %add3A_292, %select_n3A_347 : i32
        %ne3A_349 = arith.constant 0 : i32
        %ne3A_350 = arith.cmpi ne, %rem3A_348, %ne3A_349 : i32
        %lt3A_351 = arith.constant 0 : i32
        %lt3A_352 = arith.cmpi slt, %rem3A_348, %lt3A_351 : i32
        %lt3A_353 = arith.constant 0 : i32
        %lt3A_354 = arith.cmpi slt, %select_n3A_347, %lt3A_353 : i32
        %ne3A_355 = arith.xori %lt3A_352, %lt3A_354 : i1
        %and3A_356 = arith.andi %ne3A_355, %ne3A_350 : i1
        %add3A_357 = arith.addi %rem3A_348, %select_n3A_347 : i32
        %select_n3A_358 = arith.select %and3A_356, %add3A_357, %rem3A_348 : i32
        %dma_wait3A_359 = arith.constant 0 : i32
        %dma_wait3A_360 = arith.constant 0 : i32
        %dma_wait3A_361 = tpu.memref_slice %arg9[%select_n3A_342, %dma_wait3A_359, %dma_wait3A_360] : memref<12x128x32xf32, #tpu.memory_space<vmem>> -> memref<1x128x32xf32, #tpu.memory_space<vmem>>
        %dma_wait3A_362 = tpu.memref_squeeze %dma_wait3A_361 : memref<1x128x32xf32, #tpu.memory_space<vmem>> -> memref<128x32xf32, #tpu.memory_space<vmem>>
        %dma_wait3A_363 = arith.constant 0 : i32
        %dma_wait3A_364 = tpu.memref_slice %arg8[%scan3A_281, %dma_wait3A_363] : memref<79x128xi32, #tpu.memory_space<vmem>> -> memref<1x128xi32, #tpu.memory_space<vmem>>
        %dma_wait3A_365 = tpu.memref_squeeze %dma_wait3A_364 : memref<1x128xi32, #tpu.memory_space<vmem>> -> memref<128xi32, #tpu.memory_space<vmem>>
        %dma_wait3A_366 = arith.constant 0 : i32
        %dma_wait3A_367 = arith.constant 0 : i32
        %dma_wait3A_368 = tpu.memref_slice %arg12[%dma_wait3A_366, %dma_wait3A_367] : memref<10240x32xf32, #tpu.memory_space<vmem_shared>> -> memref<10240x32xf32, #tpu.memory_space<vmem_shared>>
        %dma_wait3A_369 = tpu.memref_slice %arg11[%select_n3A_358] : memref<12x!tpu.dma_semaphore, #tpu.memory_space<semaphore_mem>> -> memref<1x!tpu.dma_semaphore, #tpu.memory_space<semaphore_mem>>
        %dma_wait3A_370 = tpu.memref_squeeze %dma_wait3A_369 : memref<1x!tpu.dma_semaphore, #tpu.memory_space<semaphore_mem>> -> memref<!tpu.dma_semaphore, #tpu.memory_space<semaphore_mem>>
        tpu.wait_indirect_dma semaphore(%dma_wait3A_370 : memref<!tpu.dma_semaphore, #tpu.memory_space<semaphore_mem>>) src(%dma_wait3A_362 : memref<128x32xf32, #tpu.memory_space<vmem>>) dst(%dma_wait3A_368 : memref<10240x32xf32, #tpu.memory_space<vmem_shared>>)
      } else {
      }
      %lt3A_298 = arith.constant 79 : i32
      %lt3A_299 = arith.cmpi slt, %add3A_292, %lt3A_298 : i32
      %convert_element_type3A_300 = arith.extui %lt3A_299 : i1 to i32
      %cond3A_301 = arith.constant 0 : i32
      %cond3A_302 = arith.cmpi ne, %convert_element_type3A_300, %cond3A_301 : i32
      scf.if %cond3A_302 {
        %jit3A_327 = arith.constant 12 : i32
        %eq3A_328 = arith.constant 0 : i32
        %eq3A_329 = arith.cmpi eq, %jit3A_327, %eq3A_328 : i32
        %jit3A_330 = arith.constant 1 : i32
        %select_n3A_331 = arith.select %eq3A_329, %jit3A_330, %jit3A_327 : i32
        %rem3A_332 = arith.remsi %add3A_292, %select_n3A_331 : i32
        %ne3A_333 = arith.constant 0 : i32
        %ne3A_334 = arith.cmpi ne, %rem3A_332, %ne3A_333 : i32
        %lt3A_335 = arith.constant 0 : i32
        %lt3A_336 = arith.cmpi slt, %rem3A_332, %lt3A_335 : i32
        %lt3A_337 = arith.constant 0 : i32
        %lt3A_338 = arith.cmpi slt, %select_n3A_331, %lt3A_337 : i32
        %ne3A_339 = arith.xori %lt3A_336, %lt3A_338 : i1
        %and3A_340 = arith.andi %ne3A_339, %ne3A_334 : i1
        %add3A_341 = arith.addi %rem3A_332, %select_n3A_331 : i32
        %select_n3A_342 = arith.select %and3A_340, %add3A_341, %rem3A_332 : i32
        %jit3A_343 = arith.constant 12 : i32
        %eq3A_344 = arith.constant 0 : i32
        %eq3A_345 = arith.cmpi eq, %jit3A_343, %eq3A_344 : i32
        %jit3A_346 = arith.constant 1 : i32
        %select_n3A_347 = arith.select %eq3A_345, %jit3A_346, %jit3A_343 : i32
        %rem3A_348 = arith.remsi %add3A_292, %select_n3A_347 : i32
        %ne3A_349 = arith.constant 0 : i32
        %ne3A_350 = arith.cmpi ne, %rem3A_348, %ne3A_349 : i32
        %lt3A_351 = arith.constant 0 : i32
        %lt3A_352 = arith.cmpi slt, %rem3A_348, %lt3A_351 : i32
        %lt3A_353 = arith.constant 0 : i32
        %lt3A_354 = arith.cmpi slt, %select_n3A_347, %lt3A_353 : i32
        %ne3A_355 = arith.xori %lt3A_352, %lt3A_354 : i1
        %and3A_356 = arith.andi %ne3A_355, %ne3A_350 : i1
        %add3A_357 = arith.addi %rem3A_348, %select_n3A_347 : i32
        %select_n3A_358 = arith.select %and3A_356, %add3A_357, %rem3A_348 : i32
        %dma_start3A_359 = arith.constant 0 : i32
        %dma_start3A_360 = arith.constant 0 : i32
        %dma_start3A_361 = tpu.memref_slice %arg9[%select_n3A_342, %dma_start3A_359, %dma_start3A_360] : memref<12x128x32xf32, #tpu.memory_space<vmem>> -> memref<1x128x32xf32, #tpu.memory_space<vmem>>
        %dma_start3A_362 = tpu.memref_squeeze %dma_start3A_361 : memref<1x128x32xf32, #tpu.memory_space<vmem>> -> memref<128x32xf32, #tpu.memory_space<vmem>>
        %dma_start3A_363 = arith.constant 0 : i32
        %dma_start3A_364 = tpu.memref_slice %arg7[%add3A_292, %dma_start3A_363] : memref<79x128xi32, #tpu.memory_space<vmem>> -> memref<1x128xi32, #tpu.memory_space<vmem>>
        %dma_start3A_365 = tpu.memref_squeeze %dma_start3A_364 : memref<1x128xi32, #tpu.memory_space<vmem>> -> memref<128xi32, #tpu.memory_space<vmem>>
        %dma_start3A_366 = arith.constant 0 : i32
        %dma_start3A_367 = arith.constant 0 : i32
        %dma_start3A_368 = tpu.memref_slice %arg2[%dma_start3A_366, %dma_start3A_367] : memref<10240x32xf32, #tpu.memory_space<hbm>> -> memref<10240x32xf32, #tpu.memory_space<hbm>>
        %dma_start3A_369 = tpu.memref_slice %arg10[%select_n3A_358] : memref<12x!tpu.dma_semaphore, #tpu.memory_space<semaphore_mem>> -> memref<1x!tpu.dma_semaphore, #tpu.memory_space<semaphore_mem>>
        %dma_start3A_370 = tpu.memref_squeeze %dma_start3A_369 : memref<1x!tpu.dma_semaphore, #tpu.memory_space<semaphore_mem>> -> memref<!tpu.dma_semaphore, #tpu.memory_space<semaphore_mem>>
        tpu.enqueue_indirect_dma source(%dma_start3A_368 : memref<10240x32xf32, #tpu.memory_space<hbm>>) target(%dma_start3A_362 : memref<128x32xf32, #tpu.memory_space<vmem>>) offsets(%dma_start3A_365 : memref<128xi32, #tpu.memory_space<vmem>>) semaphore(%dma_start3A_370 : memref<!tpu.dma_semaphore, #tpu.memory_space<semaphore_mem>>)
      } else {
      }
      %dma_wait3A_303 = arith.constant 0 : i32
      %dma_wait3A_304 = arith.constant 0 : i32
      %dma_wait3A_305 = tpu.memref_slice %arg9[%select_n3A_290, %dma_wait3A_303, %dma_wait3A_304] : memref<12x128x32xf32, #tpu.memory_space<vmem>> -> memref<1x128x32xf32, #tpu.memory_space<vmem>>
      %dma_wait3A_306 = tpu.memref_squeeze %dma_wait3A_305 : memref<1x128x32xf32, #tpu.memory_space<vmem>> -> memref<128x32xf32, #tpu.memory_space<vmem>>
      %dma_wait3A_307 = arith.constant 0 : i32
      %dma_wait3A_308 = tpu.memref_slice %arg7[%scan3A_281, %dma_wait3A_307] : memref<79x128xi32, #tpu.memory_space<vmem>> -> memref<1x128xi32, #tpu.memory_space<vmem>>
      %dma_wait3A_309 = tpu.memref_squeeze %dma_wait3A_308 : memref<1x128xi32, #tpu.memory_space<vmem>> -> memref<128xi32, #tpu.memory_space<vmem>>
      %dma_wait3A_310 = arith.constant 0 : i32
      %dma_wait3A_311 = arith.constant 0 : i32
      %dma_wait3A_312 = tpu.memref_slice %arg2[%dma_wait3A_310, %dma_wait3A_311] : memref<10240x32xf32, #tpu.memory_space<hbm>> -> memref<10240x32xf32, #tpu.memory_space<hbm>>
      %dma_wait3A_313 = tpu.memref_slice %arg10[%select_n3A_290] : memref<12x!tpu.dma_semaphore, #tpu.memory_space<semaphore_mem>> -> memref<1x!tpu.dma_semaphore, #tpu.memory_space<semaphore_mem>>
      %dma_wait3A_314 = tpu.memref_squeeze %dma_wait3A_313 : memref<1x!tpu.dma_semaphore, #tpu.memory_space<semaphore_mem>> -> memref<!tpu.dma_semaphore, #tpu.memory_space<semaphore_mem>>
      tpu.wait_indirect_dma semaphore(%dma_wait3A_314 : memref<!tpu.dma_semaphore, #tpu.memory_space<semaphore_mem>>) src(%dma_wait3A_312 : memref<10240x32xf32, #tpu.memory_space<hbm>>) dst(%dma_wait3A_306 : memref<128x32xf32, #tpu.memory_space<vmem>>)
      %dma_start3A_315 = arith.constant 0 : i32
      %dma_start3A_316 = arith.constant 0 : i32
      %dma_start3A_317 = tpu.memref_slice %arg9[%select_n3A_290, %dma_start3A_315, %dma_start3A_316] : memref<12x128x32xf32, #tpu.memory_space<vmem>> -> memref<1x128x32xf32, #tpu.memory_space<vmem>>
      %dma_start3A_318 = tpu.memref_squeeze %dma_start3A_317 : memref<1x128x32xf32, #tpu.memory_space<vmem>> -> memref<128x32xf32, #tpu.memory_space<vmem>>
      %dma_start3A_319 = arith.constant 0 : i32
      %dma_start3A_320 = tpu.memref_slice %arg8[%scan3A_281, %dma_start3A_319] : memref<79x128xi32, #tpu.memory_space<vmem>> -> memref<1x128xi32, #tpu.memory_space<vmem>>
      %dma_start3A_321 = tpu.memref_squeeze %dma_start3A_320 : memref<1x128xi32, #tpu.memory_space<vmem>> -> memref<128xi32, #tpu.memory_space<vmem>>
      %dma_start3A_322 = arith.constant 0 : i32
      %dma_start3A_323 = arith.constant 0 : i32
      %dma_start3A_324 = tpu.memref_slice %arg12[%dma_start3A_322, %dma_start3A_323] : memref<10240x32xf32, #tpu.memory_space<vmem_shared>> -> memref<10240x32xf32, #tpu.memory_space<vmem_shared>>
      %dma_start3A_325 = tpu.memref_slice %arg11[%select_n3A_290] : memref<12x!tpu.dma_semaphore, #tpu.memory_space<semaphore_mem>> -> memref<1x!tpu.dma_semaphore, #tpu.memory_space<semaphore_mem>>
      %dma_start3A_326 = tpu.memref_squeeze %dma_start3A_325 : memref<1x!tpu.dma_semaphore, #tpu.memory_space<semaphore_mem>> -> memref<!tpu.dma_semaphore, #tpu.memory_space<semaphore_mem>>
      tpu.enqueue_indirect_dma source(%dma_start3A_318 : memref<128x32xf32, #tpu.memory_space<vmem>>) target(%dma_start3A_324 : memref<10240x32xf32, #tpu.memory_space<vmem_shared>>) offsets(%dma_start3A_321 : memref<128xi32, #tpu.memory_space<vmem>>) semaphore(%dma_start3A_326 : memref<!tpu.dma_semaphore, #tpu.memory_space<semaphore_mem>>) {add = true}
    }
    %scan3A_96 = arith.constant 79 : i32
    %dma_wait3A = arith.constant 7 : i32
    %dma_wait3A_97 = arith.constant 67 : i32
    %dma_wait3A_98 = arith.constant 7 : i32
    %dma_wait3A_99 = arith.constant 0 : i32
    %dma_wait3A_100 = arith.constant 0 : i32
    %dma_wait3A_101 = tpu.memref_slice %arg9[%dma_wait3A, %dma_wait3A_99, %dma_wait3A_100] : memref<12x128x32xf32, #tpu.memory_space<vmem>> -> memref<1x128x32xf32, #tpu.memory_space<vmem>>
    %dma_wait3A_102 = tpu.memref_squeeze %dma_wait3A_101 : memref<1x128x32xf32, #tpu.memory_space<vmem>> -> memref<128x32xf32, #tpu.memory_space<vmem>>
    %dma_wait3A_103 = arith.constant 0 : i32
    %dma_wait3A_104 = tpu.memref_slice %arg8[%dma_wait3A_97, %dma_wait3A_103] : memref<79x128xi32, #tpu.memory_space<vmem>> -> memref<1x128xi32, #tpu.memory_space<vmem>>
    %dma_wait3A_105 = tpu.memref_squeeze %dma_wait3A_104 : memref<1x128xi32, #tpu.memory_space<vmem>> -> memref<128xi32, #tpu.memory_space<vmem>>
    %dma_wait3A_106 = arith.constant 0 : i32
    %dma_wait3A_107 = arith.constant 0 : i32
    %dma_wait3A_108 = tpu.memref_slice %arg12[%dma_wait3A_106, %dma_wait3A_107] : memref<10240x32xf32, #tpu.memory_space<vmem_shared>> -> memref<10240x32xf32, #tpu.memory_space<vmem_shared>>
    %dma_wait3A_109 = tpu.memref_slice %arg11[%dma_wait3A_98] : memref<12x!tpu.dma_semaphore, #tpu.memory_space<semaphore_mem>> -> memref<1x!tpu.dma_semaphore, #tpu.memory_space<semaphore_mem>>
    %dma_wait3A_110 = tpu.memref_squeeze %dma_wait3A_109 : memref<1x!tpu.dma_semaphore, #tpu.memory_space<semaphore_mem>> -> memref<!tpu.dma_semaphore, #tpu.memory_space<semaphore_mem>>
    tpu.wait_indirect_dma semaphore(%dma_wait3A_110 : memref<!tpu.dma_semaphore, #tpu.memory_space<semaphore_mem>>) src(%dma_wait3A_102 : memref<128x32xf32, #tpu.memory_space<vmem>>) dst(%dma_wait3A_108 : memref<10240x32xf32, #tpu.memory_space<vmem_shared>>)
    %dma_wait3A_111 = arith.constant 8 : i32
    %dma_wait3A_112 = arith.constant 68 : i32
    %dma_wait3A_113 = arith.constant 8 : i32
    %dma_wait3A_114 = arith.constant 0 : i32
    %dma_wait3A_115 = arith.constant 0 : i32
    %dma_wait3A_116 = tpu.memref_slice %arg9[%dma_wait3A_111, %dma_wait3A_114, %dma_wait3A_115] : memref<12x128x32xf32, #tpu.memory_space<vmem>> -> memref<1x128x32xf32, #tpu.memory_space<vmem>>
    %dma_wait3A_117 = tpu.memref_squeeze %dma_wait3A_116 : memref<1x128x32xf32, #tpu.memory_space<vmem>> -> memref<128x32xf32, #tpu.memory_space<vmem>>
    %dma_wait3A_118 = arith.constant 0 : i32
    %dma_wait3A_119 = tpu.memref_slice %arg8[%dma_wait3A_112, %dma_wait3A_118] : memref<79x128xi32, #tpu.memory_space<vmem>> -> memref<1x128xi32, #tpu.memory_space<vmem>>
    %dma_wait3A_120 = tpu.memref_squeeze %dma_wait3A_119 : memref<1x128xi32, #tpu.memory_space<vmem>> -> memref<128xi32, #tpu.memory_space<vmem>>
    %dma_wait3A_121 = arith.constant 0 : i32
    %dma_wait3A_122 = arith.constant 0 : i32
    %dma_wait3A_123 = tpu.memref_slice %arg12[%dma_wait3A_121, %dma_wait3A_122] : memref<10240x32xf32, #tpu.memory_space<vmem_shared>> -> memref<10240x32xf32, #tpu.memory_space<vmem_shared>>
    %dma_wait3A_124 = tpu.memref_slice %arg11[%dma_wait3A_113] : memref<12x!tpu.dma_semaphore, #tpu.memory_space<semaphore_mem>> -> memref<1x!tpu.dma_semaphore, #tpu.memory_space<semaphore_mem>>
    %dma_wait3A_125 = tpu.memref_squeeze %dma_wait3A_124 : memref<1x!tpu.dma_semaphore, #tpu.memory_space<semaphore_mem>> -> memref<!tpu.dma_semaphore, #tpu.memory_space<semaphore_mem>>
    tpu.wait_indirect_dma semaphore(%dma_wait3A_125 : memref<!tpu.dma_semaphore, #tpu.memory_space<semaphore_mem>>) src(%dma_wait3A_117 : memref<128x32xf32, #tpu.memory_space<vmem>>) dst(%dma_wait3A_123 : memref<10240x32xf32, #tpu.memory_space<vmem_shared>>)
    %dma_wait3A_126 = arith.constant 9 : i32
    %dma_wait3A_127 = arith.constant 69 : i32
    %dma_wait3A_128 = arith.constant 9 : i32
    %dma_wait3A_129 = arith.constant 0 : i32
    %dma_wait3A_130 = arith.constant 0 : i32
    %dma_wait3A_131 = tpu.memref_slice %arg9[%dma_wait3A_126, %dma_wait3A_129, %dma_wait3A_130] : memref<12x128x32xf32, #tpu.memory_space<vmem>> -> memref<1x128x32xf32, #tpu.memory_space<vmem>>
    %dma_wait3A_132 = tpu.memref_squeeze %dma_wait3A_131 : memref<1x128x32xf32, #tpu.memory_space<vmem>> -> memref<128x32xf32, #tpu.memory_space<vmem>>
    %dma_wait3A_133 = arith.constant 0 : i32
    %dma_wait3A_134 = tpu.memref_slice %arg8[%dma_wait3A_127, %dma_wait3A_133] : memref<79x128xi32, #tpu.memory_space<vmem>> -> memref<1x128xi32, #tpu.memory_space<vmem>>
    %dma_wait3A_135 = tpu.memref_squeeze %dma_wait3A_134 : memref<1x128xi32, #tpu.memory_space<vmem>> -> memref<128xi32, #tpu.memory_space<vmem>>
    %dma_wait3A_136 = arith.constant 0 : i32
    %dma_wait3A_137 = arith.constant 0 : i32
    %dma_wait3A_138 = tpu.memref_slice %arg12[%dma_wait3A_136, %dma_wait3A_137] : memref<10240x32xf32, #tpu.memory_space<vmem_shared>> -> memref<10240x32xf32, #tpu.memory_space<vmem_shared>>
    %dma_wait3A_139 = tpu.memref_slice %arg11[%dma_wait3A_128] : memref<12x!tpu.dma_semaphore, #tpu.memory_space<semaphore_mem>> -> memref<1x!tpu.dma_semaphore, #tpu.memory_space<semaphore_mem>>
    %dma_wait3A_140 = tpu.memref_squeeze %dma_wait3A_139 : memref<1x!tpu.dma_semaphore, #tpu.memory_space<semaphore_mem>> -> memref<!tpu.dma_semaphore, #tpu.memory_space<semaphore_mem>>
    tpu.wait_indirect_dma semaphore(%dma_wait3A_140 : memref<!tpu.dma_semaphore, #tpu.memory_space<semaphore_mem>>) src(%dma_wait3A_132 : memref<128x32xf32, #tpu.memory_space<vmem>>) dst(%dma_wait3A_138 : memref<10240x32xf32, #tpu.memory_space<vmem_shared>>)
    %dma_wait3A_141 = arith.constant 10 : i32
    %dma_wait3A_142 = arith.constant 70 : i32
    %dma_wait3A_143 = arith.constant 10 : i32
    %dma_wait3A_144 = arith.constant 0 : i32
    %dma_wait3A_145 = arith.constant 0 : i32
    %dma_wait3A_146 = tpu.memref_slice %arg9[%dma_wait3A_141, %dma_wait3A_144, %dma_wait3A_145] : memref<12x128x32xf32, #tpu.memory_space<vmem>> -> memref<1x128x32xf32, #tpu.memory_space<vmem>>
    %dma_wait3A_147 = tpu.memref_squeeze %dma_wait3A_146 : memref<1x128x32xf32, #tpu.memory_space<vmem>> -> memref<128x32xf32, #tpu.memory_space<vmem>>
    %dma_wait3A_148 = arith.constant 0 : i32
    %dma_wait3A_149 = tpu.memref_slice %arg8[%dma_wait3A_142, %dma_wait3A_148] : memref<79x128xi32, #tpu.memory_space<vmem>> -> memref<1x128xi32, #tpu.memory_space<vmem>>
    %dma_wait3A_150 = tpu.memref_squeeze %dma_wait3A_149 : memref<1x128xi32, #tpu.memory_space<vmem>> -> memref<128xi32, #tpu.memory_space<vmem>>
    %dma_wait3A_151 = arith.constant 0 : i32
    %dma_wait3A_152 = arith.constant 0 : i32
    %dma_wait3A_153 = tpu.memref_slice %arg12[%dma_wait3A_151, %dma_wait3A_152] : memref<10240x32xf32, #tpu.memory_space<vmem_shared>> -> memref<10240x32xf32, #tpu.memory_space<vmem_shared>>
    %dma_wait3A_154 = tpu.memref_slice %arg11[%dma_wait3A_143] : memref<12x!tpu.dma_semaphore, #tpu.memory_space<semaphore_mem>> -> memref<1x!tpu.dma_semaphore, #tpu.memory_space<semaphore_mem>>
    %dma_wait3A_155 = tpu.memref_squeeze %dma_wait3A_154 : memref<1x!tpu.dma_semaphore, #tpu.memory_space<semaphore_mem>> -> memref<!tpu.dma_semaphore, #tpu.memory_space<semaphore_mem>>
    tpu.wait_indirect_dma semaphore(%dma_wait3A_155 : memref<!tpu.dma_semaphore, #tpu.memory_space<semaphore_mem>>) src(%dma_wait3A_147 : memref<128x32xf32, #tpu.memory_space<vmem>>) dst(%dma_wait3A_153 : memref<10240x32xf32, #tpu.memory_space<vmem_shared>>)
    %dma_wait3A_156 = arith.constant 11 : i32
    %dma_wait3A_157 = arith.constant 71 : i32
    %dma_wait3A_158 = arith.constant 11 : i32
    %dma_wait3A_159 = arith.constant 0 : i32
    %dma_wait3A_160 = arith.constant 0 : i32
    %dma_wait3A_161 = tpu.memref_slice %arg9[%dma_wait3A_156, %dma_wait3A_159, %dma_wait3A_160] : memref<12x128x32xf32, #tpu.memory_space<vmem>> -> memref<1x128x32xf32, #tpu.memory_space<vmem>>
    %dma_wait3A_162 = tpu.memref_squeeze %dma_wait3A_161 : memref<1x128x32xf32, #tpu.memory_space<vmem>> -> memref<128x32xf32, #tpu.memory_space<vmem>>
    %dma_wait3A_163 = arith.constant 0 : i32
    %dma_wait3A_164 = tpu.memref_slice %arg8[%dma_wait3A_157, %dma_wait3A_163] : memref<79x128xi32, #tpu.memory_space<vmem>> -> memref<1x128xi32, #tpu.memory_space<vmem>>
    %dma_wait3A_165 = tpu.memref_squeeze %dma_wait3A_164 : memref<1x128xi32, #tpu.memory_space<vmem>> -> memref<128xi32, #tpu.memory_space<vmem>>
    %dma_wait3A_166 = arith.constant 0 : i32
    %dma_wait3A_167 = arith.constant 0 : i32
    %dma_wait3A_168 = tpu.memref_slice %arg12[%dma_wait3A_166, %dma_wait3A_167] : memref<10240x32xf32, #tpu.memory_space<vmem_shared>> -> memref<10240x32xf32, #tpu.memory_space<vmem_shared>>
    %dma_wait3A_169 = tpu.memref_slice %arg11[%dma_wait3A_158] : memref<12x!tpu.dma_semaphore, #tpu.memory_space<semaphore_mem>> -> memref<1x!tpu.dma_semaphore, #tpu.memory_space<semaphore_mem>>
    %dma_wait3A_170 = tpu.memref_squeeze %dma_wait3A_169 : memref<1x!tpu.dma_semaphore, #tpu.memory_space<semaphore_mem>> -> memref<!tpu.dma_semaphore, #tpu.memory_space<semaphore_mem>>
    tpu.wait_indirect_dma semaphore(%dma_wait3A_170 : memref<!tpu.dma_semaphore, #tpu.memory_space<semaphore_mem>>) src(%dma_wait3A_162 : memref<128x32xf32, #tpu.memory_space<vmem>>) dst(%dma_wait3A_168 : memref<10240x32xf32, #tpu.memory_space<vmem_shared>>)
    %dma_wait3A_171 = arith.constant 0 : i32
    %dma_wait3A_172 = arith.constant 72 : i32
    %dma_wait3A_173 = arith.constant 0 : i32
    %dma_wait3A_174 = arith.constant 0 : i32
    %dma_wait3A_175 = arith.constant 0 : i32
    %dma_wait3A_176 = tpu.memref_slice %arg9[%dma_wait3A_171, %dma_wait3A_174, %dma_wait3A_175] : memref<12x128x32xf32, #tpu.memory_space<vmem>> -> memref<1x128x32xf32, #tpu.memory_space<vmem>>
    %dma_wait3A_177 = tpu.memref_squeeze %dma_wait3A_176 : memref<1x128x32xf32, #tpu.memory_space<vmem>> -> memref<128x32xf32, #tpu.memory_space<vmem>>
    %dma_wait3A_178 = arith.constant 0 : i32
    %dma_wait3A_179 = tpu.memref_slice %arg8[%dma_wait3A_172, %dma_wait3A_178] : memref<79x128xi32, #tpu.memory_space<vmem>> -> memref<1x128xi32, #tpu.memory_space<vmem>>
    %dma_wait3A_180 = tpu.memref_squeeze %dma_wait3A_179 : memref<1x128xi32, #tpu.memory_space<vmem>> -> memref<128xi32, #tpu.memory_space<vmem>>
    %dma_wait3A_181 = arith.constant 0 : i32
    %dma_wait3A_182 = arith.constant 0 : i32
    %dma_wait3A_183 = tpu.memref_slice %arg12[%dma_wait3A_181, %dma_wait3A_182] : memref<10240x32xf32, #tpu.memory_space<vmem_shared>> -> memref<10240x32xf32, #tpu.memory_space<vmem_shared>>
    %dma_wait3A_184 = tpu.memref_slice %arg11[%dma_wait3A_173] : memref<12x!tpu.dma_semaphore, #tpu.memory_space<semaphore_mem>> -> memref<1x!tpu.dma_semaphore, #tpu.memory_space<semaphore_mem>>
    %dma_wait3A_185 = tpu.memref_squeeze %dma_wait3A_184 : memref<1x!tpu.dma_semaphore, #tpu.memory_space<semaphore_mem>> -> memref<!tpu.dma_semaphore, #tpu.memory_space<semaphore_mem>>
    tpu.wait_indirect_dma semaphore(%dma_wait3A_185 : memref<!tpu.dma_semaphore, #tpu.memory_space<semaphore_mem>>) src(%dma_wait3A_177 : memref<128x32xf32, #tpu.memory_space<vmem>>) dst(%dma_wait3A_183 : memref<10240x32xf32, #tpu.memory_space<vmem_shared>>)
    %dma_wait3A_186 = arith.constant 1 : i32
    %dma_wait3A_187 = arith.constant 73 : i32
    %dma_wait3A_188 = arith.constant 1 : i32
    %dma_wait3A_189 = arith.constant 0 : i32
    %dma_wait3A_190 = arith.constant 0 : i32
    %dma_wait3A_191 = tpu.memref_slice %arg9[%dma_wait3A_186, %dma_wait3A_189, %dma_wait3A_190] : memref<12x128x32xf32, #tpu.memory_space<vmem>> -> memref<1x128x32xf32, #tpu.memory_space<vmem>>
    %dma_wait3A_192 = tpu.memref_squeeze %dma_wait3A_191 : memref<1x128x32xf32, #tpu.memory_space<vmem>> -> memref<128x32xf32, #tpu.memory_space<vmem>>
    %dma_wait3A_193 = arith.constant 0 : i32
    %dma_wait3A_194 = tpu.memref_slice %arg8[%dma_wait3A_187, %dma_wait3A_193] : memref<79x128xi32, #tpu.memory_space<vmem>> -> memref<1x128xi32, #tpu.memory_space<vmem>>
    %dma_wait3A_195 = tpu.memref_squeeze %dma_wait3A_194 : memref<1x128xi32, #tpu.memory_space<vmem>> -> memref<128xi32, #tpu.memory_space<vmem>>
    %dma_wait3A_196 = arith.constant 0 : i32
    %dma_wait3A_197 = arith.constant 0 : i32
    %dma_wait3A_198 = tpu.memref_slice %arg12[%dma_wait3A_196, %dma_wait3A_197] : memref<10240x32xf32, #tpu.memory_space<vmem_shared>> -> memref<10240x32xf32, #tpu.memory_space<vmem_shared>>
    %dma_wait3A_199 = tpu.memref_slice %arg11[%dma_wait3A_188] : memref<12x!tpu.dma_semaphore, #tpu.memory_space<semaphore_mem>> -> memref<1x!tpu.dma_semaphore, #tpu.memory_space<semaphore_mem>>
    %dma_wait3A_200 = tpu.memref_squeeze %dma_wait3A_199 : memref<1x!tpu.dma_semaphore, #tpu.memory_space<semaphore_mem>> -> memref<!tpu.dma_semaphore, #tpu.memory_space<semaphore_mem>>
    tpu.wait_indirect_dma semaphore(%dma_wait3A_200 : memref<!tpu.dma_semaphore, #tpu.memory_space<semaphore_mem>>) src(%dma_wait3A_192 : memref<128x32xf32, #tpu.memory_space<vmem>>) dst(%dma_wait3A_198 : memref<10240x32xf32, #tpu.memory_space<vmem_shared>>)
    %dma_wait3A_201 = arith.constant 2 : i32
    %dma_wait3A_202 = arith.constant 74 : i32
    %dma_wait3A_203 = arith.constant 2 : i32
    %dma_wait3A_204 = arith.constant 0 : i32
    %dma_wait3A_205 = arith.constant 0 : i32
    %dma_wait3A_206 = tpu.memref_slice %arg9[%dma_wait3A_201, %dma_wait3A_204, %dma_wait3A_205] : memref<12x128x32xf32, #tpu.memory_space<vmem>> -> memref<1x128x32xf32, #tpu.memory_space<vmem>>
    %dma_wait3A_207 = tpu.memref_squeeze %dma_wait3A_206 : memref<1x128x32xf32, #tpu.memory_space<vmem>> -> memref<128x32xf32, #tpu.memory_space<vmem>>
    %dma_wait3A_208 = arith.constant 0 : i32
    %dma_wait3A_209 = tpu.memref_slice %arg8[%dma_wait3A_202, %dma_wait3A_208] : memref<79x128xi32, #tpu.memory_space<vmem>> -> memref<1x128xi32, #tpu.memory_space<vmem>>
    %dma_wait3A_210 = tpu.memref_squeeze %dma_wait3A_209 : memref<1x128xi32, #tpu.memory_space<vmem>> -> memref<128xi32, #tpu.memory_space<vmem>>
    %dma_wait3A_211 = arith.constant 0 : i32
    %dma_wait3A_212 = arith.constant 0 : i32
    %dma_wait3A_213 = tpu.memref_slice %arg12[%dma_wait3A_211, %dma_wait3A_212] : memref<10240x32xf32, #tpu.memory_space<vmem_shared>> -> memref<10240x32xf32, #tpu.memory_space<vmem_shared>>
    %dma_wait3A_214 = tpu.memref_slice %arg11[%dma_wait3A_203] : memref<12x!tpu.dma_semaphore, #tpu.memory_space<semaphore_mem>> -> memref<1x!tpu.dma_semaphore, #tpu.memory_space<semaphore_mem>>
    %dma_wait3A_215 = tpu.memref_squeeze %dma_wait3A_214 : memref<1x!tpu.dma_semaphore, #tpu.memory_space<semaphore_mem>> -> memref<!tpu.dma_semaphore, #tpu.memory_space<semaphore_mem>>
    tpu.wait_indirect_dma semaphore(%dma_wait3A_215 : memref<!tpu.dma_semaphore, #tpu.memory_space<semaphore_mem>>) src(%dma_wait3A_207 : memref<128x32xf32, #tpu.memory_space<vmem>>) dst(%dma_wait3A_213 : memref<10240x32xf32, #tpu.memory_space<vmem_shared>>)
    %dma_wait3A_216 = arith.constant 3 : i32
    %dma_wait3A_217 = arith.constant 75 : i32
    %dma_wait3A_218 = arith.constant 3 : i32
    %dma_wait3A_219 = arith.constant 0 : i32
    %dma_wait3A_220 = arith.constant 0 : i32
    %dma_wait3A_221 = tpu.memref_slice %arg9[%dma_wait3A_216, %dma_wait3A_219, %dma_wait3A_220] : memref<12x128x32xf32, #tpu.memory_space<vmem>> -> memref<1x128x32xf32, #tpu.memory_space<vmem>>
    %dma_wait3A_222 = tpu.memref_squeeze %dma_wait3A_221 : memref<1x128x32xf32, #tpu.memory_space<vmem>> -> memref<128x32xf32, #tpu.memory_space<vmem>>
    %dma_wait3A_223 = arith.constant 0 : i32
    %dma_wait3A_224 = tpu.memref_slice %arg8[%dma_wait3A_217, %dma_wait3A_223] : memref<79x128xi32, #tpu.memory_space<vmem>> -> memref<1x128xi32, #tpu.memory_space<vmem>>
    %dma_wait3A_225 = tpu.memref_squeeze %dma_wait3A_224 : memref<1x128xi32, #tpu.memory_space<vmem>> -> memref<128xi32, #tpu.memory_space<vmem>>
    %dma_wait3A_226 = arith.constant 0 : i32
    %dma_wait3A_227 = arith.constant 0 : i32
    %dma_wait3A_228 = tpu.memref_slice %arg12[%dma_wait3A_226, %dma_wait3A_227] : memref<10240x32xf32, #tpu.memory_space<vmem_shared>> -> memref<10240x32xf32, #tpu.memory_space<vmem_shared>>
    %dma_wait3A_229 = tpu.memref_slice %arg11[%dma_wait3A_218] : memref<12x!tpu.dma_semaphore, #tpu.memory_space<semaphore_mem>> -> memref<1x!tpu.dma_semaphore, #tpu.memory_space<semaphore_mem>>
    %dma_wait3A_230 = tpu.memref_squeeze %dma_wait3A_229 : memref<1x!tpu.dma_semaphore, #tpu.memory_space<semaphore_mem>> -> memref<!tpu.dma_semaphore, #tpu.memory_space<semaphore_mem>>
    tpu.wait_indirect_dma semaphore(%dma_wait3A_230 : memref<!tpu.dma_semaphore, #tpu.memory_space<semaphore_mem>>) src(%dma_wait3A_222 : memref<128x32xf32, #tpu.memory_space<vmem>>) dst(%dma_wait3A_228 : memref<10240x32xf32, #tpu.memory_space<vmem_shared>>)
    %dma_wait3A_231 = arith.constant 4 : i32
    %dma_wait3A_232 = arith.constant 76 : i32
    %dma_wait3A_233 = arith.constant 4 : i32
    %dma_wait3A_234 = arith.constant 0 : i32
    %dma_wait3A_235 = arith.constant 0 : i32
    %dma_wait3A_236 = tpu.memref_slice %arg9[%dma_wait3A_231, %dma_wait3A_234, %dma_wait3A_235] : memref<12x128x32xf32, #tpu.memory_space<vmem>> -> memref<1x128x32xf32, #tpu.memory_space<vmem>>
    %dma_wait3A_237 = tpu.memref_squeeze %dma_wait3A_236 : memref<1x128x32xf32, #tpu.memory_space<vmem>> -> memref<128x32xf32, #tpu.memory_space<vmem>>
    %dma_wait3A_238 = arith.constant 0 : i32
    %dma_wait3A_239 = tpu.memref_slice %arg8[%dma_wait3A_232, %dma_wait3A_238] : memref<79x128xi32, #tpu.memory_space<vmem>> -> memref<1x128xi32, #tpu.memory_space<vmem>>
    %dma_wait3A_240 = tpu.memref_squeeze %dma_wait3A_239 : memref<1x128xi32, #tpu.memory_space<vmem>> -> memref<128xi32, #tpu.memory_space<vmem>>
    %dma_wait3A_241 = arith.constant 0 : i32
    %dma_wait3A_242 = arith.constant 0 : i32
    %dma_wait3A_243 = tpu.memref_slice %arg12[%dma_wait3A_241, %dma_wait3A_242] : memref<10240x32xf32, #tpu.memory_space<vmem_shared>> -> memref<10240x32xf32, #tpu.memory_space<vmem_shared>>
    %dma_wait3A_244 = tpu.memref_slice %arg11[%dma_wait3A_233] : memref<12x!tpu.dma_semaphore, #tpu.memory_space<semaphore_mem>> -> memref<1x!tpu.dma_semaphore, #tpu.memory_space<semaphore_mem>>
    %dma_wait3A_245 = tpu.memref_squeeze %dma_wait3A_244 : memref<1x!tpu.dma_semaphore, #tpu.memory_space<semaphore_mem>> -> memref<!tpu.dma_semaphore, #tpu.memory_space<semaphore_mem>>
    tpu.wait_indirect_dma semaphore(%dma_wait3A_245 : memref<!tpu.dma_semaphore, #tpu.memory_space<semaphore_mem>>) src(%dma_wait3A_237 : memref<128x32xf32, #tpu.memory_space<vmem>>) dst(%dma_wait3A_243 : memref<10240x32xf32, #tpu.memory_space<vmem_shared>>)
    %dma_wait3A_246 = arith.constant 5 : i32
    %dma_wait3A_247 = arith.constant 77 : i32
    %dma_wait3A_248 = arith.constant 5 : i32
    %dma_wait3A_249 = arith.constant 0 : i32
    %dma_wait3A_250 = arith.constant 0 : i32
    %dma_wait3A_251 = tpu.memref_slice %arg9[%dma_wait3A_246, %dma_wait3A_249, %dma_wait3A_250] : memref<12x128x32xf32, #tpu.memory_space<vmem>> -> memref<1x128x32xf32, #tpu.memory_space<vmem>>
    %dma_wait3A_252 = tpu.memref_squeeze %dma_wait3A_251 : memref<1x128x32xf32, #tpu.memory_space<vmem>> -> memref<128x32xf32, #tpu.memory_space<vmem>>
    %dma_wait3A_253 = arith.constant 0 : i32
    %dma_wait3A_254 = tpu.memref_slice %arg8[%dma_wait3A_247, %dma_wait3A_253] : memref<79x128xi32, #tpu.memory_space<vmem>> -> memref<1x128xi32, #tpu.memory_space<vmem>>
    %dma_wait3A_255 = tpu.memref_squeeze %dma_wait3A_254 : memref<1x128xi32, #tpu.memory_space<vmem>> -> memref<128xi32, #tpu.memory_space<vmem>>
    %dma_wait3A_256 = arith.constant 0 : i32
    %dma_wait3A_257 = arith.constant 0 : i32
    %dma_wait3A_258 = tpu.memref_slice %arg12[%dma_wait3A_256, %dma_wait3A_257] : memref<10240x32xf32, #tpu.memory_space<vmem_shared>> -> memref<10240x32xf32, #tpu.memory_space<vmem_shared>>
    %dma_wait3A_259 = tpu.memref_slice %arg11[%dma_wait3A_248] : memref<12x!tpu.dma_semaphore, #tpu.memory_space<semaphore_mem>> -> memref<1x!tpu.dma_semaphore, #tpu.memory_space<semaphore_mem>>
    %dma_wait3A_260 = tpu.memref_squeeze %dma_wait3A_259 : memref<1x!tpu.dma_semaphore, #tpu.memory_space<semaphore_mem>> -> memref<!tpu.dma_semaphore, #tpu.memory_space<semaphore_mem>>
    tpu.wait_indirect_dma semaphore(%dma_wait3A_260 : memref<!tpu.dma_semaphore, #tpu.memory_space<semaphore_mem>>) src(%dma_wait3A_252 : memref<128x32xf32, #tpu.memory_space<vmem>>) dst(%dma_wait3A_258 : memref<10240x32xf32, #tpu.memory_space<vmem_shared>>)
    %dma_wait3A_261 = arith.constant 6 : i32
    %dma_wait3A_262 = arith.constant 78 : i32
    %dma_wait3A_263 = arith.constant 6 : i32
    %dma_wait3A_264 = arith.constant 0 : i32
    %dma_wait3A_265 = arith.constant 0 : i32
    %dma_wait3A_266 = tpu.memref_slice %arg9[%dma_wait3A_261, %dma_wait3A_264, %dma_wait3A_265] : memref<12x128x32xf32, #tpu.memory_space<vmem>> -> memref<1x128x32xf32, #tpu.memory_space<vmem>>
    %dma_wait3A_267 = tpu.memref_squeeze %dma_wait3A_266 : memref<1x128x32xf32, #tpu.memory_space<vmem>> -> memref<128x32xf32, #tpu.memory_space<vmem>>
    %dma_wait3A_268 = arith.constant 0 : i32
    %dma_wait3A_269 = tpu.memref_slice %arg8[%dma_wait3A_262, %dma_wait3A_268] : memref<79x128xi32, #tpu.memory_space<vmem>> -> memref<1x128xi32, #tpu.memory_space<vmem>>
    %dma_wait3A_270 = tpu.memref_squeeze %dma_wait3A_269 : memref<1x128xi32, #tpu.memory_space<vmem>> -> memref<128xi32, #tpu.memory_space<vmem>>
    %dma_wait3A_271 = arith.constant 0 : i32
    %dma_wait3A_272 = arith.constant 0 : i32
    %dma_wait3A_273 = tpu.memref_slice %arg12[%dma_wait3A_271, %dma_wait3A_272] : memref<10240x32xf32, #tpu.memory_space<vmem_shared>> -> memref<10240x32xf32, #tpu.memory_space<vmem_shared>>
    %dma_wait3A_274 = tpu.memref_slice %arg11[%dma_wait3A_263] : memref<12x!tpu.dma_semaphore, #tpu.memory_space<semaphore_mem>> -> memref<1x!tpu.dma_semaphore, #tpu.memory_space<semaphore_mem>>
    %dma_wait3A_275 = tpu.memref_squeeze %dma_wait3A_274 : memref<1x!tpu.dma_semaphore, #tpu.memory_space<semaphore_mem>> -> memref<!tpu.dma_semaphore, #tpu.memory_space<semaphore_mem>>
    tpu.wait_indirect_dma semaphore(%dma_wait3A_275 : memref<!tpu.dma_semaphore, #tpu.memory_space<semaphore_mem>>) src(%dma_wait3A_267 : memref<128x32xf32, #tpu.memory_space<vmem>>) dst(%dma_wait3A_273 : memref<10240x32xf32, #tpu.memory_space<vmem_shared>>)
    %barrier3A_276 = arith.constant 0 : index
    tpu.barrier barrier_id(%barrier3A_276)
    %mul3A_277 = arith.constant 640 : i32
    %mul3A_278 = arith.muli %arg1, %mul3A_277 : i32
    %mul3A_279 = arith.constant 640 : i32
    %mul3A_280 = arith.muli %arg1, %mul3A_279 : i32
    "tpu.region"() ({
      %run_scoped3A = tpu.sem_alloc : memref<!tpu.dma_semaphore, #tpu.memory_space<semaphore_mem>>
      %dma_start3A_281 = arith.constant 0 : i32
      %dma_start3A_282 = tpu.memref_slice %arg6[%arg0, %mul3A_280, %dma_start3A_281] : memref<2x10240x32xf32, #tpu.memory_space<hbm>> -> memref<1x640x32xf32, #tpu.memory_space<hbm>>
      %dma_start3A_283 = tpu.memref_squeeze %dma_start3A_282 : memref<1x640x32xf32, #tpu.memory_space<hbm>> -> memref<640x32xf32, #tpu.memory_space<hbm>>
      %dma_start3A_284 = arith.constant 0 : i32
      %dma_start3A_285 = tpu.memref_slice %arg12[%mul3A_278, %dma_start3A_284] : memref<10240x32xf32, #tpu.memory_space<vmem_shared>> -> memref<640x32xf32, #tpu.memory_space<vmem_shared>>
      tpu.enqueue_dma source(%dma_start3A_285 : memref<640x32xf32, #tpu.memory_space<vmem_shared>>) target(%dma_start3A_283 : memref<640x32xf32, #tpu.memory_space<hbm>>) target_semaphore(%run_scoped3A : memref<!tpu.dma_semaphore, #tpu.memory_space<semaphore_mem>>)
      %dma_wait3A_286 = arith.constant 0 : i32
      %dma_wait3A_287 = tpu.memref_slice %arg6[%arg0, %mul3A_280, %dma_wait3A_286] : memref<2x10240x32xf32, #tpu.memory_space<hbm>> -> memref<1x640x32xf32, #tpu.memory_space<hbm>>
      %dma_wait3A_288 = tpu.memref_squeeze %dma_wait3A_287 : memref<1x640x32xf32, #tpu.memory_space<hbm>> -> memref<640x32xf32, #tpu.memory_space<hbm>>
      %dma_wait3A_289 = arith.constant 0 : i32
      %dma_wait3A_290 = tpu.memref_slice %arg12[%mul3A_278, %dma_wait3A_289] : memref<10240x32xf32, #tpu.memory_space<vmem_shared>> -> memref<640x32xf32, #tpu.memory_space<vmem_shared>>
      tpu.wait_dma2 semaphore(%run_scoped3A : memref<!tpu.dma_semaphore, #tpu.memory_space<semaphore_mem>>) src(%dma_wait3A_290 : memref<640x32xf32, #tpu.memory_space<vmem_shared>>) dst(%dma_wait3A_288 : memref<640x32xf32, #tpu.memory_space<hbm>>)
      tpu.yield
    }) : () -> ()
    return
  }
}

#map = affine_map<(d0, d1) -> (0, 0, 0)>
#map1 = affine_map<(d0, d1) -> (0)>
#map2 = affine_map<(d0, d1) -> (0, 0)>
module attributes {stable_mosaic.version = 14 : i64} {
  func.func @_degcnt_body(%arg0: i32, %arg1: i32, %arg2: memref<32x79x128xi32, #tpu.memory_space<hbm>>, %arg3: memref<32x3x128xi32, #tpu.memory_space<hbm>>, %arg4: memref<640xf32, #tpu.memory_space<hbm>>, %arg5: memref<2x10240xf32, #tpu.memory_space<hbm>>, %arg6: memref<2x384xf32, #tpu.memory_space<hbm>>, %arg7: memref<79x128xi32, #tpu.memory_space<vmem>>, %arg8: memref<3x128xi32, #tpu.memory_space<vmem>>, %arg9: memref<128xf32, #tpu.memory_space<vmem>>, %arg10: memref<10240xf32, #tpu.memory_space<vmem_shared>>, %arg11: memref<384xf32, #tpu.memory_space<vmem_shared>>) attributes {dimension_semantics = [#tpu.dimension_semantics<core_parallel>, #tpu.dimension_semantics<subcore_parallel>], iteration_bounds = array<i64: 2, 16>, scalar_prefetch = 0 : i64, scratch_operands = 5 : i64, tpu.core_type = #tpu.core_type<sc_vector_subcore>, window_params = [{transform_indices = #map}, {transform_indices = #map}, {transform_indices = #map1}, {transform_indices = #map2}, {transform_indices = #map2}]} {
    %mul3A = arith.constant 16 : i32
    %mul3A_0 = arith.muli %arg0, %mul3A : i32
    %add3A = arith.addi %mul3A_0, %arg1 : i32
    %broadcast_in_dim3A = arith.constant 1.000000e+00 : f32
    %broadcast_in_dim3A_1 = vector.broadcast %broadcast_in_dim3A : f32 to vector<16xf32>
    %swap3A = arith.constant 0 : index
    %swap3A_2 = tpu.vector_load %arg9[%swap3A] {strides = array<i32>} : memref<128xf32, #tpu.memory_space<vmem>>, vector<16xf32>,
    tpu.vector_store %arg9[%swap3A], %broadcast_in_dim3A_1 {strides = array<i32>} : memref<128xf32, #tpu.memory_space<vmem>>, vector<16xf32>,
    %broadcast_in_dim3A_3 = arith.constant 1.000000e+00 : f32
    %broadcast_in_dim3A_4 = vector.broadcast %broadcast_in_dim3A_3 : f32 to vector<16xf32>
    %swap3A_5 = arith.constant 16 : index
    %swap3A_6 = tpu.vector_load %arg9[%swap3A_5] {strides = array<i32>} : memref<128xf32, #tpu.memory_space<vmem>>, vector<16xf32>,
    tpu.vector_store %arg9[%swap3A_5], %broadcast_in_dim3A_4 {strides = array<i32>} : memref<128xf32, #tpu.memory_space<vmem>>, vector<16xf32>,
    %broadcast_in_dim3A_7 = arith.constant 1.000000e+00 : f32
    %broadcast_in_dim3A_8 = vector.broadcast %broadcast_in_dim3A_7 : f32 to vector<16xf32>
    %swap3A_9 = arith.constant 32 : index
    %swap3A_10 = tpu.vector_load %arg9[%swap3A_9] {strides = array<i32>} : memref<128xf32, #tpu.memory_space<vmem>>, vector<16xf32>,
    tpu.vector_store %arg9[%swap3A_9], %broadcast_in_dim3A_8 {strides = array<i32>} : memref<128xf32, #tpu.memory_space<vmem>>, vector<16xf32>,
    %broadcast_in_dim3A_11 = arith.constant 1.000000e+00 : f32
    %broadcast_in_dim3A_12 = vector.broadcast %broadcast_in_dim3A_11 : f32 to vector<16xf32>
    %swap3A_13 = arith.constant 48 : index
    %swap3A_14 = tpu.vector_load %arg9[%swap3A_13] {strides = array<i32>} : memref<128xf32, #tpu.memory_space<vmem>>, vector<16xf32>,
    tpu.vector_store %arg9[%swap3A_13], %broadcast_in_dim3A_12 {strides = array<i32>} : memref<128xf32, #tpu.memory_space<vmem>>, vector<16xf32>,
    %broadcast_in_dim3A_15 = arith.constant 1.000000e+00 : f32
    %broadcast_in_dim3A_16 = vector.broadcast %broadcast_in_dim3A_15 : f32 to vector<16xf32>
    %swap3A_17 = arith.constant 64 : index
    %swap3A_18 = tpu.vector_load %arg9[%swap3A_17] {strides = array<i32>} : memref<128xf32, #tpu.memory_space<vmem>>, vector<16xf32>,
    tpu.vector_store %arg9[%swap3A_17], %broadcast_in_dim3A_16 {strides = array<i32>} : memref<128xf32, #tpu.memory_space<vmem>>, vector<16xf32>,
    %broadcast_in_dim3A_19 = arith.constant 1.000000e+00 : f32
    %broadcast_in_dim3A_20 = vector.broadcast %broadcast_in_dim3A_19 : f32 to vector<16xf32>
    %swap3A_21 = arith.constant 80 : index
    %swap3A_22 = tpu.vector_load %arg9[%swap3A_21] {strides = array<i32>} : memref<128xf32, #tpu.memory_space<vmem>>, vector<16xf32>,
    tpu.vector_store %arg9[%swap3A_21], %broadcast_in_dim3A_20 {strides = array<i32>} : memref<128xf32, #tpu.memory_space<vmem>>, vector<16xf32>,
    %broadcast_in_dim3A_23 = arith.constant 1.000000e+00 : f32
    %broadcast_in_dim3A_24 = vector.broadcast %broadcast_in_dim3A_23 : f32 to vector<16xf32>
    %swap3A_25 = arith.constant 96 : index
    %swap3A_26 = tpu.vector_load %arg9[%swap3A_25] {strides = array<i32>} : memref<128xf32, #tpu.memory_space<vmem>>, vector<16xf32>,
    tpu.vector_store %arg9[%swap3A_25], %broadcast_in_dim3A_24 {strides = array<i32>} : memref<128xf32, #tpu.memory_space<vmem>>, vector<16xf32>,
    %broadcast_in_dim3A_27 = arith.constant 1.000000e+00 : f32
    %broadcast_in_dim3A_28 = vector.broadcast %broadcast_in_dim3A_27 : f32 to vector<16xf32>
    %swap3A_29 = arith.constant 112 : index
    %swap3A_30 = tpu.vector_load %arg9[%swap3A_29] {strides = array<i32>} : memref<128xf32, #tpu.memory_space<vmem>>, vector<16xf32>,
    tpu.vector_store %arg9[%swap3A_29], %broadcast_in_dim3A_28 {strides = array<i32>} : memref<128xf32, #tpu.memory_space<vmem>>, vector<16xf32>,
    %mul3A_31 = arith.constant 640 : i32
    %mul3A_32 = arith.muli %arg1, %mul3A_31 : i32
    "tpu.region"() ({
      %run_scoped3A = tpu.sem_alloc : memref<!tpu.dma_semaphore, #tpu.memory_space<semaphore_mem>>
      %dma_start3A = tpu.memref_slice %arg10[%mul3A_32] : memref<10240xf32, #tpu.memory_space<vmem_shared>> -> memref<640xf32, #tpu.memory_space<vmem_shared>>
      tpu.enqueue_dma source(%arg4 : memref<640xf32, #tpu.memory_space<hbm>>) target(%dma_start3A : memref<640xf32, #tpu.memory_space<vmem_shared>>) target_semaphore(%run_scoped3A : memref<!tpu.dma_semaphore, #tpu.memory_space<semaphore_mem>>)
      %dma_wait3A = tpu.memref_slice %arg10[%mul3A_32] : memref<10240xf32, #tpu.memory_space<vmem_shared>> -> memref<640xf32, #tpu.memory_space<vmem_shared>>
      tpu.wait_dma2 semaphore(%run_scoped3A : memref<!tpu.dma_semaphore, #tpu.memory_space<semaphore_mem>>) src(%arg4 : memref<640xf32, #tpu.memory_space<hbm>>) dst(%dma_wait3A : memref<640xf32, #tpu.memory_space<vmem_shared>>)
      tpu.yield
    }) : () -> ()
    %eq3A = arith.constant 0 : i32
    %eq3A_33 = arith.cmpi eq, %arg1, %eq3A : i32
    %convert_element_type3A = arith.extui %eq3A_33 : i1 to i32
    %cond3A = arith.constant 0 : i32
    %cond3A_34 = arith.cmpi ne, %convert_element_type3A, %cond3A : i32
    scf.if %cond3A_34 {
      "tpu.region"() ({
        %run_scoped3A = tpu.sem_alloc : memref<!tpu.dma_semaphore, #tpu.memory_space<semaphore_mem>>
        %dma_start3A = arith.constant 0 : i32
        %dma_start3A_56 = tpu.memref_slice %arg4[%dma_start3A] : memref<640xf32, #tpu.memory_space<hbm>> -> memref<384xf32, #tpu.memory_space<hbm>>
        tpu.enqueue_dma source(%dma_start3A_56 : memref<384xf32, #tpu.memory_space<hbm>>) target(%arg11 : memref<384xf32, #tpu.memory_space<vmem_shared>>) target_semaphore(%run_scoped3A : memref<!tpu.dma_semaphore, #tpu.memory_space<semaphore_mem>>)
        %dma_wait3A = arith.constant 0 : i32
        %dma_wait3A_57 = tpu.memref_slice %arg4[%dma_wait3A] : memref<640xf32, #tpu.memory_space<hbm>> -> memref<384xf32, #tpu.memory_space<hbm>>
        tpu.wait_dma2 semaphore(%run_scoped3A : memref<!tpu.dma_semaphore, #tpu.memory_space<semaphore_mem>>) src(%dma_wait3A_57 : memref<384xf32, #tpu.memory_space<hbm>>) dst(%arg11 : memref<384xf32, #tpu.memory_space<vmem_shared>>)
        tpu.yield
      }) : () -> ()
    } else {
    }
    "tpu.region"() ({
      %run_scoped3A = tpu.sem_alloc : memref<!tpu.dma_semaphore, #tpu.memory_space<semaphore_mem>>
      %dma_start3A = arith.constant 0 : i32
      %dma_start3A_56 = arith.constant 0 : i32
      %dma_start3A_57 = tpu.memref_slice %arg2[%add3A, %dma_start3A, %dma_start3A_56] : memref<32x79x128xi32, #tpu.memory_space<hbm>> -> memref<1x79x128xi32, #tpu.memory_space<hbm>>
      %dma_start3A_58 = tpu.memref_squeeze %dma_start3A_57 : memref<1x79x128xi32, #tpu.memory_space<hbm>> -> memref<79x128xi32, #tpu.memory_space<hbm>>
      %dma_start3A_59 = arith.constant 0 : i32
      %dma_start3A_60 = arith.constant 0 : i32
      %dma_start3A_61 = tpu.memref_slice %arg2[%add3A, %dma_start3A_59, %dma_start3A_60] : memref<32x79x128xi32, #tpu.memory_space<hbm>> -> memref<1x79x128xi32, #tpu.memory_space<hbm>>
      %dma_start3A_62 = tpu.memref_squeeze %dma_start3A_61 : memref<1x79x128xi32, #tpu.memory_space<hbm>> -> memref<79x128xi32, #tpu.memory_space<hbm>>
      tpu.enqueue_dma source(%dma_start3A_62 : memref<79x128xi32, #tpu.memory_space<hbm>>) target(%arg7 : memref<79x128xi32, #tpu.memory_space<vmem>>) target_semaphore(%run_scoped3A : memref<!tpu.dma_semaphore, #tpu.memory_space<semaphore_mem>>)
      %dma_wait3A = arith.constant 0 : i32
      %dma_wait3A_63 = arith.constant 0 : i32
      %dma_wait3A_64 = tpu.memref_slice %arg2[%add3A, %dma_wait3A, %dma_wait3A_63] : memref<32x79x128xi32, #tpu.memory_space<hbm>> -> memref<1x79x128xi32, #tpu.memory_space<hbm>>
      %dma_wait3A_65 = tpu.memref_squeeze %dma_wait3A_64 : memref<1x79x128xi32, #tpu.memory_space<hbm>> -> memref<79x128xi32, #tpu.memory_space<hbm>>
      %dma_wait3A_66 = arith.constant 0 : i32
      %dma_wait3A_67 = arith.constant 0 : i32
      %dma_wait3A_68 = tpu.memref_slice %arg2[%add3A, %dma_wait3A_66, %dma_wait3A_67] : memref<32x79x128xi32, #tpu.memory_space<hbm>> -> memref<1x79x128xi32, #tpu.memory_space<hbm>>
      %dma_wait3A_69 = tpu.memref_squeeze %dma_wait3A_68 : memref<1x79x128xi32, #tpu.memory_space<hbm>> -> memref<79x128xi32, #tpu.memory_space<hbm>>
      tpu.wait_dma2 semaphore(%run_scoped3A : memref<!tpu.dma_semaphore, #tpu.memory_space<semaphore_mem>>) src(%dma_wait3A_69 : memref<79x128xi32, #tpu.memory_space<hbm>>) dst(%arg7 : memref<79x128xi32, #tpu.memory_space<vmem>>)
      tpu.yield
    }) : () -> ()
    "tpu.region"() ({
      %run_scoped3A = tpu.sem_alloc : memref<!tpu.dma_semaphore, #tpu.memory_space<semaphore_mem>>
      %dma_start3A = arith.constant 0 : i32
      %dma_start3A_56 = arith.constant 0 : i32
      %dma_start3A_57 = tpu.memref_slice %arg3[%add3A, %dma_start3A, %dma_start3A_56] : memref<32x3x128xi32, #tpu.memory_space<hbm>> -> memref<1x3x128xi32, #tpu.memory_space<hbm>>
      %dma_start3A_58 = tpu.memref_squeeze %dma_start3A_57 : memref<1x3x128xi32, #tpu.memory_space<hbm>> -> memref<3x128xi32, #tpu.memory_space<hbm>>
      %dma_start3A_59 = arith.constant 0 : i32
      %dma_start3A_60 = arith.constant 0 : i32
      %dma_start3A_61 = tpu.memref_slice %arg3[%add3A, %dma_start3A_59, %dma_start3A_60] : memref<32x3x128xi32, #tpu.memory_space<hbm>> -> memref<1x3x128xi32, #tpu.memory_space<hbm>>
      %dma_start3A_62 = tpu.memref_squeeze %dma_start3A_61 : memref<1x3x128xi32, #tpu.memory_space<hbm>> -> memref<3x128xi32, #tpu.memory_space<hbm>>
      tpu.enqueue_dma source(%dma_start3A_62 : memref<3x128xi32, #tpu.memory_space<hbm>>) target(%arg8 : memref<3x128xi32, #tpu.memory_space<vmem>>) target_semaphore(%run_scoped3A : memref<!tpu.dma_semaphore, #tpu.memory_space<semaphore_mem>>)
      %dma_wait3A = arith.constant 0 : i32
      %dma_wait3A_63 = arith.constant 0 : i32
      %dma_wait3A_64 = tpu.memref_slice %arg3[%add3A, %dma_wait3A, %dma_wait3A_63] : memref<32x3x128xi32, #tpu.memory_space<hbm>> -> memref<1x3x128xi32, #tpu.memory_space<hbm>>
      %dma_wait3A_65 = tpu.memref_squeeze %dma_wait3A_64 : memref<1x3x128xi32, #tpu.memory_space<hbm>> -> memref<3x128xi32, #tpu.memory_space<hbm>>
      %dma_wait3A_66 = arith.constant 0 : i32
      %dma_wait3A_67 = arith.constant 0 : i32
      %dma_wait3A_68 = tpu.memref_slice %arg3[%add3A, %dma_wait3A_66, %dma_wait3A_67] : memref<32x3x128xi32, #tpu.memory_space<hbm>> -> memref<1x3x128xi32, #tpu.memory_space<hbm>>
      %dma_wait3A_69 = tpu.memref_squeeze %dma_wait3A_68 : memref<1x3x128xi32, #tpu.memory_space<hbm>> -> memref<3x128xi32, #tpu.memory_space<hbm>>
      tpu.wait_dma2 semaphore(%run_scoped3A : memref<!tpu.dma_semaphore, #tpu.memory_space<semaphore_mem>>) src(%dma_wait3A_69 : memref<3x128xi32, #tpu.memory_space<hbm>>) dst(%arg8 : memref<3x128xi32, #tpu.memory_space<vmem>>)
      tpu.yield
    }) : () -> ()
    %barrier3A = arith.constant 0 : index
    tpu.barrier barrier_id(%barrier3A)
    %scan3A = arith.constant 0 : i32
    %scan3A_35 = arith.constant 0 : i32
    %scan3A_36 = arith.constant 79 : i32
    %scan3A_37 = arith.addi %scan3A_35, %scan3A_36 : i32
    %scan3A_38 = arith.constant 1 : i32
    scf.for %scan3A_56 = %scan3A_35 to %scan3A_37 step %scan3A_38  : i32 {
      "tpu.region"() ({
        %run_scoped3A = tpu.sem_alloc : memref<!tpu.dma_semaphore, #tpu.memory_space<semaphore_mem>>
        %dma_start3A = arith.constant 0 : i32
        %dma_start3A_57 = tpu.memref_slice %arg7[%scan3A_56, %dma_start3A] : memref<79x128xi32, #tpu.memory_space<vmem>> -> memref<1x128xi32, #tpu.memory_space<vmem>>
        %dma_start3A_58 = tpu.memref_squeeze %dma_start3A_57 : memref<1x128xi32, #tpu.memory_space<vmem>> -> memref<128xi32, #tpu.memory_space<vmem>>
        %dma_start3A_59 = arith.constant 0 : i32
        %dma_start3A_60 = tpu.memref_slice %arg10[%dma_start3A_59] : memref<10240xf32, #tpu.memory_space<vmem_shared>> -> memref<10240xf32, #tpu.memory_space<vmem_shared>>
        tpu.enqueue_indirect_dma source(%arg9 : memref<128xf32, #tpu.memory_space<vmem>>) target(%dma_start3A_60 : memref<10240xf32, #tpu.memory_space<vmem_shared>>) offsets(%dma_start3A_58 : memref<128xi32, #tpu.memory_space<vmem>>) semaphore(%run_scoped3A : memref<!tpu.dma_semaphore, #tpu.memory_space<semaphore_mem>>) {add = true}
        %dma_wait3A = arith.constant 0 : i32
        %dma_wait3A_61 = tpu.memref_slice %arg7[%scan3A_56, %dma_wait3A] : memref<79x128xi32, #tpu.memory_space<vmem>> -> memref<1x128xi32, #tpu.memory_space<vmem>>
        %dma_wait3A_62 = tpu.memref_squeeze %dma_wait3A_61 : memref<1x128xi32, #tpu.memory_space<vmem>> -> memref<128xi32, #tpu.memory_space<vmem>>
        %dma_wait3A_63 = arith.constant 0 : i32
        %dma_wait3A_64 = tpu.memref_slice %arg10[%dma_wait3A_63] : memref<10240xf32, #tpu.memory_space<vmem_shared>> -> memref<10240xf32, #tpu.memory_space<vmem_shared>>
        tpu.wait_indirect_dma semaphore(%run_scoped3A : memref<!tpu.dma_semaphore, #tpu.memory_space<semaphore_mem>>) src(%arg9 : memref<128xf32, #tpu.memory_space<vmem>>) dst(%dma_wait3A_64 : memref<10240xf32, #tpu.memory_space<vmem_shared>>)
        tpu.yield
      }) : () -> ()
    }
    %scan3A_39 = arith.constant 79 : i32
    %scan3A_40 = arith.constant 0 : i32
    %scan3A_41 = arith.constant 0 : i32
    %scan3A_42 = arith.constant 3 : i32
    %scan3A_43 = arith.addi %scan3A_41, %scan3A_42 : i32
    %scan3A_44 = arith.constant 1 : i32
    scf.for %scan3A_56 = %scan3A_41 to %scan3A_43 step %scan3A_44  : i32 {
      "tpu.region"() ({
        %run_scoped3A = tpu.sem_alloc : memref<!tpu.dma_semaphore, #tpu.memory_space<semaphore_mem>>
        %dma_start3A = arith.constant 0 : i32
        %dma_start3A_57 = tpu.memref_slice %arg8[%scan3A_56, %dma_start3A] : memref<3x128xi32, #tpu.memory_space<vmem>> -> memref<1x128xi32, #tpu.memory_space<vmem>>
        %dma_start3A_58 = tpu.memref_squeeze %dma_start3A_57 : memref<1x128xi32, #tpu.memory_space<vmem>> -> memref<128xi32, #tpu.memory_space<vmem>>
        %dma_start3A_59 = arith.constant 0 : i32
        %dma_start3A_60 = tpu.memref_slice %arg11[%dma_start3A_59] : memref<384xf32, #tpu.memory_space<vmem_shared>> -> memref<384xf32, #tpu.memory_space<vmem_shared>>
        tpu.enqueue_indirect_dma source(%arg9 : memref<128xf32, #tpu.memory_space<vmem>>) target(%dma_start3A_60 : memref<384xf32, #tpu.memory_space<vmem_shared>>) offsets(%dma_start3A_58 : memref<128xi32, #tpu.memory_space<vmem>>) semaphore(%run_scoped3A : memref<!tpu.dma_semaphore, #tpu.memory_space<semaphore_mem>>) {add = true}
        %dma_wait3A = arith.constant 0 : i32
        %dma_wait3A_61 = tpu.memref_slice %arg8[%scan3A_56, %dma_wait3A] : memref<3x128xi32, #tpu.memory_space<vmem>> -> memref<1x128xi32, #tpu.memory_space<vmem>>
        %dma_wait3A_62 = tpu.memref_squeeze %dma_wait3A_61 : memref<1x128xi32, #tpu.memory_space<vmem>> -> memref<128xi32, #tpu.memory_space<vmem>>
        %dma_wait3A_63 = arith.constant 0 : i32
        %dma_wait3A_64 = tpu.memref_slice %arg11[%dma_wait3A_63] : memref<384xf32, #tpu.memory_space<vmem_shared>> -> memref<384xf32, #tpu.memory_space<vmem_shared>>
        tpu.wait_indirect_dma semaphore(%run_scoped3A : memref<!tpu.dma_semaphore, #tpu.memory_space<semaphore_mem>>) src(%arg9 : memref<128xf32, #tpu.memory_space<vmem>>) dst(%dma_wait3A_64 : memref<384xf32, #tpu.memory_space<vmem_shared>>)
        tpu.yield
      }) : () -> ()
    }
    %scan3A_45 = arith.constant 3 : i32
    %barrier3A_46 = arith.constant 0 : index
    tpu.barrier barrier_id(%barrier3A_46)
    %mul3A_47 = arith.constant 640 : i32
    %mul3A_48 = arith.muli %arg1, %mul3A_47 : i32
    %mul3A_49 = arith.constant 640 : i32
    %mul3A_50 = arith.muli %arg1, %mul3A_49 : i32
    "tpu.region"() ({
      %run_scoped3A = tpu.sem_alloc : memref<!tpu.dma_semaphore, #tpu.memory_space<semaphore_mem>>
      %dma_start3A = tpu.memref_slice %arg5[%arg0, %mul3A_50] : memref<2x10240xf32, #tpu.memory_space<hbm>> -> memref<1x640xf32, #tpu.memory_space<hbm>>
      %dma_start3A_56 = tpu.memref_squeeze %dma_start3A : memref<1x640xf32, #tpu.memory_space<hbm>> -> memref<640xf32, #tpu.memory_space<hbm>>
      %dma_start3A_57 = tpu.memref_slice %arg10[%mul3A_48] : memref<10240xf32, #tpu.memory_space<vmem_shared>> -> memref<640xf32, #tpu.memory_space<vmem_shared>>
      tpu.enqueue_dma source(%dma_start3A_57 : memref<640xf32, #tpu.memory_space<vmem_shared>>) target(%dma_start3A_56 : memref<640xf32, #tpu.memory_space<hbm>>) target_semaphore(%run_scoped3A : memref<!tpu.dma_semaphore, #tpu.memory_space<semaphore_mem>>)
      %dma_wait3A = tpu.memref_slice %arg5[%arg0, %mul3A_50] : memref<2x10240xf32, #tpu.memory_space<hbm>> -> memref<1x640xf32, #tpu.memory_space<hbm>>
      %dma_wait3A_58 = tpu.memref_squeeze %dma_wait3A : memref<1x640xf32, #tpu.memory_space<hbm>> -> memref<640xf32, #tpu.memory_space<hbm>>
      %dma_wait3A_59 = tpu.memref_slice %arg10[%mul3A_48] : memref<10240xf32, #tpu.memory_space<vmem_shared>> -> memref<640xf32, #tpu.memory_space<vmem_shared>>
      tpu.wait_dma2 semaphore(%run_scoped3A : memref<!tpu.dma_semaphore, #tpu.memory_space<semaphore_mem>>) src(%dma_wait3A_59 : memref<640xf32, #tpu.memory_space<vmem_shared>>) dst(%dma_wait3A_58 : memref<640xf32, #tpu.memory_space<hbm>>)
      tpu.yield
    }) : () -> ()
    %eq3A_51 = arith.constant 0 : i32
    %eq3A_52 = arith.cmpi eq, %arg1, %eq3A_51 : i32
    %convert_element_type3A_53 = arith.extui %eq3A_52 : i1 to i32
    %cond3A_54 = arith.constant 0 : i32
    %cond3A_55 = arith.cmpi ne, %convert_element_type3A_53, %cond3A_54 : i32
    scf.if %cond3A_55 {
      "tpu.region"() ({
        %run_scoped3A = tpu.sem_alloc : memref<!tpu.dma_semaphore, #tpu.memory_space<semaphore_mem>>
        %dma_start3A = arith.constant 0 : i32
        %dma_start3A_56 = tpu.memref_slice %arg6[%arg0, %dma_start3A] : memref<2x384xf32, #tpu.memory_space<hbm>> -> memref<1x384xf32, #tpu.memory_space<hbm>>
        %dma_start3A_57 = tpu.memref_squeeze %dma_start3A_56 : memref<1x384xf32, #tpu.memory_space<hbm>> -> memref<384xf32, #tpu.memory_space<hbm>>
        tpu.enqueue_dma source(%arg11 : memref<384xf32, #tpu.memory_space<vmem_shared>>) target(%dma_start3A_57 : memref<384xf32, #tpu.memory_space<hbm>>) target_semaphore(%run_scoped3A : memref<!tpu.dma_semaphore, #tpu.memory_space<semaphore_mem>>)
        %dma_wait3A = arith.constant 0 : i32
        %dma_wait3A_58 = tpu.memref_slice %arg6[%arg0, %dma_wait3A] : memref<2x384xf32, #tpu.memory_space<hbm>> -> memref<1x384xf32, #tpu.memory_space<hbm>>
        %dma_wait3A_59 = tpu.memref_squeeze %dma_wait3A_58 : memref<1x384xf32, #tpu.memory_space<hbm>> -> memref<384xf32, #tpu.memory_space<hbm>>
        tpu.wait_dma2 semaphore(%run_scoped3A : memref<!tpu.dma_semaphore, #tpu.memory_space<semaphore_mem>>) src(%arg11 : memref<384xf32, #tpu.memory_space<vmem_shared>>) dst(%dma_wait3A_59 : memref<384xf32, #tpu.memory_space<hbm>>)
        tpu.yield
      }) : () -> ()
    } else {
    }
    return
  }
}

#map = affine_map<(d0, d1) -> (0, 0)>
#map1 = affine_map<(d0, d1) -> (0, 0, 0)>
#map2 = affine_map<(d0, d1) -> (0)>
module attributes {stable_mosaic.version = 14 : i64} {
  func.func @_agg_pool_body(%arg0: i32, %arg1: i32, %arg2: memref<10240x32xf32, #tpu.memory_space<hbm>>, %arg3: memref<32x79x128xi32, #tpu.memory_space<hbm>>, %arg4: memref<32x79x128xi32, #tpu.memory_space<hbm>>, %arg5: memref<640x32xf32, #tpu.memory_space<hbm>>, %arg6: memref<327680xf32, #tpu.memory_space<hbm>>, %arg7: memref<32x384xi32, #tpu.memory_space<hbm>>, %arg8: memref<12288xf32, #tpu.memory_space<hbm>>, %arg9: memref<12288xf32, #tpu.memory_space<hbm>>, %arg10: memref<2x10240x32xf32, #tpu.memory_space<hbm>>, %arg11: memref<32x12288xf32, #tpu.memory_space<hbm>>, %arg12: memref<32x12288xf32, #tpu.memory_space<hbm>>, %arg13: memref<79x128xi32, #tpu.memory_space<vmem>>, %arg14: memref<79x128xi32, #tpu.memory_space<vmem>>, %arg15: memref<12x128x32xf32, #tpu.memory_space<vmem>>, %arg16: memref<12x!tpu.dma_semaphore, #tpu.memory_space<semaphore_mem>>, %arg17: memref<12x!tpu.dma_semaphore, #tpu.memory_space<semaphore_mem>>, %arg18: memref<10240xf32, #tpu.memory_space<vmem>>, %arg19: memref<384xi32, #tpu.memory_space<vmem>>, %arg20: memref<12288xf32, #tpu.memory_space<vmem>>, %arg21: memref<12288xf32, #tpu.memory_space<vmem>>, %arg22: memref<10240x32xf32, #tpu.memory_space<vmem_shared>>) attributes {dimension_semantics = [#tpu.dimension_semantics<core_parallel>, #tpu.dimension_semantics<subcore_parallel>], iteration_bounds = array<i64: 2, 16>, scalar_prefetch = 0 : i64, scratch_operands = 10 : i64, tpu.core_type = #tpu.core_type<sc_vector_subcore>, window_params = [{transform_indices = #map}, {transform_indices = #map1}, {transform_indices = #map1}, {transform_indices = #map}, {transform_indices = #map2}, {transform_indices = #map}, {transform_indices = #map2}, {transform_indices = #map2}, {transform_indices = #map1}, {transform_indices = #map}, {transform_indices = #map}]} {
    %mul3A = arith.constant 16 : i32
    %mul3A_0 = arith.muli %arg0, %mul3A : i32
    %add3A = arith.addi %mul3A_0, %arg1 : i32
    %mul3A_1 = arith.constant 640 : i32
    %mul3A_2 = arith.muli %arg1, %mul3A_1 : i32
    "tpu.region"() ({
      %run_scoped3A = tpu.sem_alloc : memref<!tpu.dma_semaphore, #tpu.memory_space<semaphore_mem>>
      %dma_start3A_291 = arith.constant 0 : i32
      %dma_start3A_292 = tpu.memref_slice %arg22[%mul3A_2, %dma_start3A_291] : memref<10240x32xf32, #tpu.memory_space<vmem_shared>> -> memref<640x32xf32, #tpu.memory_space<vmem_shared>>
      tpu.enqueue_dma source(%arg5 : memref<640x32xf32, #tpu.memory_space<hbm>>) target(%dma_start3A_292 : memref<640x32xf32, #tpu.memory_space<vmem_shared>>) target_semaphore(%run_scoped3A : memref<!tpu.dma_semaphore, #tpu.memory_space<semaphore_mem>>)
      %dma_wait3A_293 = arith.constant 0 : i32
      %dma_wait3A_294 = tpu.memref_slice %arg22[%mul3A_2, %dma_wait3A_293] : memref<10240x32xf32, #tpu.memory_space<vmem_shared>> -> memref<640x32xf32, #tpu.memory_space<vmem_shared>>
      tpu.wait_dma2 semaphore(%run_scoped3A : memref<!tpu.dma_semaphore, #tpu.memory_space<semaphore_mem>>) src(%arg5 : memref<640x32xf32, #tpu.memory_space<hbm>>) dst(%dma_wait3A_294 : memref<640x32xf32, #tpu.memory_space<vmem_shared>>)
      tpu.yield
    }) : () -> ()
    "tpu.region"() ({
      %run_scoped3A = tpu.sem_alloc : memref<!tpu.dma_semaphore, #tpu.memory_space<semaphore_mem>>
      %dma_start3A_291 = arith.constant 0 : i32
      %dma_start3A_292 = arith.constant 0 : i32
      %dma_start3A_293 = tpu.memref_slice %arg3[%add3A, %dma_start3A_291, %dma_start3A_292] : memref<32x79x128xi32, #tpu.memory_space<hbm>> -> memref<1x79x128xi32, #tpu.memory_space<hbm>>
      %dma_start3A_294 = tpu.memref_squeeze %dma_start3A_293 : memref<1x79x128xi32, #tpu.memory_space<hbm>> -> memref<79x128xi32, #tpu.memory_space<hbm>>
      %dma_start3A_295 = arith.constant 0 : i32
      %dma_start3A_296 = arith.constant 0 : i32
      %dma_start3A_297 = tpu.memref_slice %arg3[%add3A, %dma_start3A_295, %dma_start3A_296] : memref<32x79x128xi32, #tpu.memory_space<hbm>> -> memref<1x79x128xi32, #tpu.memory_space<hbm>>
      %dma_start3A_298 = tpu.memref_squeeze %dma_start3A_297 : memref<1x79x128xi32, #tpu.memory_space<hbm>> -> memref<79x128xi32, #tpu.memory_space<hbm>>
      tpu.enqueue_dma source(%dma_start3A_298 : memref<79x128xi32, #tpu.memory_space<hbm>>) target(%arg13 : memref<79x128xi32, #tpu.memory_space<vmem>>) target_semaphore(%run_scoped3A : memref<!tpu.dma_semaphore, #tpu.memory_space<semaphore_mem>>)
      %dma_wait3A_299 = arith.constant 0 : i32
      %dma_wait3A_300 = arith.constant 0 : i32
      %dma_wait3A_301 = tpu.memref_slice %arg3[%add3A, %dma_wait3A_299, %dma_wait3A_300] : memref<32x79x128xi32, #tpu.memory_space<hbm>> -> memref<1x79x128xi32, #tpu.memory_space<hbm>>
      %dma_wait3A_302 = tpu.memref_squeeze %dma_wait3A_301 : memref<1x79x128xi32, #tpu.memory_space<hbm>> -> memref<79x128xi32, #tpu.memory_space<hbm>>
      %dma_wait3A_303 = arith.constant 0 : i32
      %dma_wait3A_304 = arith.constant 0 : i32
      %dma_wait3A_305 = tpu.memref_slice %arg3[%add3A, %dma_wait3A_303, %dma_wait3A_304] : memref<32x79x128xi32, #tpu.memory_space<hbm>> -> memref<1x79x128xi32, #tpu.memory_space<hbm>>
      %dma_wait3A_306 = tpu.memref_squeeze %dma_wait3A_305 : memref<1x79x128xi32, #tpu.memory_space<hbm>> -> memref<79x128xi32, #tpu.memory_space<hbm>>
      tpu.wait_dma2 semaphore(%run_scoped3A : memref<!tpu.dma_semaphore, #tpu.memory_space<semaphore_mem>>) src(%dma_wait3A_306 : memref<79x128xi32, #tpu.memory_space<hbm>>) dst(%arg13 : memref<79x128xi32, #tpu.memory_space<vmem>>)
      tpu.yield
    }) : () -> ()
    "tpu.region"() ({
      %run_scoped3A = tpu.sem_alloc : memref<!tpu.dma_semaphore, #tpu.memory_space<semaphore_mem>>
      %dma_start3A_291 = arith.constant 0 : i32
      %dma_start3A_292 = arith.constant 0 : i32
      %dma_start3A_293 = tpu.memref_slice %arg4[%add3A, %dma_start3A_291, %dma_start3A_292] : memref<32x79x128xi32, #tpu.memory_space<hbm>> -> memref<1x79x128xi32, #tpu.memory_space<hbm>>
      %dma_start3A_294 = tpu.memref_squeeze %dma_start3A_293 : memref<1x79x128xi32, #tpu.memory_space<hbm>> -> memref<79x128xi32, #tpu.memory_space<hbm>>
      %dma_start3A_295 = arith.constant 0 : i32
      %dma_start3A_296 = arith.constant 0 : i32
      %dma_start3A_297 = tpu.memref_slice %arg4[%add3A, %dma_start3A_295, %dma_start3A_296] : memref<32x79x128xi32, #tpu.memory_space<hbm>> -> memref<1x79x128xi32, #tpu.memory_space<hbm>>
      %dma_start3A_298 = tpu.memref_squeeze %dma_start3A_297 : memref<1x79x128xi32, #tpu.memory_space<hbm>> -> memref<79x128xi32, #tpu.memory_space<hbm>>
      tpu.enqueue_dma source(%dma_start3A_298 : memref<79x128xi32, #tpu.memory_space<hbm>>) target(%arg14 : memref<79x128xi32, #tpu.memory_space<vmem>>) target_semaphore(%run_scoped3A : memref<!tpu.dma_semaphore, #tpu.memory_space<semaphore_mem>>)
      %dma_wait3A_299 = arith.constant 0 : i32
      %dma_wait3A_300 = arith.constant 0 : i32
      %dma_wait3A_301 = tpu.memref_slice %arg4[%add3A, %dma_wait3A_299, %dma_wait3A_300] : memref<32x79x128xi32, #tpu.memory_space<hbm>> -> memref<1x79x128xi32, #tpu.memory_space<hbm>>
      %dma_wait3A_302 = tpu.memref_squeeze %dma_wait3A_301 : memref<1x79x128xi32, #tpu.memory_space<hbm>> -> memref<79x128xi32, #tpu.memory_space<hbm>>
      %dma_wait3A_303 = arith.constant 0 : i32
      %dma_wait3A_304 = arith.constant 0 : i32
      %dma_wait3A_305 = tpu.memref_slice %arg4[%add3A, %dma_wait3A_303, %dma_wait3A_304] : memref<32x79x128xi32, #tpu.memory_space<hbm>> -> memref<1x79x128xi32, #tpu.memory_space<hbm>>
      %dma_wait3A_306 = tpu.memref_squeeze %dma_wait3A_305 : memref<1x79x128xi32, #tpu.memory_space<hbm>> -> memref<79x128xi32, #tpu.memory_space<hbm>>
      tpu.wait_dma2 semaphore(%run_scoped3A : memref<!tpu.dma_semaphore, #tpu.memory_space<semaphore_mem>>) src(%dma_wait3A_306 : memref<79x128xi32, #tpu.memory_space<hbm>>) dst(%arg14 : memref<79x128xi32, #tpu.memory_space<vmem>>)
      tpu.yield
    }) : () -> ()
    %mul3A_3 = arith.constant 320 : i32
    %mul3A_4 = arith.muli %add3A, %mul3A_3 : i32
    %mul3A_5 = arith.constant 32 : i32
    %mul3A_6 = arith.muli %mul3A_4, %mul3A_5 : i32
    "tpu.region"() ({
      %run_scoped3A = tpu.sem_alloc : memref<!tpu.dma_semaphore, #tpu.memory_space<semaphore_mem>>
      %dma_start3A_291 = tpu.memref_slice %arg6[%mul3A_6] : memref<327680xf32, #tpu.memory_space<hbm>> -> memref<10240xf32, #tpu.memory_space<hbm>>
      %dma_start3A_292 = tpu.memref_slice %arg6[%mul3A_6] : memref<327680xf32, #tpu.memory_space<hbm>> -> memref<10240xf32, #tpu.memory_space<hbm>>
      tpu.enqueue_dma source(%dma_start3A_292 : memref<10240xf32, #tpu.memory_space<hbm>>) target(%arg18 : memref<10240xf32, #tpu.memory_space<vmem>>) target_semaphore(%run_scoped3A : memref<!tpu.dma_semaphore, #tpu.memory_space<semaphore_mem>>)
      %dma_wait3A_293 = tpu.memref_slice %arg6[%mul3A_6] : memref<327680xf32, #tpu.memory_space<hbm>> -> memref<10240xf32, #tpu.memory_space<hbm>>
      %dma_wait3A_294 = tpu.memref_slice %arg6[%mul3A_6] : memref<327680xf32, #tpu.memory_space<hbm>> -> memref<10240xf32, #tpu.memory_space<hbm>>
      tpu.wait_dma2 semaphore(%run_scoped3A : memref<!tpu.dma_semaphore, #tpu.memory_space<semaphore_mem>>) src(%dma_wait3A_294 : memref<10240xf32, #tpu.memory_space<hbm>>) dst(%arg18 : memref<10240xf32, #tpu.memory_space<vmem>>)
      tpu.yield
    }) : () -> ()
    "tpu.region"() ({
      %run_scoped3A = tpu.sem_alloc : memref<!tpu.dma_semaphore, #tpu.memory_space<semaphore_mem>>
      %dma_start3A_291 = arith.constant 0 : i32
      %dma_start3A_292 = tpu.memref_slice %arg7[%add3A, %dma_start3A_291] : memref<32x384xi32, #tpu.memory_space<hbm>> -> memref<1x384xi32, #tpu.memory_space<hbm>>
      %dma_start3A_293 = tpu.memref_squeeze %dma_start3A_292 : memref<1x384xi32, #tpu.memory_space<hbm>> -> memref<384xi32, #tpu.memory_space<hbm>>
      %dma_start3A_294 = arith.constant 0 : i32
      %dma_start3A_295 = tpu.memref_slice %arg7[%add3A, %dma_start3A_294] : memref<32x384xi32, #tpu.memory_space<hbm>> -> memref<1x384xi32, #tpu.memory_space<hbm>>
      %dma_start3A_296 = tpu.memref_squeeze %dma_start3A_295 : memref<1x384xi32, #tpu.memory_space<hbm>> -> memref<384xi32, #tpu.memory_space<hbm>>
      tpu.enqueue_dma source(%dma_start3A_296 : memref<384xi32, #tpu.memory_space<hbm>>) target(%arg19 : memref<384xi32, #tpu.memory_space<vmem>>) target_semaphore(%run_scoped3A : memref<!tpu.dma_semaphore, #tpu.memory_space<semaphore_mem>>)
      %dma_wait3A_297 = arith.constant 0 : i32
      %dma_wait3A_298 = tpu.memref_slice %arg7[%add3A, %dma_wait3A_297] : memref<32x384xi32, #tpu.memory_space<hbm>> -> memref<1x384xi32, #tpu.memory_space<hbm>>
      %dma_wait3A_299 = tpu.memref_squeeze %dma_wait3A_298 : memref<1x384xi32, #tpu.memory_space<hbm>> -> memref<384xi32, #tpu.memory_space<hbm>>
      %dma_wait3A_300 = arith.constant 0 : i32
      %dma_wait3A_301 = tpu.memref_slice %arg7[%add3A, %dma_wait3A_300] : memref<32x384xi32, #tpu.memory_space<hbm>> -> memref<1x384xi32, #tpu.memory_space<hbm>>
      %dma_wait3A_302 = tpu.memref_squeeze %dma_wait3A_301 : memref<1x384xi32, #tpu.memory_space<hbm>> -> memref<384xi32, #tpu.memory_space<hbm>>
      tpu.wait_dma2 semaphore(%run_scoped3A : memref<!tpu.dma_semaphore, #tpu.memory_space<semaphore_mem>>) src(%dma_wait3A_302 : memref<384xi32, #tpu.memory_space<hbm>>) dst(%arg19 : memref<384xi32, #tpu.memory_space<vmem>>)
      tpu.yield
    }) : () -> ()
    "tpu.region"() ({
      %run_scoped3A = tpu.sem_alloc : memref<!tpu.dma_semaphore, #tpu.memory_space<semaphore_mem>>
      tpu.enqueue_dma source(%arg8 : memref<12288xf32, #tpu.memory_space<hbm>>) target(%arg20 : memref<12288xf32, #tpu.memory_space<vmem>>) target_semaphore(%run_scoped3A : memref<!tpu.dma_semaphore, #tpu.memory_space<semaphore_mem>>)
      tpu.wait_dma2 semaphore(%run_scoped3A : memref<!tpu.dma_semaphore, #tpu.memory_space<semaphore_mem>>) src(%arg8 : memref<12288xf32, #tpu.memory_space<hbm>>) dst(%arg20 : memref<12288xf32, #tpu.memory_space<vmem>>)
      tpu.yield
    }) : () -> ()
    "tpu.region"() ({
      %run_scoped3A = tpu.sem_alloc : memref<!tpu.dma_semaphore, #tpu.memory_space<semaphore_mem>>
      tpu.enqueue_dma source(%arg9 : memref<12288xf32, #tpu.memory_space<hbm>>) target(%arg21 : memref<12288xf32, #tpu.memory_space<vmem>>) target_semaphore(%run_scoped3A : memref<!tpu.dma_semaphore, #tpu.memory_space<semaphore_mem>>)
      tpu.wait_dma2 semaphore(%run_scoped3A : memref<!tpu.dma_semaphore, #tpu.memory_space<semaphore_mem>>) src(%arg9 : memref<12288xf32, #tpu.memory_space<hbm>>) dst(%arg21 : memref<12288xf32, #tpu.memory_space<vmem>>)
      tpu.yield
    }) : () -> ()
    %barrier3A = arith.constant 0 : index
    tpu.barrier barrier_id(%barrier3A)
    %dma_start3A = arith.constant 0 : i32
    %dma_start3A_7 = arith.constant 0 : i32
    %dma_start3A_8 = arith.constant 0 : i32
    %dma_start3A_9 = arith.constant 0 : i32
    %dma_start3A_10 = arith.constant 0 : i32
    %dma_start3A_11 = tpu.memref_slice %arg15[%dma_start3A_7, %dma_start3A_9, %dma_start3A_10] : memref<12x128x32xf32, #tpu.memory_space<vmem>> -> memref<1x128x32xf32, #tpu.memory_space<vmem>>
    %dma_start3A_12 = tpu.memref_squeeze %dma_start3A_11 : memref<1x128x32xf32, #tpu.memory_space<vmem>> -> memref<128x32xf32, #tpu.memory_space<vmem>>
    %dma_start3A_13 = arith.constant 0 : i32
    %dma_start3A_14 = tpu.memref_slice %arg13[%dma_start3A, %dma_start3A_13] : memref<79x128xi32, #tpu.memory_space<vmem>> -> memref<1x128xi32, #tpu.memory_space<vmem>>
    %dma_start3A_15 = tpu.memref_squeeze %dma_start3A_14 : memref<1x128xi32, #tpu.memory_space<vmem>> -> memref<128xi32, #tpu.memory_space<vmem>>
    %dma_start3A_16 = arith.constant 0 : i32
    %dma_start3A_17 = arith.constant 0 : i32
    %dma_start3A_18 = tpu.memref_slice %arg2[%dma_start3A_16, %dma_start3A_17] : memref<10240x32xf32, #tpu.memory_space<hbm>> -> memref<10240x32xf32, #tpu.memory_space<hbm>>
    %dma_start3A_19 = tpu.memref_slice %arg16[%dma_start3A_8] : memref<12x!tpu.dma_semaphore, #tpu.memory_space<semaphore_mem>> -> memref<1x!tpu.dma_semaphore, #tpu.memory_space<semaphore_mem>>
    %dma_start3A_20 = tpu.memref_squeeze %dma_start3A_19 : memref<1x!tpu.dma_semaphore, #tpu.memory_space<semaphore_mem>> -> memref<!tpu.dma_semaphore, #tpu.memory_space<semaphore_mem>>
    tpu.enqueue_indirect_dma source(%dma_start3A_18 : memref<10240x32xf32, #tpu.memory_space<hbm>>) target(%dma_start3A_12 : memref<128x32xf32, #tpu.memory_space<vmem>>) offsets(%dma_start3A_15 : memref<128xi32, #tpu.memory_space<vmem>>) semaphore(%dma_start3A_20 : memref<!tpu.dma_semaphore, #tpu.memory_space<semaphore_mem>>)
    %dma_start3A_21 = arith.constant 1 : i32
    %dma_start3A_22 = arith.constant 1 : i32
    %dma_start3A_23 = arith.constant 1 : i32
    %dma_start3A_24 = arith.constant 0 : i32
    %dma_start3A_25 = arith.constant 0 : i32
    %dma_start3A_26 = tpu.memref_slice %arg15[%dma_start3A_22, %dma_start3A_24, %dma_start3A_25] : memref<12x128x32xf32, #tpu.memory_space<vmem>> -> memref<1x128x32xf32, #tpu.memory_space<vmem>>
    %dma_start3A_27 = tpu.memref_squeeze %dma_start3A_26 : memref<1x128x32xf32, #tpu.memory_space<vmem>> -> memref<128x32xf32, #tpu.memory_space<vmem>>
    %dma_start3A_28 = arith.constant 0 : i32
    %dma_start3A_29 = tpu.memref_slice %arg13[%dma_start3A_21, %dma_start3A_28] : memref<79x128xi32, #tpu.memory_space<vmem>> -> memref<1x128xi32, #tpu.memory_space<vmem>>
    %dma_start3A_30 = tpu.memref_squeeze %dma_start3A_29 : memref<1x128xi32, #tpu.memory_space<vmem>> -> memref<128xi32, #tpu.memory_space<vmem>>
    %dma_start3A_31 = arith.constant 0 : i32
    %dma_start3A_32 = arith.constant 0 : i32
    %dma_start3A_33 = tpu.memref_slice %arg2[%dma_start3A_31, %dma_start3A_32] : memref<10240x32xf32, #tpu.memory_space<hbm>> -> memref<10240x32xf32, #tpu.memory_space<hbm>>
    %dma_start3A_34 = tpu.memref_slice %arg16[%dma_start3A_23] : memref<12x!tpu.dma_semaphore, #tpu.memory_space<semaphore_mem>> -> memref<1x!tpu.dma_semaphore, #tpu.memory_space<semaphore_mem>>
    %dma_start3A_35 = tpu.memref_squeeze %dma_start3A_34 : memref<1x!tpu.dma_semaphore, #tpu.memory_space<semaphore_mem>> -> memref<!tpu.dma_semaphore, #tpu.memory_space<semaphore_mem>>
    tpu.enqueue_indirect_dma source(%dma_start3A_33 : memref<10240x32xf32, #tpu.memory_space<hbm>>) target(%dma_start3A_27 : memref<128x32xf32, #tpu.memory_space<vmem>>) offsets(%dma_start3A_30 : memref<128xi32, #tpu.memory_space<vmem>>) semaphore(%dma_start3A_35 : memref<!tpu.dma_semaphore, #tpu.memory_space<semaphore_mem>>)
    %dma_start3A_36 = arith.constant 2 : i32
    %dma_start3A_37 = arith.constant 2 : i32
    %dma_start3A_38 = arith.constant 2 : i32
    %dma_start3A_39 = arith.constant 0 : i32
    %dma_start3A_40 = arith.constant 0 : i32
    %dma_start3A_41 = tpu.memref_slice %arg15[%dma_start3A_37, %dma_start3A_39, %dma_start3A_40] : memref<12x128x32xf32, #tpu.memory_space<vmem>> -> memref<1x128x32xf32, #tpu.memory_space<vmem>>
    %dma_start3A_42 = tpu.memref_squeeze %dma_start3A_41 : memref<1x128x32xf32, #tpu.memory_space<vmem>> -> memref<128x32xf32, #tpu.memory_space<vmem>>
    %dma_start3A_43 = arith.constant 0 : i32
    %dma_start3A_44 = tpu.memref_slice %arg13[%dma_start3A_36, %dma_start3A_43] : memref<79x128xi32, #tpu.memory_space<vmem>> -> memref<1x128xi32, #tpu.memory_space<vmem>>
    %dma_start3A_45 = tpu.memref_squeeze %dma_start3A_44 : memref<1x128xi32, #tpu.memory_space<vmem>> -> memref<128xi32, #tpu.memory_space<vmem>>
    %dma_start3A_46 = arith.constant 0 : i32
    %dma_start3A_47 = arith.constant 0 : i32
    %dma_start3A_48 = tpu.memref_slice %arg2[%dma_start3A_46, %dma_start3A_47] : memref<10240x32xf32, #tpu.memory_space<hbm>> -> memref<10240x32xf32, #tpu.memory_space<hbm>>
    %dma_start3A_49 = tpu.memref_slice %arg16[%dma_start3A_38] : memref<12x!tpu.dma_semaphore, #tpu.memory_space<semaphore_mem>> -> memref<1x!tpu.dma_semaphore, #tpu.memory_space<semaphore_mem>>
    %dma_start3A_50 = tpu.memref_squeeze %dma_start3A_49 : memref<1x!tpu.dma_semaphore, #tpu.memory_space<semaphore_mem>> -> memref<!tpu.dma_semaphore, #tpu.memory_space<semaphore_mem>>
    tpu.enqueue_indirect_dma source(%dma_start3A_48 : memref<10240x32xf32, #tpu.memory_space<hbm>>) target(%dma_start3A_42 : memref<128x32xf32, #tpu.memory_space<vmem>>) offsets(%dma_start3A_45 : memref<128xi32, #tpu.memory_space<vmem>>) semaphore(%dma_start3A_50 : memref<!tpu.dma_semaphore, #tpu.memory_space<semaphore_mem>>)
    %dma_start3A_51 = arith.constant 3 : i32
    %dma_start3A_52 = arith.constant 3 : i32
    %dma_start3A_53 = arith.constant 3 : i32
    %dma_start3A_54 = arith.constant 0 : i32
    %dma_start3A_55 = arith.constant 0 : i32
    %dma_start3A_56 = tpu.memref_slice %arg15[%dma_start3A_52, %dma_start3A_54, %dma_start3A_55] : memref<12x128x32xf32, #tpu.memory_space<vmem>> -> memref<1x128x32xf32, #tpu.memory_space<vmem>>
    %dma_start3A_57 = tpu.memref_squeeze %dma_start3A_56 : memref<1x128x32xf32, #tpu.memory_space<vmem>> -> memref<128x32xf32, #tpu.memory_space<vmem>>
    %dma_start3A_58 = arith.constant 0 : i32
    %dma_start3A_59 = tpu.memref_slice %arg13[%dma_start3A_51, %dma_start3A_58] : memref<79x128xi32, #tpu.memory_space<vmem>> -> memref<1x128xi32, #tpu.memory_space<vmem>>
    %dma_start3A_60 = tpu.memref_squeeze %dma_start3A_59 : memref<1x128xi32, #tpu.memory_space<vmem>> -> memref<128xi32, #tpu.memory_space<vmem>>
    %dma_start3A_61 = arith.constant 0 : i32
    %dma_start3A_62 = arith.constant 0 : i32
    %dma_start3A_63 = tpu.memref_slice %arg2[%dma_start3A_61, %dma_start3A_62] : memref<10240x32xf32, #tpu.memory_space<hbm>> -> memref<10240x32xf32, #tpu.memory_space<hbm>>
    %dma_start3A_64 = tpu.memref_slice %arg16[%dma_start3A_53] : memref<12x!tpu.dma_semaphore, #tpu.memory_space<semaphore_mem>> -> memref<1x!tpu.dma_semaphore, #tpu.memory_space<semaphore_mem>>
    %dma_start3A_65 = tpu.memref_squeeze %dma_start3A_64 : memref<1x!tpu.dma_semaphore, #tpu.memory_space<semaphore_mem>> -> memref<!tpu.dma_semaphore, #tpu.memory_space<semaphore_mem>>
    tpu.enqueue_indirect_dma source(%dma_start3A_63 : memref<10240x32xf32, #tpu.memory_space<hbm>>) target(%dma_start3A_57 : memref<128x32xf32, #tpu.memory_space<vmem>>) offsets(%dma_start3A_60 : memref<128xi32, #tpu.memory_space<vmem>>) semaphore(%dma_start3A_65 : memref<!tpu.dma_semaphore, #tpu.memory_space<semaphore_mem>>)
    %dma_start3A_66 = arith.constant 4 : i32
    %dma_start3A_67 = arith.constant 4 : i32
    %dma_start3A_68 = arith.constant 4 : i32
    %dma_start3A_69 = arith.constant 0 : i32
    %dma_start3A_70 = arith.constant 0 : i32
    %dma_start3A_71 = tpu.memref_slice %arg15[%dma_start3A_67, %dma_start3A_69, %dma_start3A_70] : memref<12x128x32xf32, #tpu.memory_space<vmem>> -> memref<1x128x32xf32, #tpu.memory_space<vmem>>
    %dma_start3A_72 = tpu.memref_squeeze %dma_start3A_71 : memref<1x128x32xf32, #tpu.memory_space<vmem>> -> memref<128x32xf32, #tpu.memory_space<vmem>>
    %dma_start3A_73 = arith.constant 0 : i32
    %dma_start3A_74 = tpu.memref_slice %arg13[%dma_start3A_66, %dma_start3A_73] : memref<79x128xi32, #tpu.memory_space<vmem>> -> memref<1x128xi32, #tpu.memory_space<vmem>>
    %dma_start3A_75 = tpu.memref_squeeze %dma_start3A_74 : memref<1x128xi32, #tpu.memory_space<vmem>> -> memref<128xi32, #tpu.memory_space<vmem>>
    %dma_start3A_76 = arith.constant 0 : i32
    %dma_start3A_77 = arith.constant 0 : i32
    %dma_start3A_78 = tpu.memref_slice %arg2[%dma_start3A_76, %dma_start3A_77] : memref<10240x32xf32, #tpu.memory_space<hbm>> -> memref<10240x32xf32, #tpu.memory_space<hbm>>
    %dma_start3A_79 = tpu.memref_slice %arg16[%dma_start3A_68] : memref<12x!tpu.dma_semaphore, #tpu.memory_space<semaphore_mem>> -> memref<1x!tpu.dma_semaphore, #tpu.memory_space<semaphore_mem>>
    %dma_start3A_80 = tpu.memref_squeeze %dma_start3A_79 : memref<1x!tpu.dma_semaphore, #tpu.memory_space<semaphore_mem>> -> memref<!tpu.dma_semaphore, #tpu.memory_space<semaphore_mem>>
    tpu.enqueue_indirect_dma source(%dma_start3A_78 : memref<10240x32xf32, #tpu.memory_space<hbm>>) target(%dma_start3A_72 : memref<128x32xf32, #tpu.memory_space<vmem>>) offsets(%dma_start3A_75 : memref<128xi32, #tpu.memory_space<vmem>>) semaphore(%dma_start3A_80 : memref<!tpu.dma_semaphore, #tpu.memory_space<semaphore_mem>>)
    %dma_start3A_81 = arith.constant 5 : i32
    %dma_start3A_82 = arith.constant 5 : i32
    %dma_start3A_83 = arith.constant 5 : i32
    %dma_start3A_84 = arith.constant 0 : i32
    %dma_start3A_85 = arith.constant 0 : i32
    %dma_start3A_86 = tpu.memref_slice %arg15[%dma_start3A_82, %dma_start3A_84, %dma_start3A_85] : memref<12x128x32xf32, #tpu.memory_space<vmem>> -> memref<1x128x32xf32, #tpu.memory_space<vmem>>
    %dma_start3A_87 = tpu.memref_squeeze %dma_start3A_86 : memref<1x128x32xf32, #tpu.memory_space<vmem>> -> memref<128x32xf32, #tpu.memory_space<vmem>>
    %dma_start3A_88 = arith.constant 0 : i32
    %dma_start3A_89 = tpu.memref_slice %arg13[%dma_start3A_81, %dma_start3A_88] : memref<79x128xi32, #tpu.memory_space<vmem>> -> memref<1x128xi32, #tpu.memory_space<vmem>>
    %dma_start3A_90 = tpu.memref_squeeze %dma_start3A_89 : memref<1x128xi32, #tpu.memory_space<vmem>> -> memref<128xi32, #tpu.memory_space<vmem>>
    %dma_start3A_91 = arith.constant 0 : i32
    %dma_start3A_92 = arith.constant 0 : i32
    %dma_start3A_93 = tpu.memref_slice %arg2[%dma_start3A_91, %dma_start3A_92] : memref<10240x32xf32, #tpu.memory_space<hbm>> -> memref<10240x32xf32, #tpu.memory_space<hbm>>
    %dma_start3A_94 = tpu.memref_slice %arg16[%dma_start3A_83] : memref<12x!tpu.dma_semaphore, #tpu.memory_space<semaphore_mem>> -> memref<1x!tpu.dma_semaphore, #tpu.memory_space<semaphore_mem>>
    %dma_start3A_95 = tpu.memref_squeeze %dma_start3A_94 : memref<1x!tpu.dma_semaphore, #tpu.memory_space<semaphore_mem>> -> memref<!tpu.dma_semaphore, #tpu.memory_space<semaphore_mem>>
    tpu.enqueue_indirect_dma source(%dma_start3A_93 : memref<10240x32xf32, #tpu.memory_space<hbm>>) target(%dma_start3A_87 : memref<128x32xf32, #tpu.memory_space<vmem>>) offsets(%dma_start3A_90 : memref<128xi32, #tpu.memory_space<vmem>>) semaphore(%dma_start3A_95 : memref<!tpu.dma_semaphore, #tpu.memory_space<semaphore_mem>>)
    %scan3A = arith.constant 0 : i32
    %scan3A_96 = arith.constant 0 : i32
    %scan3A_97 = arith.constant 79 : i32
    %scan3A_98 = arith.addi %scan3A_96, %scan3A_97 : i32
    %scan3A_99 = arith.constant 1 : i32
    scf.for %scan3A_291 = %scan3A_96 to %scan3A_98 step %scan3A_99  : i32 {
      %jit3A = arith.constant 12 : i32
      %eq3A = arith.constant 0 : i32
      %eq3A_292 = arith.cmpi eq, %jit3A, %eq3A : i32
      %jit3A_293 = arith.constant 1 : i32
      %select_n3A = arith.select %eq3A_292, %jit3A_293, %jit3A : i32
      %rem3A = arith.remsi %scan3A_291, %select_n3A : i32
      %ne3A = arith.constant 0 : i32
      %ne3A_294 = arith.cmpi ne, %rem3A, %ne3A : i32
      %lt3A = arith.constant 0 : i32
      %lt3A_295 = arith.cmpi slt, %rem3A, %lt3A : i32
      %lt3A_296 = arith.constant 0 : i32
      %lt3A_297 = arith.cmpi slt, %select_n3A, %lt3A_296 : i32
      %ne3A_298 = arith.xori %lt3A_295, %lt3A_297 : i1
      %and3A = arith.andi %ne3A_298, %ne3A_294 : i1
      %add3A_299 = arith.addi %rem3A, %select_n3A : i32
      %select_n3A_300 = arith.select %and3A, %add3A_299, %rem3A : i32
      %add3A_301 = arith.constant 6 : i32
      %add3A_302 = arith.addi %scan3A_291, %add3A_301 : i32
      %lt3A_303 = arith.constant 79 : i32
      %lt3A_304 = arith.cmpi slt, %add3A_302, %lt3A_303 : i32
      %ge3A = arith.constant 6 : i32
      %ge3A_305 = arith.cmpi sge, %scan3A_291, %ge3A : i32
      %and3A_306 = arith.andi %lt3A_304, %ge3A_305 : i1
      %convert_element_type3A = arith.extui %and3A_306 : i1 to i32
      %cond3A = arith.constant 0 : i32
      %cond3A_307 = arith.cmpi ne, %convert_element_type3A, %cond3A : i32
      scf.if %cond3A_307 {
        %jit3A_337 = arith.constant 12 : i32
        %eq3A_338 = arith.constant 0 : i32
        %eq3A_339 = arith.cmpi eq, %jit3A_337, %eq3A_338 : i32
        %jit3A_340 = arith.constant 1 : i32
        %select_n3A_341 = arith.select %eq3A_339, %jit3A_340, %jit3A_337 : i32
        %rem3A_342 = arith.remsi %add3A_302, %select_n3A_341 : i32
        %ne3A_343 = arith.constant 0 : i32
        %ne3A_344 = arith.cmpi ne, %rem3A_342, %ne3A_343 : i32
        %lt3A_345 = arith.constant 0 : i32
        %lt3A_346 = arith.cmpi slt, %rem3A_342, %lt3A_345 : i32
        %lt3A_347 = arith.constant 0 : i32
        %lt3A_348 = arith.cmpi slt, %select_n3A_341, %lt3A_347 : i32
        %ne3A_349 = arith.xori %lt3A_346, %lt3A_348 : i1
        %and3A_350 = arith.andi %ne3A_349, %ne3A_344 : i1
        %add3A_351 = arith.addi %rem3A_342, %select_n3A_341 : i32
        %select_n3A_352 = arith.select %and3A_350, %add3A_351, %rem3A_342 : i32
        %jit3A_353 = arith.constant 12 : i32
        %eq3A_354 = arith.constant 0 : i32
        %eq3A_355 = arith.cmpi eq, %jit3A_353, %eq3A_354 : i32
        %jit3A_356 = arith.constant 1 : i32
        %select_n3A_357 = arith.select %eq3A_355, %jit3A_356, %jit3A_353 : i32
        %rem3A_358 = arith.remsi %add3A_302, %select_n3A_357 : i32
        %ne3A_359 = arith.constant 0 : i32
        %ne3A_360 = arith.cmpi ne, %rem3A_358, %ne3A_359 : i32
        %lt3A_361 = arith.constant 0 : i32
        %lt3A_362 = arith.cmpi slt, %rem3A_358, %lt3A_361 : i32
        %lt3A_363 = arith.constant 0 : i32
        %lt3A_364 = arith.cmpi slt, %select_n3A_357, %lt3A_363 : i32
        %ne3A_365 = arith.xori %lt3A_362, %lt3A_364 : i1
        %and3A_366 = arith.andi %ne3A_365, %ne3A_360 : i1
        %add3A_367 = arith.addi %rem3A_358, %select_n3A_357 : i32
        %select_n3A_368 = arith.select %and3A_366, %add3A_367, %rem3A_358 : i32
        %dma_wait3A_369 = arith.constant 0 : i32
        %dma_wait3A_370 = arith.constant 0 : i32
        %dma_wait3A_371 = tpu.memref_slice %arg15[%select_n3A_352, %dma_wait3A_369, %dma_wait3A_370] : memref<12x128x32xf32, #tpu.memory_space<vmem>> -> memref<1x128x32xf32, #tpu.memory_space<vmem>>
        %dma_wait3A_372 = tpu.memref_squeeze %dma_wait3A_371 : memref<1x128x32xf32, #tpu.memory_space<vmem>> -> memref<128x32xf32, #tpu.memory_space<vmem>>
        %dma_wait3A_373 = arith.constant 0 : i32
        %dma_wait3A_374 = tpu.memref_slice %arg14[%scan3A_291, %dma_wait3A_373] : memref<79x128xi32, #tpu.memory_space<vmem>> -> memref<1x128xi32, #tpu.memory_space<vmem>>
        %dma_wait3A_375 = tpu.memref_squeeze %dma_wait3A_374 : memref<1x128xi32, #tpu.memory_space<vmem>> -> memref<128xi32, #tpu.memory_space<vmem>>
        %dma_wait3A_376 = arith.constant 0 : i32
        %dma_wait3A_377 = arith.constant 0 : i32
        %dma_wait3A_378 = tpu.memref_slice %arg22[%dma_wait3A_376, %dma_wait3A_377] : memref<10240x32xf32, #tpu.memory_space<vmem_shared>> -> memref<10240x32xf32, #tpu.memory_space<vmem_shared>>
        %dma_wait3A_379 = tpu.memref_slice %arg17[%select_n3A_368] : memref<12x!tpu.dma_semaphore, #tpu.memory_space<semaphore_mem>> -> memref<1x!tpu.dma_semaphore, #tpu.memory_space<semaphore_mem>>
        %dma_wait3A_380 = tpu.memref_squeeze %dma_wait3A_379 : memref<1x!tpu.dma_semaphore, #tpu.memory_space<semaphore_mem>> -> memref<!tpu.dma_semaphore, #tpu.memory_space<semaphore_mem>>
        tpu.wait_indirect_dma semaphore(%dma_wait3A_380 : memref<!tpu.dma_semaphore, #tpu.memory_space<semaphore_mem>>) src(%dma_wait3A_372 : memref<128x32xf32, #tpu.memory_space<vmem>>) dst(%dma_wait3A_378 : memref<10240x32xf32, #tpu.memory_space<vmem_shared>>)
      } else {
      }
      %lt3A_308 = arith.constant 79 : i32
      %lt3A_309 = arith.cmpi slt, %add3A_302, %lt3A_308 : i32
      %convert_element_type3A_310 = arith.extui %lt3A_309 : i1 to i32
      %cond3A_311 = arith.constant 0 : i32
      %cond3A_312 = arith.cmpi ne, %convert_element_type3A_310, %cond3A_311 : i32
      scf.if %cond3A_312 {
        %jit3A_337 = arith.constant 12 : i32
        %eq3A_338 = arith.constant 0 : i32
        %eq3A_339 = arith.cmpi eq, %jit3A_337, %eq3A_338 : i32
        %jit3A_340 = arith.constant 1 : i32
        %select_n3A_341 = arith.select %eq3A_339, %jit3A_340, %jit3A_337 : i32
        %rem3A_342 = arith.remsi %add3A_302, %select_n3A_341 : i32
        %ne3A_343 = arith.constant 0 : i32
        %ne3A_344 = arith.cmpi ne, %rem3A_342, %ne3A_343 : i32
        %lt3A_345 = arith.constant 0 : i32
        %lt3A_346 = arith.cmpi slt, %rem3A_342, %lt3A_345 : i32
        %lt3A_347 = arith.constant 0 : i32
        %lt3A_348 = arith.cmpi slt, %select_n3A_341, %lt3A_347 : i32
        %ne3A_349 = arith.xori %lt3A_346, %lt3A_348 : i1
        %and3A_350 = arith.andi %ne3A_349, %ne3A_344 : i1
        %add3A_351 = arith.addi %rem3A_342, %select_n3A_341 : i32
        %select_n3A_352 = arith.select %and3A_350, %add3A_351, %rem3A_342 : i32
        %jit3A_353 = arith.constant 12 : i32
        %eq3A_354 = arith.constant 0 : i32
        %eq3A_355 = arith.cmpi eq, %jit3A_353, %eq3A_354 : i32
        %jit3A_356 = arith.constant 1 : i32
        %select_n3A_357 = arith.select %eq3A_355, %jit3A_356, %jit3A_353 : i32
        %rem3A_358 = arith.remsi %add3A_302, %select_n3A_357 : i32
        %ne3A_359 = arith.constant 0 : i32
        %ne3A_360 = arith.cmpi ne, %rem3A_358, %ne3A_359 : i32
        %lt3A_361 = arith.constant 0 : i32
        %lt3A_362 = arith.cmpi slt, %rem3A_358, %lt3A_361 : i32
        %lt3A_363 = arith.constant 0 : i32
        %lt3A_364 = arith.cmpi slt, %select_n3A_357, %lt3A_363 : i32
        %ne3A_365 = arith.xori %lt3A_362, %lt3A_364 : i1
        %and3A_366 = arith.andi %ne3A_365, %ne3A_360 : i1
        %add3A_367 = arith.addi %rem3A_358, %select_n3A_357 : i32
        %select_n3A_368 = arith.select %and3A_366, %add3A_367, %rem3A_358 : i32
        %dma_start3A_369 = arith.constant 0 : i32
        %dma_start3A_370 = arith.constant 0 : i32
        %dma_start3A_371 = tpu.memref_slice %arg15[%select_n3A_352, %dma_start3A_369, %dma_start3A_370] : memref<12x128x32xf32, #tpu.memory_space<vmem>> -> memref<1x128x32xf32, #tpu.memory_space<vmem>>
        %dma_start3A_372 = tpu.memref_squeeze %dma_start3A_371 : memref<1x128x32xf32, #tpu.memory_space<vmem>> -> memref<128x32xf32, #tpu.memory_space<vmem>>
        %dma_start3A_373 = arith.constant 0 : i32
        %dma_start3A_374 = tpu.memref_slice %arg13[%add3A_302, %dma_start3A_373] : memref<79x128xi32, #tpu.memory_space<vmem>> -> memref<1x128xi32, #tpu.memory_space<vmem>>
        %dma_start3A_375 = tpu.memref_squeeze %dma_start3A_374 : memref<1x128xi32, #tpu.memory_space<vmem>> -> memref<128xi32, #tpu.memory_space<vmem>>
        %dma_start3A_376 = arith.constant 0 : i32
        %dma_start3A_377 = arith.constant 0 : i32
        %dma_start3A_378 = tpu.memref_slice %arg2[%dma_start3A_376, %dma_start3A_377] : memref<10240x32xf32, #tpu.memory_space<hbm>> -> memref<10240x32xf32, #tpu.memory_space<hbm>>
        %dma_start3A_379 = tpu.memref_slice %arg16[%select_n3A_368] : memref<12x!tpu.dma_semaphore, #tpu.memory_space<semaphore_mem>> -> memref<1x!tpu.dma_semaphore, #tpu.memory_space<semaphore_mem>>
        %dma_start3A_380 = tpu.memref_squeeze %dma_start3A_379 : memref<1x!tpu.dma_semaphore, #tpu.memory_space<semaphore_mem>> -> memref<!tpu.dma_semaphore, #tpu.memory_space<semaphore_mem>>
        tpu.enqueue_indirect_dma source(%dma_start3A_378 : memref<10240x32xf32, #tpu.memory_space<hbm>>) target(%dma_start3A_372 : memref<128x32xf32, #tpu.memory_space<vmem>>) offsets(%dma_start3A_375 : memref<128xi32, #tpu.memory_space<vmem>>) semaphore(%dma_start3A_380 : memref<!tpu.dma_semaphore, #tpu.memory_space<semaphore_mem>>)
      } else {
      }
      %dma_wait3A_313 = arith.constant 0 : i32
      %dma_wait3A_314 = arith.constant 0 : i32
      %dma_wait3A_315 = tpu.memref_slice %arg15[%select_n3A_300, %dma_wait3A_313, %dma_wait3A_314] : memref<12x128x32xf32, #tpu.memory_space<vmem>> -> memref<1x128x32xf32, #tpu.memory_space<vmem>>
      %dma_wait3A_316 = tpu.memref_squeeze %dma_wait3A_315 : memref<1x128x32xf32, #tpu.memory_space<vmem>> -> memref<128x32xf32, #tpu.memory_space<vmem>>
      %dma_wait3A_317 = arith.constant 0 : i32
      %dma_wait3A_318 = tpu.memref_slice %arg13[%scan3A_291, %dma_wait3A_317] : memref<79x128xi32, #tpu.memory_space<vmem>> -> memref<1x128xi32, #tpu.memory_space<vmem>>
      %dma_wait3A_319 = tpu.memref_squeeze %dma_wait3A_318 : memref<1x128xi32, #tpu.memory_space<vmem>> -> memref<128xi32, #tpu.memory_space<vmem>>
      %dma_wait3A_320 = arith.constant 0 : i32
      %dma_wait3A_321 = arith.constant 0 : i32
      %dma_wait3A_322 = tpu.memref_slice %arg2[%dma_wait3A_320, %dma_wait3A_321] : memref<10240x32xf32, #tpu.memory_space<hbm>> -> memref<10240x32xf32, #tpu.memory_space<hbm>>
      %dma_wait3A_323 = tpu.memref_slice %arg16[%select_n3A_300] : memref<12x!tpu.dma_semaphore, #tpu.memory_space<semaphore_mem>> -> memref<1x!tpu.dma_semaphore, #tpu.memory_space<semaphore_mem>>
      %dma_wait3A_324 = tpu.memref_squeeze %dma_wait3A_323 : memref<1x!tpu.dma_semaphore, #tpu.memory_space<semaphore_mem>> -> memref<!tpu.dma_semaphore, #tpu.memory_space<semaphore_mem>>
      tpu.wait_indirect_dma semaphore(%dma_wait3A_324 : memref<!tpu.dma_semaphore, #tpu.memory_space<semaphore_mem>>) src(%dma_wait3A_322 : memref<10240x32xf32, #tpu.memory_space<hbm>>) dst(%dma_wait3A_316 : memref<128x32xf32, #tpu.memory_space<vmem>>)
      %dma_start3A_325 = arith.constant 0 : i32
      %dma_start3A_326 = arith.constant 0 : i32
      %dma_start3A_327 = tpu.memref_slice %arg15[%select_n3A_300, %dma_start3A_325, %dma_start3A_326] : memref<12x128x32xf32, #tpu.memory_space<vmem>> -> memref<1x128x32xf32, #tpu.memory_space<vmem>>
      %dma_start3A_328 = tpu.memref_squeeze %dma_start3A_327 : memref<1x128x32xf32, #tpu.memory_space<vmem>> -> memref<128x32xf32, #tpu.memory_space<vmem>>
      %dma_start3A_329 = arith.constant 0 : i32
      %dma_start3A_330 = tpu.memref_slice %arg14[%scan3A_291, %dma_start3A_329] : memref<79x128xi32, #tpu.memory_space<vmem>> -> memref<1x128xi32, #tpu.memory_space<vmem>>
      %dma_start3A_331 = tpu.memref_squeeze %dma_start3A_330 : memref<1x128xi32, #tpu.memory_space<vmem>> -> memref<128xi32, #tpu.memory_space<vmem>>
      %dma_start3A_332 = arith.constant 0 : i32
      %dma_start3A_333 = arith.constant 0 : i32
      %dma_start3A_334 = tpu.memref_slice %arg22[%dma_start3A_332, %dma_start3A_333] : memref<10240x32xf32, #tpu.memory_space<vmem_shared>> -> memref<10240x32xf32, #tpu.memory_space<vmem_shared>>
      %dma_start3A_335 = tpu.memref_slice %arg17[%select_n3A_300] : memref<12x!tpu.dma_semaphore, #tpu.memory_space<semaphore_mem>> -> memref<1x!tpu.dma_semaphore, #tpu.memory_space<semaphore_mem>>
      %dma_start3A_336 = tpu.memref_squeeze %dma_start3A_335 : memref<1x!tpu.dma_semaphore, #tpu.memory_space<semaphore_mem>> -> memref<!tpu.dma_semaphore, #tpu.memory_space<semaphore_mem>>
      tpu.enqueue_indirect_dma source(%dma_start3A_328 : memref<128x32xf32, #tpu.memory_space<vmem>>) target(%dma_start3A_334 : memref<10240x32xf32, #tpu.memory_space<vmem_shared>>) offsets(%dma_start3A_331 : memref<128xi32, #tpu.memory_space<vmem>>) semaphore(%dma_start3A_336 : memref<!tpu.dma_semaphore, #tpu.memory_space<semaphore_mem>>) {add = true}
    }
    %scan3A_100 = arith.constant 79 : i32
    %dma_wait3A = arith.constant 7 : i32
    %dma_wait3A_101 = arith.constant 67 : i32
    %dma_wait3A_102 = arith.constant 7 : i32
    %dma_wait3A_103 = arith.constant 0 : i32
    %dma_wait3A_104 = arith.constant 0 : i32
    %dma_wait3A_105 = tpu.memref_slice %arg15[%dma_wait3A, %dma_wait3A_103, %dma_wait3A_104] : memref<12x128x32xf32, #tpu.memory_space<vmem>> -> memref<1x128x32xf32, #tpu.memory_space<vmem>>
    %dma_wait3A_106 = tpu.memref_squeeze %dma_wait3A_105 : memref<1x128x32xf32, #tpu.memory_space<vmem>> -> memref<128x32xf32, #tpu.memory_space<vmem>>
    %dma_wait3A_107 = arith.constant 0 : i32
    %dma_wait3A_108 = tpu.memref_slice %arg14[%dma_wait3A_101, %dma_wait3A_107] : memref<79x128xi32, #tpu.memory_space<vmem>> -> memref<1x128xi32, #tpu.memory_space<vmem>>
    %dma_wait3A_109 = tpu.memref_squeeze %dma_wait3A_108 : memref<1x128xi32, #tpu.memory_space<vmem>> -> memref<128xi32, #tpu.memory_space<vmem>>
    %dma_wait3A_110 = arith.constant 0 : i32
    %dma_wait3A_111 = arith.constant 0 : i32
    %dma_wait3A_112 = tpu.memref_slice %arg22[%dma_wait3A_110, %dma_wait3A_111] : memref<10240x32xf32, #tpu.memory_space<vmem_shared>> -> memref<10240x32xf32, #tpu.memory_space<vmem_shared>>
    %dma_wait3A_113 = tpu.memref_slice %arg17[%dma_wait3A_102] : memref<12x!tpu.dma_semaphore, #tpu.memory_space<semaphore_mem>> -> memref<1x!tpu.dma_semaphore, #tpu.memory_space<semaphore_mem>>
    %dma_wait3A_114 = tpu.memref_squeeze %dma_wait3A_113 : memref<1x!tpu.dma_semaphore, #tpu.memory_space<semaphore_mem>> -> memref<!tpu.dma_semaphore, #tpu.memory_space<semaphore_mem>>
    tpu.wait_indirect_dma semaphore(%dma_wait3A_114 : memref<!tpu.dma_semaphore, #tpu.memory_space<semaphore_mem>>) src(%dma_wait3A_106 : memref<128x32xf32, #tpu.memory_space<vmem>>) dst(%dma_wait3A_112 : memref<10240x32xf32, #tpu.memory_space<vmem_shared>>)
    %dma_wait3A_115 = arith.constant 8 : i32
    %dma_wait3A_116 = arith.constant 68 : i32
    %dma_wait3A_117 = arith.constant 8 : i32
    %dma_wait3A_118 = arith.constant 0 : i32
    %dma_wait3A_119 = arith.constant 0 : i32
    %dma_wait3A_120 = tpu.memref_slice %arg15[%dma_wait3A_115, %dma_wait3A_118, %dma_wait3A_119] : memref<12x128x32xf32, #tpu.memory_space<vmem>> -> memref<1x128x32xf32, #tpu.memory_space<vmem>>
    %dma_wait3A_121 = tpu.memref_squeeze %dma_wait3A_120 : memref<1x128x32xf32, #tpu.memory_space<vmem>> -> memref<128x32xf32, #tpu.memory_space<vmem>>
    %dma_wait3A_122 = arith.constant 0 : i32
    %dma_wait3A_123 = tpu.memref_slice %arg14[%dma_wait3A_116, %dma_wait3A_122] : memref<79x128xi32, #tpu.memory_space<vmem>> -> memref<1x128xi32, #tpu.memory_space<vmem>>
    %dma_wait3A_124 = tpu.memref_squeeze %dma_wait3A_123 : memref<1x128xi32, #tpu.memory_space<vmem>> -> memref<128xi32, #tpu.memory_space<vmem>>
    %dma_wait3A_125 = arith.constant 0 : i32
    %dma_wait3A_126 = arith.constant 0 : i32
    %dma_wait3A_127 = tpu.memref_slice %arg22[%dma_wait3A_125, %dma_wait3A_126] : memref<10240x32xf32, #tpu.memory_space<vmem_shared>> -> memref<10240x32xf32, #tpu.memory_space<vmem_shared>>
    %dma_wait3A_128 = tpu.memref_slice %arg17[%dma_wait3A_117] : memref<12x!tpu.dma_semaphore, #tpu.memory_space<semaphore_mem>> -> memref<1x!tpu.dma_semaphore, #tpu.memory_space<semaphore_mem>>
    %dma_wait3A_129 = tpu.memref_squeeze %dma_wait3A_128 : memref<1x!tpu.dma_semaphore, #tpu.memory_space<semaphore_mem>> -> memref<!tpu.dma_semaphore, #tpu.memory_space<semaphore_mem>>
    tpu.wait_indirect_dma semaphore(%dma_wait3A_129 : memref<!tpu.dma_semaphore, #tpu.memory_space<semaphore_mem>>) src(%dma_wait3A_121 : memref<128x32xf32, #tpu.memory_space<vmem>>) dst(%dma_wait3A_127 : memref<10240x32xf32, #tpu.memory_space<vmem_shared>>)
    %dma_wait3A_130 = arith.constant 9 : i32
    %dma_wait3A_131 = arith.constant 69 : i32
    %dma_wait3A_132 = arith.constant 9 : i32
    %dma_wait3A_133 = arith.constant 0 : i32
    %dma_wait3A_134 = arith.constant 0 : i32
    %dma_wait3A_135 = tpu.memref_slice %arg15[%dma_wait3A_130, %dma_wait3A_133, %dma_wait3A_134] : memref<12x128x32xf32, #tpu.memory_space<vmem>> -> memref<1x128x32xf32, #tpu.memory_space<vmem>>
    %dma_wait3A_136 = tpu.memref_squeeze %dma_wait3A_135 : memref<1x128x32xf32, #tpu.memory_space<vmem>> -> memref<128x32xf32, #tpu.memory_space<vmem>>
    %dma_wait3A_137 = arith.constant 0 : i32
    %dma_wait3A_138 = tpu.memref_slice %arg14[%dma_wait3A_131, %dma_wait3A_137] : memref<79x128xi32, #tpu.memory_space<vmem>> -> memref<1x128xi32, #tpu.memory_space<vmem>>
    %dma_wait3A_139 = tpu.memref_squeeze %dma_wait3A_138 : memref<1x128xi32, #tpu.memory_space<vmem>> -> memref<128xi32, #tpu.memory_space<vmem>>
    %dma_wait3A_140 = arith.constant 0 : i32
    %dma_wait3A_141 = arith.constant 0 : i32
    %dma_wait3A_142 = tpu.memref_slice %arg22[%dma_wait3A_140, %dma_wait3A_141] : memref<10240x32xf32, #tpu.memory_space<vmem_shared>> -> memref<10240x32xf32, #tpu.memory_space<vmem_shared>>
    %dma_wait3A_143 = tpu.memref_slice %arg17[%dma_wait3A_132] : memref<12x!tpu.dma_semaphore, #tpu.memory_space<semaphore_mem>> -> memref<1x!tpu.dma_semaphore, #tpu.memory_space<semaphore_mem>>
    %dma_wait3A_144 = tpu.memref_squeeze %dma_wait3A_143 : memref<1x!tpu.dma_semaphore, #tpu.memory_space<semaphore_mem>> -> memref<!tpu.dma_semaphore, #tpu.memory_space<semaphore_mem>>
    tpu.wait_indirect_dma semaphore(%dma_wait3A_144 : memref<!tpu.dma_semaphore, #tpu.memory_space<semaphore_mem>>) src(%dma_wait3A_136 : memref<128x32xf32, #tpu.memory_space<vmem>>) dst(%dma_wait3A_142 : memref<10240x32xf32, #tpu.memory_space<vmem_shared>>)
    %dma_wait3A_145 = arith.constant 10 : i32
    %dma_wait3A_146 = arith.constant 70 : i32
    %dma_wait3A_147 = arith.constant 10 : i32
    %dma_wait3A_148 = arith.constant 0 : i32
    %dma_wait3A_149 = arith.constant 0 : i32
    %dma_wait3A_150 = tpu.memref_slice %arg15[%dma_wait3A_145, %dma_wait3A_148, %dma_wait3A_149] : memref<12x128x32xf32, #tpu.memory_space<vmem>> -> memref<1x128x32xf32, #tpu.memory_space<vmem>>
    %dma_wait3A_151 = tpu.memref_squeeze %dma_wait3A_150 : memref<1x128x32xf32, #tpu.memory_space<vmem>> -> memref<128x32xf32, #tpu.memory_space<vmem>>
    %dma_wait3A_152 = arith.constant 0 : i32
    %dma_wait3A_153 = tpu.memref_slice %arg14[%dma_wait3A_146, %dma_wait3A_152] : memref<79x128xi32, #tpu.memory_space<vmem>> -> memref<1x128xi32, #tpu.memory_space<vmem>>
    %dma_wait3A_154 = tpu.memref_squeeze %dma_wait3A_153 : memref<1x128xi32, #tpu.memory_space<vmem>> -> memref<128xi32, #tpu.memory_space<vmem>>
    %dma_wait3A_155 = arith.constant 0 : i32
    %dma_wait3A_156 = arith.constant 0 : i32
    %dma_wait3A_157 = tpu.memref_slice %arg22[%dma_wait3A_155, %dma_wait3A_156] : memref<10240x32xf32, #tpu.memory_space<vmem_shared>> -> memref<10240x32xf32, #tpu.memory_space<vmem_shared>>
    %dma_wait3A_158 = tpu.memref_slice %arg17[%dma_wait3A_147] : memref<12x!tpu.dma_semaphore, #tpu.memory_space<semaphore_mem>> -> memref<1x!tpu.dma_semaphore, #tpu.memory_space<semaphore_mem>>
    %dma_wait3A_159 = tpu.memref_squeeze %dma_wait3A_158 : memref<1x!tpu.dma_semaphore, #tpu.memory_space<semaphore_mem>> -> memref<!tpu.dma_semaphore, #tpu.memory_space<semaphore_mem>>
    tpu.wait_indirect_dma semaphore(%dma_wait3A_159 : memref<!tpu.dma_semaphore, #tpu.memory_space<semaphore_mem>>) src(%dma_wait3A_151 : memref<128x32xf32, #tpu.memory_space<vmem>>) dst(%dma_wait3A_157 : memref<10240x32xf32, #tpu.memory_space<vmem_shared>>)
    %dma_wait3A_160 = arith.constant 11 : i32
    %dma_wait3A_161 = arith.constant 71 : i32
    %dma_wait3A_162 = arith.constant 11 : i32
    %dma_wait3A_163 = arith.constant 0 : i32
    %dma_wait3A_164 = arith.constant 0 : i32
    %dma_wait3A_165 = tpu.memref_slice %arg15[%dma_wait3A_160, %dma_wait3A_163, %dma_wait3A_164] : memref<12x128x32xf32, #tpu.memory_space<vmem>> -> memref<1x128x32xf32, #tpu.memory_space<vmem>>
    %dma_wait3A_166 = tpu.memref_squeeze %dma_wait3A_165 : memref<1x128x32xf32, #tpu.memory_space<vmem>> -> memref<128x32xf32, #tpu.memory_space<vmem>>
    %dma_wait3A_167 = arith.constant 0 : i32
    %dma_wait3A_168 = tpu.memref_slice %arg14[%dma_wait3A_161, %dma_wait3A_167] : memref<79x128xi32, #tpu.memory_space<vmem>> -> memref<1x128xi32, #tpu.memory_space<vmem>>
    %dma_wait3A_169 = tpu.memref_squeeze %dma_wait3A_168 : memref<1x128xi32, #tpu.memory_space<vmem>> -> memref<128xi32, #tpu.memory_space<vmem>>
    %dma_wait3A_170 = arith.constant 0 : i32
    %dma_wait3A_171 = arith.constant 0 : i32
    %dma_wait3A_172 = tpu.memref_slice %arg22[%dma_wait3A_170, %dma_wait3A_171] : memref<10240x32xf32, #tpu.memory_space<vmem_shared>> -> memref<10240x32xf32, #tpu.memory_space<vmem_shared>>
    %dma_wait3A_173 = tpu.memref_slice %arg17[%dma_wait3A_162] : memref<12x!tpu.dma_semaphore, #tpu.memory_space<semaphore_mem>> -> memref<1x!tpu.dma_semaphore, #tpu.memory_space<semaphore_mem>>
    %dma_wait3A_174 = tpu.memref_squeeze %dma_wait3A_173 : memref<1x!tpu.dma_semaphore, #tpu.memory_space<semaphore_mem>> -> memref<!tpu.dma_semaphore, #tpu.memory_space<semaphore_mem>>
    tpu.wait_indirect_dma semaphore(%dma_wait3A_174 : memref<!tpu.dma_semaphore, #tpu.memory_space<semaphore_mem>>) src(%dma_wait3A_166 : memref<128x32xf32, #tpu.memory_space<vmem>>) dst(%dma_wait3A_172 : memref<10240x32xf32, #tpu.memory_space<vmem_shared>>)
    %dma_wait3A_175 = arith.constant 0 : i32
    %dma_wait3A_176 = arith.constant 72 : i32
    %dma_wait3A_177 = arith.constant 0 : i32
    %dma_wait3A_178 = arith.constant 0 : i32
    %dma_wait3A_179 = arith.constant 0 : i32
    %dma_wait3A_180 = tpu.memref_slice %arg15[%dma_wait3A_175, %dma_wait3A_178, %dma_wait3A_179] : memref<12x128x32xf32, #tpu.memory_space<vmem>> -> memref<1x128x32xf32, #tpu.memory_space<vmem>>
    %dma_wait3A_181 = tpu.memref_squeeze %dma_wait3A_180 : memref<1x128x32xf32, #tpu.memory_space<vmem>> -> memref<128x32xf32, #tpu.memory_space<vmem>>
    %dma_wait3A_182 = arith.constant 0 : i32
    %dma_wait3A_183 = tpu.memref_slice %arg14[%dma_wait3A_176, %dma_wait3A_182] : memref<79x128xi32, #tpu.memory_space<vmem>> -> memref<1x128xi32, #tpu.memory_space<vmem>>
    %dma_wait3A_184 = tpu.memref_squeeze %dma_wait3A_183 : memref<1x128xi32, #tpu.memory_space<vmem>> -> memref<128xi32, #tpu.memory_space<vmem>>
    %dma_wait3A_185 = arith.constant 0 : i32
    %dma_wait3A_186 = arith.constant 0 : i32
    %dma_wait3A_187 = tpu.memref_slice %arg22[%dma_wait3A_185, %dma_wait3A_186] : memref<10240x32xf32, #tpu.memory_space<vmem_shared>> -> memref<10240x32xf32, #tpu.memory_space<vmem_shared>>
    %dma_wait3A_188 = tpu.memref_slice %arg17[%dma_wait3A_177] : memref<12x!tpu.dma_semaphore, #tpu.memory_space<semaphore_mem>> -> memref<1x!tpu.dma_semaphore, #tpu.memory_space<semaphore_mem>>
    %dma_wait3A_189 = tpu.memref_squeeze %dma_wait3A_188 : memref<1x!tpu.dma_semaphore, #tpu.memory_space<semaphore_mem>> -> memref<!tpu.dma_semaphore, #tpu.memory_space<semaphore_mem>>
    tpu.wait_indirect_dma semaphore(%dma_wait3A_189 : memref<!tpu.dma_semaphore, #tpu.memory_space<semaphore_mem>>) src(%dma_wait3A_181 : memref<128x32xf32, #tpu.memory_space<vmem>>) dst(%dma_wait3A_187 : memref<10240x32xf32, #tpu.memory_space<vmem_shared>>)
    %dma_wait3A_190 = arith.constant 1 : i32
    %dma_wait3A_191 = arith.constant 73 : i32
    %dma_wait3A_192 = arith.constant 1 : i32
    %dma_wait3A_193 = arith.constant 0 : i32
    %dma_wait3A_194 = arith.constant 0 : i32
    %dma_wait3A_195 = tpu.memref_slice %arg15[%dma_wait3A_190, %dma_wait3A_193, %dma_wait3A_194] : memref<12x128x32xf32, #tpu.memory_space<vmem>> -> memref<1x128x32xf32, #tpu.memory_space<vmem>>
    %dma_wait3A_196 = tpu.memref_squeeze %dma_wait3A_195 : memref<1x128x32xf32, #tpu.memory_space<vmem>> -> memref<128x32xf32, #tpu.memory_space<vmem>>
    %dma_wait3A_197 = arith.constant 0 : i32
    %dma_wait3A_198 = tpu.memref_slice %arg14[%dma_wait3A_191, %dma_wait3A_197] : memref<79x128xi32, #tpu.memory_space<vmem>> -> memref<1x128xi32, #tpu.memory_space<vmem>>
    %dma_wait3A_199 = tpu.memref_squeeze %dma_wait3A_198 : memref<1x128xi32, #tpu.memory_space<vmem>> -> memref<128xi32, #tpu.memory_space<vmem>>
    %dma_wait3A_200 = arith.constant 0 : i32
    %dma_wait3A_201 = arith.constant 0 : i32
    %dma_wait3A_202 = tpu.memref_slice %arg22[%dma_wait3A_200, %dma_wait3A_201] : memref<10240x32xf32, #tpu.memory_space<vmem_shared>> -> memref<10240x32xf32, #tpu.memory_space<vmem_shared>>
    %dma_wait3A_203 = tpu.memref_slice %arg17[%dma_wait3A_192] : memref<12x!tpu.dma_semaphore, #tpu.memory_space<semaphore_mem>> -> memref<1x!tpu.dma_semaphore, #tpu.memory_space<semaphore_mem>>
    %dma_wait3A_204 = tpu.memref_squeeze %dma_wait3A_203 : memref<1x!tpu.dma_semaphore, #tpu.memory_space<semaphore_mem>> -> memref<!tpu.dma_semaphore, #tpu.memory_space<semaphore_mem>>
    tpu.wait_indirect_dma semaphore(%dma_wait3A_204 : memref<!tpu.dma_semaphore, #tpu.memory_space<semaphore_mem>>) src(%dma_wait3A_196 : memref<128x32xf32, #tpu.memory_space<vmem>>) dst(%dma_wait3A_202 : memref<10240x32xf32, #tpu.memory_space<vmem_shared>>)
    %dma_wait3A_205 = arith.constant 2 : i32
    %dma_wait3A_206 = arith.constant 74 : i32
    %dma_wait3A_207 = arith.constant 2 : i32
    %dma_wait3A_208 = arith.constant 0 : i32
    %dma_wait3A_209 = arith.constant 0 : i32
    %dma_wait3A_210 = tpu.memref_slice %arg15[%dma_wait3A_205, %dma_wait3A_208, %dma_wait3A_209] : memref<12x128x32xf32, #tpu.memory_space<vmem>> -> memref<1x128x32xf32, #tpu.memory_space<vmem>>
    %dma_wait3A_211 = tpu.memref_squeeze %dma_wait3A_210 : memref<1x128x32xf32, #tpu.memory_space<vmem>> -> memref<128x32xf32, #tpu.memory_space<vmem>>
    %dma_wait3A_212 = arith.constant 0 : i32
    %dma_wait3A_213 = tpu.memref_slice %arg14[%dma_wait3A_206, %dma_wait3A_212] : memref<79x128xi32, #tpu.memory_space<vmem>> -> memref<1x128xi32, #tpu.memory_space<vmem>>
    %dma_wait3A_214 = tpu.memref_squeeze %dma_wait3A_213 : memref<1x128xi32, #tpu.memory_space<vmem>> -> memref<128xi32, #tpu.memory_space<vmem>>
    %dma_wait3A_215 = arith.constant 0 : i32
    %dma_wait3A_216 = arith.constant 0 : i32
    %dma_wait3A_217 = tpu.memref_slice %arg22[%dma_wait3A_215, %dma_wait3A_216] : memref<10240x32xf32, #tpu.memory_space<vmem_shared>> -> memref<10240x32xf32, #tpu.memory_space<vmem_shared>>
    %dma_wait3A_218 = tpu.memref_slice %arg17[%dma_wait3A_207] : memref<12x!tpu.dma_semaphore, #tpu.memory_space<semaphore_mem>> -> memref<1x!tpu.dma_semaphore, #tpu.memory_space<semaphore_mem>>
    %dma_wait3A_219 = tpu.memref_squeeze %dma_wait3A_218 : memref<1x!tpu.dma_semaphore, #tpu.memory_space<semaphore_mem>> -> memref<!tpu.dma_semaphore, #tpu.memory_space<semaphore_mem>>
    tpu.wait_indirect_dma semaphore(%dma_wait3A_219 : memref<!tpu.dma_semaphore, #tpu.memory_space<semaphore_mem>>) src(%dma_wait3A_211 : memref<128x32xf32, #tpu.memory_space<vmem>>) dst(%dma_wait3A_217 : memref<10240x32xf32, #tpu.memory_space<vmem_shared>>)
    %dma_wait3A_220 = arith.constant 3 : i32
    %dma_wait3A_221 = arith.constant 75 : i32
    %dma_wait3A_222 = arith.constant 3 : i32
    %dma_wait3A_223 = arith.constant 0 : i32
    %dma_wait3A_224 = arith.constant 0 : i32
    %dma_wait3A_225 = tpu.memref_slice %arg15[%dma_wait3A_220, %dma_wait3A_223, %dma_wait3A_224] : memref<12x128x32xf32, #tpu.memory_space<vmem>> -> memref<1x128x32xf32, #tpu.memory_space<vmem>>
    %dma_wait3A_226 = tpu.memref_squeeze %dma_wait3A_225 : memref<1x128x32xf32, #tpu.memory_space<vmem>> -> memref<128x32xf32, #tpu.memory_space<vmem>>
    %dma_wait3A_227 = arith.constant 0 : i32
    %dma_wait3A_228 = tpu.memref_slice %arg14[%dma_wait3A_221, %dma_wait3A_227] : memref<79x128xi32, #tpu.memory_space<vmem>> -> memref<1x128xi32, #tpu.memory_space<vmem>>
    %dma_wait3A_229 = tpu.memref_squeeze %dma_wait3A_228 : memref<1x128xi32, #tpu.memory_space<vmem>> -> memref<128xi32, #tpu.memory_space<vmem>>
    %dma_wait3A_230 = arith.constant 0 : i32
    %dma_wait3A_231 = arith.constant 0 : i32
    %dma_wait3A_232 = tpu.memref_slice %arg22[%dma_wait3A_230, %dma_wait3A_231] : memref<10240x32xf32, #tpu.memory_space<vmem_shared>> -> memref<10240x32xf32, #tpu.memory_space<vmem_shared>>
    %dma_wait3A_233 = tpu.memref_slice %arg17[%dma_wait3A_222] : memref<12x!tpu.dma_semaphore, #tpu.memory_space<semaphore_mem>> -> memref<1x!tpu.dma_semaphore, #tpu.memory_space<semaphore_mem>>
    %dma_wait3A_234 = tpu.memref_squeeze %dma_wait3A_233 : memref<1x!tpu.dma_semaphore, #tpu.memory_space<semaphore_mem>> -> memref<!tpu.dma_semaphore, #tpu.memory_space<semaphore_mem>>
    tpu.wait_indirect_dma semaphore(%dma_wait3A_234 : memref<!tpu.dma_semaphore, #tpu.memory_space<semaphore_mem>>) src(%dma_wait3A_226 : memref<128x32xf32, #tpu.memory_space<vmem>>) dst(%dma_wait3A_232 : memref<10240x32xf32, #tpu.memory_space<vmem_shared>>)
    %dma_wait3A_235 = arith.constant 4 : i32
    %dma_wait3A_236 = arith.constant 76 : i32
    %dma_wait3A_237 = arith.constant 4 : i32
    %dma_wait3A_238 = arith.constant 0 : i32
    %dma_wait3A_239 = arith.constant 0 : i32
    %dma_wait3A_240 = tpu.memref_slice %arg15[%dma_wait3A_235, %dma_wait3A_238, %dma_wait3A_239] : memref<12x128x32xf32, #tpu.memory_space<vmem>> -> memref<1x128x32xf32, #tpu.memory_space<vmem>>
    %dma_wait3A_241 = tpu.memref_squeeze %dma_wait3A_240 : memref<1x128x32xf32, #tpu.memory_space<vmem>> -> memref<128x32xf32, #tpu.memory_space<vmem>>
    %dma_wait3A_242 = arith.constant 0 : i32
    %dma_wait3A_243 = tpu.memref_slice %arg14[%dma_wait3A_236, %dma_wait3A_242] : memref<79x128xi32, #tpu.memory_space<vmem>> -> memref<1x128xi32, #tpu.memory_space<vmem>>
    %dma_wait3A_244 = tpu.memref_squeeze %dma_wait3A_243 : memref<1x128xi32, #tpu.memory_space<vmem>> -> memref<128xi32, #tpu.memory_space<vmem>>
    %dma_wait3A_245 = arith.constant 0 : i32
    %dma_wait3A_246 = arith.constant 0 : i32
    %dma_wait3A_247 = tpu.memref_slice %arg22[%dma_wait3A_245, %dma_wait3A_246] : memref<10240x32xf32, #tpu.memory_space<vmem_shared>> -> memref<10240x32xf32, #tpu.memory_space<vmem_shared>>
    %dma_wait3A_248 = tpu.memref_slice %arg17[%dma_wait3A_237] : memref<12x!tpu.dma_semaphore, #tpu.memory_space<semaphore_mem>> -> memref<1x!tpu.dma_semaphore, #tpu.memory_space<semaphore_mem>>
    %dma_wait3A_249 = tpu.memref_squeeze %dma_wait3A_248 : memref<1x!tpu.dma_semaphore, #tpu.memory_space<semaphore_mem>> -> memref<!tpu.dma_semaphore, #tpu.memory_space<semaphore_mem>>
    tpu.wait_indirect_dma semaphore(%dma_wait3A_249 : memref<!tpu.dma_semaphore, #tpu.memory_space<semaphore_mem>>) src(%dma_wait3A_241 : memref<128x32xf32, #tpu.memory_space<vmem>>) dst(%dma_wait3A_247 : memref<10240x32xf32, #tpu.memory_space<vmem_shared>>)
    %dma_wait3A_250 = arith.constant 5 : i32
    %dma_wait3A_251 = arith.constant 77 : i32
    %dma_wait3A_252 = arith.constant 5 : i32
    %dma_wait3A_253 = arith.constant 0 : i32
    %dma_wait3A_254 = arith.constant 0 : i32
    %dma_wait3A_255 = tpu.memref_slice %arg15[%dma_wait3A_250, %dma_wait3A_253, %dma_wait3A_254] : memref<12x128x32xf32, #tpu.memory_space<vmem>> -> memref<1x128x32xf32, #tpu.memory_space<vmem>>
    %dma_wait3A_256 = tpu.memref_squeeze %dma_wait3A_255 : memref<1x128x32xf32, #tpu.memory_space<vmem>> -> memref<128x32xf32, #tpu.memory_space<vmem>>
    %dma_wait3A_257 = arith.constant 0 : i32
    %dma_wait3A_258 = tpu.memref_slice %arg14[%dma_wait3A_251, %dma_wait3A_257] : memref<79x128xi32, #tpu.memory_space<vmem>> -> memref<1x128xi32, #tpu.memory_space<vmem>>
    %dma_wait3A_259 = tpu.memref_squeeze %dma_wait3A_258 : memref<1x128xi32, #tpu.memory_space<vmem>> -> memref<128xi32, #tpu.memory_space<vmem>>
    %dma_wait3A_260 = arith.constant 0 : i32
    %dma_wait3A_261 = arith.constant 0 : i32
    %dma_wait3A_262 = tpu.memref_slice %arg22[%dma_wait3A_260, %dma_wait3A_261] : memref<10240x32xf32, #tpu.memory_space<vmem_shared>> -> memref<10240x32xf32, #tpu.memory_space<vmem_shared>>
    %dma_wait3A_263 = tpu.memref_slice %arg17[%dma_wait3A_252] : memref<12x!tpu.dma_semaphore, #tpu.memory_space<semaphore_mem>> -> memref<1x!tpu.dma_semaphore, #tpu.memory_space<semaphore_mem>>
    %dma_wait3A_264 = tpu.memref_squeeze %dma_wait3A_263 : memref<1x!tpu.dma_semaphore, #tpu.memory_space<semaphore_mem>> -> memref<!tpu.dma_semaphore, #tpu.memory_space<semaphore_mem>>
    tpu.wait_indirect_dma semaphore(%dma_wait3A_264 : memref<!tpu.dma_semaphore, #tpu.memory_space<semaphore_mem>>) src(%dma_wait3A_256 : memref<128x32xf32, #tpu.memory_space<vmem>>) dst(%dma_wait3A_262 : memref<10240x32xf32, #tpu.memory_space<vmem_shared>>)
    %dma_wait3A_265 = arith.constant 6 : i32
    %dma_wait3A_266 = arith.constant 78 : i32
    %dma_wait3A_267 = arith.constant 6 : i32
    %dma_wait3A_268 = arith.constant 0 : i32
    %dma_wait3A_269 = arith.constant 0 : i32
    %dma_wait3A_270 = tpu.memref_slice %arg15[%dma_wait3A_265, %dma_wait3A_268, %dma_wait3A_269] : memref<12x128x32xf32, #tpu.memory_space<vmem>> -> memref<1x128x32xf32, #tpu.memory_space<vmem>>
    %dma_wait3A_271 = tpu.memref_squeeze %dma_wait3A_270 : memref<1x128x32xf32, #tpu.memory_space<vmem>> -> memref<128x32xf32, #tpu.memory_space<vmem>>
    %dma_wait3A_272 = arith.constant 0 : i32
    %dma_wait3A_273 = tpu.memref_slice %arg14[%dma_wait3A_266, %dma_wait3A_272] : memref<79x128xi32, #tpu.memory_space<vmem>> -> memref<1x128xi32, #tpu.memory_space<vmem>>
    %dma_wait3A_274 = tpu.memref_squeeze %dma_wait3A_273 : memref<1x128xi32, #tpu.memory_space<vmem>> -> memref<128xi32, #tpu.memory_space<vmem>>
    %dma_wait3A_275 = arith.constant 0 : i32
    %dma_wait3A_276 = arith.constant 0 : i32
    %dma_wait3A_277 = tpu.memref_slice %arg22[%dma_wait3A_275, %dma_wait3A_276] : memref<10240x32xf32, #tpu.memory_space<vmem_shared>> -> memref<10240x32xf32, #tpu.memory_space<vmem_shared>>
    %dma_wait3A_278 = tpu.memref_slice %arg17[%dma_wait3A_267] : memref<12x!tpu.dma_semaphore, #tpu.memory_space<semaphore_mem>> -> memref<1x!tpu.dma_semaphore, #tpu.memory_space<semaphore_mem>>
    %dma_wait3A_279 = tpu.memref_squeeze %dma_wait3A_278 : memref<1x!tpu.dma_semaphore, #tpu.memory_space<semaphore_mem>> -> memref<!tpu.dma_semaphore, #tpu.memory_space<semaphore_mem>>
    tpu.wait_indirect_dma semaphore(%dma_wait3A_279 : memref<!tpu.dma_semaphore, #tpu.memory_space<semaphore_mem>>) src(%dma_wait3A_271 : memref<128x32xf32, #tpu.memory_space<vmem>>) dst(%dma_wait3A_277 : memref<10240x32xf32, #tpu.memory_space<vmem_shared>>)
    %iota3A = tpu.iota {dimensions = array<i32: 0>} : vector<16xi32>
    %scan3A_280 = arith.constant 0 : i32
    %scan3A_281 = arith.constant 0 : i32
    %scan3A_282 = arith.constant 320 : i32
    %scan3A_283 = arith.addi %scan3A_281, %scan3A_282 : i32
    %scan3A_284 = arith.constant 1 : i32
    scf.for %scan3A_291 = %scan3A_281 to %scan3A_283 step %scan3A_284  : i32 {
      %broadcast_in_dim3A = vector.broadcast %scan3A_291 : i32 to vector<16xi32>
      %gather3A = tpu.vector_load_idx %arg19[%broadcast_in_dim3A] : memref<384xi32, #tpu.memory_space<vmem>>[vector<16xi32>], vector<16xi32>,
      %mul3A_292 = arith.constant 32 : i32
      %mul3A_293 = arith.muli %scan3A_291, %mul3A_292 : i32
      %add3A_294 = vector.broadcast %mul3A_293 : i32 to vector<16xi32>
      %add3A_295 = arith.addi %add3A_294, %iota3A : vector<16xi32>
      %gather3A_296 = tpu.vector_load_idx %arg18[%add3A_295] : memref<10240xf32, #tpu.memory_space<vmem>>[vector<16xi32>], vector<16xf32>,
      %mul3A_297 = arith.constant 32 : i32
      %mul3A_298 = arith.muli %scan3A_291, %mul3A_297 : i32
      %add3A_299 = arith.constant 16 : i32
      %add3A_300 = arith.addi %mul3A_298, %add3A_299 : i32
      %add3A_301 = vector.broadcast %add3A_300 : i32 to vector<16xi32>
      %add3A_302 = arith.addi %add3A_301, %iota3A : vector<16xi32>
      %gather3A_303 = tpu.vector_load_idx %arg18[%add3A_302] : memref<10240xf32, #tpu.memory_space<vmem>>[vector<16xi32>], vector<16xf32>,
      %mul3A_304 = arith.constant 32 : i32
      %mul3A_305 = vector.broadcast %mul3A_304 : i32 to vector<16xi32>
      %mul3A_306 = arith.muli %gather3A, %mul3A_305 : vector<16xi32>
      %add3A_307 = arith.addi %mul3A_306, %iota3A : vector<16xi32>
      %add3A_308 = arith.constant 16 : i32
      %add3A_309 = vector.broadcast %add3A_308 : i32 to vector<16xi32>
      %add3A_310 = arith.addi %add3A_307, %add3A_309 : vector<16xi32>
      tpu.vector_store_idx %arg20[%add3A_307], %gather3A_296 {add = true} : memref<12288xf32, #tpu.memory_space<vmem>>[vector<16xi32>], vector<16xf32>,
      tpu.vector_store_idx %arg20[%add3A_310], %gather3A_303 {add = true} : memref<12288xf32, #tpu.memory_space<vmem>>[vector<16xi32>], vector<16xf32>,
      %gather3A_311 = tpu.vector_load_idx %arg21[%add3A_307] : memref<12288xf32, #tpu.memory_space<vmem>>[vector<16xi32>], vector<16xf32>,
      %max3A = arith.maximumf %gather3A_311, %gather3A_296 : vector<16xf32>
      tpu.vector_store_idx %arg21[%add3A_307], %max3A : memref<12288xf32, #tpu.memory_space<vmem>>[vector<16xi32>], vector<16xf32>,
      %gather3A_312 = tpu.vector_load_idx %arg21[%add3A_310] : memref<12288xf32, #tpu.memory_space<vmem>>[vector<16xi32>], vector<16xf32>,
      %max3A_313 = arith.maximumf %gather3A_312, %gather3A_303 : vector<16xf32>
      tpu.vector_store_idx %arg21[%add3A_310], %max3A_313 : memref<12288xf32, #tpu.memory_space<vmem>>[vector<16xi32>], vector<16xf32>,
    }
    %scan3A_285 = arith.constant 320 : i32
    %barrier3A_286 = arith.constant 0 : index
    tpu.barrier barrier_id(%barrier3A_286)
    %mul3A_287 = arith.constant 640 : i32
    %mul3A_288 = arith.muli %arg1, %mul3A_287 : i32
    %mul3A_289 = arith.constant 640 : i32
    %mul3A_290 = arith.muli %arg1, %mul3A_289 : i32
    "tpu.region"() ({
      %run_scoped3A = tpu.sem_alloc : memref<!tpu.dma_semaphore, #tpu.memory_space<semaphore_mem>>
      %dma_start3A_291 = arith.constant 0 : i32
      %dma_start3A_292 = tpu.memref_slice %arg10[%arg0, %mul3A_290, %dma_start3A_291] : memref<2x10240x32xf32, #tpu.memory_space<hbm>> -> memref<1x640x32xf32, #tpu.memory_space<hbm>>
      %dma_start3A_293 = tpu.memref_squeeze %dma_start3A_292 : memref<1x640x32xf32, #tpu.memory_space<hbm>> -> memref<640x32xf32, #tpu.memory_space<hbm>>
      %dma_start3A_294 = arith.constant 0 : i32
      %dma_start3A_295 = tpu.memref_slice %arg22[%mul3A_288, %dma_start3A_294] : memref<10240x32xf32, #tpu.memory_space<vmem_shared>> -> memref<640x32xf32, #tpu.memory_space<vmem_shared>>
      tpu.enqueue_dma source(%dma_start3A_295 : memref<640x32xf32, #tpu.memory_space<vmem_shared>>) target(%dma_start3A_293 : memref<640x32xf32, #tpu.memory_space<hbm>>) target_semaphore(%run_scoped3A : memref<!tpu.dma_semaphore, #tpu.memory_space<semaphore_mem>>)
      %dma_wait3A_296 = arith.constant 0 : i32
      %dma_wait3A_297 = tpu.memref_slice %arg10[%arg0, %mul3A_290, %dma_wait3A_296] : memref<2x10240x32xf32, #tpu.memory_space<hbm>> -> memref<1x640x32xf32, #tpu.memory_space<hbm>>
      %dma_wait3A_298 = tpu.memref_squeeze %dma_wait3A_297 : memref<1x640x32xf32, #tpu.memory_space<hbm>> -> memref<640x32xf32, #tpu.memory_space<hbm>>
      %dma_wait3A_299 = arith.constant 0 : i32
      %dma_wait3A_300 = tpu.memref_slice %arg22[%mul3A_288, %dma_wait3A_299] : memref<10240x32xf32, #tpu.memory_space<vmem_shared>> -> memref<640x32xf32, #tpu.memory_space<vmem_shared>>
      tpu.wait_dma2 semaphore(%run_scoped3A : memref<!tpu.dma_semaphore, #tpu.memory_space<semaphore_mem>>) src(%dma_wait3A_300 : memref<640x32xf32, #tpu.memory_space<vmem_shared>>) dst(%dma_wait3A_298 : memref<640x32xf32, #tpu.memory_space<hbm>>)
      tpu.yield
    }) : () -> ()
    "tpu.region"() ({
      %run_scoped3A = tpu.sem_alloc : memref<!tpu.dma_semaphore, #tpu.memory_space<semaphore_mem>>
      %dma_start3A_291 = arith.constant 0 : i32
      %dma_start3A_292 = tpu.memref_slice %arg11[%add3A, %dma_start3A_291] : memref<32x12288xf32, #tpu.memory_space<hbm>> -> memref<1x12288xf32, #tpu.memory_space<hbm>>
      %dma_start3A_293 = tpu.memref_squeeze %dma_start3A_292 : memref<1x12288xf32, #tpu.memory_space<hbm>> -> memref<12288xf32, #tpu.memory_space<hbm>>
      %dma_start3A_294 = arith.constant 0 : i32
      %dma_start3A_295 = tpu.memref_slice %arg11[%add3A, %dma_start3A_294] : memref<32x12288xf32, #tpu.memory_space<hbm>> -> memref<1x12288xf32, #tpu.memory_space<hbm>>
      %dma_start3A_296 = tpu.memref_squeeze %dma_start3A_295 : memref<1x12288xf32, #tpu.memory_space<hbm>> -> memref<12288xf32, #tpu.memory_space<hbm>>
      tpu.enqueue_dma source(%arg20 : memref<12288xf32, #tpu.memory_space<vmem>>) target(%dma_start3A_296 : memref<12288xf32, #tpu.memory_space<hbm>>) target_semaphore(%run_scoped3A : memref<!tpu.dma_semaphore, #tpu.memory_space<semaphore_mem>>)
      %dma_wait3A_297 = arith.constant 0 : i32
      %dma_wait3A_298 = tpu.memref_slice %arg11[%add3A, %dma_wait3A_297] : memref<32x12288xf32, #tpu.memory_space<hbm>> -> memref<1x12288xf32, #tpu.memory_space<hbm>>
      %dma_wait3A_299 = tpu.memref_squeeze %dma_wait3A_298 : memref<1x12288xf32, #tpu.memory_space<hbm>> -> memref<12288xf32, #tpu.memory_space<hbm>>
      %dma_wait3A_300 = arith.constant 0 : i32
      %dma_wait3A_301 = tpu.memref_slice %arg11[%add3A, %dma_wait3A_300] : memref<32x12288xf32, #tpu.memory_space<hbm>> -> memref<1x12288xf32, #tpu.memory_space<hbm>>
      %dma_wait3A_302 = tpu.memref_squeeze %dma_wait3A_301 : memref<1x12288xf32, #tpu.memory_space<hbm>> -> memref<12288xf32, #tpu.memory_space<hbm>>
      tpu.wait_dma2 semaphore(%run_scoped3A : memref<!tpu.dma_semaphore, #tpu.memory_space<semaphore_mem>>) src(%arg20 : memref<12288xf32, #tpu.memory_space<vmem>>) dst(%dma_wait3A_302 : memref<12288xf32, #tpu.memory_space<hbm>>)
      tpu.yield
    }) : () -> ()
    "tpu.region"() ({
      %run_scoped3A = tpu.sem_alloc : memref<!tpu.dma_semaphore, #tpu.memory_space<semaphore_mem>>
      %dma_start3A_291 = arith.constant 0 : i32
      %dma_start3A_292 = tpu.memref_slice %arg12[%add3A, %dma_start3A_291] : memref<32x12288xf32, #tpu.memory_space<hbm>> -> memref<1x12288xf32, #tpu.memory_space<hbm>>
      %dma_start3A_293 = tpu.memref_squeeze %dma_start3A_292 : memref<1x12288xf32, #tpu.memory_space<hbm>> -> memref<12288xf32, #tpu.memory_space<hbm>>
      %dma_start3A_294 = arith.constant 0 : i32
      %dma_start3A_295 = tpu.memref_slice %arg12[%add3A, %dma_start3A_294] : memref<32x12288xf32, #tpu.memory_space<hbm>> -> memref<1x12288xf32, #tpu.memory_space<hbm>>
      %dma_start3A_296 = tpu.memref_squeeze %dma_start3A_295 : memref<1x12288xf32, #tpu.memory_space<hbm>> -> memref<12288xf32, #tpu.memory_space<hbm>>
      tpu.enqueue_dma source(%arg21 : memref<12288xf32, #tpu.memory_space<vmem>>) target(%dma_start3A_296 : memref<12288xf32, #tpu.memory_space<hbm>>) target_semaphore(%run_scoped3A : memref<!tpu.dma_semaphore, #tpu.memory_space<semaphore_mem>>)
      %dma_wait3A_297 = arith.constant 0 : i32
      %dma_wait3A_298 = tpu.memref_slice %arg12[%add3A, %dma_wait3A_297] : memref<32x12288xf32, #tpu.memory_space<hbm>> -> memref<1x12288xf32, #tpu.memory_space<hbm>>
      %dma_wait3A_299 = tpu.memref_squeeze %dma_wait3A_298 : memref<1x12288xf32, #tpu.memory_space<hbm>> -> memref<12288xf32, #tpu.memory_space<hbm>>
      %dma_wait3A_300 = arith.constant 0 : i32
      %dma_wait3A_301 = tpu.memref_slice %arg12[%add3A, %dma_wait3A_300] : memref<32x12288xf32, #tpu.memory_space<hbm>> -> memref<1x12288xf32, #tpu.memory_space<hbm>>
      %dma_wait3A_302 = tpu.memref_squeeze %dma_wait3A_301 : memref<1x12288xf32, #tpu.memory_space<hbm>> -> memref<12288xf32, #tpu.memory_space<hbm>>
      tpu.wait_dma2 semaphore(%run_scoped3A : memref<!tpu.dma_semaphore, #tpu.memory_space<semaphore_mem>>) src(%arg21 : memref<12288xf32, #tpu.memory_space<vmem>>) dst(%dma_wait3A_302 : memref<12288xf32, #tpu.memory_space<hbm>>)
      tpu.yield
    }) : () -> ()
    return
  }
}

#map = affine_map<(d0, d1) -> (0, 0)>
#map1 = affine_map<(d0, d1) -> (0, 0, 0)>
#map2 = affine_map<(d0, d1) -> (0)>
module attributes {stable_mosaic.version = 14 : i64} {
  func.func @_agg_pool_body(%arg0: i32, %arg1: i32, %arg2: memref<10240x32xf32, #tpu.memory_space<hbm>>, %arg3: memref<32x79x128xi32, #tpu.memory_space<hbm>>, %arg4: memref<32x79x128xi32, #tpu.memory_space<hbm>>, %arg5: memref<640x32xf32, #tpu.memory_space<hbm>>, %arg6: memref<327680xf32, #tpu.memory_space<hbm>>, %arg7: memref<32x384xi32, #tpu.memory_space<hbm>>, %arg8: memref<12288xf32, #tpu.memory_space<hbm>>, %arg9: memref<12288xf32, #tpu.memory_space<hbm>>, %arg10: memref<2x10240x32xf32, #tpu.memory_space<hbm>>, %arg11: memref<32x12288xf32, #tpu.memory_space<hbm>>, %arg12: memref<32x12288xf32, #tpu.memory_space<hbm>>, %arg13: memref<79x128xi32, #tpu.memory_space<vmem>>, %arg14: memref<79x128xi32, #tpu.memory_space<vmem>>, %arg15: memref<12x128x32xf32, #tpu.memory_space<vmem>>, %arg16: memref<12x!tpu.dma_semaphore, #tpu.memory_space<semaphore_mem>>, %arg17: memref<12x!tpu.dma_semaphore, #tpu.memory_space<semaphore_mem>>, %arg18: memref<10240xf32, #tpu.memory_space<vmem>>, %arg19: memref<384xi32, #tpu.memory_space<vmem>>, %arg20: memref<12288xf32, #tpu.memory_space<vmem>>, %arg21: memref<12288xf32, #tpu.memory_space<vmem>>, %arg22: memref<10240x32xf32, #tpu.memory_space<vmem_shared>>) attributes {dimension_semantics = [#tpu.dimension_semantics<core_parallel>, #tpu.dimension_semantics<subcore_parallel>], iteration_bounds = array<i64: 2, 16>, scalar_prefetch = 0 : i64, scratch_operands = 10 : i64, tpu.core_type = #tpu.core_type<sc_vector_subcore>, window_params = [{transform_indices = #map}, {transform_indices = #map1}, {transform_indices = #map1}, {transform_indices = #map}, {transform_indices = #map2}, {transform_indices = #map}, {transform_indices = #map2}, {transform_indices = #map2}, {transform_indices = #map1}, {transform_indices = #map}, {transform_indices = #map}]} {
    %mul3A = arith.constant 16 : i32
    %mul3A_0 = arith.muli %arg0, %mul3A : i32
    %add3A = arith.addi %mul3A_0, %arg1 : i32
    %mul3A_1 = arith.constant 640 : i32
    %mul3A_2 = arith.muli %arg1, %mul3A_1 : i32
    "tpu.region"() ({
      %run_scoped3A = tpu.sem_alloc : memref<!tpu.dma_semaphore, #tpu.memory_space<semaphore_mem>>
      %dma_start3A_291 = arith.constant 0 : i32
      %dma_start3A_292 = tpu.memref_slice %arg22[%mul3A_2, %dma_start3A_291] : memref<10240x32xf32, #tpu.memory_space<vmem_shared>> -> memref<640x32xf32, #tpu.memory_space<vmem_shared>>
      tpu.enqueue_dma source(%arg5 : memref<640x32xf32, #tpu.memory_space<hbm>>) target(%dma_start3A_292 : memref<640x32xf32, #tpu.memory_space<vmem_shared>>) target_semaphore(%run_scoped3A : memref<!tpu.dma_semaphore, #tpu.memory_space<semaphore_mem>>)
      %dma_wait3A_293 = arith.constant 0 : i32
      %dma_wait3A_294 = tpu.memref_slice %arg22[%mul3A_2, %dma_wait3A_293] : memref<10240x32xf32, #tpu.memory_space<vmem_shared>> -> memref<640x32xf32, #tpu.memory_space<vmem_shared>>
      tpu.wait_dma2 semaphore(%run_scoped3A : memref<!tpu.dma_semaphore, #tpu.memory_space<semaphore_mem>>) src(%arg5 : memref<640x32xf32, #tpu.memory_space<hbm>>) dst(%dma_wait3A_294 : memref<640x32xf32, #tpu.memory_space<vmem_shared>>)
      tpu.yield
    }) : () -> ()
    "tpu.region"() ({
      %run_scoped3A = tpu.sem_alloc : memref<!tpu.dma_semaphore, #tpu.memory_space<semaphore_mem>>
      %dma_start3A_291 = arith.constant 0 : i32
      %dma_start3A_292 = arith.constant 0 : i32
      %dma_start3A_293 = tpu.memref_slice %arg3[%add3A, %dma_start3A_291, %dma_start3A_292] : memref<32x79x128xi32, #tpu.memory_space<hbm>> -> memref<1x79x128xi32, #tpu.memory_space<hbm>>
      %dma_start3A_294 = tpu.memref_squeeze %dma_start3A_293 : memref<1x79x128xi32, #tpu.memory_space<hbm>> -> memref<79x128xi32, #tpu.memory_space<hbm>>
      %dma_start3A_295 = arith.constant 0 : i32
      %dma_start3A_296 = arith.constant 0 : i32
      %dma_start3A_297 = tpu.memref_slice %arg3[%add3A, %dma_start3A_295, %dma_start3A_296] : memref<32x79x128xi32, #tpu.memory_space<hbm>> -> memref<1x79x128xi32, #tpu.memory_space<hbm>>
      %dma_start3A_298 = tpu.memref_squeeze %dma_start3A_297 : memref<1x79x128xi32, #tpu.memory_space<hbm>> -> memref<79x128xi32, #tpu.memory_space<hbm>>
      tpu.enqueue_dma source(%dma_start3A_298 : memref<79x128xi32, #tpu.memory_space<hbm>>) target(%arg13 : memref<79x128xi32, #tpu.memory_space<vmem>>) target_semaphore(%run_scoped3A : memref<!tpu.dma_semaphore, #tpu.memory_space<semaphore_mem>>)
      %dma_wait3A_299 = arith.constant 0 : i32
      %dma_wait3A_300 = arith.constant 0 : i32
      %dma_wait3A_301 = tpu.memref_slice %arg3[%add3A, %dma_wait3A_299, %dma_wait3A_300] : memref<32x79x128xi32, #tpu.memory_space<hbm>> -> memref<1x79x128xi32, #tpu.memory_space<hbm>>
      %dma_wait3A_302 = tpu.memref_squeeze %dma_wait3A_301 : memref<1x79x128xi32, #tpu.memory_space<hbm>> -> memref<79x128xi32, #tpu.memory_space<hbm>>
      %dma_wait3A_303 = arith.constant 0 : i32
      %dma_wait3A_304 = arith.constant 0 : i32
      %dma_wait3A_305 = tpu.memref_slice %arg3[%add3A, %dma_wait3A_303, %dma_wait3A_304] : memref<32x79x128xi32, #tpu.memory_space<hbm>> -> memref<1x79x128xi32, #tpu.memory_space<hbm>>
      %dma_wait3A_306 = tpu.memref_squeeze %dma_wait3A_305 : memref<1x79x128xi32, #tpu.memory_space<hbm>> -> memref<79x128xi32, #tpu.memory_space<hbm>>
      tpu.wait_dma2 semaphore(%run_scoped3A : memref<!tpu.dma_semaphore, #tpu.memory_space<semaphore_mem>>) src(%dma_wait3A_306 : memref<79x128xi32, #tpu.memory_space<hbm>>) dst(%arg13 : memref<79x128xi32, #tpu.memory_space<vmem>>)
      tpu.yield
    }) : () -> ()
    "tpu.region"() ({
      %run_scoped3A = tpu.sem_alloc : memref<!tpu.dma_semaphore, #tpu.memory_space<semaphore_mem>>
      %dma_start3A_291 = arith.constant 0 : i32
      %dma_start3A_292 = arith.constant 0 : i32
      %dma_start3A_293 = tpu.memref_slice %arg4[%add3A, %dma_start3A_291, %dma_start3A_292] : memref<32x79x128xi32, #tpu.memory_space<hbm>> -> memref<1x79x128xi32, #tpu.memory_space<hbm>>
      %dma_start3A_294 = tpu.memref_squeeze %dma_start3A_293 : memref<1x79x128xi32, #tpu.memory_space<hbm>> -> memref<79x128xi32, #tpu.memory_space<hbm>>
      %dma_start3A_295 = arith.constant 0 : i32
      %dma_start3A_296 = arith.constant 0 : i32
      %dma_start3A_297 = tpu.memref_slice %arg4[%add3A, %dma_start3A_295, %dma_start3A_296] : memref<32x79x128xi32, #tpu.memory_space<hbm>> -> memref<1x79x128xi32, #tpu.memory_space<hbm>>
      %dma_start3A_298 = tpu.memref_squeeze %dma_start3A_297 : memref<1x79x128xi32, #tpu.memory_space<hbm>> -> memref<79x128xi32, #tpu.memory_space<hbm>>
      tpu.enqueue_dma source(%dma_start3A_298 : memref<79x128xi32, #tpu.memory_space<hbm>>) target(%arg14 : memref<79x128xi32, #tpu.memory_space<vmem>>) target_semaphore(%run_scoped3A : memref<!tpu.dma_semaphore, #tpu.memory_space<semaphore_mem>>)
      %dma_wait3A_299 = arith.constant 0 : i32
      %dma_wait3A_300 = arith.constant 0 : i32
      %dma_wait3A_301 = tpu.memref_slice %arg4[%add3A, %dma_wait3A_299, %dma_wait3A_300] : memref<32x79x128xi32, #tpu.memory_space<hbm>> -> memref<1x79x128xi32, #tpu.memory_space<hbm>>
      %dma_wait3A_302 = tpu.memref_squeeze %dma_wait3A_301 : memref<1x79x128xi32, #tpu.memory_space<hbm>> -> memref<79x128xi32, #tpu.memory_space<hbm>>
      %dma_wait3A_303 = arith.constant 0 : i32
      %dma_wait3A_304 = arith.constant 0 : i32
      %dma_wait3A_305 = tpu.memref_slice %arg4[%add3A, %dma_wait3A_303, %dma_wait3A_304] : memref<32x79x128xi32, #tpu.memory_space<hbm>> -> memref<1x79x128xi32, #tpu.memory_space<hbm>>
      %dma_wait3A_306 = tpu.memref_squeeze %dma_wait3A_305 : memref<1x79x128xi32, #tpu.memory_space<hbm>> -> memref<79x128xi32, #tpu.memory_space<hbm>>
      tpu.wait_dma2 semaphore(%run_scoped3A : memref<!tpu.dma_semaphore, #tpu.memory_space<semaphore_mem>>) src(%dma_wait3A_306 : memref<79x128xi32, #tpu.memory_space<hbm>>) dst(%arg14 : memref<79x128xi32, #tpu.memory_space<vmem>>)
      tpu.yield
    }) : () -> ()
    %mul3A_3 = arith.constant 320 : i32
    %mul3A_4 = arith.muli %add3A, %mul3A_3 : i32
    %mul3A_5 = arith.constant 32 : i32
    %mul3A_6 = arith.muli %mul3A_4, %mul3A_5 : i32
    "tpu.region"() ({
      %run_scoped3A = tpu.sem_alloc : memref<!tpu.dma_semaphore, #tpu.memory_space<semaphore_mem>>
      %dma_start3A_291 = tpu.memref_slice %arg6[%mul3A_6] : memref<327680xf32, #tpu.memory_space<hbm>> -> memref<10240xf32, #tpu.memory_space<hbm>>
      %dma_start3A_292 = tpu.memref_slice %arg6[%mul3A_6] : memref<327680xf32, #tpu.memory_space<hbm>> -> memref<10240xf32, #tpu.memory_space<hbm>>
      tpu.enqueue_dma source(%dma_start3A_292 : memref<10240xf32, #tpu.memory_space<hbm>>) target(%arg18 : memref<10240xf32, #tpu.memory_space<vmem>>) target_semaphore(%run_scoped3A : memref<!tpu.dma_semaphore, #tpu.memory_space<semaphore_mem>>)
      %dma_wait3A_293 = tpu.memref_slice %arg6[%mul3A_6] : memref<327680xf32, #tpu.memory_space<hbm>> -> memref<10240xf32, #tpu.memory_space<hbm>>
      %dma_wait3A_294 = tpu.memref_slice %arg6[%mul3A_6] : memref<327680xf32, #tpu.memory_space<hbm>> -> memref<10240xf32, #tpu.memory_space<hbm>>
      tpu.wait_dma2 semaphore(%run_scoped3A : memref<!tpu.dma_semaphore, #tpu.memory_space<semaphore_mem>>) src(%dma_wait3A_294 : memref<10240xf32, #tpu.memory_space<hbm>>) dst(%arg18 : memref<10240xf32, #tpu.memory_space<vmem>>)
      tpu.yield
    }) : () -> ()
    "tpu.region"() ({
      %run_scoped3A = tpu.sem_alloc : memref<!tpu.dma_semaphore, #tpu.memory_space<semaphore_mem>>
      %dma_start3A_291 = arith.constant 0 : i32
      %dma_start3A_292 = tpu.memref_slice %arg7[%add3A, %dma_start3A_291] : memref<32x384xi32, #tpu.memory_space<hbm>> -> memref<1x384xi32, #tpu.memory_space<hbm>>
      %dma_start3A_293 = tpu.memref_squeeze %dma_start3A_292 : memref<1x384xi32, #tpu.memory_space<hbm>> -> memref<384xi32, #tpu.memory_space<hbm>>
      %dma_start3A_294 = arith.constant 0 : i32
      %dma_start3A_295 = tpu.memref_slice %arg7[%add3A, %dma_start3A_294] : memref<32x384xi32, #tpu.memory_space<hbm>> -> memref<1x384xi32, #tpu.memory_space<hbm>>
      %dma_start3A_296 = tpu.memref_squeeze %dma_start3A_295 : memref<1x384xi32, #tpu.memory_space<hbm>> -> memref<384xi32, #tpu.memory_space<hbm>>
      tpu.enqueue_dma source(%dma_start3A_296 : memref<384xi32, #tpu.memory_space<hbm>>) target(%arg19 : memref<384xi32, #tpu.memory_space<vmem>>) target_semaphore(%run_scoped3A : memref<!tpu.dma_semaphore, #tpu.memory_space<semaphore_mem>>)
      %dma_wait3A_297 = arith.constant 0 : i32
      %dma_wait3A_298 = tpu.memref_slice %arg7[%add3A, %dma_wait3A_297] : memref<32x384xi32, #tpu.memory_space<hbm>> -> memref<1x384xi32, #tpu.memory_space<hbm>>
      %dma_wait3A_299 = tpu.memref_squeeze %dma_wait3A_298 : memref<1x384xi32, #tpu.memory_space<hbm>> -> memref<384xi32, #tpu.memory_space<hbm>>
      %dma_wait3A_300 = arith.constant 0 : i32
      %dma_wait3A_301 = tpu.memref_slice %arg7[%add3A, %dma_wait3A_300] : memref<32x384xi32, #tpu.memory_space<hbm>> -> memref<1x384xi32, #tpu.memory_space<hbm>>
      %dma_wait3A_302 = tpu.memref_squeeze %dma_wait3A_301 : memref<1x384xi32, #tpu.memory_space<hbm>> -> memref<384xi32, #tpu.memory_space<hbm>>
      tpu.wait_dma2 semaphore(%run_scoped3A : memref<!tpu.dma_semaphore, #tpu.memory_space<semaphore_mem>>) src(%dma_wait3A_302 : memref<384xi32, #tpu.memory_space<hbm>>) dst(%arg19 : memref<384xi32, #tpu.memory_space<vmem>>)
      tpu.yield
    }) : () -> ()
    "tpu.region"() ({
      %run_scoped3A = tpu.sem_alloc : memref<!tpu.dma_semaphore, #tpu.memory_space<semaphore_mem>>
      tpu.enqueue_dma source(%arg8 : memref<12288xf32, #tpu.memory_space<hbm>>) target(%arg20 : memref<12288xf32, #tpu.memory_space<vmem>>) target_semaphore(%run_scoped3A : memref<!tpu.dma_semaphore, #tpu.memory_space<semaphore_mem>>)
      tpu.wait_dma2 semaphore(%run_scoped3A : memref<!tpu.dma_semaphore, #tpu.memory_space<semaphore_mem>>) src(%arg8 : memref<12288xf32, #tpu.memory_space<hbm>>) dst(%arg20 : memref<12288xf32, #tpu.memory_space<vmem>>)
      tpu.yield
    }) : () -> ()
    "tpu.region"() ({
      %run_scoped3A = tpu.sem_alloc : memref<!tpu.dma_semaphore, #tpu.memory_space<semaphore_mem>>
      tpu.enqueue_dma source(%arg9 : memref<12288xf32, #tpu.memory_space<hbm>>) target(%arg21 : memref<12288xf32, #tpu.memory_space<vmem>>) target_semaphore(%run_scoped3A : memref<!tpu.dma_semaphore, #tpu.memory_space<semaphore_mem>>)
      tpu.wait_dma2 semaphore(%run_scoped3A : memref<!tpu.dma_semaphore, #tpu.memory_space<semaphore_mem>>) src(%arg9 : memref<12288xf32, #tpu.memory_space<hbm>>) dst(%arg21 : memref<12288xf32, #tpu.memory_space<vmem>>)
      tpu.yield
    }) : () -> ()
    %barrier3A = arith.constant 0 : index
    tpu.barrier barrier_id(%barrier3A)
    %dma_start3A = arith.constant 0 : i32
    %dma_start3A_7 = arith.constant 0 : i32
    %dma_start3A_8 = arith.constant 0 : i32
    %dma_start3A_9 = arith.constant 0 : i32
    %dma_start3A_10 = arith.constant 0 : i32
    %dma_start3A_11 = tpu.memref_slice %arg15[%dma_start3A_7, %dma_start3A_9, %dma_start3A_10] : memref<12x128x32xf32, #tpu.memory_space<vmem>> -> memref<1x128x32xf32, #tpu.memory_space<vmem>>
    %dma_start3A_12 = tpu.memref_squeeze %dma_start3A_11 : memref<1x128x32xf32, #tpu.memory_space<vmem>> -> memref<128x32xf32, #tpu.memory_space<vmem>>
    %dma_start3A_13 = arith.constant 0 : i32
    %dma_start3A_14 = tpu.memref_slice %arg13[%dma_start3A, %dma_start3A_13] : memref<79x128xi32, #tpu.memory_space<vmem>> -> memref<1x128xi32, #tpu.memory_space<vmem>>
    %dma_start3A_15 = tpu.memref_squeeze %dma_start3A_14 : memref<1x128xi32, #tpu.memory_space<vmem>> -> memref<128xi32, #tpu.memory_space<vmem>>
    %dma_start3A_16 = arith.constant 0 : i32
    %dma_start3A_17 = arith.constant 0 : i32
    %dma_start3A_18 = tpu.memref_slice %arg2[%dma_start3A_16, %dma_start3A_17] : memref<10240x32xf32, #tpu.memory_space<hbm>> -> memref<10240x32xf32, #tpu.memory_space<hbm>>
    %dma_start3A_19 = tpu.memref_slice %arg16[%dma_start3A_8] : memref<12x!tpu.dma_semaphore, #tpu.memory_space<semaphore_mem>> -> memref<1x!tpu.dma_semaphore, #tpu.memory_space<semaphore_mem>>
    %dma_start3A_20 = tpu.memref_squeeze %dma_start3A_19 : memref<1x!tpu.dma_semaphore, #tpu.memory_space<semaphore_mem>> -> memref<!tpu.dma_semaphore, #tpu.memory_space<semaphore_mem>>
    tpu.enqueue_indirect_dma source(%dma_start3A_18 : memref<10240x32xf32, #tpu.memory_space<hbm>>) target(%dma_start3A_12 : memref<128x32xf32, #tpu.memory_space<vmem>>) offsets(%dma_start3A_15 : memref<128xi32, #tpu.memory_space<vmem>>) semaphore(%dma_start3A_20 : memref<!tpu.dma_semaphore, #tpu.memory_space<semaphore_mem>>)
    %dma_start3A_21 = arith.constant 1 : i32
    %dma_start3A_22 = arith.constant 1 : i32
    %dma_start3A_23 = arith.constant 1 : i32
    %dma_start3A_24 = arith.constant 0 : i32
    %dma_start3A_25 = arith.constant 0 : i32
    %dma_start3A_26 = tpu.memref_slice %arg15[%dma_start3A_22, %dma_start3A_24, %dma_start3A_25] : memref<12x128x32xf32, #tpu.memory_space<vmem>> -> memref<1x128x32xf32, #tpu.memory_space<vmem>>
    %dma_start3A_27 = tpu.memref_squeeze %dma_start3A_26 : memref<1x128x32xf32, #tpu.memory_space<vmem>> -> memref<128x32xf32, #tpu.memory_space<vmem>>
    %dma_start3A_28 = arith.constant 0 : i32
    %dma_start3A_29 = tpu.memref_slice %arg13[%dma_start3A_21, %dma_start3A_28] : memref<79x128xi32, #tpu.memory_space<vmem>> -> memref<1x128xi32, #tpu.memory_space<vmem>>
    %dma_start3A_30 = tpu.memref_squeeze %dma_start3A_29 : memref<1x128xi32, #tpu.memory_space<vmem>> -> memref<128xi32, #tpu.memory_space<vmem>>
    %dma_start3A_31 = arith.constant 0 : i32
    %dma_start3A_32 = arith.constant 0 : i32
    %dma_start3A_33 = tpu.memref_slice %arg2[%dma_start3A_31, %dma_start3A_32] : memref<10240x32xf32, #tpu.memory_space<hbm>> -> memref<10240x32xf32, #tpu.memory_space<hbm>>
    %dma_start3A_34 = tpu.memref_slice %arg16[%dma_start3A_23] : memref<12x!tpu.dma_semaphore, #tpu.memory_space<semaphore_mem>> -> memref<1x!tpu.dma_semaphore, #tpu.memory_space<semaphore_mem>>
    %dma_start3A_35 = tpu.memref_squeeze %dma_start3A_34 : memref<1x!tpu.dma_semaphore, #tpu.memory_space<semaphore_mem>> -> memref<!tpu.dma_semaphore, #tpu.memory_space<semaphore_mem>>
    tpu.enqueue_indirect_dma source(%dma_start3A_33 : memref<10240x32xf32, #tpu.memory_space<hbm>>) target(%dma_start3A_27 : memref<128x32xf32, #tpu.memory_space<vmem>>) offsets(%dma_start3A_30 : memref<128xi32, #tpu.memory_space<vmem>>) semaphore(%dma_start3A_35 : memref<!tpu.dma_semaphore, #tpu.memory_space<semaphore_mem>>)
    %dma_start3A_36 = arith.constant 2 : i32
    %dma_start3A_37 = arith.constant 2 : i32
    %dma_start3A_38 = arith.constant 2 : i32
    %dma_start3A_39 = arith.constant 0 : i32
    %dma_start3A_40 = arith.constant 0 : i32
    %dma_start3A_41 = tpu.memref_slice %arg15[%dma_start3A_37, %dma_start3A_39, %dma_start3A_40] : memref<12x128x32xf32, #tpu.memory_space<vmem>> -> memref<1x128x32xf32, #tpu.memory_space<vmem>>
    %dma_start3A_42 = tpu.memref_squeeze %dma_start3A_41 : memref<1x128x32xf32, #tpu.memory_space<vmem>> -> memref<128x32xf32, #tpu.memory_space<vmem>>
    %dma_start3A_43 = arith.constant 0 : i32
    %dma_start3A_44 = tpu.memref_slice %arg13[%dma_start3A_36, %dma_start3A_43] : memref<79x128xi32, #tpu.memory_space<vmem>> -> memref<1x128xi32, #tpu.memory_space<vmem>>
    %dma_start3A_45 = tpu.memref_squeeze %dma_start3A_44 : memref<1x128xi32, #tpu.memory_space<vmem>> -> memref<128xi32, #tpu.memory_space<vmem>>
    %dma_start3A_46 = arith.constant 0 : i32
    %dma_start3A_47 = arith.constant 0 : i32
    %dma_start3A_48 = tpu.memref_slice %arg2[%dma_start3A_46, %dma_start3A_47] : memref<10240x32xf32, #tpu.memory_space<hbm>> -> memref<10240x32xf32, #tpu.memory_space<hbm>>
    %dma_start3A_49 = tpu.memref_slice %arg16[%dma_start3A_38] : memref<12x!tpu.dma_semaphore, #tpu.memory_space<semaphore_mem>> -> memref<1x!tpu.dma_semaphore, #tpu.memory_space<semaphore_mem>>
    %dma_start3A_50 = tpu.memref_squeeze %dma_start3A_49 : memref<1x!tpu.dma_semaphore, #tpu.memory_space<semaphore_mem>> -> memref<!tpu.dma_semaphore, #tpu.memory_space<semaphore_mem>>
    tpu.enqueue_indirect_dma source(%dma_start3A_48 : memref<10240x32xf32, #tpu.memory_space<hbm>>) target(%dma_start3A_42 : memref<128x32xf32, #tpu.memory_space<vmem>>) offsets(%dma_start3A_45 : memref<128xi32, #tpu.memory_space<vmem>>) semaphore(%dma_start3A_50 : memref<!tpu.dma_semaphore, #tpu.memory_space<semaphore_mem>>)
    %dma_start3A_51 = arith.constant 3 : i32
    %dma_start3A_52 = arith.constant 3 : i32
    %dma_start3A_53 = arith.constant 3 : i32
    %dma_start3A_54 = arith.constant 0 : i32
    %dma_start3A_55 = arith.constant 0 : i32
    %dma_start3A_56 = tpu.memref_slice %arg15[%dma_start3A_52, %dma_start3A_54, %dma_start3A_55] : memref<12x128x32xf32, #tpu.memory_space<vmem>> -> memref<1x128x32xf32, #tpu.memory_space<vmem>>
    %dma_start3A_57 = tpu.memref_squeeze %dma_start3A_56 : memref<1x128x32xf32, #tpu.memory_space<vmem>> -> memref<128x32xf32, #tpu.memory_space<vmem>>
    %dma_start3A_58 = arith.constant 0 : i32
    %dma_start3A_59 = tpu.memref_slice %arg13[%dma_start3A_51, %dma_start3A_58] : memref<79x128xi32, #tpu.memory_space<vmem>> -> memref<1x128xi32, #tpu.memory_space<vmem>>
    %dma_start3A_60 = tpu.memref_squeeze %dma_start3A_59 : memref<1x128xi32, #tpu.memory_space<vmem>> -> memref<128xi32, #tpu.memory_space<vmem>>
    %dma_start3A_61 = arith.constant 0 : i32
    %dma_start3A_62 = arith.constant 0 : i32
    %dma_start3A_63 = tpu.memref_slice %arg2[%dma_start3A_61, %dma_start3A_62] : memref<10240x32xf32, #tpu.memory_space<hbm>> -> memref<10240x32xf32, #tpu.memory_space<hbm>>
    %dma_start3A_64 = tpu.memref_slice %arg16[%dma_start3A_53] : memref<12x!tpu.dma_semaphore, #tpu.memory_space<semaphore_mem>> -> memref<1x!tpu.dma_semaphore, #tpu.memory_space<semaphore_mem>>
    %dma_start3A_65 = tpu.memref_squeeze %dma_start3A_64 : memref<1x!tpu.dma_semaphore, #tpu.memory_space<semaphore_mem>> -> memref<!tpu.dma_semaphore, #tpu.memory_space<semaphore_mem>>
    tpu.enqueue_indirect_dma source(%dma_start3A_63 : memref<10240x32xf32, #tpu.memory_space<hbm>>) target(%dma_start3A_57 : memref<128x32xf32, #tpu.memory_space<vmem>>) offsets(%dma_start3A_60 : memref<128xi32, #tpu.memory_space<vmem>>) semaphore(%dma_start3A_65 : memref<!tpu.dma_semaphore, #tpu.memory_space<semaphore_mem>>)
    %dma_start3A_66 = arith.constant 4 : i32
    %dma_start3A_67 = arith.constant 4 : i32
    %dma_start3A_68 = arith.constant 4 : i32
    %dma_start3A_69 = arith.constant 0 : i32
    %dma_start3A_70 = arith.constant 0 : i32
    %dma_start3A_71 = tpu.memref_slice %arg15[%dma_start3A_67, %dma_start3A_69, %dma_start3A_70] : memref<12x128x32xf32, #tpu.memory_space<vmem>> -> memref<1x128x32xf32, #tpu.memory_space<vmem>>
    %dma_start3A_72 = tpu.memref_squeeze %dma_start3A_71 : memref<1x128x32xf32, #tpu.memory_space<vmem>> -> memref<128x32xf32, #tpu.memory_space<vmem>>
    %dma_start3A_73 = arith.constant 0 : i32
    %dma_start3A_74 = tpu.memref_slice %arg13[%dma_start3A_66, %dma_start3A_73] : memref<79x128xi32, #tpu.memory_space<vmem>> -> memref<1x128xi32, #tpu.memory_space<vmem>>
    %dma_start3A_75 = tpu.memref_squeeze %dma_start3A_74 : memref<1x128xi32, #tpu.memory_space<vmem>> -> memref<128xi32, #tpu.memory_space<vmem>>
    %dma_start3A_76 = arith.constant 0 : i32
    %dma_start3A_77 = arith.constant 0 : i32
    %dma_start3A_78 = tpu.memref_slice %arg2[%dma_start3A_76, %dma_start3A_77] : memref<10240x32xf32, #tpu.memory_space<hbm>> -> memref<10240x32xf32, #tpu.memory_space<hbm>>
    %dma_start3A_79 = tpu.memref_slice %arg16[%dma_start3A_68] : memref<12x!tpu.dma_semaphore, #tpu.memory_space<semaphore_mem>> -> memref<1x!tpu.dma_semaphore, #tpu.memory_space<semaphore_mem>>
    %dma_start3A_80 = tpu.memref_squeeze %dma_start3A_79 : memref<1x!tpu.dma_semaphore, #tpu.memory_space<semaphore_mem>> -> memref<!tpu.dma_semaphore, #tpu.memory_space<semaphore_mem>>
    tpu.enqueue_indirect_dma source(%dma_start3A_78 : memref<10240x32xf32, #tpu.memory_space<hbm>>) target(%dma_start3A_72 : memref<128x32xf32, #tpu.memory_space<vmem>>) offsets(%dma_start3A_75 : memref<128xi32, #tpu.memory_space<vmem>>) semaphore(%dma_start3A_80 : memref<!tpu.dma_semaphore, #tpu.memory_space<semaphore_mem>>)
    %dma_start3A_81 = arith.constant 5 : i32
    %dma_start3A_82 = arith.constant 5 : i32
    %dma_start3A_83 = arith.constant 5 : i32
    %dma_start3A_84 = arith.constant 0 : i32
    %dma_start3A_85 = arith.constant 0 : i32
    %dma_start3A_86 = tpu.memref_slice %arg15[%dma_start3A_82, %dma_start3A_84, %dma_start3A_85] : memref<12x128x32xf32, #tpu.memory_space<vmem>> -> memref<1x128x32xf32, #tpu.memory_space<vmem>>
    %dma_start3A_87 = tpu.memref_squeeze %dma_start3A_86 : memref<1x128x32xf32, #tpu.memory_space<vmem>> -> memref<128x32xf32, #tpu.memory_space<vmem>>
    %dma_start3A_88 = arith.constant 0 : i32
    %dma_start3A_89 = tpu.memref_slice %arg13[%dma_start3A_81, %dma_start3A_88] : memref<79x128xi32, #tpu.memory_space<vmem>> -> memref<1x128xi32, #tpu.memory_space<vmem>>
    %dma_start3A_90 = tpu.memref_squeeze %dma_start3A_89 : memref<1x128xi32, #tpu.memory_space<vmem>> -> memref<128xi32, #tpu.memory_space<vmem>>
    %dma_start3A_91 = arith.constant 0 : i32
    %dma_start3A_92 = arith.constant 0 : i32
    %dma_start3A_93 = tpu.memref_slice %arg2[%dma_start3A_91, %dma_start3A_92] : memref<10240x32xf32, #tpu.memory_space<hbm>> -> memref<10240x32xf32, #tpu.memory_space<hbm>>
    %dma_start3A_94 = tpu.memref_slice %arg16[%dma_start3A_83] : memref<12x!tpu.dma_semaphore, #tpu.memory_space<semaphore_mem>> -> memref<1x!tpu.dma_semaphore, #tpu.memory_space<semaphore_mem>>
    %dma_start3A_95 = tpu.memref_squeeze %dma_start3A_94 : memref<1x!tpu.dma_semaphore, #tpu.memory_space<semaphore_mem>> -> memref<!tpu.dma_semaphore, #tpu.memory_space<semaphore_mem>>
    tpu.enqueue_indirect_dma source(%dma_start3A_93 : memref<10240x32xf32, #tpu.memory_space<hbm>>) target(%dma_start3A_87 : memref<128x32xf32, #tpu.memory_space<vmem>>) offsets(%dma_start3A_90 : memref<128xi32, #tpu.memory_space<vmem>>) semaphore(%dma_start3A_95 : memref<!tpu.dma_semaphore, #tpu.memory_space<semaphore_mem>>)
    %scan3A = arith.constant 0 : i32
    %scan3A_96 = arith.constant 0 : i32
    %scan3A_97 = arith.constant 79 : i32
    %scan3A_98 = arith.addi %scan3A_96, %scan3A_97 : i32
    %scan3A_99 = arith.constant 1 : i32
    scf.for %scan3A_291 = %scan3A_96 to %scan3A_98 step %scan3A_99  : i32 {
      %jit3A = arith.constant 12 : i32
      %eq3A = arith.constant 0 : i32
      %eq3A_292 = arith.cmpi eq, %jit3A, %eq3A : i32
      %jit3A_293 = arith.constant 1 : i32
      %select_n3A = arith.select %eq3A_292, %jit3A_293, %jit3A : i32
      %rem3A = arith.remsi %scan3A_291, %select_n3A : i32
      %ne3A = arith.constant 0 : i32
      %ne3A_294 = arith.cmpi ne, %rem3A, %ne3A : i32
      %lt3A = arith.constant 0 : i32
      %lt3A_295 = arith.cmpi slt, %rem3A, %lt3A : i32
      %lt3A_296 = arith.constant 0 : i32
      %lt3A_297 = arith.cmpi slt, %select_n3A, %lt3A_296 : i32
      %ne3A_298 = arith.xori %lt3A_295, %lt3A_297 : i1
      %and3A = arith.andi %ne3A_298, %ne3A_294 : i1
      %add3A_299 = arith.addi %rem3A, %select_n3A : i32
      %select_n3A_300 = arith.select %and3A, %add3A_299, %rem3A : i32
      %add3A_301 = arith.constant 6 : i32
      %add3A_302 = arith.addi %scan3A_291, %add3A_301 : i32
      %lt3A_303 = arith.constant 79 : i32
      %lt3A_304 = arith.cmpi slt, %add3A_302, %lt3A_303 : i32
      %ge3A = arith.constant 6 : i32
      %ge3A_305 = arith.cmpi sge, %scan3A_291, %ge3A : i32
      %and3A_306 = arith.andi %lt3A_304, %ge3A_305 : i1
      %convert_element_type3A = arith.extui %and3A_306 : i1 to i32
      %cond3A = arith.constant 0 : i32
      %cond3A_307 = arith.cmpi ne, %convert_element_type3A, %cond3A : i32
      scf.if %cond3A_307 {
        %jit3A_337 = arith.constant 12 : i32
        %eq3A_338 = arith.constant 0 : i32
        %eq3A_339 = arith.cmpi eq, %jit3A_337, %eq3A_338 : i32
        %jit3A_340 = arith.constant 1 : i32
        %select_n3A_341 = arith.select %eq3A_339, %jit3A_340, %jit3A_337 : i32
        %rem3A_342 = arith.remsi %add3A_302, %select_n3A_341 : i32
        %ne3A_343 = arith.constant 0 : i32
        %ne3A_344 = arith.cmpi ne, %rem3A_342, %ne3A_343 : i32
        %lt3A_345 = arith.constant 0 : i32
        %lt3A_346 = arith.cmpi slt, %rem3A_342, %lt3A_345 : i32
        %lt3A_347 = arith.constant 0 : i32
        %lt3A_348 = arith.cmpi slt, %select_n3A_341, %lt3A_347 : i32
        %ne3A_349 = arith.xori %lt3A_346, %lt3A_348 : i1
        %and3A_350 = arith.andi %ne3A_349, %ne3A_344 : i1
        %add3A_351 = arith.addi %rem3A_342, %select_n3A_341 : i32
        %select_n3A_352 = arith.select %and3A_350, %add3A_351, %rem3A_342 : i32
        %jit3A_353 = arith.constant 12 : i32
        %eq3A_354 = arith.constant 0 : i32
        %eq3A_355 = arith.cmpi eq, %jit3A_353, %eq3A_354 : i32
        %jit3A_356 = arith.constant 1 : i32
        %select_n3A_357 = arith.select %eq3A_355, %jit3A_356, %jit3A_353 : i32
        %rem3A_358 = arith.remsi %add3A_302, %select_n3A_357 : i32
        %ne3A_359 = arith.constant 0 : i32
        %ne3A_360 = arith.cmpi ne, %rem3A_358, %ne3A_359 : i32
        %lt3A_361 = arith.constant 0 : i32
        %lt3A_362 = arith.cmpi slt, %rem3A_358, %lt3A_361 : i32
        %lt3A_363 = arith.constant 0 : i32
        %lt3A_364 = arith.cmpi slt, %select_n3A_357, %lt3A_363 : i32
        %ne3A_365 = arith.xori %lt3A_362, %lt3A_364 : i1
        %and3A_366 = arith.andi %ne3A_365, %ne3A_360 : i1
        %add3A_367 = arith.addi %rem3A_358, %select_n3A_357 : i32
        %select_n3A_368 = arith.select %and3A_366, %add3A_367, %rem3A_358 : i32
        %dma_wait3A_369 = arith.constant 0 : i32
        %dma_wait3A_370 = arith.constant 0 : i32
        %dma_wait3A_371 = tpu.memref_slice %arg15[%select_n3A_352, %dma_wait3A_369, %dma_wait3A_370] : memref<12x128x32xf32, #tpu.memory_space<vmem>> -> memref<1x128x32xf32, #tpu.memory_space<vmem>>
        %dma_wait3A_372 = tpu.memref_squeeze %dma_wait3A_371 : memref<1x128x32xf32, #tpu.memory_space<vmem>> -> memref<128x32xf32, #tpu.memory_space<vmem>>
        %dma_wait3A_373 = arith.constant 0 : i32
        %dma_wait3A_374 = tpu.memref_slice %arg14[%scan3A_291, %dma_wait3A_373] : memref<79x128xi32, #tpu.memory_space<vmem>> -> memref<1x128xi32, #tpu.memory_space<vmem>>
        %dma_wait3A_375 = tpu.memref_squeeze %dma_wait3A_374 : memref<1x128xi32, #tpu.memory_space<vmem>> -> memref<128xi32, #tpu.memory_space<vmem>>
        %dma_wait3A_376 = arith.constant 0 : i32
        %dma_wait3A_377 = arith.constant 0 : i32
        %dma_wait3A_378 = tpu.memref_slice %arg22[%dma_wait3A_376, %dma_wait3A_377] : memref<10240x32xf32, #tpu.memory_space<vmem_shared>> -> memref<10240x32xf32, #tpu.memory_space<vmem_shared>>
        %dma_wait3A_379 = tpu.memref_slice %arg17[%select_n3A_368] : memref<12x!tpu.dma_semaphore, #tpu.memory_space<semaphore_mem>> -> memref<1x!tpu.dma_semaphore, #tpu.memory_space<semaphore_mem>>
        %dma_wait3A_380 = tpu.memref_squeeze %dma_wait3A_379 : memref<1x!tpu.dma_semaphore, #tpu.memory_space<semaphore_mem>> -> memref<!tpu.dma_semaphore, #tpu.memory_space<semaphore_mem>>
        tpu.wait_indirect_dma semaphore(%dma_wait3A_380 : memref<!tpu.dma_semaphore, #tpu.memory_space<semaphore_mem>>) src(%dma_wait3A_372 : memref<128x32xf32, #tpu.memory_space<vmem>>) dst(%dma_wait3A_378 : memref<10240x32xf32, #tpu.memory_space<vmem_shared>>)
      } else {
      }
      %lt3A_308 = arith.constant 79 : i32
      %lt3A_309 = arith.cmpi slt, %add3A_302, %lt3A_308 : i32
      %convert_element_type3A_310 = arith.extui %lt3A_309 : i1 to i32
      %cond3A_311 = arith.constant 0 : i32
      %cond3A_312 = arith.cmpi ne, %convert_element_type3A_310, %cond3A_311 : i32
      scf.if %cond3A_312 {
        %jit3A_337 = arith.constant 12 : i32
        %eq3A_338 = arith.constant 0 : i32
        %eq3A_339 = arith.cmpi eq, %jit3A_337, %eq3A_338 : i32
        %jit3A_340 = arith.constant 1 : i32
        %select_n3A_341 = arith.select %eq3A_339, %jit3A_340, %jit3A_337 : i32
        %rem3A_342 = arith.remsi %add3A_302, %select_n3A_341 : i32
        %ne3A_343 = arith.constant 0 : i32
        %ne3A_344 = arith.cmpi ne, %rem3A_342, %ne3A_343 : i32
        %lt3A_345 = arith.constant 0 : i32
        %lt3A_346 = arith.cmpi slt, %rem3A_342, %lt3A_345 : i32
        %lt3A_347 = arith.constant 0 : i32
        %lt3A_348 = arith.cmpi slt, %select_n3A_341, %lt3A_347 : i32
        %ne3A_349 = arith.xori %lt3A_346, %lt3A_348 : i1
        %and3A_350 = arith.andi %ne3A_349, %ne3A_344 : i1
        %add3A_351 = arith.addi %rem3A_342, %select_n3A_341 : i32
        %select_n3A_352 = arith.select %and3A_350, %add3A_351, %rem3A_342 : i32
        %jit3A_353 = arith.constant 12 : i32
        %eq3A_354 = arith.constant 0 : i32
        %eq3A_355 = arith.cmpi eq, %jit3A_353, %eq3A_354 : i32
        %jit3A_356 = arith.constant 1 : i32
        %select_n3A_357 = arith.select %eq3A_355, %jit3A_356, %jit3A_353 : i32
        %rem3A_358 = arith.remsi %add3A_302, %select_n3A_357 : i32
        %ne3A_359 = arith.constant 0 : i32
        %ne3A_360 = arith.cmpi ne, %rem3A_358, %ne3A_359 : i32
        %lt3A_361 = arith.constant 0 : i32
        %lt3A_362 = arith.cmpi slt, %rem3A_358, %lt3A_361 : i32
        %lt3A_363 = arith.constant 0 : i32
        %lt3A_364 = arith.cmpi slt, %select_n3A_357, %lt3A_363 : i32
        %ne3A_365 = arith.xori %lt3A_362, %lt3A_364 : i1
        %and3A_366 = arith.andi %ne3A_365, %ne3A_360 : i1
        %add3A_367 = arith.addi %rem3A_358, %select_n3A_357 : i32
        %select_n3A_368 = arith.select %and3A_366, %add3A_367, %rem3A_358 : i32
        %dma_start3A_369 = arith.constant 0 : i32
        %dma_start3A_370 = arith.constant 0 : i32
        %dma_start3A_371 = tpu.memref_slice %arg15[%select_n3A_352, %dma_start3A_369, %dma_start3A_370] : memref<12x128x32xf32, #tpu.memory_space<vmem>> -> memref<1x128x32xf32, #tpu.memory_space<vmem>>
        %dma_start3A_372 = tpu.memref_squeeze %dma_start3A_371 : memref<1x128x32xf32, #tpu.memory_space<vmem>> -> memref<128x32xf32, #tpu.memory_space<vmem>>
        %dma_start3A_373 = arith.constant 0 : i32
        %dma_start3A_374 = tpu.memref_slice %arg13[%add3A_302, %dma_start3A_373] : memref<79x128xi32, #tpu.memory_space<vmem>> -> memref<1x128xi32, #tpu.memory_space<vmem>>
        %dma_start3A_375 = tpu.memref_squeeze %dma_start3A_374 : memref<1x128xi32, #tpu.memory_space<vmem>> -> memref<128xi32, #tpu.memory_space<vmem>>
        %dma_start3A_376 = arith.constant 0 : i32
        %dma_start3A_377 = arith.constant 0 : i32
        %dma_start3A_378 = tpu.memref_slice %arg2[%dma_start3A_376, %dma_start3A_377] : memref<10240x32xf32, #tpu.memory_space<hbm>> -> memref<10240x32xf32, #tpu.memory_space<hbm>>
        %dma_start3A_379 = tpu.memref_slice %arg16[%select_n3A_368] : memref<12x!tpu.dma_semaphore, #tpu.memory_space<semaphore_mem>> -> memref<1x!tpu.dma_semaphore, #tpu.memory_space<semaphore_mem>>
        %dma_start3A_380 = tpu.memref_squeeze %dma_start3A_379 : memref<1x!tpu.dma_semaphore, #tpu.memory_space<semaphore_mem>> -> memref<!tpu.dma_semaphore, #tpu.memory_space<semaphore_mem>>
        tpu.enqueue_indirect_dma source(%dma_start3A_378 : memref<10240x32xf32, #tpu.memory_space<hbm>>) target(%dma_start3A_372 : memref<128x32xf32, #tpu.memory_space<vmem>>) offsets(%dma_start3A_375 : memref<128xi32, #tpu.memory_space<vmem>>) semaphore(%dma_start3A_380 : memref<!tpu.dma_semaphore, #tpu.memory_space<semaphore_mem>>)
      } else {
      }
      %dma_wait3A_313 = arith.constant 0 : i32
      %dma_wait3A_314 = arith.constant 0 : i32
      %dma_wait3A_315 = tpu.memref_slice %arg15[%select_n3A_300, %dma_wait3A_313, %dma_wait3A_314] : memref<12x128x32xf32, #tpu.memory_space<vmem>> -> memref<1x128x32xf32, #tpu.memory_space<vmem>>
      %dma_wait3A_316 = tpu.memref_squeeze %dma_wait3A_315 : memref<1x128x32xf32, #tpu.memory_space<vmem>> -> memref<128x32xf32, #tpu.memory_space<vmem>>
      %dma_wait3A_317 = arith.constant 0 : i32
      %dma_wait3A_318 = tpu.memref_slice %arg13[%scan3A_291, %dma_wait3A_317] : memref<79x128xi32, #tpu.memory_space<vmem>> -> memref<1x128xi32, #tpu.memory_space<vmem>>
      %dma_wait3A_319 = tpu.memref_squeeze %dma_wait3A_318 : memref<1x128xi32, #tpu.memory_space<vmem>> -> memref<128xi32, #tpu.memory_space<vmem>>
      %dma_wait3A_320 = arith.constant 0 : i32
      %dma_wait3A_321 = arith.constant 0 : i32
      %dma_wait3A_322 = tpu.memref_slice %arg2[%dma_wait3A_320, %dma_wait3A_321] : memref<10240x32xf32, #tpu.memory_space<hbm>> -> memref<10240x32xf32, #tpu.memory_space<hbm>>
      %dma_wait3A_323 = tpu.memref_slice %arg16[%select_n3A_300] : memref<12x!tpu.dma_semaphore, #tpu.memory_space<semaphore_mem>> -> memref<1x!tpu.dma_semaphore, #tpu.memory_space<semaphore_mem>>
      %dma_wait3A_324 = tpu.memref_squeeze %dma_wait3A_323 : memref<1x!tpu.dma_semaphore, #tpu.memory_space<semaphore_mem>> -> memref<!tpu.dma_semaphore, #tpu.memory_space<semaphore_mem>>
      tpu.wait_indirect_dma semaphore(%dma_wait3A_324 : memref<!tpu.dma_semaphore, #tpu.memory_space<semaphore_mem>>) src(%dma_wait3A_322 : memref<10240x32xf32, #tpu.memory_space<hbm>>) dst(%dma_wait3A_316 : memref<128x32xf32, #tpu.memory_space<vmem>>)
      %dma_start3A_325 = arith.constant 0 : i32
      %dma_start3A_326 = arith.constant 0 : i32
      %dma_start3A_327 = tpu.memref_slice %arg15[%select_n3A_300, %dma_start3A_325, %dma_start3A_326] : memref<12x128x32xf32, #tpu.memory_space<vmem>> -> memref<1x128x32xf32, #tpu.memory_space<vmem>>
      %dma_start3A_328 = tpu.memref_squeeze %dma_start3A_327 : memref<1x128x32xf32, #tpu.memory_space<vmem>> -> memref<128x32xf32, #tpu.memory_space<vmem>>
      %dma_start3A_329 = arith.constant 0 : i32
      %dma_start3A_330 = tpu.memref_slice %arg14[%scan3A_291, %dma_start3A_329] : memref<79x128xi32, #tpu.memory_space<vmem>> -> memref<1x128xi32, #tpu.memory_space<vmem>>
      %dma_start3A_331 = tpu.memref_squeeze %dma_start3A_330 : memref<1x128xi32, #tpu.memory_space<vmem>> -> memref<128xi32, #tpu.memory_space<vmem>>
      %dma_start3A_332 = arith.constant 0 : i32
      %dma_start3A_333 = arith.constant 0 : i32
      %dma_start3A_334 = tpu.memref_slice %arg22[%dma_start3A_332, %dma_start3A_333] : memref<10240x32xf32, #tpu.memory_space<vmem_shared>> -> memref<10240x32xf32, #tpu.memory_space<vmem_shared>>
      %dma_start3A_335 = tpu.memref_slice %arg17[%select_n3A_300] : memref<12x!tpu.dma_semaphore, #tpu.memory_space<semaphore_mem>> -> memref<1x!tpu.dma_semaphore, #tpu.memory_space<semaphore_mem>>
      %dma_start3A_336 = tpu.memref_squeeze %dma_start3A_335 : memref<1x!tpu.dma_semaphore, #tpu.memory_space<semaphore_mem>> -> memref<!tpu.dma_semaphore, #tpu.memory_space<semaphore_mem>>
      tpu.enqueue_indirect_dma source(%dma_start3A_328 : memref<128x32xf32, #tpu.memory_space<vmem>>) target(%dma_start3A_334 : memref<10240x32xf32, #tpu.memory_space<vmem_shared>>) offsets(%dma_start3A_331 : memref<128xi32, #tpu.memory_space<vmem>>) semaphore(%dma_start3A_336 : memref<!tpu.dma_semaphore, #tpu.memory_space<semaphore_mem>>) {add = true}
    }
    %scan3A_100 = arith.constant 79 : i32
    %dma_wait3A = arith.constant 7 : i32
    %dma_wait3A_101 = arith.constant 67 : i32
    %dma_wait3A_102 = arith.constant 7 : i32
    %dma_wait3A_103 = arith.constant 0 : i32
    %dma_wait3A_104 = arith.constant 0 : i32
    %dma_wait3A_105 = tpu.memref_slice %arg15[%dma_wait3A, %dma_wait3A_103, %dma_wait3A_104] : memref<12x128x32xf32, #tpu.memory_space<vmem>> -> memref<1x128x32xf32, #tpu.memory_space<vmem>>
    %dma_wait3A_106 = tpu.memref_squeeze %dma_wait3A_105 : memref<1x128x32xf32, #tpu.memory_space<vmem>> -> memref<128x32xf32, #tpu.memory_space<vmem>>
    %dma_wait3A_107 = arith.constant 0 : i32
    %dma_wait3A_108 = tpu.memref_slice %arg14[%dma_wait3A_101, %dma_wait3A_107] : memref<79x128xi32, #tpu.memory_space<vmem>> -> memref<1x128xi32, #tpu.memory_space<vmem>>
    %dma_wait3A_109 = tpu.memref_squeeze %dma_wait3A_108 : memref<1x128xi32, #tpu.memory_space<vmem>> -> memref<128xi32, #tpu.memory_space<vmem>>
    %dma_wait3A_110 = arith.constant 0 : i32
    %dma_wait3A_111 = arith.constant 0 : i32
    %dma_wait3A_112 = tpu.memref_slice %arg22[%dma_wait3A_110, %dma_wait3A_111] : memref<10240x32xf32, #tpu.memory_space<vmem_shared>> -> memref<10240x32xf32, #tpu.memory_space<vmem_shared>>
    %dma_wait3A_113 = tpu.memref_slice %arg17[%dma_wait3A_102] : memref<12x!tpu.dma_semaphore, #tpu.memory_space<semaphore_mem>> -> memref<1x!tpu.dma_semaphore, #tpu.memory_space<semaphore_mem>>
    %dma_wait3A_114 = tpu.memref_squeeze %dma_wait3A_113 : memref<1x!tpu.dma_semaphore, #tpu.memory_space<semaphore_mem>> -> memref<!tpu.dma_semaphore, #tpu.memory_space<semaphore_mem>>
    tpu.wait_indirect_dma semaphore(%dma_wait3A_114 : memref<!tpu.dma_semaphore, #tpu.memory_space<semaphore_mem>>) src(%dma_wait3A_106 : memref<128x32xf32, #tpu.memory_space<vmem>>) dst(%dma_wait3A_112 : memref<10240x32xf32, #tpu.memory_space<vmem_shared>>)
    %dma_wait3A_115 = arith.constant 8 : i32
    %dma_wait3A_116 = arith.constant 68 : i32
    %dma_wait3A_117 = arith.constant 8 : i32
    %dma_wait3A_118 = arith.constant 0 : i32
    %dma_wait3A_119 = arith.constant 0 : i32
    %dma_wait3A_120 = tpu.memref_slice %arg15[%dma_wait3A_115, %dma_wait3A_118, %dma_wait3A_119] : memref<12x128x32xf32, #tpu.memory_space<vmem>> -> memref<1x128x32xf32, #tpu.memory_space<vmem>>
    %dma_wait3A_121 = tpu.memref_squeeze %dma_wait3A_120 : memref<1x128x32xf32, #tpu.memory_space<vmem>> -> memref<128x32xf32, #tpu.memory_space<vmem>>
    %dma_wait3A_122 = arith.constant 0 : i32
    %dma_wait3A_123 = tpu.memref_slice %arg14[%dma_wait3A_116, %dma_wait3A_122] : memref<79x128xi32, #tpu.memory_space<vmem>> -> memref<1x128xi32, #tpu.memory_space<vmem>>
    %dma_wait3A_124 = tpu.memref_squeeze %dma_wait3A_123 : memref<1x128xi32, #tpu.memory_space<vmem>> -> memref<128xi32, #tpu.memory_space<vmem>>
    %dma_wait3A_125 = arith.constant 0 : i32
    %dma_wait3A_126 = arith.constant 0 : i32
    %dma_wait3A_127 = tpu.memref_slice %arg22[%dma_wait3A_125, %dma_wait3A_126] : memref<10240x32xf32, #tpu.memory_space<vmem_shared>> -> memref<10240x32xf32, #tpu.memory_space<vmem_shared>>
    %dma_wait3A_128 = tpu.memref_slice %arg17[%dma_wait3A_117] : memref<12x!tpu.dma_semaphore, #tpu.memory_space<semaphore_mem>> -> memref<1x!tpu.dma_semaphore, #tpu.memory_space<semaphore_mem>>
    %dma_wait3A_129 = tpu.memref_squeeze %dma_wait3A_128 : memref<1x!tpu.dma_semaphore, #tpu.memory_space<semaphore_mem>> -> memref<!tpu.dma_semaphore, #tpu.memory_space<semaphore_mem>>
    tpu.wait_indirect_dma semaphore(%dma_wait3A_129 : memref<!tpu.dma_semaphore, #tpu.memory_space<semaphore_mem>>) src(%dma_wait3A_121 : memref<128x32xf32, #tpu.memory_space<vmem>>) dst(%dma_wait3A_127 : memref<10240x32xf32, #tpu.memory_space<vmem_shared>>)
    %dma_wait3A_130 = arith.constant 9 : i32
    %dma_wait3A_131 = arith.constant 69 : i32
    %dma_wait3A_132 = arith.constant 9 : i32
    %dma_wait3A_133 = arith.constant 0 : i32
    %dma_wait3A_134 = arith.constant 0 : i32
    %dma_wait3A_135 = tpu.memref_slice %arg15[%dma_wait3A_130, %dma_wait3A_133, %dma_wait3A_134] : memref<12x128x32xf32, #tpu.memory_space<vmem>> -> memref<1x128x32xf32, #tpu.memory_space<vmem>>
    %dma_wait3A_136 = tpu.memref_squeeze %dma_wait3A_135 : memref<1x128x32xf32, #tpu.memory_space<vmem>> -> memref<128x32xf32, #tpu.memory_space<vmem>>
    %dma_wait3A_137 = arith.constant 0 : i32
    %dma_wait3A_138 = tpu.memref_slice %arg14[%dma_wait3A_131, %dma_wait3A_137] : memref<79x128xi32, #tpu.memory_space<vmem>> -> memref<1x128xi32, #tpu.memory_space<vmem>>
    %dma_wait3A_139 = tpu.memref_squeeze %dma_wait3A_138 : memref<1x128xi32, #tpu.memory_space<vmem>> -> memref<128xi32, #tpu.memory_space<vmem>>
    %dma_wait3A_140 = arith.constant 0 : i32
    %dma_wait3A_141 = arith.constant 0 : i32
    %dma_wait3A_142 = tpu.memref_slice %arg22[%dma_wait3A_140, %dma_wait3A_141] : memref<10240x32xf32, #tpu.memory_space<vmem_shared>> -> memref<10240x32xf32, #tpu.memory_space<vmem_shared>>
    %dma_wait3A_143 = tpu.memref_slice %arg17[%dma_wait3A_132] : memref<12x!tpu.dma_semaphore, #tpu.memory_space<semaphore_mem>> -> memref<1x!tpu.dma_semaphore, #tpu.memory_space<semaphore_mem>>
    %dma_wait3A_144 = tpu.memref_squeeze %dma_wait3A_143 : memref<1x!tpu.dma_semaphore, #tpu.memory_space<semaphore_mem>> -> memref<!tpu.dma_semaphore, #tpu.memory_space<semaphore_mem>>
    tpu.wait_indirect_dma semaphore(%dma_wait3A_144 : memref<!tpu.dma_semaphore, #tpu.memory_space<semaphore_mem>>) src(%dma_wait3A_136 : memref<128x32xf32, #tpu.memory_space<vmem>>) dst(%dma_wait3A_142 : memref<10240x32xf32, #tpu.memory_space<vmem_shared>>)
    %dma_wait3A_145 = arith.constant 10 : i32
    %dma_wait3A_146 = arith.constant 70 : i32
    %dma_wait3A_147 = arith.constant 10 : i32
    %dma_wait3A_148 = arith.constant 0 : i32
    %dma_wait3A_149 = arith.constant 0 : i32
    %dma_wait3A_150 = tpu.memref_slice %arg15[%dma_wait3A_145, %dma_wait3A_148, %dma_wait3A_149] : memref<12x128x32xf32, #tpu.memory_space<vmem>> -> memref<1x128x32xf32, #tpu.memory_space<vmem>>
    %dma_wait3A_151 = tpu.memref_squeeze %dma_wait3A_150 : memref<1x128x32xf32, #tpu.memory_space<vmem>> -> memref<128x32xf32, #tpu.memory_space<vmem>>
    %dma_wait3A_152 = arith.constant 0 : i32
    %dma_wait3A_153 = tpu.memref_slice %arg14[%dma_wait3A_146, %dma_wait3A_152] : memref<79x128xi32, #tpu.memory_space<vmem>> -> memref<1x128xi32, #tpu.memory_space<vmem>>
    %dma_wait3A_154 = tpu.memref_squeeze %dma_wait3A_153 : memref<1x128xi32, #tpu.memory_space<vmem>> -> memref<128xi32, #tpu.memory_space<vmem>>
    %dma_wait3A_155 = arith.constant 0 : i32
    %dma_wait3A_156 = arith.constant 0 : i32
    %dma_wait3A_157 = tpu.memref_slice %arg22[%dma_wait3A_155, %dma_wait3A_156] : memref<10240x32xf32, #tpu.memory_space<vmem_shared>> -> memref<10240x32xf32, #tpu.memory_space<vmem_shared>>
    %dma_wait3A_158 = tpu.memref_slice %arg17[%dma_wait3A_147] : memref<12x!tpu.dma_semaphore, #tpu.memory_space<semaphore_mem>> -> memref<1x!tpu.dma_semaphore, #tpu.memory_space<semaphore_mem>>
    %dma_wait3A_159 = tpu.memref_squeeze %dma_wait3A_158 : memref<1x!tpu.dma_semaphore, #tpu.memory_space<semaphore_mem>> -> memref<!tpu.dma_semaphore, #tpu.memory_space<semaphore_mem>>
    tpu.wait_indirect_dma semaphore(%dma_wait3A_159 : memref<!tpu.dma_semaphore, #tpu.memory_space<semaphore_mem>>) src(%dma_wait3A_151 : memref<128x32xf32, #tpu.memory_space<vmem>>) dst(%dma_wait3A_157 : memref<10240x32xf32, #tpu.memory_space<vmem_shared>>)
    %dma_wait3A_160 = arith.constant 11 : i32
    %dma_wait3A_161 = arith.constant 71 : i32
    %dma_wait3A_162 = arith.constant 11 : i32
    %dma_wait3A_163 = arith.constant 0 : i32
    %dma_wait3A_164 = arith.constant 0 : i32
    %dma_wait3A_165 = tpu.memref_slice %arg15[%dma_wait3A_160, %dma_wait3A_163, %dma_wait3A_164] : memref<12x128x32xf32, #tpu.memory_space<vmem>> -> memref<1x128x32xf32, #tpu.memory_space<vmem>>
    %dma_wait3A_166 = tpu.memref_squeeze %dma_wait3A_165 : memref<1x128x32xf32, #tpu.memory_space<vmem>> -> memref<128x32xf32, #tpu.memory_space<vmem>>
    %dma_wait3A_167 = arith.constant 0 : i32
    %dma_wait3A_168 = tpu.memref_slice %arg14[%dma_wait3A_161, %dma_wait3A_167] : memref<79x128xi32, #tpu.memory_space<vmem>> -> memref<1x128xi32, #tpu.memory_space<vmem>>
    %dma_wait3A_169 = tpu.memref_squeeze %dma_wait3A_168 : memref<1x128xi32, #tpu.memory_space<vmem>> -> memref<128xi32, #tpu.memory_space<vmem>>
    %dma_wait3A_170 = arith.constant 0 : i32
    %dma_wait3A_171 = arith.constant 0 : i32
    %dma_wait3A_172 = tpu.memref_slice %arg22[%dma_wait3A_170, %dma_wait3A_171] : memref<10240x32xf32, #tpu.memory_space<vmem_shared>> -> memref<10240x32xf32, #tpu.memory_space<vmem_shared>>
    %dma_wait3A_173 = tpu.memref_slice %arg17[%dma_wait3A_162] : memref<12x!tpu.dma_semaphore, #tpu.memory_space<semaphore_mem>> -> memref<1x!tpu.dma_semaphore, #tpu.memory_space<semaphore_mem>>
    %dma_wait3A_174 = tpu.memref_squeeze %dma_wait3A_173 : memref<1x!tpu.dma_semaphore, #tpu.memory_space<semaphore_mem>> -> memref<!tpu.dma_semaphore, #tpu.memory_space<semaphore_mem>>
    tpu.wait_indirect_dma semaphore(%dma_wait3A_174 : memref<!tpu.dma_semaphore, #tpu.memory_space<semaphore_mem>>) src(%dma_wait3A_166 : memref<128x32xf32, #tpu.memory_space<vmem>>) dst(%dma_wait3A_172 : memref<10240x32xf32, #tpu.memory_space<vmem_shared>>)
    %dma_wait3A_175 = arith.constant 0 : i32
    %dma_wait3A_176 = arith.constant 72 : i32
    %dma_wait3A_177 = arith.constant 0 : i32
    %dma_wait3A_178 = arith.constant 0 : i32
    %dma_wait3A_179 = arith.constant 0 : i32
    %dma_wait3A_180 = tpu.memref_slice %arg15[%dma_wait3A_175, %dma_wait3A_178, %dma_wait3A_179] : memref<12x128x32xf32, #tpu.memory_space<vmem>> -> memref<1x128x32xf32, #tpu.memory_space<vmem>>
    %dma_wait3A_181 = tpu.memref_squeeze %dma_wait3A_180 : memref<1x128x32xf32, #tpu.memory_space<vmem>> -> memref<128x32xf32, #tpu.memory_space<vmem>>
    %dma_wait3A_182 = arith.constant 0 : i32
    %dma_wait3A_183 = tpu.memref_slice %arg14[%dma_wait3A_176, %dma_wait3A_182] : memref<79x128xi32, #tpu.memory_space<vmem>> -> memref<1x128xi32, #tpu.memory_space<vmem>>
    %dma_wait3A_184 = tpu.memref_squeeze %dma_wait3A_183 : memref<1x128xi32, #tpu.memory_space<vmem>> -> memref<128xi32, #tpu.memory_space<vmem>>
    %dma_wait3A_185 = arith.constant 0 : i32
    %dma_wait3A_186 = arith.constant 0 : i32
    %dma_wait3A_187 = tpu.memref_slice %arg22[%dma_wait3A_185, %dma_wait3A_186] : memref<10240x32xf32, #tpu.memory_space<vmem_shared>> -> memref<10240x32xf32, #tpu.memory_space<vmem_shared>>
    %dma_wait3A_188 = tpu.memref_slice %arg17[%dma_wait3A_177] : memref<12x!tpu.dma_semaphore, #tpu.memory_space<semaphore_mem>> -> memref<1x!tpu.dma_semaphore, #tpu.memory_space<semaphore_mem>>
    %dma_wait3A_189 = tpu.memref_squeeze %dma_wait3A_188 : memref<1x!tpu.dma_semaphore, #tpu.memory_space<semaphore_mem>> -> memref<!tpu.dma_semaphore, #tpu.memory_space<semaphore_mem>>
    tpu.wait_indirect_dma semaphore(%dma_wait3A_189 : memref<!tpu.dma_semaphore, #tpu.memory_space<semaphore_mem>>) src(%dma_wait3A_181 : memref<128x32xf32, #tpu.memory_space<vmem>>) dst(%dma_wait3A_187 : memref<10240x32xf32, #tpu.memory_space<vmem_shared>>)
    %dma_wait3A_190 = arith.constant 1 : i32
    %dma_wait3A_191 = arith.constant 73 : i32
    %dma_wait3A_192 = arith.constant 1 : i32
    %dma_wait3A_193 = arith.constant 0 : i32
    %dma_wait3A_194 = arith.constant 0 : i32
    %dma_wait3A_195 = tpu.memref_slice %arg15[%dma_wait3A_190, %dma_wait3A_193, %dma_wait3A_194] : memref<12x128x32xf32, #tpu.memory_space<vmem>> -> memref<1x128x32xf32, #tpu.memory_space<vmem>>
    %dma_wait3A_196 = tpu.memref_squeeze %dma_wait3A_195 : memref<1x128x32xf32, #tpu.memory_space<vmem>> -> memref<128x32xf32, #tpu.memory_space<vmem>>
    %dma_wait3A_197 = arith.constant 0 : i32
    %dma_wait3A_198 = tpu.memref_slice %arg14[%dma_wait3A_191, %dma_wait3A_197] : memref<79x128xi32, #tpu.memory_space<vmem>> -> memref<1x128xi32, #tpu.memory_space<vmem>>
    %dma_wait3A_199 = tpu.memref_squeeze %dma_wait3A_198 : memref<1x128xi32, #tpu.memory_space<vmem>> -> memref<128xi32, #tpu.memory_space<vmem>>
    %dma_wait3A_200 = arith.constant 0 : i32
    %dma_wait3A_201 = arith.constant 0 : i32
    %dma_wait3A_202 = tpu.memref_slice %arg22[%dma_wait3A_200, %dma_wait3A_201] : memref<10240x32xf32, #tpu.memory_space<vmem_shared>> -> memref<10240x32xf32, #tpu.memory_space<vmem_shared>>
    %dma_wait3A_203 = tpu.memref_slice %arg17[%dma_wait3A_192] : memref<12x!tpu.dma_semaphore, #tpu.memory_space<semaphore_mem>> -> memref<1x!tpu.dma_semaphore, #tpu.memory_space<semaphore_mem>>
    %dma_wait3A_204 = tpu.memref_squeeze %dma_wait3A_203 : memref<1x!tpu.dma_semaphore, #tpu.memory_space<semaphore_mem>> -> memref<!tpu.dma_semaphore, #tpu.memory_space<semaphore_mem>>
    tpu.wait_indirect_dma semaphore(%dma_wait3A_204 : memref<!tpu.dma_semaphore, #tpu.memory_space<semaphore_mem>>) src(%dma_wait3A_196 : memref<128x32xf32, #tpu.memory_space<vmem>>) dst(%dma_wait3A_202 : memref<10240x32xf32, #tpu.memory_space<vmem_shared>>)
    %dma_wait3A_205 = arith.constant 2 : i32
    %dma_wait3A_206 = arith.constant 74 : i32
    %dma_wait3A_207 = arith.constant 2 : i32
    %dma_wait3A_208 = arith.constant 0 : i32
    %dma_wait3A_209 = arith.constant 0 : i32
    %dma_wait3A_210 = tpu.memref_slice %arg15[%dma_wait3A_205, %dma_wait3A_208, %dma_wait3A_209] : memref<12x128x32xf32, #tpu.memory_space<vmem>> -> memref<1x128x32xf32, #tpu.memory_space<vmem>>
    %dma_wait3A_211 = tpu.memref_squeeze %dma_wait3A_210 : memref<1x128x32xf32, #tpu.memory_space<vmem>> -> memref<128x32xf32, #tpu.memory_space<vmem>>
    %dma_wait3A_212 = arith.constant 0 : i32
    %dma_wait3A_213 = tpu.memref_slice %arg14[%dma_wait3A_206, %dma_wait3A_212] : memref<79x128xi32, #tpu.memory_space<vmem>> -> memref<1x128xi32, #tpu.memory_space<vmem>>
    %dma_wait3A_214 = tpu.memref_squeeze %dma_wait3A_213 : memref<1x128xi32, #tpu.memory_space<vmem>> -> memref<128xi32, #tpu.memory_space<vmem>>
    %dma_wait3A_215 = arith.constant 0 : i32
    %dma_wait3A_216 = arith.constant 0 : i32
    %dma_wait3A_217 = tpu.memref_slice %arg22[%dma_wait3A_215, %dma_wait3A_216] : memref<10240x32xf32, #tpu.memory_space<vmem_shared>> -> memref<10240x32xf32, #tpu.memory_space<vmem_shared>>
    %dma_wait3A_218 = tpu.memref_slice %arg17[%dma_wait3A_207] : memref<12x!tpu.dma_semaphore, #tpu.memory_space<semaphore_mem>> -> memref<1x!tpu.dma_semaphore, #tpu.memory_space<semaphore_mem>>
    %dma_wait3A_219 = tpu.memref_squeeze %dma_wait3A_218 : memref<1x!tpu.dma_semaphore, #tpu.memory_space<semaphore_mem>> -> memref<!tpu.dma_semaphore, #tpu.memory_space<semaphore_mem>>
    tpu.wait_indirect_dma semaphore(%dma_wait3A_219 : memref<!tpu.dma_semaphore, #tpu.memory_space<semaphore_mem>>) src(%dma_wait3A_211 : memref<128x32xf32, #tpu.memory_space<vmem>>) dst(%dma_wait3A_217 : memref<10240x32xf32, #tpu.memory_space<vmem_shared>>)
    %dma_wait3A_220 = arith.constant 3 : i32
    %dma_wait3A_221 = arith.constant 75 : i32
    %dma_wait3A_222 = arith.constant 3 : i32
    %dma_wait3A_223 = arith.constant 0 : i32
    %dma_wait3A_224 = arith.constant 0 : i32
    %dma_wait3A_225 = tpu.memref_slice %arg15[%dma_wait3A_220, %dma_wait3A_223, %dma_wait3A_224] : memref<12x128x32xf32, #tpu.memory_space<vmem>> -> memref<1x128x32xf32, #tpu.memory_space<vmem>>
    %dma_wait3A_226 = tpu.memref_squeeze %dma_wait3A_225 : memref<1x128x32xf32, #tpu.memory_space<vmem>> -> memref<128x32xf32, #tpu.memory_space<vmem>>
    %dma_wait3A_227 = arith.constant 0 : i32
    %dma_wait3A_228 = tpu.memref_slice %arg14[%dma_wait3A_221, %dma_wait3A_227] : memref<79x128xi32, #tpu.memory_space<vmem>> -> memref<1x128xi32, #tpu.memory_space<vmem>>
    %dma_wait3A_229 = tpu.memref_squeeze %dma_wait3A_228 : memref<1x128xi32, #tpu.memory_space<vmem>> -> memref<128xi32, #tpu.memory_space<vmem>>
    %dma_wait3A_230 = arith.constant 0 : i32
    %dma_wait3A_231 = arith.constant 0 : i32
    %dma_wait3A_232 = tpu.memref_slice %arg22[%dma_wait3A_230, %dma_wait3A_231] : memref<10240x32xf32, #tpu.memory_space<vmem_shared>> -> memref<10240x32xf32, #tpu.memory_space<vmem_shared>>
    %dma_wait3A_233 = tpu.memref_slice %arg17[%dma_wait3A_222] : memref<12x!tpu.dma_semaphore, #tpu.memory_space<semaphore_mem>> -> memref<1x!tpu.dma_semaphore, #tpu.memory_space<semaphore_mem>>
    %dma_wait3A_234 = tpu.memref_squeeze %dma_wait3A_233 : memref<1x!tpu.dma_semaphore, #tpu.memory_space<semaphore_mem>> -> memref<!tpu.dma_semaphore, #tpu.memory_space<semaphore_mem>>
    tpu.wait_indirect_dma semaphore(%dma_wait3A_234 : memref<!tpu.dma_semaphore, #tpu.memory_space<semaphore_mem>>) src(%dma_wait3A_226 : memref<128x32xf32, #tpu.memory_space<vmem>>) dst(%dma_wait3A_232 : memref<10240x32xf32, #tpu.memory_space<vmem_shared>>)
    %dma_wait3A_235 = arith.constant 4 : i32
    %dma_wait3A_236 = arith.constant 76 : i32
    %dma_wait3A_237 = arith.constant 4 : i32
    %dma_wait3A_238 = arith.constant 0 : i32
    %dma_wait3A_239 = arith.constant 0 : i32
    %dma_wait3A_240 = tpu.memref_slice %arg15[%dma_wait3A_235, %dma_wait3A_238, %dma_wait3A_239] : memref<12x128x32xf32, #tpu.memory_space<vmem>> -> memref<1x128x32xf32, #tpu.memory_space<vmem>>
    %dma_wait3A_241 = tpu.memref_squeeze %dma_wait3A_240 : memref<1x128x32xf32, #tpu.memory_space<vmem>> -> memref<128x32xf32, #tpu.memory_space<vmem>>
    %dma_wait3A_242 = arith.constant 0 : i32
    %dma_wait3A_243 = tpu.memref_slice %arg14[%dma_wait3A_236, %dma_wait3A_242] : memref<79x128xi32, #tpu.memory_space<vmem>> -> memref<1x128xi32, #tpu.memory_space<vmem>>
    %dma_wait3A_244 = tpu.memref_squeeze %dma_wait3A_243 : memref<1x128xi32, #tpu.memory_space<vmem>> -> memref<128xi32, #tpu.memory_space<vmem>>
    %dma_wait3A_245 = arith.constant 0 : i32
    %dma_wait3A_246 = arith.constant 0 : i32
    %dma_wait3A_247 = tpu.memref_slice %arg22[%dma_wait3A_245, %dma_wait3A_246] : memref<10240x32xf32, #tpu.memory_space<vmem_shared>> -> memref<10240x32xf32, #tpu.memory_space<vmem_shared>>
    %dma_wait3A_248 = tpu.memref_slice %arg17[%dma_wait3A_237] : memref<12x!tpu.dma_semaphore, #tpu.memory_space<semaphore_mem>> -> memref<1x!tpu.dma_semaphore, #tpu.memory_space<semaphore_mem>>
    %dma_wait3A_249 = tpu.memref_squeeze %dma_wait3A_248 : memref<1x!tpu.dma_semaphore, #tpu.memory_space<semaphore_mem>> -> memref<!tpu.dma_semaphore, #tpu.memory_space<semaphore_mem>>
    tpu.wait_indirect_dma semaphore(%dma_wait3A_249 : memref<!tpu.dma_semaphore, #tpu.memory_space<semaphore_mem>>) src(%dma_wait3A_241 : memref<128x32xf32, #tpu.memory_space<vmem>>) dst(%dma_wait3A_247 : memref<10240x32xf32, #tpu.memory_space<vmem_shared>>)
    %dma_wait3A_250 = arith.constant 5 : i32
    %dma_wait3A_251 = arith.constant 77 : i32
    %dma_wait3A_252 = arith.constant 5 : i32
    %dma_wait3A_253 = arith.constant 0 : i32
    %dma_wait3A_254 = arith.constant 0 : i32
    %dma_wait3A_255 = tpu.memref_slice %arg15[%dma_wait3A_250, %dma_wait3A_253, %dma_wait3A_254] : memref<12x128x32xf32, #tpu.memory_space<vmem>> -> memref<1x128x32xf32, #tpu.memory_space<vmem>>
    %dma_wait3A_256 = tpu.memref_squeeze %dma_wait3A_255 : memref<1x128x32xf32, #tpu.memory_space<vmem>> -> memref<128x32xf32, #tpu.memory_space<vmem>>
    %dma_wait3A_257 = arith.constant 0 : i32
    %dma_wait3A_258 = tpu.memref_slice %arg14[%dma_wait3A_251, %dma_wait3A_257] : memref<79x128xi32, #tpu.memory_space<vmem>> -> memref<1x128xi32, #tpu.memory_space<vmem>>
    %dma_wait3A_259 = tpu.memref_squeeze %dma_wait3A_258 : memref<1x128xi32, #tpu.memory_space<vmem>> -> memref<128xi32, #tpu.memory_space<vmem>>
    %dma_wait3A_260 = arith.constant 0 : i32
    %dma_wait3A_261 = arith.constant 0 : i32
    %dma_wait3A_262 = tpu.memref_slice %arg22[%dma_wait3A_260, %dma_wait3A_261] : memref<10240x32xf32, #tpu.memory_space<vmem_shared>> -> memref<10240x32xf32, #tpu.memory_space<vmem_shared>>
    %dma_wait3A_263 = tpu.memref_slice %arg17[%dma_wait3A_252] : memref<12x!tpu.dma_semaphore, #tpu.memory_space<semaphore_mem>> -> memref<1x!tpu.dma_semaphore, #tpu.memory_space<semaphore_mem>>
    %dma_wait3A_264 = tpu.memref_squeeze %dma_wait3A_263 : memref<1x!tpu.dma_semaphore, #tpu.memory_space<semaphore_mem>> -> memref<!tpu.dma_semaphore, #tpu.memory_space<semaphore_mem>>
    tpu.wait_indirect_dma semaphore(%dma_wait3A_264 : memref<!tpu.dma_semaphore, #tpu.memory_space<semaphore_mem>>) src(%dma_wait3A_256 : memref<128x32xf32, #tpu.memory_space<vmem>>) dst(%dma_wait3A_262 : memref<10240x32xf32, #tpu.memory_space<vmem_shared>>)
    %dma_wait3A_265 = arith.constant 6 : i32
    %dma_wait3A_266 = arith.constant 78 : i32
    %dma_wait3A_267 = arith.constant 6 : i32
    %dma_wait3A_268 = arith.constant 0 : i32
    %dma_wait3A_269 = arith.constant 0 : i32
    %dma_wait3A_270 = tpu.memref_slice %arg15[%dma_wait3A_265, %dma_wait3A_268, %dma_wait3A_269] : memref<12x128x32xf32, #tpu.memory_space<vmem>> -> memref<1x128x32xf32, #tpu.memory_space<vmem>>
    %dma_wait3A_271 = tpu.memref_squeeze %dma_wait3A_270 : memref<1x128x32xf32, #tpu.memory_space<vmem>> -> memref<128x32xf32, #tpu.memory_space<vmem>>
    %dma_wait3A_272 = arith.constant 0 : i32
    %dma_wait3A_273 = tpu.memref_slice %arg14[%dma_wait3A_266, %dma_wait3A_272] : memref<79x128xi32, #tpu.memory_space<vmem>> -> memref<1x128xi32, #tpu.memory_space<vmem>>
    %dma_wait3A_274 = tpu.memref_squeeze %dma_wait3A_273 : memref<1x128xi32, #tpu.memory_space<vmem>> -> memref<128xi32, #tpu.memory_space<vmem>>
    %dma_wait3A_275 = arith.constant 0 : i32
    %dma_wait3A_276 = arith.constant 0 : i32
    %dma_wait3A_277 = tpu.memref_slice %arg22[%dma_wait3A_275, %dma_wait3A_276] : memref<10240x32xf32, #tpu.memory_space<vmem_shared>> -> memref<10240x32xf32, #tpu.memory_space<vmem_shared>>
    %dma_wait3A_278 = tpu.memref_slice %arg17[%dma_wait3A_267] : memref<12x!tpu.dma_semaphore, #tpu.memory_space<semaphore_mem>> -> memref<1x!tpu.dma_semaphore, #tpu.memory_space<semaphore_mem>>
    %dma_wait3A_279 = tpu.memref_squeeze %dma_wait3A_278 : memref<1x!tpu.dma_semaphore, #tpu.memory_space<semaphore_mem>> -> memref<!tpu.dma_semaphore, #tpu.memory_space<semaphore_mem>>
    tpu.wait_indirect_dma semaphore(%dma_wait3A_279 : memref<!tpu.dma_semaphore, #tpu.memory_space<semaphore_mem>>) src(%dma_wait3A_271 : memref<128x32xf32, #tpu.memory_space<vmem>>) dst(%dma_wait3A_277 : memref<10240x32xf32, #tpu.memory_space<vmem_shared>>)
    %iota3A = tpu.iota {dimensions = array<i32: 0>} : vector<16xi32>
    %scan3A_280 = arith.constant 0 : i32
    %scan3A_281 = arith.constant 0 : i32
    %scan3A_282 = arith.constant 320 : i32
    %scan3A_283 = arith.addi %scan3A_281, %scan3A_282 : i32
    %scan3A_284 = arith.constant 1 : i32
    scf.for %scan3A_291 = %scan3A_281 to %scan3A_283 step %scan3A_284  : i32 {
      %broadcast_in_dim3A = vector.broadcast %scan3A_291 : i32 to vector<16xi32>
      %gather3A = tpu.vector_load_idx %arg19[%broadcast_in_dim3A] : memref<384xi32, #tpu.memory_space<vmem>>[vector<16xi32>], vector<16xi32>,
      %mul3A_292 = arith.constant 32 : i32
      %mul3A_293 = arith.muli %scan3A_291, %mul3A_292 : i32
      %add3A_294 = vector.broadcast %mul3A_293 : i32 to vector<16xi32>
      %add3A_295 = arith.addi %add3A_294, %iota3A : vector<16xi32>
      %gather3A_296 = tpu.vector_load_idx %arg18[%add3A_295] : memref<10240xf32, #tpu.memory_space<vmem>>[vector<16xi32>], vector<16xf32>,
      %mul3A_297 = arith.constant 32 : i32
      %mul3A_298 = arith.muli %scan3A_291, %mul3A_297 : i32
      %add3A_299 = arith.constant 16 : i32
      %add3A_300 = arith.addi %mul3A_298, %add3A_299 : i32
      %add3A_301 = vector.broadcast %add3A_300 : i32 to vector<16xi32>
      %add3A_302 = arith.addi %add3A_301, %iota3A : vector<16xi32>
      %gather3A_303 = tpu.vector_load_idx %arg18[%add3A_302] : memref<10240xf32, #tpu.memory_space<vmem>>[vector<16xi32>], vector<16xf32>,
      %mul3A_304 = arith.constant 32 : i32
      %mul3A_305 = vector.broadcast %mul3A_304 : i32 to vector<16xi32>
      %mul3A_306 = arith.muli %gather3A, %mul3A_305 : vector<16xi32>
      %add3A_307 = arith.addi %mul3A_306, %iota3A : vector<16xi32>
      %add3A_308 = arith.constant 16 : i32
      %add3A_309 = vector.broadcast %add3A_308 : i32 to vector<16xi32>
      %add3A_310 = arith.addi %add3A_307, %add3A_309 : vector<16xi32>
      tpu.vector_store_idx %arg20[%add3A_307], %gather3A_296 {add = true} : memref<12288xf32, #tpu.memory_space<vmem>>[vector<16xi32>], vector<16xf32>,
      tpu.vector_store_idx %arg20[%add3A_310], %gather3A_303 {add = true} : memref<12288xf32, #tpu.memory_space<vmem>>[vector<16xi32>], vector<16xf32>,
      %gather3A_311 = tpu.vector_load_idx %arg21[%add3A_307] : memref<12288xf32, #tpu.memory_space<vmem>>[vector<16xi32>], vector<16xf32>,
      %max3A = arith.maximumf %gather3A_311, %gather3A_296 : vector<16xf32>
      tpu.vector_store_idx %arg21[%add3A_307], %max3A : memref<12288xf32, #tpu.memory_space<vmem>>[vector<16xi32>], vector<16xf32>,
      %gather3A_312 = tpu.vector_load_idx %arg21[%add3A_310] : memref<12288xf32, #tpu.memory_space<vmem>>[vector<16xi32>], vector<16xf32>,
      %max3A_313 = arith.maximumf %gather3A_312, %gather3A_303 : vector<16xf32>
      tpu.vector_store_idx %arg21[%add3A_310], %max3A_313 : memref<12288xf32, #tpu.memory_space<vmem>>[vector<16xi32>], vector<16xf32>,
    }
    %scan3A_285 = arith.constant 320 : i32
    %barrier3A_286 = arith.constant 0 : index
    tpu.barrier barrier_id(%barrier3A_286)
    %mul3A_287 = arith.constant 640 : i32
    %mul3A_288 = arith.muli %arg1, %mul3A_287 : i32
    %mul3A_289 = arith.constant 640 : i32
    %mul3A_290 = arith.muli %arg1, %mul3A_289 : i32
    "tpu.region"() ({
      %run_scoped3A = tpu.sem_alloc : memref<!tpu.dma_semaphore, #tpu.memory_space<semaphore_mem>>
      %dma_start3A_291 = arith.constant 0 : i32
      %dma_start3A_292 = tpu.memref_slice %arg10[%arg0, %mul3A_290, %dma_start3A_291] : memref<2x10240x32xf32, #tpu.memory_space<hbm>> -> memref<1x640x32xf32, #tpu.memory_space<hbm>>
      %dma_start3A_293 = tpu.memref_squeeze %dma_start3A_292 : memref<1x640x32xf32, #tpu.memory_space<hbm>> -> memref<640x32xf32, #tpu.memory_space<hbm>>
      %dma_start3A_294 = arith.constant 0 : i32
      %dma_start3A_295 = tpu.memref_slice %arg22[%mul3A_288, %dma_start3A_294] : memref<10240x32xf32, #tpu.memory_space<vmem_shared>> -> memref<640x32xf32, #tpu.memory_space<vmem_shared>>
      tpu.enqueue_dma source(%dma_start3A_295 : memref<640x32xf32, #tpu.memory_space<vmem_shared>>) target(%dma_start3A_293 : memref<640x32xf32, #tpu.memory_space<hbm>>) target_semaphore(%run_scoped3A : memref<!tpu.dma_semaphore, #tpu.memory_space<semaphore_mem>>)
      %dma_wait3A_296 = arith.constant 0 : i32
      %dma_wait3A_297 = tpu.memref_slice %arg10[%arg0, %mul3A_290, %dma_wait3A_296] : memref<2x10240x32xf32, #tpu.memory_space<hbm>> -> memref<1x640x32xf32, #tpu.memory_space<hbm>>
      %dma_wait3A_298 = tpu.memref_squeeze %dma_wait3A_297 : memref<1x640x32xf32, #tpu.memory_space<hbm>> -> memref<640x32xf32, #tpu.memory_space<hbm>>
      %dma_wait3A_299 = arith.constant 0 : i32
      %dma_wait3A_300 = tpu.memref_slice %arg22[%mul3A_288, %dma_wait3A_299] : memref<10240x32xf32, #tpu.memory_space<vmem_shared>> -> memref<640x32xf32, #tpu.memory_space<vmem_shared>>
      tpu.wait_dma2 semaphore(%run_scoped3A : memref<!tpu.dma_semaphore, #tpu.memory_space<semaphore_mem>>) src(%dma_wait3A_300 : memref<640x32xf32, #tpu.memory_space<vmem_shared>>) dst(%dma_wait3A_298 : memref<640x32xf32, #tpu.memory_space<hbm>>)
      tpu.yield
    }) : () -> ()
    "tpu.region"() ({
      %run_scoped3A = tpu.sem_alloc : memref<!tpu.dma_semaphore, #tpu.memory_space<semaphore_mem>>
      %dma_start3A_291 = arith.constant 0 : i32
      %dma_start3A_292 = tpu.memref_slice %arg11[%add3A, %dma_start3A_291] : memref<32x12288xf32, #tpu.memory_space<hbm>> -> memref<1x12288xf32, #tpu.memory_space<hbm>>
      %dma_start3A_293 = tpu.memref_squeeze %dma_start3A_292 : memref<1x12288xf32, #tpu.memory_space<hbm>> -> memref<12288xf32, #tpu.memory_space<hbm>>
      %dma_start3A_294 = arith.constant 0 : i32
      %dma_start3A_295 = tpu.memref_slice %arg11[%add3A, %dma_start3A_294] : memref<32x12288xf32, #tpu.memory_space<hbm>> -> memref<1x12288xf32, #tpu.memory_space<hbm>>
      %dma_start3A_296 = tpu.memref_squeeze %dma_start3A_295 : memref<1x12288xf32, #tpu.memory_space<hbm>> -> memref<12288xf32, #tpu.memory_space<hbm>>
      tpu.enqueue_dma source(%arg20 : memref<12288xf32, #tpu.memory_space<vmem>>) target(%dma_start3A_296 : memref<12288xf32, #tpu.memory_space<hbm>>) target_semaphore(%run_scoped3A : memref<!tpu.dma_semaphore, #tpu.memory_space<semaphore_mem>>)
      %dma_wait3A_297 = arith.constant 0 : i32
      %dma_wait3A_298 = tpu.memref_slice %arg11[%add3A, %dma_wait3A_297] : memref<32x12288xf32, #tpu.memory_space<hbm>> -> memref<1x12288xf32, #tpu.memory_space<hbm>>
      %dma_wait3A_299 = tpu.memref_squeeze %dma_wait3A_298 : memref<1x12288xf32, #tpu.memory_space<hbm>> -> memref<12288xf32, #tpu.memory_space<hbm>>
      %dma_wait3A_300 = arith.constant 0 : i32
      %dma_wait3A_301 = tpu.memref_slice %arg11[%add3A, %dma_wait3A_300] : memref<32x12288xf32, #tpu.memory_space<hbm>> -> memref<1x12288xf32, #tpu.memory_space<hbm>>
      %dma_wait3A_302 = tpu.memref_squeeze %dma_wait3A_301 : memref<1x12288xf32, #tpu.memory_space<hbm>> -> memref<12288xf32, #tpu.memory_space<hbm>>
      tpu.wait_dma2 semaphore(%run_scoped3A : memref<!tpu.dma_semaphore, #tpu.memory_space<semaphore_mem>>) src(%arg20 : memref<12288xf32, #tpu.memory_space<vmem>>) dst(%dma_wait3A_302 : memref<12288xf32, #tpu.memory_space<hbm>>)
      tpu.yield
    }) : () -> ()
    "tpu.region"() ({
      %run_scoped3A = tpu.sem_alloc : memref<!tpu.dma_semaphore, #tpu.memory_space<semaphore_mem>>
      %dma_start3A_291 = arith.constant 0 : i32
      %dma_start3A_292 = tpu.memref_slice %arg12[%add3A, %dma_start3A_291] : memref<32x12288xf32, #tpu.memory_space<hbm>> -> memref<1x12288xf32, #tpu.memory_space<hbm>>
      %dma_start3A_293 = tpu.memref_squeeze %dma_start3A_292 : memref<1x12288xf32, #tpu.memory_space<hbm>> -> memref<12288xf32, #tpu.memory_space<hbm>>
      %dma_start3A_294 = arith.constant 0 : i32
      %dma_start3A_295 = tpu.memref_slice %arg12[%add3A, %dma_start3A_294] : memref<32x12288xf32, #tpu.memory_space<hbm>> -> memref<1x12288xf32, #tpu.memory_space<hbm>>
      %dma_start3A_296 = tpu.memref_squeeze %dma_start3A_295 : memref<1x12288xf32, #tpu.memory_space<hbm>> -> memref<12288xf32, #tpu.memory_space<hbm>>
      tpu.enqueue_dma source(%arg21 : memref<12288xf32, #tpu.memory_space<vmem>>) target(%dma_start3A_296 : memref<12288xf32, #tpu.memory_space<hbm>>) target_semaphore(%run_scoped3A : memref<!tpu.dma_semaphore, #tpu.memory_space<semaphore_mem>>)
      %dma_wait3A_297 = arith.constant 0 : i32
      %dma_wait3A_298 = tpu.memref_slice %arg12[%add3A, %dma_wait3A_297] : memref<32x12288xf32, #tpu.memory_space<hbm>> -> memref<1x12288xf32, #tpu.memory_space<hbm>>
      %dma_wait3A_299 = tpu.memref_squeeze %dma_wait3A_298 : memref<1x12288xf32, #tpu.memory_space<hbm>> -> memref<12288xf32, #tpu.memory_space<hbm>>
      %dma_wait3A_300 = arith.constant 0 : i32
      %dma_wait3A_301 = tpu.memref_slice %arg12[%add3A, %dma_wait3A_300] : memref<32x12288xf32, #tpu.memory_space<hbm>> -> memref<1x12288xf32, #tpu.memory_space<hbm>>
      %dma_wait3A_302 = tpu.memref_squeeze %dma_wait3A_301 : memref<1x12288xf32, #tpu.memory_space<hbm>> -> memref<12288xf32, #tpu.memory_space<hbm>>
      tpu.wait_dma2 semaphore(%run_scoped3A : memref<!tpu.dma_semaphore, #tpu.memory_space<semaphore_mem>>) src(%arg21 : memref<12288xf32, #tpu.memory_space<vmem>>) dst(%dma_wait3A_302 : memref<12288xf32, #tpu.memory_space<hbm>>)
      tpu.yield
    }) : () -> ()
    return
  }
}

#map = affine_map<(d0, d1) -> (0, 0)>
#map1 = affine_map<(d0, d1) -> (0)>
module attributes {stable_mosaic.version = 14 : i64} {
  func.func @_pool3_body(%arg0: i32, %arg1: i32, %arg2: memref<2x327680xf32, #tpu.memory_space<hbm>>, %arg3: memref<327680xf32, #tpu.memory_space<hbm>>, %arg4: memref<32x384xf32, #tpu.memory_space<hbm>>, %arg5: memref<128xf32, #tpu.memory_space<hbm>>, %arg6: memref<32x384xi32, #tpu.memory_space<hbm>>, %arg7: memref<12288xf32, #tpu.memory_space<hbm>>, %arg8: memref<12288xf32, #tpu.memory_space<hbm>>, %arg9: memref<32x12288xf32, #tpu.memory_space<hbm>>, %arg10: memref<32x12288xf32, #tpu.memory_space<hbm>>, %arg11: memref<10240xf32, #tpu.memory_space<vmem>>, %arg12: memref<10240xf32, #tpu.memory_space<vmem>>, %arg13: memref<10240xf32, #tpu.memory_space<vmem>>, %arg14: memref<384xf32, #tpu.memory_space<vmem>>, %arg15: memref<128xf32, #tpu.memory_space<vmem>>, %arg16: memref<384xi32, #tpu.memory_space<vmem>>, %arg17: memref<12288xf32, #tpu.memory_space<vmem>>, %arg18: memref<12288xf32, #tpu.memory_space<vmem>>) attributes {dimension_semantics = [#tpu.dimension_semantics<core_parallel>, #tpu.dimension_semantics<subcore_parallel>], iteration_bounds = array<i64: 2, 16>, scalar_prefetch = 0 : i64, scratch_operands = 8 : i64, tpu.core_type = #tpu.core_type<sc_vector_subcore>, window_params = [{transform_indices = #map}, {transform_indices = #map1}, {transform_indices = #map}, {transform_indices = #map1}, {transform_indices = #map}, {transform_indices = #map1}, {transform_indices = #map1}, {transform_indices = #map}, {transform_indices = #map}]} {
    %mul3A = arith.constant 16 : i32
    %mul3A_0 = arith.muli %arg0, %mul3A : i32
    %add3A = arith.addi %mul3A_0, %arg1 : i32
    %mul3A_1 = arith.constant 320 : i32
    %mul3A_2 = arith.muli %add3A, %mul3A_1 : i32
    %mul3A_3 = arith.constant 32 : i32
    %mul3A_4 = arith.muli %mul3A_2, %mul3A_3 : i32
    %run_scoped3A = arith.constant 0 : i32
    "tpu.region"() ({
      %run_scoped3A_16 = tpu.sem_alloc : memref<!tpu.dma_semaphore, #tpu.memory_space<semaphore_mem>>
      %dma_start3A = tpu.memref_slice %arg2[%run_scoped3A, %mul3A_4] : memref<2x327680xf32, #tpu.memory_space<hbm>> -> memref<1x10240xf32, #tpu.memory_space<hbm>>
      %dma_start3A_17 = tpu.memref_squeeze %dma_start3A : memref<1x10240xf32, #tpu.memory_space<hbm>> -> memref<10240xf32, #tpu.memory_space<hbm>>
      %dma_start3A_18 = tpu.memref_slice %arg2[%run_scoped3A, %mul3A_4] : memref<2x327680xf32, #tpu.memory_space<hbm>> -> memref<1x10240xf32, #tpu.memory_space<hbm>>
      %dma_start3A_19 = tpu.memref_squeeze %dma_start3A_18 : memref<1x10240xf32, #tpu.memory_space<hbm>> -> memref<10240xf32, #tpu.memory_space<hbm>>
      tpu.enqueue_dma source(%dma_start3A_19 : memref<10240xf32, #tpu.memory_space<hbm>>) target(%arg11 : memref<10240xf32, #tpu.memory_space<vmem>>) target_semaphore(%run_scoped3A_16 : memref<!tpu.dma_semaphore, #tpu.memory_space<semaphore_mem>>)
      %dma_wait3A = tpu.memref_slice %arg2[%run_scoped3A, %mul3A_4] : memref<2x327680xf32, #tpu.memory_space<hbm>> -> memref<1x10240xf32, #tpu.memory_space<hbm>>
      %dma_wait3A_20 = tpu.memref_squeeze %dma_wait3A : memref<1x10240xf32, #tpu.memory_space<hbm>> -> memref<10240xf32, #tpu.memory_space<hbm>>
      %dma_wait3A_21 = tpu.memref_slice %arg2[%run_scoped3A, %mul3A_4] : memref<2x327680xf32, #tpu.memory_space<hbm>> -> memref<1x10240xf32, #tpu.memory_space<hbm>>
      %dma_wait3A_22 = tpu.memref_squeeze %dma_wait3A_21 : memref<1x10240xf32, #tpu.memory_space<hbm>> -> memref<10240xf32, #tpu.memory_space<hbm>>
      tpu.wait_dma2 semaphore(%run_scoped3A_16 : memref<!tpu.dma_semaphore, #tpu.memory_space<semaphore_mem>>) src(%dma_wait3A_22 : memref<10240xf32, #tpu.memory_space<hbm>>) dst(%arg11 : memref<10240xf32, #tpu.memory_space<vmem>>)
      tpu.yield
    }) : () -> ()
    %run_scoped3A_5 = arith.constant 1 : i32
    "tpu.region"() ({
      %run_scoped3A_16 = tpu.sem_alloc : memref<!tpu.dma_semaphore, #tpu.memory_space<semaphore_mem>>
      %dma_start3A = tpu.memref_slice %arg2[%run_scoped3A_5, %mul3A_4] : memref<2x327680xf32, #tpu.memory_space<hbm>> -> memref<1x10240xf32, #tpu.memory_space<hbm>>
      %dma_start3A_17 = tpu.memref_squeeze %dma_start3A : memref<1x10240xf32, #tpu.memory_space<hbm>> -> memref<10240xf32, #tpu.memory_space<hbm>>
      %dma_start3A_18 = tpu.memref_slice %arg2[%run_scoped3A_5, %mul3A_4] : memref<2x327680xf32, #tpu.memory_space<hbm>> -> memref<1x10240xf32, #tpu.memory_space<hbm>>
      %dma_start3A_19 = tpu.memref_squeeze %dma_start3A_18 : memref<1x10240xf32, #tpu.memory_space<hbm>> -> memref<10240xf32, #tpu.memory_space<hbm>>
      tpu.enqueue_dma source(%dma_start3A_19 : memref<10240xf32, #tpu.memory_space<hbm>>) target(%arg12 : memref<10240xf32, #tpu.memory_space<vmem>>) target_semaphore(%run_scoped3A_16 : memref<!tpu.dma_semaphore, #tpu.memory_space<semaphore_mem>>)
      %dma_wait3A = tpu.memref_slice %arg2[%run_scoped3A_5, %mul3A_4] : memref<2x327680xf32, #tpu.memory_space<hbm>> -> memref<1x10240xf32, #tpu.memory_space<hbm>>
      %dma_wait3A_20 = tpu.memref_squeeze %dma_wait3A : memref<1x10240xf32, #tpu.memory_space<hbm>> -> memref<10240xf32, #tpu.memory_space<hbm>>
      %dma_wait3A_21 = tpu.memref_slice %arg2[%run_scoped3A_5, %mul3A_4] : memref<2x327680xf32, #tpu.memory_space<hbm>> -> memref<1x10240xf32, #tpu.memory_space<hbm>>
      %dma_wait3A_22 = tpu.memref_squeeze %dma_wait3A_21 : memref<1x10240xf32, #tpu.memory_space<hbm>> -> memref<10240xf32, #tpu.memory_space<hbm>>
      tpu.wait_dma2 semaphore(%run_scoped3A_16 : memref<!tpu.dma_semaphore, #tpu.memory_space<semaphore_mem>>) src(%dma_wait3A_22 : memref<10240xf32, #tpu.memory_space<hbm>>) dst(%arg12 : memref<10240xf32, #tpu.memory_space<vmem>>)
      tpu.yield
    }) : () -> ()
    "tpu.region"() ({
      %run_scoped3A_16 = tpu.sem_alloc : memref<!tpu.dma_semaphore, #tpu.memory_space<semaphore_mem>>
      %dma_start3A = tpu.memref_slice %arg3[%mul3A_4] : memref<327680xf32, #tpu.memory_space<hbm>> -> memref<10240xf32, #tpu.memory_space<hbm>>
      %dma_start3A_17 = tpu.memref_slice %arg3[%mul3A_4] : memref<327680xf32, #tpu.memory_space<hbm>> -> memref<10240xf32, #tpu.memory_space<hbm>>
      tpu.enqueue_dma source(%dma_start3A_17 : memref<10240xf32, #tpu.memory_space<hbm>>) target(%arg13 : memref<10240xf32, #tpu.memory_space<vmem>>) target_semaphore(%run_scoped3A_16 : memref<!tpu.dma_semaphore, #tpu.memory_space<semaphore_mem>>)
      %dma_wait3A = tpu.memref_slice %arg3[%mul3A_4] : memref<327680xf32, #tpu.memory_space<hbm>> -> memref<10240xf32, #tpu.memory_space<hbm>>
      %dma_wait3A_18 = tpu.memref_slice %arg3[%mul3A_4] : memref<327680xf32, #tpu.memory_space<hbm>> -> memref<10240xf32, #tpu.memory_space<hbm>>
      tpu.wait_dma2 semaphore(%run_scoped3A_16 : memref<!tpu.dma_semaphore, #tpu.memory_space<semaphore_mem>>) src(%dma_wait3A_18 : memref<10240xf32, #tpu.memory_space<hbm>>) dst(%arg13 : memref<10240xf32, #tpu.memory_space<vmem>>)
      tpu.yield
    }) : () -> ()
    "tpu.region"() ({
      %run_scoped3A_16 = tpu.sem_alloc : memref<!tpu.dma_semaphore, #tpu.memory_space<semaphore_mem>>
      %dma_start3A = arith.constant 0 : i32
      %dma_start3A_17 = tpu.memref_slice %arg4[%add3A, %dma_start3A] : memref<32x384xf32, #tpu.memory_space<hbm>> -> memref<1x384xf32, #tpu.memory_space<hbm>>
      %dma_start3A_18 = tpu.memref_squeeze %dma_start3A_17 : memref<1x384xf32, #tpu.memory_space<hbm>> -> memref<384xf32, #tpu.memory_space<hbm>>
      %dma_start3A_19 = arith.constant 0 : i32
      %dma_start3A_20 = tpu.memref_slice %arg4[%add3A, %dma_start3A_19] : memref<32x384xf32, #tpu.memory_space<hbm>> -> memref<1x384xf32, #tpu.memory_space<hbm>>
      %dma_start3A_21 = tpu.memref_squeeze %dma_start3A_20 : memref<1x384xf32, #tpu.memory_space<hbm>> -> memref<384xf32, #tpu.memory_space<hbm>>
      tpu.enqueue_dma source(%dma_start3A_21 : memref<384xf32, #tpu.memory_space<hbm>>) target(%arg14 : memref<384xf32, #tpu.memory_space<vmem>>) target_semaphore(%run_scoped3A_16 : memref<!tpu.dma_semaphore, #tpu.memory_space<semaphore_mem>>)
      %dma_wait3A = arith.constant 0 : i32
      %dma_wait3A_22 = tpu.memref_slice %arg4[%add3A, %dma_wait3A] : memref<32x384xf32, #tpu.memory_space<hbm>> -> memref<1x384xf32, #tpu.memory_space<hbm>>
      %dma_wait3A_23 = tpu.memref_squeeze %dma_wait3A_22 : memref<1x384xf32, #tpu.memory_space<hbm>> -> memref<384xf32, #tpu.memory_space<hbm>>
      %dma_wait3A_24 = arith.constant 0 : i32
      %dma_wait3A_25 = tpu.memref_slice %arg4[%add3A, %dma_wait3A_24] : memref<32x384xf32, #tpu.memory_space<hbm>> -> memref<1x384xf32, #tpu.memory_space<hbm>>
      %dma_wait3A_26 = tpu.memref_squeeze %dma_wait3A_25 : memref<1x384xf32, #tpu.memory_space<hbm>> -> memref<384xf32, #tpu.memory_space<hbm>>
      tpu.wait_dma2 semaphore(%run_scoped3A_16 : memref<!tpu.dma_semaphore, #tpu.memory_space<semaphore_mem>>) src(%dma_wait3A_26 : memref<384xf32, #tpu.memory_space<hbm>>) dst(%arg14 : memref<384xf32, #tpu.memory_space<vmem>>)
      tpu.yield
    }) : () -> ()
    "tpu.region"() ({
      %run_scoped3A_16 = tpu.sem_alloc : memref<!tpu.dma_semaphore, #tpu.memory_space<semaphore_mem>>
      tpu.enqueue_dma source(%arg5 : memref<128xf32, #tpu.memory_space<hbm>>) target(%arg15 : memref<128xf32, #tpu.memory_space<vmem>>) target_semaphore(%run_scoped3A_16 : memref<!tpu.dma_semaphore, #tpu.memory_space<semaphore_mem>>)
      tpu.wait_dma2 semaphore(%run_scoped3A_16 : memref<!tpu.dma_semaphore, #tpu.memory_space<semaphore_mem>>) src(%arg5 : memref<128xf32, #tpu.memory_space<hbm>>) dst(%arg15 : memref<128xf32, #tpu.memory_space<vmem>>)
      tpu.yield
    }) : () -> ()
    "tpu.region"() ({
      %run_scoped3A_16 = tpu.sem_alloc : memref<!tpu.dma_semaphore, #tpu.memory_space<semaphore_mem>>
      %dma_start3A = arith.constant 0 : i32
      %dma_start3A_17 = tpu.memref_slice %arg6[%add3A, %dma_start3A] : memref<32x384xi32, #tpu.memory_space<hbm>> -> memref<1x384xi32, #tpu.memory_space<hbm>>
      %dma_start3A_18 = tpu.memref_squeeze %dma_start3A_17 : memref<1x384xi32, #tpu.memory_space<hbm>> -> memref<384xi32, #tpu.memory_space<hbm>>
      %dma_start3A_19 = arith.constant 0 : i32
      %dma_start3A_20 = tpu.memref_slice %arg6[%add3A, %dma_start3A_19] : memref<32x384xi32, #tpu.memory_space<hbm>> -> memref<1x384xi32, #tpu.memory_space<hbm>>
      %dma_start3A_21 = tpu.memref_squeeze %dma_start3A_20 : memref<1x384xi32, #tpu.memory_space<hbm>> -> memref<384xi32, #tpu.memory_space<hbm>>
      tpu.enqueue_dma source(%dma_start3A_21 : memref<384xi32, #tpu.memory_space<hbm>>) target(%arg16 : memref<384xi32, #tpu.memory_space<vmem>>) target_semaphore(%run_scoped3A_16 : memref<!tpu.dma_semaphore, #tpu.memory_space<semaphore_mem>>)
      %dma_wait3A = arith.constant 0 : i32
      %dma_wait3A_22 = tpu.memref_slice %arg6[%add3A, %dma_wait3A] : memref<32x384xi32, #tpu.memory_space<hbm>> -> memref<1x384xi32, #tpu.memory_space<hbm>>
      %dma_wait3A_23 = tpu.memref_squeeze %dma_wait3A_22 : memref<1x384xi32, #tpu.memory_space<hbm>> -> memref<384xi32, #tpu.memory_space<hbm>>
      %dma_wait3A_24 = arith.constant 0 : i32
      %dma_wait3A_25 = tpu.memref_slice %arg6[%add3A, %dma_wait3A_24] : memref<32x384xi32, #tpu.memory_space<hbm>> -> memref<1x384xi32, #tpu.memory_space<hbm>>
      %dma_wait3A_26 = tpu.memref_squeeze %dma_wait3A_25 : memref<1x384xi32, #tpu.memory_space<hbm>> -> memref<384xi32, #tpu.memory_space<hbm>>
      tpu.wait_dma2 semaphore(%run_scoped3A_16 : memref<!tpu.dma_semaphore, #tpu.memory_space<semaphore_mem>>) src(%dma_wait3A_26 : memref<384xi32, #tpu.memory_space<hbm>>) dst(%arg16 : memref<384xi32, #tpu.memory_space<vmem>>)
      tpu.yield
    }) : () -> ()
    "tpu.region"() ({
      %run_scoped3A_16 = tpu.sem_alloc : memref<!tpu.dma_semaphore, #tpu.memory_space<semaphore_mem>>
      tpu.enqueue_dma source(%arg7 : memref<12288xf32, #tpu.memory_space<hbm>>) target(%arg17 : memref<12288xf32, #tpu.memory_space<vmem>>) target_semaphore(%run_scoped3A_16 : memref<!tpu.dma_semaphore, #tpu.memory_space<semaphore_mem>>)
      tpu.wait_dma2 semaphore(%run_scoped3A_16 : memref<!tpu.dma_semaphore, #tpu.memory_space<semaphore_mem>>) src(%arg7 : memref<12288xf32, #tpu.memory_space<hbm>>) dst(%arg17 : memref<12288xf32, #tpu.memory_space<vmem>>)
      tpu.yield
    }) : () -> ()
    "tpu.region"() ({
      %run_scoped3A_16 = tpu.sem_alloc : memref<!tpu.dma_semaphore, #tpu.memory_space<semaphore_mem>>
      tpu.enqueue_dma source(%arg8 : memref<12288xf32, #tpu.memory_space<hbm>>) target(%arg18 : memref<12288xf32, #tpu.memory_space<vmem>>) target_semaphore(%run_scoped3A_16 : memref<!tpu.dma_semaphore, #tpu.memory_space<semaphore_mem>>)
      tpu.wait_dma2 semaphore(%run_scoped3A_16 : memref<!tpu.dma_semaphore, #tpu.memory_space<semaphore_mem>>) src(%arg8 : memref<12288xf32, #tpu.memory_space<hbm>>) dst(%arg18 : memref<12288xf32, #tpu.memory_space<vmem>>)
      tpu.yield
    }) : () -> ()
    %iota3A = tpu.iota {dimensions = array<i32: 0>} : vector<16xi32>
    %gather3A = tpu.vector_load_idx %arg15[%iota3A] : memref<128xf32, #tpu.memory_space<vmem>>[vector<16xi32>], vector<16xf32>,
    %add3A_6 = arith.constant 16 : i32
    %add3A_7 = vector.broadcast %add3A_6 : i32 to vector<16xi32>
    %add3A_8 = arith.addi %iota3A, %add3A_7 : vector<16xi32>
    %gather3A_9 = tpu.vector_load_idx %arg15[%add3A_8] : memref<128xf32, #tpu.memory_space<vmem>>[vector<16xi32>], vector<16xf32>,
    %iota3A_10 = tpu.iota {dimensions = array<i32: 0>} : vector<16xi32>
    %scan3A = arith.constant 0 : i32
    %scan3A_11 = arith.constant 0 : i32
    %scan3A_12 = arith.constant 320 : i32
    %scan3A_13 = arith.addi %scan3A_11, %scan3A_12 : i32
    %scan3A_14 = arith.constant 1 : i32
    scf.for %scan3A_16 = %scan3A_11 to %scan3A_13 step %scan3A_14  : i32 {
      %broadcast_in_dim3A = vector.broadcast %scan3A_16 : i32 to vector<16xi32>
      %gather3A_17 = tpu.vector_load_idx %arg16[%broadcast_in_dim3A] : memref<384xi32, #tpu.memory_space<vmem>>[vector<16xi32>], vector<16xi32>,
      %broadcast_in_dim3A_18 = vector.broadcast %scan3A_16 : i32 to vector<16xi32>
      %gather3A_19 = tpu.vector_load_idx %arg14[%broadcast_in_dim3A_18] : memref<384xf32, #tpu.memory_space<vmem>>[vector<16xi32>], vector<16xf32>,
      %mul3A_20 = arith.constant 32 : i32
      %mul3A_21 = arith.muli %scan3A_16, %mul3A_20 : i32
      %add3A_22 = vector.broadcast %mul3A_21 : i32 to vector<16xi32>
      %add3A_23 = arith.addi %add3A_22, %iota3A_10 : vector<16xi32>
      %add3A_24 = arith.constant 16 : i32
      %add3A_25 = vector.broadcast %add3A_24 : i32 to vector<16xi32>
      %add3A_26 = arith.addi %add3A_23, %add3A_25 : vector<16xi32>
      %gather3A_27 = tpu.vector_load_idx %arg11[%add3A_23] : memref<10240xf32, #tpu.memory_space<vmem>>[vector<16xi32>], vector<16xf32>,
      %gather3A_28 = tpu.vector_load_idx %arg12[%add3A_23] : memref<10240xf32, #tpu.memory_space<vmem>>[vector<16xi32>], vector<16xf32>,
      %add3A_29 = arith.addf %gather3A_27, %gather3A_28 : vector<16xf32>
      %gather3A_30 = tpu.vector_load_idx %arg13[%add3A_23] : memref<10240xf32, #tpu.memory_space<vmem>>[vector<16xi32>], vector<16xf32>,
      %add3A_31 = arith.addf %add3A_29, %gather3A_30 : vector<16xf32>
      %mul3A_32 = arith.mulf %gather3A_19, %add3A_31 : vector<16xf32>
      %add3A_33 = arith.addf %mul3A_32, %gather3A : vector<16xf32>
      %gather3A_34 = tpu.vector_load_idx %arg11[%add3A_26] : memref<10240xf32, #tpu.memory_space<vmem>>[vector<16xi32>], vector<16xf32>,
      %gather3A_35 = tpu.vector_load_idx %arg12[%add3A_26] : memref<10240xf32, #tpu.memory_space<vmem>>[vector<16xi32>], vector<16xf32>,
      %add3A_36 = arith.addf %gather3A_34, %gather3A_35 : vector<16xf32>
      %gather3A_37 = tpu.vector_load_idx %arg13[%add3A_26] : memref<10240xf32, #tpu.memory_space<vmem>>[vector<16xi32>], vector<16xf32>,
      %add3A_38 = arith.addf %add3A_36, %gather3A_37 : vector<16xf32>
      %mul3A_39 = arith.mulf %gather3A_19, %add3A_38 : vector<16xf32>
      %add3A_40 = arith.addf %mul3A_39, %gather3A_9 : vector<16xf32>
      %max3A = arith.constant 0.000000e+00 : f32
      %max3A_41 = vector.broadcast %max3A : f32 to vector<16xf32>
      %max3A_42 = arith.maximumf %add3A_33, %max3A_41 : vector<16xf32>
      %max3A_43 = arith.constant 0.000000e+00 : f32
      %max3A_44 = vector.broadcast %max3A_43 : f32 to vector<16xf32>
      %max3A_45 = arith.maximumf %add3A_40, %max3A_44 : vector<16xf32>
      %mul3A_46 = arith.constant 32 : i32
      %mul3A_47 = vector.broadcast %mul3A_46 : i32 to vector<16xi32>
      %mul3A_48 = arith.muli %gather3A_17, %mul3A_47 : vector<16xi32>
      %add3A_49 = arith.addi %mul3A_48, %iota3A_10 : vector<16xi32>
      %add3A_50 = arith.constant 16 : i32
      %add3A_51 = vector.broadcast %add3A_50 : i32 to vector<16xi32>
      %add3A_52 = arith.addi %add3A_49, %add3A_51 : vector<16xi32>
      tpu.vector_store_idx %arg17[%add3A_49], %max3A_42 {add = true} : memref<12288xf32, #tpu.memory_space<vmem>>[vector<16xi32>], vector<16xf32>,
      tpu.vector_store_idx %arg17[%add3A_52], %max3A_45 {add = true} : memref<12288xf32, #tpu.memory_space<vmem>>[vector<16xi32>], vector<16xf32>,
      %gather3A_53 = tpu.vector_load_idx %arg18[%add3A_49] : memref<12288xf32, #tpu.memory_space<vmem>>[vector<16xi32>], vector<16xf32>,
      %max3A_54 = arith.maximumf %gather3A_53, %max3A_42 : vector<16xf32>
      tpu.vector_store_idx %arg18[%add3A_49], %max3A_54 : memref<12288xf32, #tpu.memory_space<vmem>>[vector<16xi32>], vector<16xf32>,
      %gather3A_55 = tpu.vector_load_idx %arg18[%add3A_52] : memref<12288xf32, #tpu.memory_space<vmem>>[vector<16xi32>], vector<16xf32>,
      %max3A_56 = arith.maximumf %gather3A_55, %max3A_45 : vector<16xf32>
      tpu.vector_store_idx %arg18[%add3A_52], %max3A_56 : memref<12288xf32, #tpu.memory_space<vmem>>[vector<16xi32>], vector<16xf32>,
    }
    %scan3A_15 = arith.constant 320 : i32
    "tpu.region"() ({
      %run_scoped3A_16 = tpu.sem_alloc : memref<!tpu.dma_semaphore, #tpu.memory_space<semaphore_mem>>
      %dma_start3A = arith.constant 0 : i32
      %dma_start3A_17 = tpu.memref_slice %arg9[%add3A, %dma_start3A] : memref<32x12288xf32, #tpu.memory_space<hbm>> -> memref<1x12288xf32, #tpu.memory_space<hbm>>
      %dma_start3A_18 = tpu.memref_squeeze %dma_start3A_17 : memref<1x12288xf32, #tpu.memory_space<hbm>> -> memref<12288xf32, #tpu.memory_space<hbm>>
      %dma_start3A_19 = arith.constant 0 : i32
      %dma_start3A_20 = tpu.memref_slice %arg9[%add3A, %dma_start3A_19] : memref<32x12288xf32, #tpu.memory_space<hbm>> -> memref<1x12288xf32, #tpu.memory_space<hbm>>
      %dma_start3A_21 = tpu.memref_squeeze %dma_start3A_20 : memref<1x12288xf32, #tpu.memory_space<hbm>> -> memref<12288xf32, #tpu.memory_space<hbm>>
      tpu.enqueue_dma source(%arg17 : memref<12288xf32, #tpu.memory_space<vmem>>) target(%dma_start3A_21 : memref<12288xf32, #tpu.memory_space<hbm>>) target_semaphore(%run_scoped3A_16 : memref<!tpu.dma_semaphore, #tpu.memory_space<semaphore_mem>>)
      %dma_wait3A = arith.constant 0 : i32
      %dma_wait3A_22 = tpu.memref_slice %arg9[%add3A, %dma_wait3A] : memref<32x12288xf32, #tpu.memory_space<hbm>> -> memref<1x12288xf32, #tpu.memory_space<hbm>>
      %dma_wait3A_23 = tpu.memref_squeeze %dma_wait3A_22 : memref<1x12288xf32, #tpu.memory_space<hbm>> -> memref<12288xf32, #tpu.memory_space<hbm>>
      %dma_wait3A_24 = arith.constant 0 : i32
      %dma_wait3A_25 = tpu.memref_slice %arg9[%add3A, %dma_wait3A_24] : memref<32x12288xf32, #tpu.memory_space<hbm>> -> memref<1x12288xf32, #tpu.memory_space<hbm>>
      %dma_wait3A_26 = tpu.memref_squeeze %dma_wait3A_25 : memref<1x12288xf32, #tpu.memory_space<hbm>> -> memref<12288xf32, #tpu.memory_space<hbm>>
      tpu.wait_dma2 semaphore(%run_scoped3A_16 : memref<!tpu.dma_semaphore, #tpu.memory_space<semaphore_mem>>) src(%arg17 : memref<12288xf32, #tpu.memory_space<vmem>>) dst(%dma_wait3A_26 : memref<12288xf32, #tpu.memory_space<hbm>>)
      tpu.yield
    }) : () -> ()
    "tpu.region"() ({
      %run_scoped3A_16 = tpu.sem_alloc : memref<!tpu.dma_semaphore, #tpu.memory_space<semaphore_mem>>
      %dma_start3A = arith.constant 0 : i32
      %dma_start3A_17 = tpu.memref_slice %arg10[%add3A, %dma_start3A] : memref<32x12288xf32, #tpu.memory_space<hbm>> -> memref<1x12288xf32, #tpu.memory_space<hbm>>
      %dma_start3A_18 = tpu.memref_squeeze %dma_start3A_17 : memref<1x12288xf32, #tpu.memory_space<hbm>> -> memref<12288xf32, #tpu.memory_space<hbm>>
      %dma_start3A_19 = arith.constant 0 : i32
      %dma_start3A_20 = tpu.memref_slice %arg10[%add3A, %dma_start3A_19] : memref<32x12288xf32, #tpu.memory_space<hbm>> -> memref<1x12288xf32, #tpu.memory_space<hbm>>
      %dma_start3A_21 = tpu.memref_squeeze %dma_start3A_20 : memref<1x12288xf32, #tpu.memory_space<hbm>> -> memref<12288xf32, #tpu.memory_space<hbm>>
      tpu.enqueue_dma source(%arg18 : memref<12288xf32, #tpu.memory_space<vmem>>) target(%dma_start3A_21 : memref<12288xf32, #tpu.memory_space<hbm>>) target_semaphore(%run_scoped3A_16 : memref<!tpu.dma_semaphore, #tpu.memory_space<semaphore_mem>>)
      %dma_wait3A = arith.constant 0 : i32
      %dma_wait3A_22 = tpu.memref_slice %arg10[%add3A, %dma_wait3A] : memref<32x12288xf32, #tpu.memory_space<hbm>> -> memref<1x12288xf32, #tpu.memory_space<hbm>>
      %dma_wait3A_23 = tpu.memref_squeeze %dma_wait3A_22 : memref<1x12288xf32, #tpu.memory_space<hbm>> -> memref<12288xf32, #tpu.memory_space<hbm>>
      %dma_wait3A_24 = arith.constant 0 : i32
      %dma_wait3A_25 = tpu.memref_slice %arg10[%add3A, %dma_wait3A_24] : memref<32x12288xf32, #tpu.memory_space<hbm>> -> memref<1x12288xf32, #tpu.memory_space<hbm>>
      %dma_wait3A_26 = tpu.memref_squeeze %dma_wait3A_25 : memref<1x12288xf32, #tpu.memory_space<hbm>> -> memref<12288xf32, #tpu.memory_space<hbm>>
      tpu.wait_dma2 semaphore(%run_scoped3A_16 : memref<!tpu.dma_semaphore, #tpu.memory_space<semaphore_mem>>) src(%arg18 : memref<12288xf32, #tpu.memory_space<vmem>>) dst(%dma_wait3A_26 : memref<12288xf32, #tpu.memory_space<hbm>>)
      tpu.yield
    }) : () -> ()
    return
  }
}

module attributes {stable_mosaic.version = 14 : i64} {
  func.func @_t1_body(%arg0: i32, %arg1: memref<2x1024x1xf32, #tpu.memory_space<vmem>>, %arg2: memref<1024x128xf32, #tpu.memory_space<vmem>>, %arg3: memref<128x32xf32, #tpu.memory_space<vmem>>, %arg4: memref<1024x1xf32, #tpu.memory_space<vmem>>, %arg5: memref<1024x32xf32, #tpu.memory_space<vmem>>) attributes {dimension_semantics = [#tpu.dimension_semantics<arbitrary>], iteration_bounds = array<i64: 10>, scalar_prefetch = 0 : i64, scratch_operands = 0 : i64, tpu.core_type = #tpu.core_type<tc>, window_params = [{transform_indices = @transform_0, window_bounds = array<i64: 2, 1024, 1>}, {transform_indices = @transform_1, window_bounds = array<i64: 1024, 128>}, {pipeline_mode = #tpu.pipeline_mode<synchronous>, transform_indices = @transform_2, window_bounds = array<i64: 128, 32>}, {transform_indices = @transform_3, window_bounds = array<i64: 1024, 1>}, {transform_indices = @transform_4, window_bounds = array<i64: 1024, 32>}]} {
    %get3A = arith.constant 0 : index
    %get3A_0 = arith.constant 0 : index
    %get3A_1 = arith.constant 0 : index
    %get3A_2 = vector.load %arg1[%get3A, %get3A_0, %get3A_1] : memref<2x1024x1xf32, #tpu.memory_space<vmem>>, vector<1x1024x1xf32>
    %get3A_3 = vector.shape_cast %get3A_2 : vector<1x1024x1xf32> to vector<1024x1xf32>
    %get3A_4 = arith.constant 1 : index
    %get3A_5 = arith.constant 0 : index
    %get3A_6 = arith.constant 0 : index
    %get3A_7 = vector.load %arg1[%get3A_4, %get3A_5, %get3A_6] : memref<2x1024x1xf32, #tpu.memory_space<vmem>>, vector<1x1024x1xf32>
    %get3A_8 = vector.shape_cast %get3A_7 : vector<1x1024x1xf32> to vector<1024x1xf32>
    %add3A = arith.addf %get3A_3, %get3A_8 : vector<1024x1xf32>
    %add3A_9 = arith.constant 1.000000e+00 : f32
    %add3A_10 = vector.broadcast %add3A_9 : f32 to vector<1024x1xf32>
    %add3A_11 = arith.addf %add3A, %add3A_10 : vector<1024x1xf32>
    %rsqrt3A = math.rsqrt %add3A_11 : vector<1024x1xf32>
    %swap3A = arith.constant 0 : index
    %swap3A_12 = arith.constant 0 : index
    %swap3A_13 = vector.load %arg4[%swap3A, %swap3A_12] : memref<1024x1xf32, #tpu.memory_space<vmem>>, vector<1024x1xf32>
    tpu.vector_store %arg4[%swap3A, %swap3A_12], %rsqrt3A {strides = array<i32>} : memref<1024x1xf32, #tpu.memory_space<vmem>>, vector<1024x1xf32>,
    %get3A_14 = arith.constant 0 : index
    %get3A_15 = arith.constant 0 : index
    %get3A_16 = vector.load %arg2[%get3A_14, %get3A_15] : memref<1024x128xf32, #tpu.memory_space<vmem>>, vector<1024x128xf32>
    %get3A_17 = arith.constant 0 : index
    %get3A_18 = arith.constant 0 : index
    %get3A_19 = vector.load %arg3[%get3A_17, %get3A_18] : memref<128x32xf32, #tpu.memory_space<vmem>>, vector<128x32xf32>
    %dot_general3A = arith.constant dense<0.000000e+00> : vector<1024x32xf32>
    %dot_general3A_20 = tpu.matmul %get3A_16, %get3A_19, %dot_general3A {dimension_numbers = #tpu.dot_dimension_numbers<[1], [0], [0], [1], [0, 0, 1, 1], [], []>, transpose_lhs_hint = false} : vector<1024x128xf32>, vector<128x32xf32>, vector<1024x32xf32> -> vector<1024x32xf32>
    %mul3A = vector.broadcast %rsqrt3A : vector<1024x1xf32> to vector<1024x32xf32>
    %mul3A_21 = arith.mulf %dot_general3A_20, %mul3A : vector<1024x32xf32>
    %swap3A_22 = arith.constant 0 : index
    %swap3A_23 = arith.constant 0 : index
    %swap3A_24 = vector.load %arg5[%swap3A_22, %swap3A_23] : memref<1024x32xf32, #tpu.memory_space<vmem>>, vector<1024x32xf32>
    tpu.vector_store %arg5[%swap3A_22, %swap3A_23], %mul3A_21 {strides = array<i32>} : memref<1024x32xf32, #tpu.memory_space<vmem>>, vector<1024x32xf32>,
    return
  }
  func.func @transform_0(%arg0: i32) -> (i32, i32, i32) {
    %c0_i32 = arith.constant 0 : i32
    %c0_i32_0 = arith.constant 0 : i32
    %c0_i32_1 = arith.constant 0 : i32
    return %c0_i32, %arg0, %c0_i32_0 : i32, i32, i32
  }
  func.func @transform_1(%arg0: i32) -> (i32, i32) {
    %c0_i32 = arith.constant 0 : i32
    %c0_i32_0 = arith.constant 0 : i32
    return %arg0, %c0_i32 : i32, i32
  }
  func.func @transform_2(%arg0: i32) -> (i32, i32) {
    %c0_i32 = arith.constant 0 : i32
    %c0_i32_0 = arith.constant 0 : i32
    %c0_i32_1 = arith.constant 0 : i32
    return %c0_i32, %c0_i32_0 : i32, i32
  }
  func.func @transform_3(%arg0: i32) -> (i32, i32) {
    %c0_i32 = arith.constant 0 : i32
    %c0_i32_0 = arith.constant 0 : i32
    return %arg0, %c0_i32 : i32, i32
  }
  func.func @transform_4(%arg0: i32) -> (i32, i32) {
    %c0_i32 = arith.constant 0 : i32
    %c0_i32_0 = arith.constant 0 : i32
    return %arg0, %c0_i32 : i32, i32
  }
}

module attributes {stable_mosaic.version = 14 : i64} {
  func.func @_tmid_body(%arg0: i32, %arg1: memref<2x1024x32xf32, #tpu.memory_space<vmem>>, %arg2: memref<1024x32xf32, #tpu.memory_space<vmem>>, %arg3: memref<1024x1xf32, #tpu.memory_space<vmem>>, %arg4: memref<1x32xf32, #tpu.memory_space<vmem>>, %arg5: memref<32x32xf32, #tpu.memory_space<vmem>>, %arg6: memref<1024x32xf32, #tpu.memory_space<vmem>>, %arg7: memref<1024x32xf32, #tpu.memory_space<vmem>>) attributes {dimension_semantics = [#tpu.dimension_semantics<arbitrary>], iteration_bounds = array<i64: 10>, scalar_prefetch = 0 : i64, scratch_operands = 0 : i64, tpu.core_type = #tpu.core_type<tc>, window_params = [{transform_indices = @transform_0, window_bounds = array<i64: 2, 1024, 32>}, {transform_indices = @transform_1, window_bounds = array<i64: 1024, 32>}, {transform_indices = @transform_2, window_bounds = array<i64: 1024, 1>}, {pipeline_mode = #tpu.pipeline_mode<synchronous>, transform_indices = @transform_3, window_bounds = array<i64: 1, 32>}, {pipeline_mode = #tpu.pipeline_mode<synchronous>, transform_indices = @transform_4, window_bounds = array<i64: 32, 32>}, {transform_indices = @transform_5, window_bounds = array<i64: 1024, 32>}, {transform_indices = @transform_6, window_bounds = array<i64: 1024, 32>}]} {
    %get3A = arith.constant 0 : index
    %get3A_0 = arith.constant 0 : index
    %get3A_1 = vector.load %arg3[%get3A, %get3A_0] : memref<1024x1xf32, #tpu.memory_space<vmem>>, vector<1024x1xf32>
    %get3A_2 = arith.constant 0 : index
    %get3A_3 = arith.constant 0 : index
    %get3A_4 = arith.constant 0 : index
    %get3A_5 = vector.load %arg1[%get3A_2, %get3A_3, %get3A_4] : memref<2x1024x32xf32, #tpu.memory_space<vmem>>, vector<1x1024x32xf32>
    %get3A_6 = vector.shape_cast %get3A_5 : vector<1x1024x32xf32> to vector<1024x32xf32>
    %get3A_7 = arith.constant 1 : index
    %get3A_8 = arith.constant 0 : index
    %get3A_9 = arith.constant 0 : index
    %get3A_10 = vector.load %arg1[%get3A_7, %get3A_8, %get3A_9] : memref<2x1024x32xf32, #tpu.memory_space<vmem>>, vector<1x1024x32xf32>
    %get3A_11 = vector.shape_cast %get3A_10 : vector<1x1024x32xf32> to vector<1024x32xf32>
    %add3A = arith.addf %get3A_6, %get3A_11 : vector<1024x32xf32>
    %get3A_12 = arith.constant 0 : index
    %get3A_13 = arith.constant 0 : index
    %get3A_14 = vector.load %arg2[%get3A_12, %get3A_13] : memref<1024x32xf32, #tpu.memory_space<vmem>>, vector<1024x32xf32>
    %add3A_15 = arith.addf %add3A, %get3A_14 : vector<1024x32xf32>
    %mul3A = vector.broadcast %get3A_1 : vector<1024x1xf32> to vector<1024x32xf32>
    %mul3A_16 = arith.mulf %mul3A, %add3A_15 : vector<1024x32xf32>
    %get3A_17 = arith.constant 0 : index
    %get3A_18 = arith.constant 0 : index
    %get3A_19 = vector.load %arg4[%get3A_17, %get3A_18] : memref<1x32xf32, #tpu.memory_space<vmem>>, vector<1x32xf32>
    %add3A_20 = vector.broadcast %get3A_19 : vector<1x32xf32> to vector<1024x32xf32>
    %add3A_21 = arith.addf %mul3A_16, %add3A_20 : vector<1024x32xf32>
    %max3A = arith.constant 0.000000e+00 : f32
    %max3A_22 = vector.broadcast %max3A : f32 to vector<1024x32xf32>
    %max3A_23 = arith.maximumf %add3A_21, %max3A_22 : vector<1024x32xf32>
    %swap3A = arith.constant 0 : index
    %swap3A_24 = arith.constant 0 : index
    %swap3A_25 = vector.load %arg6[%swap3A, %swap3A_24] : memref<1024x32xf32, #tpu.memory_space<vmem>>, vector<1024x32xf32>
    tpu.vector_store %arg6[%swap3A, %swap3A_24], %max3A_23 {strides = array<i32>} : memref<1024x32xf32, #tpu.memory_space<vmem>>, vector<1024x32xf32>,
    %get3A_26 = arith.constant 0 : index
    %get3A_27 = arith.constant 0 : index
    %get3A_28 = vector.load %arg5[%get3A_26, %get3A_27] : memref<32x32xf32, #tpu.memory_space<vmem>>, vector<32x32xf32>
    %dot_general3A = arith.constant dense<0.000000e+00> : vector<1024x32xf32>
    %dot_general3A_29 = tpu.matmul %max3A_23, %get3A_28, %dot_general3A {dimension_numbers = #tpu.dot_dimension_numbers<[1], [0], [0], [1], [0, 0, 1, 1], [], []>, transpose_lhs_hint = false} : vector<1024x32xf32>, vector<32x32xf32>, vector<1024x32xf32> -> vector<1024x32xf32>
    %mul3A_30 = vector.broadcast %get3A_1 : vector<1024x1xf32> to vector<1024x32xf32>
    %mul3A_31 = arith.mulf %dot_general3A_29, %mul3A_30 : vector<1024x32xf32>
    %swap3A_32 = arith.constant 0 : index
    %swap3A_33 = arith.constant 0 : index
    %swap3A_34 = vector.load %arg7[%swap3A_32, %swap3A_33] : memref<1024x32xf32, #tpu.memory_space<vmem>>, vector<1024x32xf32>
    tpu.vector_store %arg7[%swap3A_32, %swap3A_33], %mul3A_31 {strides = array<i32>} : memref<1024x32xf32, #tpu.memory_space<vmem>>, vector<1024x32xf32>,
    return
  }
  func.func @transform_0(%arg0: i32) -> (i32, i32, i32) {
    %c0_i32 = arith.constant 0 : i32
    %c0_i32_0 = arith.constant 0 : i32
    %c0_i32_1 = arith.constant 0 : i32
    return %c0_i32, %arg0, %c0_i32_0 : i32, i32, i32
  }
  func.func @transform_1(%arg0: i32) -> (i32, i32) {
    %c0_i32 = arith.constant 0 : i32
    %c0_i32_0 = arith.constant 0 : i32
    return %arg0, %c0_i32 : i32, i32
  }
  func.func @transform_2(%arg0: i32) -> (i32, i32) {
    %c0_i32 = arith.constant 0 : i32
    %c0_i32_0 = arith.constant 0 : i32
    return %arg0, %c0_i32 : i32, i32
  }
  func.func @transform_3(%arg0: i32) -> (i32, i32) {
    %c0_i32 = arith.constant 0 : i32
    %c0_i32_0 = arith.constant 0 : i32
    %c0_i32_1 = arith.constant 0 : i32
    return %c0_i32, %c0_i32_0 : i32, i32
  }
  func.func @transform_4(%arg0: i32) -> (i32, i32) {
    %c0_i32 = arith.constant 0 : i32
    %c0_i32_0 = arith.constant 0 : i32
    %c0_i32_1 = arith.constant 0 : i32
    return %c0_i32, %c0_i32_0 : i32, i32
  }
  func.func @transform_5(%arg0: i32) -> (i32, i32) {
    %c0_i32 = arith.constant 0 : i32
    %c0_i32_0 = arith.constant 0 : i32
    return %arg0, %c0_i32 : i32, i32
  }
  func.func @transform_6(%arg0: i32) -> (i32, i32) {
    %c0_i32 = arith.constant 0 : i32
    %c0_i32_0 = arith.constant 0 : i32
    return %arg0, %c0_i32 : i32, i32
  }
}

module attributes {stable_mosaic.version = 14 : i64} {
  func.func @_head_body(%arg0: memref<32x384x32xf32, #tpu.memory_space<vmem>>, %arg1: memref<32x384x32xf32, #tpu.memory_space<vmem>>, %arg2: memref<32x384x32xf32, #tpu.memory_space<vmem>>, %arg3: memref<32x384x32xf32, #tpu.memory_space<vmem>>, %arg4: memref<32x384x32xf32, #tpu.memory_space<vmem>>, %arg5: memref<32x384x32xf32, #tpu.memory_space<vmem>>, %arg6: memref<2x384x1xf32, #tpu.memory_space<vmem>>, %arg7: memref<64x32xf32, #tpu.memory_space<vmem>>, %arg8: memref<1x32xf32, #tpu.memory_space<vmem>>, %arg9: memref<32x16xf32, #tpu.memory_space<vmem>>, %arg10: memref<1x16xf32, #tpu.memory_space<vmem>>, %arg11: memref<16x10xf32, #tpu.memory_space<vmem>>, %arg12: memref<1x10xf32, #tpu.memory_space<vmem>>, %arg13: memref<256x10xf32, #tpu.memory_space<vmem>>) attributes {dimension_semantics = [], scalar_prefetch = 0 : i64, scratch_operands = 0 : i64, tpu.core_type = #tpu.core_type<tc>} {
    %get3A = arith.constant 0 : index
    %get3A_0 = arith.constant 0 : index
    %get3A_1 = arith.constant 0 : index
    %get3A_2 = vector.load %arg6[%get3A, %get3A_0, %get3A_1] : memref<2x384x1xf32, #tpu.memory_space<vmem>>, vector<1x384x1xf32>
    %get3A_3 = vector.shape_cast %get3A_2 : vector<1x384x1xf32> to vector<384x1xf32>
    %get3A_4 = arith.constant 1 : index
    %get3A_5 = arith.constant 0 : index
    %get3A_6 = arith.constant 0 : index
    %get3A_7 = vector.load %arg6[%get3A_4, %get3A_5, %get3A_6] : memref<2x384x1xf32, #tpu.memory_space<vmem>>, vector<1x384x1xf32>
    %get3A_8 = vector.shape_cast %get3A_7 : vector<1x384x1xf32> to vector<384x1xf32>
    %add3A = arith.addf %get3A_3, %get3A_8 : vector<384x1xf32>
    %max3A = arith.constant 1.000000e+00 : f32
    %max3A_9 = vector.broadcast %max3A : f32 to vector<384x1xf32>
    %max3A_10 = arith.maximumf %add3A, %max3A_9 : vector<384x1xf32>
    %get3A_11 = arith.constant 0 : index
    %get3A_12 = arith.constant 0 : index
    %get3A_13 = arith.constant 0 : index
    %get3A_14 = vector.load %arg0[%get3A_11, %get3A_12, %get3A_13] : memref<32x384x32xf32, #tpu.memory_space<vmem>>, vector<32x384x32xf32>
    %reduce_sum3A = arith.constant dense<0.000000e+00> : vector<384x32xf32>
    %reduce_sum3A_15 = vector.multi_reduction <add>, %get3A_14, %reduce_sum3A [0] : vector<32x384x32xf32> to vector<384x32xf32>
    %get3A_16 = arith.constant 0 : index
    %get3A_17 = arith.constant 0 : index
    %get3A_18 = arith.constant 0 : index
    %get3A_19 = vector.load %arg1[%get3A_16, %get3A_17, %get3A_18] : memref<32x384x32xf32, #tpu.memory_space<vmem>>, vector<32x384x32xf32>
    %reduce_max3A = arith.constant dense<0xFF800000> : vector<384x32xf32>
    %reduce_max3A_20 = vector.multi_reduction <maximumf>, %get3A_19, %reduce_max3A [0] : vector<32x384x32xf32> to vector<384x32xf32>
    %is_finite3A = tpu.weird %reduce_max3A_20 : vector<384x32xf32> -> vector<384x32xi1>
    %is_finite3A_21 = arith.constant dense<true> : vector<384x32xi1>
    %is_finite3A_22 = arith.xori %is_finite3A, %is_finite3A_21 : vector<384x32xi1>
    %jit3A = arith.constant 0.000000e+00 : f32
    %broadcast_in_dim3A = vector.broadcast %jit3A : f32 to vector<384x32xf32>
    %select_n3A = arith.select %is_finite3A_22, %reduce_max3A_20, %broadcast_in_dim3A : vector<384x32xi1>, vector<384x32xf32>
    %div3A = vector.broadcast %max3A_10 : vector<384x1xf32> to vector<384x32xf32>
    %div3A_23 = arith.divf %reduce_sum3A_15, %div3A : vector<384x32xf32>
    %concatenate3A = tpu.concatenate %select_n3A, %div3A_23 in 1 : vector<384x32xf32>, vector<384x32xf32> -> vector<384x64xf32>
    %max3A_24 = arith.constant 0.000000e+00 : f32
    %max3A_25 = vector.broadcast %max3A_24 : f32 to vector<384x64xf32>
    %max3A_26 = arith.maximumf %concatenate3A, %max3A_25 : vector<384x64xf32>
    %get3A_27 = arith.constant 0 : index
    %get3A_28 = arith.constant 0 : index
    %get3A_29 = arith.constant 0 : index
    %get3A_30 = vector.load %arg2[%get3A_27, %get3A_28, %get3A_29] : memref<32x384x32xf32, #tpu.memory_space<vmem>>, vector<32x384x32xf32>
    %reduce_sum3A_31 = arith.constant dense<0.000000e+00> : vector<384x32xf32>
    %reduce_sum3A_32 = vector.multi_reduction <add>, %get3A_30, %reduce_sum3A_31 [0] : vector<32x384x32xf32> to vector<384x32xf32>
    %get3A_33 = arith.constant 0 : index
    %get3A_34 = arith.constant 0 : index
    %get3A_35 = arith.constant 0 : index
    %get3A_36 = vector.load %arg3[%get3A_33, %get3A_34, %get3A_35] : memref<32x384x32xf32, #tpu.memory_space<vmem>>, vector<32x384x32xf32>
    %reduce_max3A_37 = arith.constant dense<0xFF800000> : vector<384x32xf32>
    %reduce_max3A_38 = vector.multi_reduction <maximumf>, %get3A_36, %reduce_max3A_37 [0] : vector<32x384x32xf32> to vector<384x32xf32>
    %is_finite3A_39 = tpu.weird %reduce_max3A_38 : vector<384x32xf32> -> vector<384x32xi1>
    %is_finite3A_40 = arith.constant dense<true> : vector<384x32xi1>
    %is_finite3A_41 = arith.xori %is_finite3A_39, %is_finite3A_40 : vector<384x32xi1>
    %jit3A_42 = arith.constant 0.000000e+00 : f32
    %broadcast_in_dim3A_43 = vector.broadcast %jit3A_42 : f32 to vector<384x32xf32>
    %select_n3A_44 = arith.select %is_finite3A_41, %reduce_max3A_38, %broadcast_in_dim3A_43 : vector<384x32xi1>, vector<384x32xf32>
    %div3A_45 = vector.broadcast %max3A_10 : vector<384x1xf32> to vector<384x32xf32>
    %div3A_46 = arith.divf %reduce_sum3A_32, %div3A_45 : vector<384x32xf32>
    %concatenate3A_47 = tpu.concatenate %select_n3A_44, %div3A_46 in 1 : vector<384x32xf32>, vector<384x32xf32> -> vector<384x64xf32>
    %max3A_48 = arith.constant 0.000000e+00 : f32
    %max3A_49 = vector.broadcast %max3A_48 : f32 to vector<384x64xf32>
    %max3A_50 = arith.maximumf %concatenate3A_47, %max3A_49 : vector<384x64xf32>
    %add3A_51 = arith.addf %max3A_26, %max3A_50 : vector<384x64xf32>
    %get3A_52 = arith.constant 0 : index
    %get3A_53 = arith.constant 0 : index
    %get3A_54 = arith.constant 0 : index
    %get3A_55 = vector.load %arg4[%get3A_52, %get3A_53, %get3A_54] : memref<32x384x32xf32, #tpu.memory_space<vmem>>, vector<32x384x32xf32>
    %reduce_sum3A_56 = arith.constant dense<0.000000e+00> : vector<384x32xf32>
    %reduce_sum3A_57 = vector.multi_reduction <add>, %get3A_55, %reduce_sum3A_56 [0] : vector<32x384x32xf32> to vector<384x32xf32>
    %get3A_58 = arith.constant 0 : index
    %get3A_59 = arith.constant 0 : index
    %get3A_60 = arith.constant 0 : index
    %get3A_61 = vector.load %arg5[%get3A_58, %get3A_59, %get3A_60] : memref<32x384x32xf32, #tpu.memory_space<vmem>>, vector<32x384x32xf32>
    %reduce_max3A_62 = arith.constant dense<0xFF800000> : vector<384x32xf32>
    %reduce_max3A_63 = vector.multi_reduction <maximumf>, %get3A_61, %reduce_max3A_62 [0] : vector<32x384x32xf32> to vector<384x32xf32>
    %is_finite3A_64 = tpu.weird %reduce_max3A_63 : vector<384x32xf32> -> vector<384x32xi1>
    %is_finite3A_65 = arith.constant dense<true> : vector<384x32xi1>
    %is_finite3A_66 = arith.xori %is_finite3A_64, %is_finite3A_65 : vector<384x32xi1>
    %jit3A_67 = arith.constant 0.000000e+00 : f32
    %broadcast_in_dim3A_68 = vector.broadcast %jit3A_67 : f32 to vector<384x32xf32>
    %select_n3A_69 = arith.select %is_finite3A_66, %reduce_max3A_63, %broadcast_in_dim3A_68 : vector<384x32xi1>, vector<384x32xf32>
    %div3A_70 = vector.broadcast %max3A_10 : vector<384x1xf32> to vector<384x32xf32>
    %div3A_71 = arith.divf %reduce_sum3A_57, %div3A_70 : vector<384x32xf32>
    %concatenate3A_72 = tpu.concatenate %select_n3A_69, %div3A_71 in 1 : vector<384x32xf32>, vector<384x32xf32> -> vector<384x64xf32>
    %max3A_73 = arith.constant 0.000000e+00 : f32
    %max3A_74 = vector.broadcast %max3A_73 : f32 to vector<384x64xf32>
    %max3A_75 = arith.maximumf %concatenate3A_72, %max3A_74 : vector<384x64xf32>
    %add3A_76 = arith.addf %add3A_51, %max3A_75 : vector<384x64xf32>
    %get3A_77 = arith.constant 0 : index
    %get3A_78 = arith.constant 0 : index
    %get3A_79 = vector.load %arg7[%get3A_77, %get3A_78] : memref<64x32xf32, #tpu.memory_space<vmem>>, vector<64x32xf32>
    %dot_general3A = arith.constant dense<0.000000e+00> : vector<384x32xf32>
    %dot_general3A_80 = tpu.matmul %add3A_76, %get3A_79, %dot_general3A {dimension_numbers = #tpu.dot_dimension_numbers<[1], [0], [0], [1], [0, 0, 1, 1], [], []>, transpose_lhs_hint = false} : vector<384x64xf32>, vector<64x32xf32>, vector<384x32xf32> -> vector<384x32xf32>
    %get3A_81 = arith.constant 0 : index
    %get3A_82 = arith.constant 0 : index
    %get3A_83 = vector.load %arg8[%get3A_81, %get3A_82] : memref<1x32xf32, #tpu.memory_space<vmem>>, vector<1x32xf32>
    %add3A_84 = vector.broadcast %get3A_83 : vector<1x32xf32> to vector<384x32xf32>
    %add3A_85 = arith.addf %dot_general3A_80, %add3A_84 : vector<384x32xf32>
    %max3A_86 = arith.constant 0.000000e+00 : f32
    %max3A_87 = vector.broadcast %max3A_86 : f32 to vector<384x32xf32>
    %max3A_88 = arith.maximumf %add3A_85, %max3A_87 : vector<384x32xf32>
    %get3A_89 = arith.constant 0 : index
    %get3A_90 = arith.constant 0 : index
    %get3A_91 = vector.load %arg9[%get3A_89, %get3A_90] : memref<32x16xf32, #tpu.memory_space<vmem>>, vector<32x16xf32>
    %dot_general3A_92 = arith.constant dense<0.000000e+00> : vector<384x16xf32>
    %dot_general3A_93 = tpu.matmul %max3A_88, %get3A_91, %dot_general3A_92 {dimension_numbers = #tpu.dot_dimension_numbers<[1], [0], [0], [1], [0, 0, 1, 1], [], []>, transpose_lhs_hint = false} : vector<384x32xf32>, vector<32x16xf32>, vector<384x16xf32> -> vector<384x16xf32>
    %get3A_94 = arith.constant 0 : index
    %get3A_95 = arith.constant 0 : index
    %get3A_96 = vector.load %arg10[%get3A_94, %get3A_95] : memref<1x16xf32, #tpu.memory_space<vmem>>, vector<1x16xf32>
    %add3A_97 = vector.broadcast %get3A_96 : vector<1x16xf32> to vector<384x16xf32>
    %add3A_98 = arith.addf %dot_general3A_93, %add3A_97 : vector<384x16xf32>
    %max3A_99 = arith.constant 0.000000e+00 : f32
    %max3A_100 = vector.broadcast %max3A_99 : f32 to vector<384x16xf32>
    %max3A_101 = arith.maximumf %add3A_98, %max3A_100 : vector<384x16xf32>
    %get3A_102 = arith.constant 0 : index
    %get3A_103 = arith.constant 0 : index
    %get3A_104 = vector.load %arg11[%get3A_102, %get3A_103] : memref<16x10xf32, #tpu.memory_space<vmem>>, vector<16x10xf32>
    %dot_general3A_105 = arith.constant dense<0.000000e+00> : vector<384x10xf32>
    %dot_general3A_106 = tpu.matmul %max3A_101, %get3A_104, %dot_general3A_105 {dimension_numbers = #tpu.dot_dimension_numbers<[1], [0], [0], [1], [0, 0, 1, 1], [], []>, transpose_lhs_hint = false} : vector<384x16xf32>, vector<16x10xf32>, vector<384x10xf32> -> vector<384x10xf32>
    %get3A_107 = arith.constant 0 : index
    %get3A_108 = arith.constant 0 : index
    %get3A_109 = vector.load %arg12[%get3A_107, %get3A_108] : memref<1x10xf32, #tpu.memory_space<vmem>>, vector<1x10xf32>
    %add3A_110 = vector.broadcast %get3A_109 : vector<1x10xf32> to vector<384x10xf32>
    %add3A_111 = arith.addf %dot_general3A_106, %add3A_110 : vector<384x10xf32>
    %reduce_max3A_112 = arith.constant dense<0xFF800000> : vector<384xf32>
    %reduce_max3A_113 = vector.multi_reduction <maximumf>, %add3A_111, %reduce_max3A_112 [1] : vector<384x10xf32> to vector<384xf32>
    %broadcast_in_dim3A_114 = vector.shape_cast %reduce_max3A_113 : vector<384xf32> to vector<384x1xf32>
    %sub3A = vector.broadcast %broadcast_in_dim3A_114 : vector<384x1xf32> to vector<384x10xf32>
    %sub3A_115 = arith.subf %add3A_111, %sub3A : vector<384x10xf32>
    %exp3A = math.exp %sub3A_115 : vector<384x10xf32>
    %reduce_sum3A_116 = arith.constant dense<0.000000e+00> : vector<384xf32>
    %reduce_sum3A_117 = vector.multi_reduction <add>, %exp3A, %reduce_sum3A_116 [1] : vector<384x10xf32> to vector<384xf32>
    %broadcast_in_dim3A_118 = vector.shape_cast %reduce_sum3A_117 : vector<384xf32> to vector<384x1xf32>
    %log3A = math.log %broadcast_in_dim3A_118 : vector<384x1xf32>
    %sub3A_119 = vector.broadcast %broadcast_in_dim3A_114 : vector<384x1xf32> to vector<384x10xf32>
    %sub3A_120 = arith.subf %add3A_111, %sub3A_119 : vector<384x10xf32>
    %sub3A_121 = vector.broadcast %log3A : vector<384x1xf32> to vector<384x10xf32>
    %sub3A_122 = arith.subf %sub3A_120, %sub3A_121 : vector<384x10xf32>
    %slice3A = vector.extract_strided_slice %sub3A_122 {offsets = [0, 0], sizes = [256, 10], strides = [1, 1]} : vector<384x10xf32> to vector<256x10xf32>
    %swap3A = arith.constant 0 : index
    %swap3A_123 = arith.constant 0 : index
    %swap3A_124 = vector.load %arg13[%swap3A, %swap3A_123] : memref<256x10xf32, #tpu.memory_space<vmem>>, vector<256x10xf32>
    tpu.vector_store %arg13[%swap3A, %swap3A_123], %slice3A {strides = array<i32>} : memref<256x10xf32, #tpu.memory_space<vmem>>, vector<256x10xf32>,
    return
  }
}

</mosaic_0001>

<sc_bundles>
// kernel: kernel.11.cloned.1.call-start
scs
__scs_entry_jumppad:
0x0: {  	(pc) =	sbr.rel $0x88, $3  }
0x1: {  	(tag) =	ssettag $0x0;
	lr =	simm.s32 $0x1  }
0x2: {  	[smem:$0x3F92] =	sst lr;
	_ =	strace $0xD0000000  }
0x3: {  	_ = 	snop  }
0x4: {  	_ = 	snop  }
0x5: {  	_ = 	snop  }
0x6: {  	_ = 	snop  }
0x7: {  	_ = 	snop  }
__scs_overlays_trampoline_lowered:
0x8: {  	[smem:$0x3FA1] =	sst s0  }
0x9: {  	[smem:$0x3FA2] =	sst s1  }
0xa: {  	[smem:$0x3FA3] =	sst s2  }
0xb: {  	[smem:$0x3FA4] =	sst s3  }
0xc: {  	[smem:$0x3FA5] =	sst s4  }
0xd: {  	[smem:$0x3FA6] =	sst s5  }
0xe: {  	[smem:$0x3FA7] =	sst s6  }
0xf: {  	[smem:$0x3FA8] =	sst s7  }
0x10: {  	[smem:$0x3FA9] =	sst s8  }
0x11: {  	[smem:$0x3FAA] =	sst s9;
	s0 =	simm.s32 @!p0 $0x0  }
0x12: {  	s1 =	sld [smem:$0x3F90];
	s0 =	simm.s32 @p0 $0x1  }
0x13: {  	[smem:$0x3FAB] =	sst s0;
	s0 =	simm.s32 @!p1 $0x0  }
0x14: {  	s2 =	sld [smem:$0x3F8F];
	s0 =	simm.s32 @p1 $0x1  }
0x15: {  	[smem:$0x3FAC] =	sst s0;
	s0 =	simm.s32 @!p2 $0x0  }
0x16: {  	s3 =	sld [smem:$0x3FDB];
	s0 =	simm.s32 @p2 $0x1  }
0x17: {  	s4 =	simm.s32 $0x1BF5;
	[smem:$0x3FAE] =	sst s0  }
0x18: {  	s0 =	sld [smem:$0x3F91];
	_ =	swait.ge [sflag:s4], $0x0  }
0x19: {  	s7 =	sld [smem:$0x3F92]  }
0x1a: {  	s8 =	sadd.s32 $0xFFFFE003, lr  }
0x1b: {  	s9 =	sadd.s32 $0xFFFFFEF7, lr;
	s5 =	simm.s32 $0xFFFFFFFF;
	p2 =	slt.u32 s8, $0xFFFFF086  }
0x1c: {  	p1 =	slt.u32 s9, $0xF7A;
	s5 =	simm.s32 @!p2 $0x0  }
0x1d: {  	s5 =	simm.s32 @p1 $0x1;
	p0 =	seq.s32 s7, s2  }
0x1e: {  	s7 =	smul.u32 @!p0 $0xF7A, s2;
	p2 =	seq.s32 @!p0 s5, $0x0  }
0x1f: {  	s9 =	smul.u32 $0xF7A, s1;
	s8 =	simm.s32 @!p0 $0x1BF5;
	p2 =	por !p2, p0  }
0x20: {  	[sflag:s8] =	ssyncset.s32 @!p0 $0xFFFFF086;
	s6 =	sadd.s32 @!p0 s3, s7;
	s7 =	simm.s32 @!p0 $0x108  }
0x21: {  	s3 =	sadd.s32 s3, s9;
	s6 =	sadd.s32 @!p0 $0x88, s6;
	s7 =	simm.s32 @p2 $0x1082  }
0x22: {  	[simem:s7], [sflag:s8] =	dma.local @!p0 [hbm:s6], $0xF7A  }
0x23: {  	s9 =	sor.u32 $0xD0000000, s2;
	s6 =	simm.s32 $0x108;
	_ =	swait.ge @!p0 [sflag:s8], $0x0  }
0x24: {  	s3 =	sadd.s32 $0x88, s3;
	s6 =	simm.s32 @!p1 $0x1082;
	[sflag:s4] =	ssyncset.s32 $0xFFFFF086  }
0x25: {  	[simem:s6], [sflag:s4] =	dma.local [hbm:s3], $0xF7A  }
0x26: {  	[smem:$0x3F92] =	sst s1;
	(tag) =	ssettag s2;
	_ =	strace s9  }
0x27: {  	s1 =	sld [smem:$0x3FA2]  }
0x28: {  	s2 =	sld [smem:$0x3FA3]  }
0x29: {  	s4 =	sld [smem:$0x3FA5]  }
0x2a: {  	p0 =	seq.s32 s5, $0x0;
	s5 =	sld [smem:$0x3FA6]  }
0x2b: {  	s6 =	sld [smem:$0x3FA7]  }
0x2c: {  	s7 =	sld [smem:$0x3FA8]  }
0x2d: {  	s3 =	simm.s32 $0x108;
	s8 =	sld [smem:$0x3FA9]  }
0x2e: {  	s3 =	simm.s32 @!p0 $0x1082;
	s9 =	sld [smem:$0x3FAA]  }
0x2f: {  	lr =	sadd.s32 s0, s3;
	s0 =	sld [smem:$0x3FA1]  }
0x30: {  	s3 =	sld [smem:$0x3FA4]  }
0x31: {  	[smem:$0x3FAD] =	sst s10  }
0x32: {  	s10 =	sld [smem:$0x3FAB];
	_ =	sdelay $0x3  }
0x33: {  	p0 =	seq.s32 s10, $0x1;
	s10 =	sld [smem:$0x3FAD];
	_ =	sdelay $0x3  }
0x34: {  	[smem:$0x3FAD] =	sst s10  }
0x35: {  	s10 =	sld [smem:$0x3FAC];
	_ =	sdelay $0x3  }
0x36: {  	p1 =	seq.s32 s10, $0x1;
	s10 =	sld [smem:$0x3FAD];
	_ =	sdelay $0x3  }
0x37: {  	[smem:$0x3FAD] =	sst s10  }
0x38: {  	s10 =	sld [smem:$0x3FAE]  }
0x39: {  	_ = 	snop;
	(pc) =	sbr.ind lr, $3  }
0x3a: {  	_ = 	snop  }
0x3b: {  	_ = 	snop  }
0x3c: {  	p2 =	seq.s32 s10, $0x1;
	s10 =	sld [smem:$0x3FAD]  }
0x3d: {  	_ =	shalt  }
0x3e: {  	_ =	shalt  }
0x3f: {  	_ =	shalt  }
0x40: {  	_ =	shalt  }
0x41: {  	_ =	shalt  }
0x42: {  	_ =	shalt  }
0x43: {  	_ =	shalt  }
0x44: {  	_ =	shalt  }
0x45: {  	_ =	shalt  }
0x46: {  	_ =	shalt  }
0x47: {  	_ =	shalt  }
0x48: {  	_ =	shalt  }
0x49: {  	_ =	shalt  }
0x4a: {  	_ =	shalt  }
0x4b: {  	_ =	shalt  }
0x4c: {  	_ =	shalt  }
0x4d: {  	_ =	shalt  }
0x4e: {  	_ =	shalt  }
0x4f: {  	_ =	shalt  }
0x50: {  	_ =	shalt  }
0x51: {  	_ =	shalt  }
0x52: {  	_ =	shalt  }
0x53: {  	_ =	shalt  }
0x54: {  	_ =	shalt  }
0x55: {  	_ =	shalt  }
0x56: {  	_ =	shalt  }
0x57: {  	_ =	shalt  }
0x58: {  	_ =	shalt  }
0x59: {  	_ =	shalt  }
0x5a: {  	_ =	shalt  }
0x5b: {  	_ =	shalt  }
0x5c: {  	_ =	shalt  }
0x5d: {  	_ =	shalt  }
0x5e: {  	_ =	shalt  }
0x5f: {  	_ =	shalt  }
0x60: {  	_ =	shalt  }
0x61: {  	_ =	shalt  }
0x62: {  	_ =	shalt  }
0x63: {  	_ =	shalt  }
0x64: {  	_ =	shalt  }
0x65: {  	_ =	shalt  }
0x66: {  	_ =	shalt  }
0x67: {  	_ =	shalt  }
0x68: {  	_ =	shalt  }
0x69: {  	_ =	shalt  }
0x6a: {  	_ =	shalt  }
0x6b: {  	_ =	shalt  }
0x6c: {  	_ =	shalt  }
0x6d: {  	_ =	shalt  }
0x6e: {  	_ =	shalt  }
0x6f: {  	_ =	shalt  }
0x70: {  	_ =	shalt  }
0x71: {  	_ =	shalt  }
0x72: {  	_ =	shalt  }
0x73: {  	_ =	shalt  }
0x74: {  	_ =	shalt  }
0x75: {  	_ =	shalt  }
0x76: {  	_ =	shalt  }
0x77: {  	_ =	shalt  }
0x78: {  	_ =	shalt  }
0x79: {  	_ =	shalt  }
0x7a: {  	_ =	shalt  }
0x7b: {  	_ =	shalt  }
0x7c: {  	_ =	shalt  }
0x7d: {  	_ =	shalt  }
0x7e: {  	_ =	shalt  }
0x7f: {  	_ =	shalt  }
0x80: {  	_ =	shalt  }
0x81: {  	_ =	shalt  }
0x82: {  	_ =	shalt  }
0x83: {  	_ =	shalt  }
0x84: {  	_ =	shalt  }
0x85: {  	_ =	shalt  }
0x86: {  	_ =	shalt  }
0x87: {  	_ =	shalt  }
.Lfunc_end0:
.L_simem_size_0:
called_computation_lowered:
.L_overlay_start_0:
0x88: {  	s2 =	sld [smem:$0x3FD9]  }
0x89: {  	s3 =	sld [smem:$0x3FFE];
	_ =	sdelay $0x1  }
0x8a: {  	s1 =	srdreg.scid  }
0x8b: {  	s0 =	sand.u32 $0x1, s1  }
0x8c: {  	s17 =	sshll.u32 s0, $0xA;
	s2 =	sadd.s32 s3, s2  }
0x8d: {  	s2 =	sadd.s32 s2, s17  }
0x8e: {  	[smem:$0x3FB9] =	sst s2  }
0x8f: {  	_ = 	snop  }
0x90: {  	s2 =	sld [smem:$0x3FD0];
	(tm) =	ssettm $0x1  }
0x91: {  	s18 =	sld [smem:$0x3FFB];
	_ =	sdelay $0x3  }
0x92: {  	_ =	strace s18  }
0x93: {  	s3 =	sld [smem:$0x3FFC];
	_ =	sdelay $0x3  }
0x94: {  	_ =	strace s3  }
0x95: {  	s3 =	sld [smem:$0x3FFD];
	_ =	sdelay $0x3  }
0x96: {  	_ =	strace s3  }
0x97: {  	_ =	strace $0x8FFFFFFF  }
0x98: {  	s19 =	sld [smem:$0x3FDB];
	_ =	sdelay $0x1  }
0x99: {  	s4 =	simm.s32 $_scs_section_size  }
0x9a: {  	s5 =	simm.s32 $_size__tile_overlayer_lowered;
	s6 =	simm.s32 $_tile_overlayer_lowered  }
0x9b: {  	s22 =	simm.s32 $0x1BFF;
	s21 =	sshll.u32 s6, $0x1;
	s3 =	sadd.s32 s4, s19  }
0x9c: {  	s7 =	simm.s32 $0x0;
	s20 =	sshll.u32 s5, $0x1;
	s5 =	sadd.s32 s21, s3  }
0x9d: {  	[timem:s7], [sflag:s22] =	dma.local [hbm:s5], s20  }
0x9e: {  	_ =	swait.ge [sflag:s22], s20  }
0x9f: {  	s4 =	ssub.s32 $0x0, s20;
	[sflag:s22] =	ssyncset.done $0x0  }
0xa0: {  	[sflag:s22] =	ssyncadd.s32 s4;
	_ =	sdelay $0x1  }
0xa1: {  	s23 =	simm.s32 $0x1B8B  }
0xa2: {  	_ =	swait.ge [sflag:s23], $0x1  }
0xa3: {  	[sflag:s23] =	ssyncset.done $0x0  }
0xa4: {  	s25 =	simm.s32 $0x1B8E;
	s24 =	sld [smem:$0x3FFE];
	[sflag:s23] =	ssyncadd.s32 $0xFFFFFFFF  }
0xa5: {  	s26 =	simm.s32 $execute0_lowered;
	[smem:$0x3FD2] =	sst s25  }
0xa6: {  	s5 =	sshll.u32 s26, $0x1;
	_ =	strace $0x80000046;
	[dreg:$0x1] =	wrdreg $0xFFFFFFFF  }
0xa7: {  	s28 =	simm.s32 $_size_execute0_lowered;
	s3 =	sadd.s32 s3, s5;
	[dreg:$0x0] =	wrdreg $0x0  }
0xa8: {  	s5 =	sshll.u32 s28, $0x1;
	[dreg:$0x2] =	wrdreg s3  }
0xa9: {  	[dreg:$0x3] =	wrdreg s5  }
0xaa: {  	[dreg:$0x4] =	wrdreg $0xC0  }
0xab: {  	_ =	task [dreg:s7], $0x5FFFF  }
0xac: {  	[dreg:$0x1] =	wrdreg $0xFFFFFFFF  }
0xad: {  	[dreg:$0x0] =	wrdreg $0x60  }
0xae: {  	[dreg:$0x2] =	wrdreg s24  }
0xaf: {  	[dreg:$0x3] =	wrdreg s2  }
0xb0: {  	[dreg:$0x4] =	wrdreg $0x29800  }
0xb1: {  	[dreg:$0x5] =	wrdreg $0x2C000  }
0xb2: {  	[dreg:$0x6] =	wrdreg $0x9  }
0xb3: {  	_ =	task.clear_ibuf [dreg:s7], $0x7FFFF;
	_ =	strace $0x90000046  }
0xb4: {  	s29 =	simm.s32 $0x9;
	_ =	strace $0x80000048  }
0xb5: {  	_ =	swait.ge [sflag:s29], $0x1  }
0xb6: {  	[sflag:s29] =	ssyncadd.s32 $0xFFFFFFFF  }
0xb7: {  	_ =	strace $0x90000048  }
0xb8: {  	_ =	sfence  }
0xb9: {  	s30 =	sld [smem:$0x0];
	_ =	sdelay $0x2  }
0xba: {  	s31 =	sshll.u32 s1, $0xD;
	s1 =	sshrl.u32 s1, $0x2  }
0xbb: {  	s3 =	sand.u32 $0x4000, s31;
	s1 =	sadd.s32 s1, s30  }
0xbc: {  	s0 =	sor.u32 s3, s0;
	s1 =	sshll.u32 s1, $0x11  }
0xbd: {  	s0 =	sor.u32 s1, s0  }
0xbe: {  	s0 =	sadd.s32 $0x8F2B, s0  }
0xbf: {  	[sflag:s0] =	ssyncadd.remote.s32 $0x1  }
0xc0: {  	_ =	sfence.sel $0xFFFF  }
0xc1: {  	[dreg:$0x0] =	wrdreg $0xFFFFFFFF;
	(pc) =	sbr.abs _section_cstart, $3  }
0xc2: {  	[dreg:$0x1] =	wrdreg $0xFFFFFFFF  }
0xc3: {  	_ =	task.clear_ibuf [dreg:s7], $0x2FFFF;
	_ =	strace $0x9FFFFFFF  }
0xc4: {  	(tm) =	ssettm $0x7FFFFFFF  }
0xc5: {  	_ =	shalt  }
tec
execute0_lowered:
.L_overlay_start_1:
0x0: {  	(tag) =	ssettag $0x1  }
0x1: {  	s5 =	rddreg [dreg:$0x0]  }
0x2: {  	s0 =	rddreg [dreg:$0x1]  }
0x3: {  	s2 =	rddreg [dreg:$0x2];
	s1 =	srdreg.scid  }
0x4: {  	s3 =	rddreg [dreg:$0x3];
	s11 =	stileid.u32  }
0x5: {  	s4 =	simm.s32 $0x0;
	s16 =	simm.s32 $0x2900;
	s17 =	simm.s32 $0x2800  }
0x6: {  	s18 =	simm.s32 $0x2880;
	s6 =	sand.u32 $0x1, s1;
	s1 =	rddreg [dreg:$0x4]  }
0x7: {  	s19 =	simm.s32 $0x0;
	s8 =	smul.u32 $0x280, s11;
	[smem:$0x7FF] =	sst s4  }
0x8: {  	s13 =	sshll.u32 s11, $0x6;
	s7 =	sshll.u32 s6, $0x4;
	s9 =	smul.u32 $0x2800, s6  }
0x9: {  	p0 =	sne.s32 s11, $0x0;
	s12 =	smul.u32 $0x30, s6;
	s7 =	sor.u32 s11, s7  }
0xa: {  	_ =	strace $0x80000047;
	s6 =	ssub.s32 $0x2, s6;
	s10 =	smul.u32 $0x4F0, s7  }
0xb: {  	s31 =	sshrl.u32 s6, $0x1;
	s15 =	sadd.s32 s8, s2;
	s7 =	smul.u32 $0x30, s7  }
0xc: {  	s9 =	sadd.s32 s8, s9;
	s12 =	sadd.s32 s12, s5;
	s14 =	ssub.s32 s6, s31  }
0xd: {  	s11 =	sshrl.u32 s15, $0x3;
	s15 =	simm.s32 $0x80;
	s9 =	sshrl.u32 s9, $0x3  }
0xe: {  	s10 =	sadd.s32 s10, s5;
	s7 =	sadd.s32 s7, s5;
	s9 =	sadd.s32 s9, s5  }
0xf: {  	s5 =	sor.u32 $0x1C01, s13;
	s13 =	sshrl.u32 @!p0 s3, $0x3;
	s6 =	sadd.s32 $0x4A00, s10  }
0x10: {  	s7 =	sadd.s32 $0xE800, s7;
	s8 =	sadd.s32 $0xEE00, s9;
	s9 =	sadd.s32 $0xF800, s12  }
0x11: {  	v0 =	vimm.f32 $1.000000000e+00;
	s10 =	smax.u32 s14, $0x1;
	s12 =	simm.s32 $0x1;
	s14 =	simm.s32 $0x2780  }
.LBB2_1:
0x12: {  	[tilespmem:$0x2900] =	vst v0  }
0x13: {  	[tilespmem:$0x2910] =	vst v0  }
0x14: {  	[tilespmem:$0x2920] =	vst v0  }
0x15: {  	[tilespmem:$0x2930] =	vst v0  }
0x16: {  	[tilespmem:$0x2940] =	vst v0  }
0x17: {  	[tilespmem:$0x2950] =	vst v0  }
0x18: {  	[tilespmem:$0x2960] =	vst v0  }
0x19: {  	[tilespmem:$0x2970] =	vst v0  }
0x1a: {  	[spmem:s11], [sflag:s5] =	dma.local [hbm:s0], $0x50  }
0x1b: {  	_ =	swait.ge [sflag:s12], $0x50  }
0x1c: {  	[sflag:s12] =	ssyncset.done $0x0  }
0x1d: {  	s20 =	simm.s32 @!p0 $0x1;
	[sflag:s12] =	ssyncadd.s32 $0xFFFFFFB0  }
0x1e: {  	[spmem:s13], [sflag:s5] =	dma.local @!p0 [hbm:s0], $0x30  }
0x1f: {  	_ =	swait.ge @!p0 [sflag:s20], $0x30  }
0x20: {  	[sflag:s20] =	ssyncset.done @!p0 $0x0  }
0x21: {  	[sflag:s20] =	ssyncadd.s32 @!p0 $0xFFFFFFD0  }
0x22: {  	[tilespmem:s4], [sflag:$0x1] =	stream.linear.gather [hbm4b:s6+s4], $0x2780, $0x38;
	[tilespmem:$0x2C18] =	vst v63  }
0x23: {  	_ =	swait.ge [sflag:s12], $0x2780  }
0x24: {  	[sflag:s12] =	ssyncset.done $0x0  }
0x25: {  	[sflag:s12] =	ssyncadd.s32 $0xFFFFD880  }
0x26: {  	[tilespmem:s14], [sflag:$0x1] =	stream.linear.gather [hbm4b:s7+s4], $0x180, $0x38;
	[tilespmem:$0x2C18] =	vst v63  }
0x27: {  	_ =	swait.ge [sflag:s12], $0x180  }
0x28: {  	[sflag:s12] =	ssyncset.done $0x0  }
0x29: {  	[sflag:s12] =	ssyncadd.s32 $0xFFFFFE80  }
0x2a: {  	s31 =	simm.s32 $0x0;
	[bflag:$0x0] =	sbarrier.arrive $0xFFFF  }
0x2b: {  	[spmem:s2] =	stream.indirect.scatter.add.f32 [tilespmem:s16], [sflag:$0x1], $0x1, s31, s15, $0xb8;
	[tilespmem:$0x2C18] =	vst v63  }
0x2c: {  	_ =	swait.ge [sflag:s12], $0x80  }
0x2d: {  	s20 =	simm.s32 $0x200;
	[sflag:s12] =	ssyncset.done $0x0  }
.LBB2_2:
0x2e: {  	s21 =	sshra.s32 s20, $0x2;
	[sflag:s12] =	ssyncadd.s32 $0xFFFFFF80;
	p1 =	sne.s32 s20, $0x9C00  }
0x2f: {  	[spmem:s2] =	stream.indirect.scatter.add.f32 [tilespmem:s16], [sflag:$0x1], $0x1, s21, s15, $0xb8;
	[tilespmem:$0x2C18] =	vst v63  }
.Ltmp0:
0x30: {  	_ = 	snop;
	(pc) =	sbr.rel @p1 .LBB2_2-.Ltmp0, $4  }
0x31: {  	_ = 	snop  }
0x32: {  	s20 =	sadd.s32 $0x200, s20  }
0x33: {  	_ =	swait.ge [sflag:s12], $0x80  }
0x34: {  	[sflag:s12] =	ssyncset.done $0x0  }
0x35: {  	[sflag:s12] =	ssyncadd.s32 $0xFFFFFF80  }
0x36: {  	[spmem:s3] =	stream.indirect.scatter.add.f32 [tilespmem:s16], [sflag:$0x1], $0x1, s14, s15, $0xb8;
	[tilespmem:$0x2C18] =	vst v63  }
0x37: {  	_ =	swait.ge [sflag:s12], $0x80  }
0x38: {  	[sflag:s12] =	ssyncset.done $0x0  }
0x39: {  	[sflag:s12] =	ssyncadd.s32 $0xFFFFFF80  }
0x3a: {  	[spmem:s3] =	stream.indirect.scatter.add.f32 [tilespmem:s16], [sflag:$0x1], $0x1, s17, s15, $0xb8;
	[tilespmem:$0x2C18] =	vst v63  }
0x3b: {  	_ =	swait.ge [sflag:s12], $0x80  }
0x3c: {  	[sflag:s12] =	ssyncset.done $0x0  }
0x3d: {  	[sflag:s12] =	ssyncadd.s32 $0xFFFFFF80  }
0x3e: {  	[spmem:s3] =	stream.indirect.scatter.add.f32 [tilespmem:s16], [sflag:$0x1], $0x1, s18, s15, $0xb8;
	[tilespmem:$0x2C18] =	vst v63  }
0x3f: {  	_ =	swait.ge [sflag:s12], $0x80  }
0x40: {  	[sflag:s12] =	ssyncset.done $0x0  }
0x41: {  	[sflag:s12] =	ssyncadd.s32 $0xFFFFFF80  }
0x42: {  	[bflag:$0x0] =	sbarrier.arrive $0xFFFF  }
0x43: {  	[hbm:s8], [sflag:s5] =	dma.local [spmem:s11], $0x50  }
0x44: {  	s19 =	sadd.s32 $0x1, s19;
	_ =	swait.ge [sflag:s12], $0x50  }
0x45: {  	p1 =	sne.s32 s19, s10;
	[sflag:s12] =	ssyncset.done $0x0  }
.Ltmp1:
0x46: {  	s20 =	simm.s32 @!p0 $0x1;
	[sflag:s12] =	ssyncadd.s32 $0xFFFFFFB0;
	(pc) =	sbr.rel @p1 .LBB2_1-.Ltmp1, $4  }
0x47: {  	[hbm:s9], [sflag:s5] =	dma.local @!p0 [spmem:s13], $0x30  }
0x48: {  	_ =	swait.ge @!p0 [sflag:s20], $0x30  }
0x49: {  	[sflag:s20] =	ssyncset.done @!p0 $0x0  }
0x4a: {  	[sflag:s20] =	ssyncadd.s32 @!p0 $0xFFFFFFD0  }
0x4b: {  	_ =	sfence.sel $0x180000  }
0x4c: {  	[bflag:$0x0] =	sbarrier.arrive $0xFFFF  }
0x4d: {  	_ =	strace $0x90000047  }
0x4e: {  	s0 =	sadd.s32 @!p0 $0x100000, s1;
	[bflag:$0x2] =	sbarrier.arrive $0xFFFF  }
0x4f: {  	[sflag:s0] =	ssyncadd.tile.s32 @!p0 $0x1;
	_ =	shalt  }
.Lfunc_end2:
_tile_overlayer_lowered:
.L_overlay_start_2:
0x50: {  	(tag) =	ssettag $0x2  }
0x51: {  	s0 =	rddreg [dreg:$0x0];
	s2 =	stileid.u32  }
0x52: {  	s1 =	rddreg [dreg:$0x1];
	p0 =	sne.s32 s2, $0x0  }
0x53: {  	s3 =	rddreg [dreg:$0x2];
	[bflag:$0x3] =	sbarrier.arrive $0xFFFF;
	s2 =	simm.s32 @!p0 $0x1C01  }
0x54: {  	[timem:s3], [sflag:s2] =	dma.local @!p0 [hbm:s0], s1  }
0x55: {  	s0 =	simm.s32 @!p0 $0x1  }
0x56: {  	_ =	swait.ge @!p0 [sflag:s0], s1  }
0x57: {  	s1 =	ssub.s32 @!p0 $0x0, s1;
	[sflag:s0] =	ssyncset.done @!p0 $0x0  }
0x58: {  	[sflag:s0] =	ssyncadd.s32 @!p0 s1  }
0x59: {  	[bflag:$0x3] =	sbarrier.arrive $0xFFFF  }
0x5a: {  	_ =	shalt  }

// kernel: kernel.14.cloned.1.call-start
scs
__scs_entry_jumppad:
0x0: {  	(pc) =	sbr.rel $0x88, $3  }
0x1: {  	(tag) =	ssettag $0x0;
	lr =	simm.s32 $0x1  }
0x2: {  	[smem:$0x3F92] =	sst lr;
	_ =	strace $0xD0000000  }
0x3: {  	_ = 	snop  }
0x4: {  	_ = 	snop  }
0x5: {  	_ = 	snop  }
0x6: {  	_ = 	snop  }
0x7: {  	_ = 	snop  }
__scs_overlays_trampoline_lowered:
0x8: {  	[smem:$0x3FA1] =	sst s0  }
0x9: {  	[smem:$0x3FA2] =	sst s1  }
0xa: {  	[smem:$0x3FA3] =	sst s2  }
0xb: {  	[smem:$0x3FA4] =	sst s3  }
0xc: {  	[smem:$0x3FA5] =	sst s4  }
0xd: {  	[smem:$0x3FA6] =	sst s5  }
0xe: {  	[smem:$0x3FA7] =	sst s6  }
0xf: {  	[smem:$0x3FA8] =	sst s7  }
0x10: {  	[smem:$0x3FA9] =	sst s8  }
0x11: {  	[smem:$0x3FAA] =	sst s9;
	s0 =	simm.s32 @!p0 $0x0  }
0x12: {  	s1 =	sld [smem:$0x3F90];
	s0 =	simm.s32 @p0 $0x1  }
0x13: {  	[smem:$0x3FAB] =	sst s0;
	s0 =	simm.s32 @!p1 $0x0  }
0x14: {  	s2 =	sld [smem:$0x3F8F];
	s0 =	simm.s32 @p1 $0x1  }
0x15: {  	[smem:$0x3FAC] =	sst s0;
	s0 =	simm.s32 @!p2 $0x0  }
0x16: {  	s3 =	sld [smem:$0x3FDB];
	s0 =	simm.s32 @p2 $0x1  }
0x17: {  	s4 =	simm.s32 $0x1BF5;
	[smem:$0x3FAE] =	sst s0  }
0x18: {  	s0 =	sld [smem:$0x3F91];
	_ =	swait.ge [sflag:s4], $0x0  }
0x19: {  	s7 =	sld [smem:$0x3F92]  }
0x1a: {  	s8 =	sadd.s32 $0xFFFFE003, lr  }
0x1b: {  	s9 =	sadd.s32 $0xFFFFFEF7, lr;
	s5 =	simm.s32 $0xFFFFFFFF;
	p2 =	slt.u32 s8, $0xFFFFF086  }
0x1c: {  	p1 =	slt.u32 s9, $0xF7A;
	s5 =	simm.s32 @!p2 $0x0  }
0x1d: {  	s5 =	simm.s32 @p1 $0x1;
	p0 =	seq.s32 s7, s2  }
0x1e: {  	s7 =	smul.u32 @!p0 $0xF7A, s2;
	p2 =	seq.s32 @!p0 s5, $0x0  }
0x1f: {  	s9 =	smul.u32 $0xF7A, s1;
	s8 =	simm.s32 @!p0 $0x1BF5;
	p2 =	por !p2, p0  }
0x20: {  	[sflag:s8] =	ssyncset.s32 @!p0 $0xFFFFF086;
	s6 =	sadd.s32 @!p0 s3, s7;
	s7 =	simm.s32 @!p0 $0x108  }
0x21: {  	s3 =	sadd.s32 s3, s9;
	s6 =	sadd.s32 @!p0 $0x88, s6;
	s7 =	simm.s32 @p2 $0x1082  }
0x22: {  	[simem:s7], [sflag:s8] =	dma.local @!p0 [hbm:s6], $0xF7A  }
0x23: {  	s9 =	sor.u32 $0xD0000000, s2;
	s6 =	simm.s32 $0x108;
	_ =	swait.ge @!p0 [sflag:s8], $0x0  }
0x24: {  	s3 =	sadd.s32 $0x88, s3;
	s6 =	simm.s32 @!p1 $0x1082;
	[sflag:s4] =	ssyncset.s32 $0xFFFFF086  }
0x25: {  	[simem:s6], [sflag:s4] =	dma.local [hbm:s3], $0xF7A  }
0x26: {  	[smem:$0x3F92] =	sst s1;
	(tag) =	ssettag s2;
	_ =	strace s9  }
0x27: {  	s1 =	sld [smem:$0x3FA2]  }
0x28: {  	s2 =	sld [smem:$0x3FA3]  }
0x29: {  	s4 =	sld [smem:$0x3FA5]  }
0x2a: {  	p0 =	seq.s32 s5, $0x0;
	s5 =	sld [smem:$0x3FA6]  }
0x2b: {  	s6 =	sld [smem:$0x3FA7]  }
0x2c: {  	s7 =	sld [smem:$0x3FA8]  }
0x2d: {  	s3 =	simm.s32 $0x108;
	s8 =	sld [smem:$0x3FA9]  }
0x2e: {  	s3 =	simm.s32 @!p0 $0x1082;
	s9 =	sld [smem:$0x3FAA]  }
0x2f: {  	lr =	sadd.s32 s0, s3;
	s0 =	sld [smem:$0x3FA1]  }
0x30: {  	s3 =	sld [smem:$0x3FA4]  }
0x31: {  	[smem:$0x3FAD] =	sst s10  }
0x32: {  	s10 =	sld [smem:$0x3FAB];
	_ =	sdelay $0x3  }
0x33: {  	p0 =	seq.s32 s10, $0x1;
	s10 =	sld [smem:$0x3FAD];
	_ =	sdelay $0x3  }
0x34: {  	[smem:$0x3FAD] =	sst s10  }
0x35: {  	s10 =	sld [smem:$0x3FAC];
	_ =	sdelay $0x3  }
0x36: {  	p1 =	seq.s32 s10, $0x1;
	s10 =	sld [smem:$0x3FAD];
	_ =	sdelay $0x3  }
0x37: {  	[smem:$0x3FAD] =	sst s10  }
0x38: {  	s10 =	sld [smem:$0x3FAE]  }
0x39: {  	_ = 	snop;
	(pc) =	sbr.ind lr, $3  }
0x3a: {  	_ = 	snop  }
0x3b: {  	_ = 	snop  }
0x3c: {  	p2 =	seq.s32 s10, $0x1;
	s10 =	sld [smem:$0x3FAD]  }
0x3d: {  	_ =	shalt  }
0x3e: {  	_ =	shalt  }
0x3f: {  	_ =	shalt  }
0x40: {  	_ =	shalt  }
0x41: {  	_ =	shalt  }
0x42: {  	_ =	shalt  }
0x43: {  	_ =	shalt  }
0x44: {  	_ =	shalt  }
0x45: {  	_ =	shalt  }
0x46: {  	_ =	shalt  }
0x47: {  	_ =	shalt  }
0x48: {  	_ =	shalt  }
0x49: {  	_ =	shalt  }
0x4a: {  	_ =	shalt  }
0x4b: {  	_ =	shalt  }
0x4c: {  	_ =	shalt  }
0x4d: {  	_ =	shalt  }
0x4e: {  	_ =	shalt  }
0x4f: {  	_ =	shalt  }
0x50: {  	_ =	shalt  }
0x51: {  	_ =	shalt  }
0x52: {  	_ =	shalt  }
0x53: {  	_ =	shalt  }
0x54: {  	_ =	shalt  }
0x55: {  	_ =	shalt  }
0x56: {  	_ =	shalt  }
0x57: {  	_ =	shalt  }
0x58: {  	_ =	shalt  }
0x59: {  	_ =	shalt  }
0x5a: {  	_ =	shalt  }
0x5b: {  	_ =	shalt  }
0x5c: {  	_ =	shalt  }
0x5d: {  	_ =	shalt  }
0x5e: {  	_ =	shalt  }
0x5f: {  	_ =	shalt  }
0x60: {  	_ =	shalt  }
0x61: {  	_ =	shalt  }
0x62: {  	_ =	shalt  }
0x63: {  	_ =	shalt  }
0x64: {  	_ =	shalt  }
0x65: {  	_ =	shalt  }
0x66: {  	_ =	shalt  }
0x67: {  	_ =	shalt  }
0x68: {  	_ =	shalt  }
0x69: {  	_ =	shalt  }
0x6a: {  	_ =	shalt  }
0x6b: {  	_ =	shalt  }
0x6c: {  	_ =	shalt  }
0x6d: {  	_ =	shalt  }
0x6e: {  	_ =	shalt  }
0x6f: {  	_ =	shalt  }
0x70: {  	_ =	shalt  }
0x71: {  	_ =	shalt  }
0x72: {  	_ =	shalt  }
0x73: {  	_ =	shalt  }
0x74: {  	_ =	shalt  }
0x75: {  	_ =	shalt  }
0x76: {  	_ =	shalt  }
0x77: {  	_ =	shalt  }
0x78: {  	_ =	shalt  }
0x79: {  	_ =	shalt  }
0x7a: {  	_ =	shalt  }
0x7b: {  	_ =	shalt  }
0x7c: {  	_ =	shalt  }
0x7d: {  	_ =	shalt  }
0x7e: {  	_ =	shalt  }
0x7f: {  	_ =	shalt  }
0x80: {  	_ =	shalt  }
0x81: {  	_ =	shalt  }
0x82: {  	_ =	shalt  }
0x83: {  	_ =	shalt  }
0x84: {  	_ =	shalt  }
0x85: {  	_ =	shalt  }
0x86: {  	_ =	shalt  }
0x87: {  	_ =	shalt  }
.Lfunc_end0:
.L_simem_size_0:
called_computation.1_lowered:
.L_overlay_start_0:
0x88: {  	s2 =	sld [smem:$0x3FD9]  }
0x89: {  	s3 =	sld [smem:$0x3FFE];
	_ =	sdelay $0x1  }
0x8a: {  	s1 =	srdreg.scid  }
0x8b: {  	s0 =	sand.u32 $0x1, s1  }
0x8c: {  	s16 =	sshll.u32 s0, $0xA;
	s2 =	sadd.s32 s3, s2  }
0x8d: {  	s2 =	sadd.s32 s2, s16  }
0x8e: {  	[smem:$0x3FB9] =	sst s2  }
0x8f: {  	_ = 	snop  }
0x90: {  	(tm) =	ssettm $0x1  }
0x91: {  	s17 =	sld [smem:$0x3FFB];
	_ =	sdelay $0x3  }
0x92: {  	_ =	strace s17  }
0x93: {  	s2 =	sld [smem:$0x3FFC];
	_ =	sdelay $0x3  }
0x94: {  	_ =	strace s2  }
0x95: {  	s2 =	sld [smem:$0x3FFD];
	_ =	sdelay $0x3  }
0x96: {  	_ =	strace s2  }
0x97: {  	_ =	strace $0x8FFFFFFF  }
0x98: {  	s18 =	sld [smem:$0x3FDB];
	_ =	sdelay $0x1  }
0x99: {  	s19 =	simm.s32 $_scs_section_size  }
0x9a: {  	s4 =	simm.s32 $_size__tile_overlayer_lowered;
	s5 =	simm.s32 $_tile_overlayer_lowered  }
0x9b: {  	s22 =	simm.s32 $0x1BFF;
	s21 =	sshll.u32 s5, $0x1;
	s2 =	sadd.s32 s19, s18  }
0x9c: {  	s6 =	simm.s32 $0x0;
	s20 =	sshll.u32 s4, $0x1;
	s4 =	sadd.s32 s21, s2  }
0x9d: {  	[timem:s6], [sflag:s22] =	dma.local [hbm:s4], s20  }
0x9e: {  	_ =	swait.ge [sflag:s22], s20  }
0x9f: {  	s3 =	ssub.s32 $0x0, s20;
	[sflag:s22] =	ssyncset.done $0x0  }
0xa0: {  	[sflag:s22] =	ssyncadd.s32 s3;
	_ =	sdelay $0x1  }
0xa1: {  	s23 =	simm.s32 $0x1B8B  }
0xa2: {  	_ =	swait.ge [sflag:s23], $0x1  }
0xa3: {  	[sflag:s23] =	ssyncset.done $0x0  }
0xa4: {  	s25 =	simm.s32 $0x1B8E;
	s24 =	sld [smem:$0x3FFE];
	[sflag:s23] =	ssyncadd.s32 $0xFFFFFFFF  }
0xa5: {  	s26 =	simm.s32 $execute0_lowered;
	[smem:$0x3FD2] =	sst s25  }
0xa6: {  	s4 =	sshll.u32 s26, $0x1;
	_ =	strace $0x80000049;
	[dreg:$0x1] =	wrdreg $0xFFFFFFFF  }
0xa7: {  	s28 =	simm.s32 $_size_execute0_lowered;
	s2 =	sadd.s32 s2, s4;
	[dreg:$0x0] =	wrdreg $0x0  }
0xa8: {  	s4 =	sshll.u32 s28, $0x1;
	[dreg:$0x2] =	wrdreg s2  }
0xa9: {  	[dreg:$0x3] =	wrdreg s4  }
0xaa: {  	[dreg:$0x4] =	wrdreg $0xC0  }
0xab: {  	_ =	task [dreg:s6], $0x5FFFF  }
0xac: {  	[dreg:$0x1] =	wrdreg $0xFFFFFFFF  }
0xad: {  	[dreg:$0x0] =	wrdreg $0x60  }
0xae: {  	[dreg:$0x2] =	wrdreg s24  }
0xaf: {  	[dreg:$0x3] =	wrdreg $0x10F000  }
0xb0: {  	[dreg:$0x4] =	wrdreg $0x9  }
0xb1: {  	_ =	task.clear_ibuf [dreg:s6], $0x5FFFF;
	_ =	strace $0x90000049  }
0xb2: {  	s29 =	simm.s32 $0x9;
	_ =	strace $0x8000004B  }
0xb3: {  	_ =	swait.ge [sflag:s29], $0x1  }
0xb4: {  	[sflag:s29] =	ssyncadd.s32 $0xFFFFFFFF  }
0xb5: {  	_ =	strace $0x9000004B  }
0xb6: {  	_ =	sfence  }
0xb7: {  	s30 =	sld [smem:$0x0];
	_ =	sdelay $0x2  }
0xb8: {  	s31 =	sshll.u32 s1, $0xD;
	s1 =	sshrl.u32 s1, $0x2  }
0xb9: {  	s3 =	sand.u32 $0x4000, s31;
	s1 =	sadd.s32 s1, s30  }
0xba: {  	s0 =	sor.u32 s3, s0;
	s1 =	sshll.u32 s1, $0x11  }
0xbb: {  	s0 =	sor.u32 s1, s0  }
0xbc: {  	s0 =	sadd.s32 $0x8F2B, s0  }
0xbd: {  	[sflag:s0] =	ssyncadd.remote.s32 $0x1  }
0xbe: {  	_ =	sfence.sel $0xFFFF  }
0xbf: {  	[dreg:$0x0] =	wrdreg $0xFFFFFFFF;
	(pc) =	sbr.abs _section_cstart, $3  }
0xc0: {  	[dreg:$0x1] =	wrdreg $0xFFFFFFFF  }
0xc1: {  	_ =	task.clear_ibuf [dreg:s6], $0x2FFFF;
	_ =	strace $0x9FFFFFFF  }
0xc2: {  	(tm) =	ssettm $0x7FFFFFFF  }
0xc3: {  	_ =	shalt  }
tec
execute0_lowered:
.L_overlay_start_1:
0x0: {  	(tag) =	ssettag $0x1  }
0x1: {  	s0 =	srdreg.scid;
	s6 =	rddreg [dreg:$0x0]  }
0x2: {  	s10 =	stileid.u32;
	s2 =	rddreg [dreg:$0x1]  }
0x3: {  	s3 =	simm.s32 $0x0;
	s12 =	simm.s32 $0x19;
	s13 =	simm.s32 $0x80  }
0x4: {  	s24 =	simm.s32 $0x14;
	s28 =	simm.s32 $0x17;
	s29 =	simm.s32 $0x18  }
0x5: {  	s30 =	simm.s32 $0xD;
	s31 =	simm.s32 $0xE;
	s14 =	simm.s32 $0x11  }
0x6: {  	s15 =	simm.s32 $0x12;
	s16 =	simm.s32 $0x13;
	s17 =	simm.s32 $0x0  }
0x7: {  	s0 =	sand.u32 $0x1, s0;
	s7 =	smul.u32 $0x5000, s10;
	[smem:$0x7FF] =	sst s3  }
0x8: {  	s4 =	sadd.s32 $0x19800, s6;
	s26 =	sshll.u32 s10, $0x6;
	s1 =	sshll.u32 s0, $0x4  }
0x9: {  	s5 =	smul.u32 $0x50000, s0;
	_ =	strace $0x8000004A;
	s0 =	ssub.s32 $0x2, s0  }
0xa: {  	s1 =	sor.u32 s10, s1;
	s25 =	sshrl.u32 s0, $0x1;
	s11 =	sadd.s32 s7, s2  }
0xb: {  	s1 =	smul.u32 $0x4F0, s1;
	s8 =	sadd.s32 s7, s5;
	s5 =	sadd.s32 $0xE800, s6  }
.Ltmp0:
0xc: {  	s0 =	ssub.s32 s0, s25;
	s11 =	sshrl.u32 s11, $0x3;
	(pc) =	sbr.rel .LBB2_1-.Ltmp0, $4  }
0xd: {  	s25 =	simm.s32 $0x15;
	s8 =	sshrl.u32 s8, $0x3;
	s10 =	smax.u32 s0, $0x1  }
0xe: {  	s0 =	simm.s32 $0x10;
	s1 =	sadd.s32 s1, s6;
	s9 =	sadd.s32 s8, s6  }
0xf: {  	s6 =	sor.u32 $0x1C19, s26;
	s26 =	simm.s32 $0x16;
	s7 =	sadd.s32 $0xFA00, s1  }
0x10: {  	s8 =	sadd.s32 $0x4A00, s1;
	s9 =	sadd.s32 $0x23800, s9;
	s1 =	simm.s32 $0xF  }
.LBB2_8:
0x11: {  	_ =	swait.ge [sflag:s24], $0x1000  }
0x12: {  	[sflag:s24] =	ssyncset.done $0x0  }
0x13: {  	[sflag:s24] =	ssyncadd.s32 $0xFFFFF000  }
0x14: {  	_ =	swait.ge [sflag:s25], $0x1000  }
0x15: {  	[sflag:s25] =	ssyncset.done $0x0  }
0x16: {  	[sflag:s25] =	ssyncadd.s32 $0xFFFFF000  }
0x17: {  	_ =	swait.ge [sflag:s26], $0x1000  }
0x18: {  	[sflag:s26] =	ssyncset.done $0x0  }
0x19: {  	[sflag:s26] =	ssyncadd.s32 $0xFFFFF000  }
0x1a: {  	_ =	swait.ge [sflag:s28], $0x1000  }
0x1b: {  	[sflag:s28] =	ssyncset.done $0x0  }
0x1c: {  	[sflag:s28] =	ssyncadd.s32 $0xFFFFF000  }
0x1d: {  	_ =	swait.ge [sflag:s29], $0x1000  }
0x1e: {  	[sflag:s29] =	ssyncset.done $0x0  }
0x1f: {  	[sflag:s29] =	ssyncadd.s32 $0xFFFFF000  }
0x20: {  	_ =	swait.ge [sflag:s30], $0x1000  }
0x21: {  	[sflag:s30] =	ssyncset.done $0x0  }
0x22: {  	[sflag:s30] =	ssyncadd.s32 $0xFFFFF000  }
0x23: {  	_ =	swait.ge [sflag:s31], $0x1000  }
0x24: {  	[sflag:s31] =	ssyncset.done $0x0  }
0x25: {  	[sflag:s31] =	ssyncadd.s32 $0xFFFFF000  }
0x26: {  	_ =	swait.ge [sflag:s1], $0x1000  }
0x27: {  	[sflag:s1] =	ssyncset.done $0x0  }
0x28: {  	[sflag:s1] =	ssyncadd.s32 $0xFFFFF000  }
0x29: {  	_ =	swait.ge [sflag:s0], $0x1000  }
0x2a: {  	[sflag:s0] =	ssyncset.done $0x0  }
0x2b: {  	[sflag:s0] =	ssyncadd.s32 $0xFFFFF000  }
0x2c: {  	_ =	swait.ge [sflag:s14], $0x1000  }
0x2d: {  	[sflag:s14] =	ssyncset.done $0x0  }
0x2e: {  	[sflag:s14] =	ssyncadd.s32 $0xFFFFF000  }
0x2f: {  	_ =	swait.ge [sflag:s15], $0x1000  }
0x30: {  	[sflag:s15] =	ssyncset.done $0x0  }
0x31: {  	[sflag:s15] =	ssyncadd.s32 $0xFFFFF000  }
0x32: {  	_ =	swait.ge [sflag:s16], $0x1000  }
0x33: {  	s17 =	sadd.s32 $0x1, s17;
	[sflag:s16] =	ssyncset.done $0x0  }
0x34: {  	p0 =	sne.s32 s17, s10;
	[sflag:s16] =	ssyncadd.s32 $0xFFFFF000  }
.Ltmp1:
0x35: {  	[bflag:$0x0] =	sbarrier.arrive $0xFFFF;
	(pc) =	sbr.rel @!p0 .LBB2_9-.Ltmp1, $4  }
0x36: {  	[hbm:s9], [sflag:s6] =	dma.local [spmem:s11], $0xA00  }
0x37: {  	_ =	swait.ge [sflag:s12], $0xA00  }
0x38: {  	[sflag:s12] =	ssyncset.done $0x0  }
0x39: {  	[sflag:s12] =	ssyncadd.s32 $0xFFFFF600  }
.LBB2_1:
0x3a: {  	[spmem:s11], [sflag:s6] =	dma.local [hbm:s5], $0xA00  }
0x3b: {  	_ =	swait.ge [sflag:s12], $0xA00  }
0x3c: {  	[sflag:s12] =	ssyncset.done $0x0  }
0x3d: {  	[sflag:s12] =	ssyncadd.s32 $0xFFFFF600  }
0x3e: {  	[tilespmem:s3], [sflag:$0x19] =	stream.linear.gather [hbm4b:s7+s3], $0x2780, $0x38;
	[tilespmem:$0x15F00] =	vst v63  }
0x3f: {  	_ =	swait.ge [sflag:s12], $0x2780  }
0x40: {  	[sflag:s12] =	ssyncset.done $0x0  }
0x41: {  	s18 =	simm.s32 $0x2780;
	[sflag:s12] =	ssyncadd.s32 $0xFFFFD880  }
0x42: {  	[tilespmem:s18], [sflag:$0x19] =	stream.linear.gather [hbm4b:s8+s3], $0x2780, $0x38;
	[tilespmem:$0x15F00] =	vst v63  }
0x43: {  	_ =	swait.ge [sflag:s12], $0x2780  }
0x44: {  	[sflag:s12] =	ssyncset.done $0x0  }
0x45: {  	[sflag:s12] =	ssyncadd.s32 $0xFFFFD880  }
0x46: {  	s19 =	simm.s32 $0x4F00;
	[bflag:$0x0] =	sbarrier.arrive $0xFFFF  }
0x47: {  	[tilespmem:s19], [sflag:$0x1] =	stream.indirect.gather [hbm4b:s4+s13], $0x20, s3, s13, $0xb8;
	[tilespmem:$0x15F00] =	vst v63  }
0x48: {  	s20 =	simm.s32 $0x5F00  }
0x49: {  	[tilespmem:s20], [sflag:$0x2] =	stream.indirect.gather [hbm4b:s4+s13], $0x20, s13, s13, $0xb8;
	[tilespmem:$0x15F00] =	vst v63  }
0x4a: {  	s21 =	simm.s32 $0x100;
	s20 =	simm.s32 $0x6F00  }
0x4b: {  	[tilespmem:s20], [sflag:$0x3] =	stream.indirect.gather [hbm4b:s4+s13], $0x20, s21, s13, $0xb8;
	[tilespmem:$0x15F00] =	vst v63  }
0x4c: {  	s22 =	simm.s32 $0x180;
	s23 =	simm.s32 $0x7F00  }
0x4d: {  	[tilespmem:s23], [sflag:$0x4] =	stream.indirect.gather [hbm4b:s4+s13], $0x20, s22, s13, $0xb8;
	[tilespmem:$0x15F00] =	vst v63  }
.Ltmp2:
0x4e: {  	_ = 	snop;
	(pc) =	sbr.rel .LBB2_2-.Ltmp2, $4  }
0x4f: {  	s19 =	simm.s32 $0xFFFFFFFA;
	s20 =	simm.s32 $0x200;
	s21 =	simm.s32 $0x8F00  }
0x50: {  	[tilespmem:s21], [sflag:$0x5] =	stream.indirect.gather [hbm4b:s4+s13], $0x20, s20, s13, $0xb8;
	[tilespmem:$0x15F00] =	vst v63  }
0x51: {  	s22 =	simm.s32 $0x280;
	s23 =	simm.s32 $0x9F00;
	s20 =	simm.s32 $0x300  }
0x52: {  	[tilespmem:s23], [sflag:$0x6] =	stream.indirect.gather [hbm4b:s4+s13], $0x20, s22, s13, $0xb8;
	[tilespmem:$0x15F00] =	vst v63  }
.LBB2_3:
0x53: {  	s23 =	smul.u32 $0xAB, s22;
	_ =	sdelay $0x1  }
0x54: {  	s23 =	sshrl.u32 s23, $0xB  }
0x55: {  	s23 =	sand.u32 $0x1F, s23  }
0x56: {  	s23 =	smul.u32 $0xC, s23;
	_ =	sdelay $0x1  }
0x57: {  	s23 =	ssub.s32 s22, s23  }
0x58: {  	s22 =	sand.u32 $0xFF, s23  }
0x59: {  	s23 =	sadd.s32 $0xD, s22  }
0x5a: {  	_ =	swait.ge [sflag:s23], $0x1000  }
0x5b: {  	[sflag:s23] =	ssyncset.done $0x0  }
0x5c: {  	[sflag:s23] =	ssyncadd.s32 $0xFFFFF000  }
.LBB2_6:
0x5d: {  	s23 =	sshll.u32 s22, $0xC  }
0x5e: {  	s22 =	sadd.s32 $0x1, s22;
	s23 =	sadd.s32 $0x4F00, s23  }
0x5f: {  	[tilespmem:s23], [sflag:s22] =	stream.indirect.gather [hbm4b:s4+s13], $0x20, s20, s13, $0xb8;
	[tilespmem:$0x15F00] =	vst v63  }
.LBB2_7:
0x60: {  	s22 =	smul.u32 $0xAB, s21;
	_ =	sdelay $0x1  }
0x61: {  	s22 =	sshrl.u32 s22, $0xB  }
0x62: {  	s22 =	sand.u32 $0x1F, s22  }
0x63: {  	s22 =	smul.u32 $0xC, s22;
	_ =	sdelay $0x1  }
0x64: {  	s22 =	ssub.s32 s21, s22  }
0x65: {  	s19 =	sadd.s32 $0x1, s19;
	s21 =	sand.u32 $0xFF, s22  }
0x66: {  	p0 =	sne.s32 s19, $0x49;
	s22 =	sadd.s32 $0x1, s21  }
.Ltmp3:
0x67: {  	_ =	swait.ge [sflag:s22], $0x1000;
	(pc) =	sbr.rel @!p0 .LBB2_8-.Ltmp3, $4  }
0x68: {  	s23 =	sshll.u32 s21, $0xC;
	[sflag:s22] =	ssyncset.done $0x0  }
0x69: {  	s21 =	sadd.s32 $0xD, s21;
	s23 =	sadd.s32 $0x4F00, s23;
	[sflag:s22] =	ssyncadd.s32 $0xFFFFF000  }
0x6a: {  	[spmem:s2] =	stream.indirect.scatter.add.f32 [tilespmem:s23], [sflag:s21], $0x20, s18, s13, $0xb8;
	[tilespmem:$0x15F00] =	vst v63  }
0x6b: {  	s20 =	sadd.s32 $0x80, s20;
	s18 =	sadd.s32 $0x80, s18  }
.LBB2_2:
0x6c: {  	p0 =	sgt.u32 s19, $0x42  }
.Ltmp4:
0x6d: {  	_ = 	snop;
	(pc) =	sbr.rel @!p0 .LBB2_3-.Ltmp4, $2  }
0x6e: {  	_ =	sdelay $0x2  }
0x6f: {  	s21 =	sadd.s32 $0x6, s19;
	s22 =	sadd.s32 $0xC, s19  }
0x70: {  	p0 =	sgt.u32 s21, $0x48  }
.Ltmp5:
0x71: {  	_ = 	snop;
	(pc) =	sbr.rel @p0 .LBB2_7-.Ltmp5, $1  }
0x72: {  	_ =	sdelay $0x3  }
0x73: {  	s23 =	smul.u32 $0xAB, s22;
	_ =	sdelay $0x1  }
0x74: {  	s23 =	sshrl.u32 s23, $0xB  }
.Ltmp6:
0x75: {  	s23 =	sand.u32 $0x1F, s23;
	(pc) =	sbr.rel .LBB2_6-.Ltmp6, $3  }
0x76: {  	s23 =	smul.u32 $0xC, s23;
	_ =	sdelay $0x1  }
0x77: {  	s23 =	ssub.s32 s22, s23  }
0x78: {  	s22 =	sand.u32 $0xFF, s23  }
.LBB2_9:
0x79: {  	_ =	sfence.sel $0x180000  }
0x7a: {  	[bflag:$0x0] =	sbarrier.arrive $0xFFFF  }
0x7b: {  	_ =	strace $0x9000004A  }
0x7c: {  	s0 =	stileid.u32;
	[bflag:$0x2] =	sbarrier.arrive $0xFFFF  }
0x7d: {  	p0 =	sne.s32 s0, $0x0;
	s0 =	rddreg [dreg:$0x2]  }
0x7e: {  	s0 =	sadd.s32 @!p0 $0x100000, s0  }
0x7f: {  	[sflag:s0] =	ssyncadd.tile.s32 @!p0 $0x1;
	_ =	shalt  }
.Lfunc_end2:
_tile_overlayer_lowered:
.L_overlay_start_2:
0x80: {  	(tag) =	ssettag $0x2  }
0x81: {  	s0 =	rddreg [dreg:$0x0];
	s2 =	stileid.u32  }
0x82: {  	s1 =	rddreg [dreg:$0x1];
	p0 =	sne.s32 s2, $0x0  }
0x83: {  	s3 =	rddreg [dreg:$0x2];
	[bflag:$0x3] =	sbarrier.arrive $0xFFFF;
	s2 =	simm.s32 @!p0 $0x1C19  }
0x84: {  	[timem:s3], [sflag:s2] =	dma.local @!p0 [hbm:s0], s1  }
0x85: {  	s0 =	simm.s32 @!p0 $0x19  }
0x86: {  	_ =	swait.ge @!p0 [sflag:s0], s1  }
0x87: {  	s1 =	ssub.s32 @!p0 $0x0, s1;
	[sflag:s0] =	ssyncset.done @!p0 $0x0  }
0x88: {  	[sflag:s0] =	ssyncadd.s32 @!p0 s1  }
0x89: {  	[bflag:$0x3] =	sbarrier.arrive $0xFFFF  }
0x8a: {  	_ =	shalt  }

// kernel: kernel.17.cloned.1.call-start
scs
__scs_entry_jumppad:
0x0: {  	(pc) =	sbr.rel $0x88, $3  }
0x1: {  	(tag) =	ssettag $0x0;
	lr =	simm.s32 $0x1  }
0x2: {  	[smem:$0x3F92] =	sst lr;
	_ =	strace $0xD0000000  }
0x3: {  	_ = 	snop  }
0x4: {  	_ = 	snop  }
0x5: {  	_ = 	snop  }
0x6: {  	_ = 	snop  }
0x7: {  	_ = 	snop  }
__scs_overlays_trampoline_lowered:
0x8: {  	[smem:$0x3FA1] =	sst s0  }
0x9: {  	[smem:$0x3FA2] =	sst s1  }
0xa: {  	[smem:$0x3FA3] =	sst s2  }
0xb: {  	[smem:$0x3FA4] =	sst s3  }
0xc: {  	[smem:$0x3FA5] =	sst s4  }
0xd: {  	[smem:$0x3FA6] =	sst s5  }
0xe: {  	[smem:$0x3FA7] =	sst s6  }
0xf: {  	[smem:$0x3FA8] =	sst s7  }
0x10: {  	[smem:$0x3FA9] =	sst s8  }
0x11: {  	[smem:$0x3FAA] =	sst s9;
	s0 =	simm.s32 @!p0 $0x0  }
0x12: {  	s1 =	sld [smem:$0x3F90];
	s0 =	simm.s32 @p0 $0x1  }
0x13: {  	[smem:$0x3FAB] =	sst s0;
	s0 =	simm.s32 @!p1 $0x0  }
0x14: {  	s2 =	sld [smem:$0x3F8F];
	s0 =	simm.s32 @p1 $0x1  }
0x15: {  	[smem:$0x3FAC] =	sst s0;
	s0 =	simm.s32 @!p2 $0x0  }
0x16: {  	s3 =	sld [smem:$0x3FDB];
	s0 =	simm.s32 @p2 $0x1  }
0x17: {  	s4 =	simm.s32 $0x1BF5;
	[smem:$0x3FAE] =	sst s0  }
0x18: {  	s0 =	sld [smem:$0x3F91];
	_ =	swait.ge [sflag:s4], $0x0  }
0x19: {  	s7 =	sld [smem:$0x3F92]  }
0x1a: {  	s8 =	sadd.s32 $0xFFFFE003, lr  }
0x1b: {  	s9 =	sadd.s32 $0xFFFFFEF7, lr;
	s5 =	simm.s32 $0xFFFFFFFF;
	p2 =	slt.u32 s8, $0xFFFFF086  }
0x1c: {  	p1 =	slt.u32 s9, $0xF7A;
	s5 =	simm.s32 @!p2 $0x0  }
0x1d: {  	s5 =	simm.s32 @p1 $0x1;
	p0 =	seq.s32 s7, s2  }
0x1e: {  	s7 =	smul.u32 @!p0 $0xF7A, s2;
	p2 =	seq.s32 @!p0 s5, $0x0  }
0x1f: {  	s9 =	smul.u32 $0xF7A, s1;
	s8 =	simm.s32 @!p0 $0x1BF5;
	p2 =	por !p2, p0  }
0x20: {  	[sflag:s8] =	ssyncset.s32 @!p0 $0xFFFFF086;
	s6 =	sadd.s32 @!p0 s3, s7;
	s7 =	simm.s32 @!p0 $0x108  }
0x21: {  	s3 =	sadd.s32 s3, s9;
	s6 =	sadd.s32 @!p0 $0x88, s6;
	s7 =	simm.s32 @p2 $0x1082  }
0x22: {  	[simem:s7], [sflag:s8] =	dma.local @!p0 [hbm:s6], $0xF7A  }
0x23: {  	s9 =	sor.u32 $0xD0000000, s2;
	s6 =	simm.s32 $0x108;
	_ =	swait.ge @!p0 [sflag:s8], $0x0  }
0x24: {  	s3 =	sadd.s32 $0x88, s3;
	s6 =	simm.s32 @!p1 $0x1082;
	[sflag:s4] =	ssyncset.s32 $0xFFFFF086  }
0x25: {  	[simem:s6], [sflag:s4] =	dma.local [hbm:s3], $0xF7A  }
0x26: {  	[smem:$0x3F92] =	sst s1;
	(tag) =	ssettag s2;
	_ =	strace s9  }
0x27: {  	s1 =	sld [smem:$0x3FA2]  }
0x28: {  	s2 =	sld [smem:$0x3FA3]  }
0x29: {  	s4 =	sld [smem:$0x3FA5]  }
0x2a: {  	p0 =	seq.s32 s5, $0x0;
	s5 =	sld [smem:$0x3FA6]  }
0x2b: {  	s6 =	sld [smem:$0x3FA7]  }
0x2c: {  	s7 =	sld [smem:$0x3FA8]  }
0x2d: {  	s3 =	simm.s32 $0x108;
	s8 =	sld [smem:$0x3FA9]  }
0x2e: {  	s3 =	simm.s32 @!p0 $0x1082;
	s9 =	sld [smem:$0x3FAA]  }
0x2f: {  	lr =	sadd.s32 s0, s3;
	s0 =	sld [smem:$0x3FA1]  }
0x30: {  	s3 =	sld [smem:$0x3FA4]  }
0x31: {  	[smem:$0x3FAD] =	sst s10  }
0x32: {  	s10 =	sld [smem:$0x3FAB];
	_ =	sdelay $0x3  }
0x33: {  	p0 =	seq.s32 s10, $0x1;
	s10 =	sld [smem:$0x3FAD];
	_ =	sdelay $0x3  }
0x34: {  	[smem:$0x3FAD] =	sst s10  }
0x35: {  	s10 =	sld [smem:$0x3FAC];
	_ =	sdelay $0x3  }
0x36: {  	p1 =	seq.s32 s10, $0x1;
	s10 =	sld [smem:$0x3FAD];
	_ =	sdelay $0x3  }
0x37: {  	[smem:$0x3FAD] =	sst s10  }
0x38: {  	s10 =	sld [smem:$0x3FAE]  }
0x39: {  	_ = 	snop;
	(pc) =	sbr.ind lr, $3  }
0x3a: {  	_ = 	snop  }
0x3b: {  	_ = 	snop  }
0x3c: {  	p2 =	seq.s32 s10, $0x1;
	s10 =	sld [smem:$0x3FAD]  }
0x3d: {  	_ =	shalt  }
0x3e: {  	_ =	shalt  }
0x3f: {  	_ =	shalt  }
0x40: {  	_ =	shalt  }
0x41: {  	_ =	shalt  }
0x42: {  	_ =	shalt  }
0x43: {  	_ =	shalt  }
0x44: {  	_ =	shalt  }
0x45: {  	_ =	shalt  }
0x46: {  	_ =	shalt  }
0x47: {  	_ =	shalt  }
0x48: {  	_ =	shalt  }
0x49: {  	_ =	shalt  }
0x4a: {  	_ =	shalt  }
0x4b: {  	_ =	shalt  }
0x4c: {  	_ =	shalt  }
0x4d: {  	_ =	shalt  }
0x4e: {  	_ =	shalt  }
0x4f: {  	_ =	shalt  }
0x50: {  	_ =	shalt  }
0x51: {  	_ =	shalt  }
0x52: {  	_ =	shalt  }
0x53: {  	_ =	shalt  }
0x54: {  	_ =	shalt  }
0x55: {  	_ =	shalt  }
0x56: {  	_ =	shalt  }
0x57: {  	_ =	shalt  }
0x58: {  	_ =	shalt  }
0x59: {  	_ =	shalt  }
0x5a: {  	_ =	shalt  }
0x5b: {  	_ =	shalt  }
0x5c: {  	_ =	shalt  }
0x5d: {  	_ =	shalt  }
0x5e: {  	_ =	shalt  }
0x5f: {  	_ =	shalt  }
0x60: {  	_ =	shalt  }
0x61: {  	_ =	shalt  }
0x62: {  	_ =	shalt  }
0x63: {  	_ =	shalt  }
0x64: {  	_ =	shalt  }
0x65: {  	_ =	shalt  }
0x66: {  	_ =	shalt  }
0x67: {  	_ =	shalt  }
0x68: {  	_ =	shalt  }
0x69: {  	_ =	shalt  }
0x6a: {  	_ =	shalt  }
0x6b: {  	_ =	shalt  }
0x6c: {  	_ =	shalt  }
0x6d: {  	_ =	shalt  }
0x6e: {  	_ =	shalt  }
0x6f: {  	_ =	shalt  }
0x70: {  	_ =	shalt  }
0x71: {  	_ =	shalt  }
0x72: {  	_ =	shalt  }
0x73: {  	_ =	shalt  }
0x74: {  	_ =	shalt  }
0x75: {  	_ =	shalt  }
0x76: {  	_ =	shalt  }
0x77: {  	_ =	shalt  }
0x78: {  	_ =	shalt  }
0x79: {  	_ =	shalt  }
0x7a: {  	_ =	shalt  }
0x7b: {  	_ =	shalt  }
0x7c: {  	_ =	shalt  }
0x7d: {  	_ =	shalt  }
0x7e: {  	_ =	shalt  }
0x7f: {  	_ =	shalt  }
0x80: {  	_ =	shalt  }
0x81: {  	_ =	shalt  }
0x82: {  	_ =	shalt  }
0x83: {  	_ =	shalt  }
0x84: {  	_ =	shalt  }
0x85: {  	_ =	shalt  }
0x86: {  	_ =	shalt  }
0x87: {  	_ =	shalt  }
.Lfunc_end0:
.L_simem_size_0:
called_computation.2_lowered:
.L_overlay_start_0:
0x88: {  	s2 =	sld [smem:$0x3FD9]  }
0x89: {  	s3 =	sld [smem:$0x3FFE];
	_ =	sdelay $0x1  }
0x8a: {  	s1 =	srdreg.scid  }
0x8b: {  	s0 =	sand.u32 $0x1, s1  }
0x8c: {  	s16 =	sshll.u32 s0, $0xA;
	s2 =	sadd.s32 s3, s2  }
0x8d: {  	s2 =	sadd.s32 s2, s16  }
0x8e: {  	[smem:$0x3FB9] =	sst s2  }
0x8f: {  	_ = 	snop  }
0x90: {  	(tm) =	ssettm $0x1  }
0x91: {  	s17 =	sld [smem:$0x3FFB];
	_ =	sdelay $0x3  }
0x92: {  	_ =	strace s17  }
0x93: {  	s2 =	sld [smem:$0x3FFC];
	_ =	sdelay $0x3  }
0x94: {  	_ =	strace s2  }
0x95: {  	s2 =	sld [smem:$0x3FFD];
	_ =	sdelay $0x3  }
0x96: {  	_ =	strace s2  }
0x97: {  	_ =	strace $0x8FFFFFFF  }
0x98: {  	s18 =	sld [smem:$0x3FDB];
	_ =	sdelay $0x1  }
0x99: {  	s19 =	simm.s32 $_scs_section_size  }
0x9a: {  	s4 =	simm.s32 $_size__tile_overlayer_lowered;
	s5 =	simm.s32 $_tile_overlayer_lowered  }
0x9b: {  	s22 =	simm.s32 $0x1BFF;
	s21 =	sshll.u32 s5, $0x1;
	s2 =	sadd.s32 s19, s18  }
0x9c: {  	s6 =	simm.s32 $0x0;
	s20 =	sshll.u32 s4, $0x1;
	s4 =	sadd.s32 s21, s2  }
0x9d: {  	[timem:s6], [sflag:s22] =	dma.local [hbm:s4], s20  }
0x9e: {  	_ =	swait.ge [sflag:s22], s20  }
0x9f: {  	s3 =	ssub.s32 $0x0, s20;
	[sflag:s22] =	ssyncset.done $0x0  }
0xa0: {  	[sflag:s22] =	ssyncadd.s32 s3;
	_ =	sdelay $0x1  }
0xa1: {  	s23 =	simm.s32 $0x1B8B  }
0xa2: {  	_ =	swait.ge [sflag:s23], $0x1  }
0xa3: {  	[sflag:s23] =	ssyncset.done $0x0  }
0xa4: {  	s25 =	simm.s32 $0x1B8E;
	s24 =	sld [smem:$0x3FFE];
	[sflag:s23] =	ssyncadd.s32 $0xFFFFFFFF  }
0xa5: {  	s26 =	simm.s32 $execute0_lowered;
	[smem:$0x3FD2] =	sst s25  }
0xa6: {  	s4 =	sshll.u32 s26, $0x1;
	_ =	strace $0x8000004C;
	[dreg:$0x1] =	wrdreg $0xFFFFFFFF  }
0xa7: {  	s28 =	simm.s32 $_size_execute0_lowered;
	s2 =	sadd.s32 s2, s4;
	[dreg:$0x0] =	wrdreg $0x0  }
0xa8: {  	s4 =	sshll.u32 s28, $0x1;
	[dreg:$0x2] =	wrdreg s2  }
0xa9: {  	[dreg:$0x3] =	wrdreg s4  }
0xaa: {  	[dreg:$0x4] =	wrdreg $0xC0  }
0xab: {  	_ =	task [dreg:s6], $0x5FFFF  }
0xac: {  	[dreg:$0x1] =	wrdreg $0xFFFFFFFF  }
0xad: {  	[dreg:$0x0] =	wrdreg $0x60  }
0xae: {  	[dreg:$0x2] =	wrdreg s24  }
0xaf: {  	[dreg:$0x3] =	wrdreg $0x198800  }
0xb0: {  	[dreg:$0x4] =	wrdreg $0x9  }
0xb1: {  	_ =	task.clear_ibuf [dreg:s6], $0x5FFFF;
	_ =	strace $0x9000004C  }
0xb2: {  	s29 =	simm.s32 $0x9;
	_ =	strace $0x8000004E  }
0xb3: {  	_ =	swait.ge [sflag:s29], $0x1  }
0xb4: {  	[sflag:s29] =	ssyncadd.s32 $0xFFFFFFFF  }
0xb5: {  	_ =	strace $0x9000004E  }
0xb6: {  	_ =	sfence  }
0xb7: {  	s30 =	sld [smem:$0x0];
	_ =	sdelay $0x2  }
0xb8: {  	s31 =	sshll.u32 s1, $0xD;
	s1 =	sshrl.u32 s1, $0x2  }
0xb9: {  	s3 =	sand.u32 $0x4000, s31;
	s1 =	sadd.s32 s1, s30  }
0xba: {  	s0 =	sor.u32 s3, s0;
	s1 =	sshll.u32 s1, $0x11  }
0xbb: {  	s0 =	sor.u32 s1, s0  }
0xbc: {  	s0 =	sadd.s32 $0x8F2B, s0  }
0xbd: {  	[sflag:s0] =	ssyncadd.remote.s32 $0x1  }
0xbe: {  	_ =	sfence.sel $0xFFFF  }
0xbf: {  	[dreg:$0x0] =	wrdreg $0xFFFFFFFF;
	(pc) =	sbr.abs _section_cstart, $3  }
0xc0: {  	[dreg:$0x1] =	wrdreg $0xFFFFFFFF  }
0xc1: {  	_ =	task.clear_ibuf [dreg:s6], $0x2FFFF;
	_ =	strace $0x9FFFFFFF  }
0xc2: {  	(tm) =	ssettm $0x7FFFFFFF  }
0xc3: {  	_ =	shalt  }
tec
execute0_lowered:
.L_overlay_start_1:
0x0: {  	(tag) =	ssettag $0x1  }
0x1: {  	s0 =	srdreg.scid;
	s5 =	rddreg [dreg:$0x0]  }
0x2: {  	s12 =	stileid.u32;
	s2 =	rddreg [dreg:$0x1];
	s3 =	simm.s32 $0x0  }
0x3: {  	s28 =	simm.s32 $0x16;
	s29 =	simm.s32 $0x17;
	s30 =	simm.s32 $0x18  }
0x4: {  	s31 =	simm.s32 $0xD;
	s0 =	sand.u32 $0x1, s0;
	[smem:$0x7FF] =	sst s3  }
0x5: {  	s9 =	smul.u32 $0x5000, s12;
	s4 =	sadd.s32 $0x19800, s5;
	s11 =	sadd.s32 $0xE800, s5  }
0x6: {  	s15 =	sadd.s32 $0x2DE00, s5;
	s17 =	sadd.s32 $0x2D800, s5;
	s1 =	sshll.u32 s0, $0x4  }
0x7: {  	s21 =	sshll.u32 s12, $0x6;
	s10 =	smul.u32 $0x50000, s0;
	s1 =	sor.u32 s12, s1  }
0x8: {  	_ =	strace $0x8000004D;
	[dreg:$0x3] =	wrdreg s11;
	s6 =	smul.u32 $0x4F0, s1  }
0x9: {  	[dreg:$0x4] =	wrdreg s15;
	s0 =	ssub.s32 $0x2, s0;
	s7 =	smul.u32 $0x500, s1  }
0xa: {  	[dreg:$0x5] =	wrdreg s17;
	s19 =	sshrl.u32 s0, $0x1;
	s8 =	smul.u32 $0x30, s1  }
0xb: {  	s20 =	sadd.s32 s9, s2;
	s16 =	sadd.s32 s9, s10;
	s1 =	smul.u32 $0x600, s1  }
0xc: {  	s0 =	ssub.s32 s0, s19;
	s17 =	sshrl.u32 s20, $0x3;
	s19 =	simm.s32 $0x10F00  }
0xd: {  	s20 =	simm.s32 $0x13700;
	s9 =	simm.s32 $0x0;
	s6 =	sadd.s32 s6, s5  }
0xe: {  	s7 =	sadd.s32 s7, s5;
	s14 =	sadd.s32 s8, s5;
	s8 =	sshrl.u32 s16, $0x3  }
0xf: {  	s1 =	sadd.s32 s1, s5;
	s16 =	smax.u32 s0, $0x1;
	s22 =	sadd.s32 $0xFA00, s6  }
0x10: {  	s0 =	simm.s32 $0xF;
	s6 =	sadd.s32 $0x4A00, s6;
	[dreg:$0x6] =	wrdreg s22  }
0x11: {  	s18 =	sadd.s32 s8, s5;
	s23 =	sadd.s32 $0x23800, s7;
	[dreg:$0x7] =	wrdreg s6  }
0x12: {  	s8 =	sor.u32 $0x1C19, s21;
	s24 =	sadd.s32 $0xF200, s14;
	[dreg:$0x8] =	wrdreg s23  }
0x13: {  	s26 =	sadd.s32 $0x42400, s1;
	s1 =	sadd.s32 $0x4E400, s1;
	[dreg:$0x9] =	wrdreg s24  }
0x14: {  	s21 =	simm.s32 $0x13880;
	s5 =	simm.s32 $0x11;
	[dreg:$0xb] =	wrdreg s26  }
0x15: {  	s7 =	simm.s32 $0x13;
	s25 =	sadd.s32 $0x2E400, s18;
	[dreg:$0xc] =	wrdreg s1  }
0x16: {  	s18 =	simm.s32 $0x19;
	s22 =	simm.s32 $0x16880;
	s23 =	simm.s32 $0x80  }
0x17: {  	v0 =	vlaneseq.u32;
	s26 =	simm.s32 $0x15;
	s1 =	simm.s32 $0xE;
	s24 =	simm.s32 $0x10  }
0x18: {  	v1 =	vor.u32 $0x10, v0;
	s6 =	simm.s32 $0x12;
	[dreg:$0xa] =	wrdreg s25;
	s25 =	simm.s32 $0x14  }
.LBB2_1:
0x19: {  	s10 =	rddreg [dreg:$0x3]  }
0x1a: {  	[spmem:s17], [sflag:s8] =	dma.local [hbm:s10], $0xA00  }
0x1b: {  	_ =	swait.ge [sflag:s18], $0xA00  }
0x1c: {  	[sflag:s18] =	ssyncset.done $0x0  }
0x1d: {  	s14 =	rddreg [dreg:$0x6];
	[sflag:s18] =	ssyncadd.s32 $0xFFFFF600  }
0x1e: {  	[tilespmem:s3], [sflag:$0x19] =	stream.linear.gather [hbm4b:s14+s3], $0x2780, $0x38;
	[tilespmem:$0x1E880] =	vst v63  }
0x1f: {  	_ =	swait.ge [sflag:s18], $0x2780  }
0x20: {  	[sflag:s18] =	ssyncset.done $0x0  }
0x21: {  	s10 =	simm.s32 $0x2780;
	s11 =	rddreg [dreg:$0x7];
	[sflag:s18] =	ssyncadd.s32 $0xFFFFD880  }
0x22: {  	[tilespmem:s10], [sflag:$0x19] =	stream.linear.gather [hbm4b:s11+s3], $0x2780, $0x38;
	[tilespmem:$0x1E880] =	vst v63  }
0x23: {  	_ =	swait.ge [sflag:s18], $0x2780  }
0x24: {  	[sflag:s18] =	ssyncset.done $0x0  }
0x25: {  	s15 =	rddreg [dreg:$0x8];
	[sflag:s18] =	ssyncadd.s32 $0xFFFFD880  }
0x26: {  	[tilespmem:s19], [sflag:$0x19] =	stream.linear.gather [hbm4b:s15+s3], $0x2800, $0x38;
	[tilespmem:$0x1E880] =	vst v63  }
0x27: {  	_ =	swait.ge [sflag:s18], $0x2800  }
0x28: {  	[sflag:s18] =	ssyncset.done $0x0  }
0x29: {  	s12 =	rddreg [dreg:$0x9];
	[sflag:s18] =	ssyncadd.s32 $0xFFFFD800  }
0x2a: {  	[tilespmem:s20], [sflag:$0x19] =	stream.linear.gather [hbm4b:s12+s3], $0x180, $0x38;
	[tilespmem:$0x1E880] =	vst v63  }
0x2b: {  	_ =	swait.ge [sflag:s18], $0x180  }
0x2c: {  	[sflag:s18] =	ssyncset.done $0x0  }
0x2d: {  	s13 =	rddreg [dreg:$0x4];
	[sflag:s18] =	ssyncadd.s32 $0xFFFFFE80  }
0x2e: {  	[tilespmem:s21], [sflag:$0x19] =	stream.linear.gather [hbm4b:s13+s3], $0x3000, $0x38;
	[tilespmem:$0x1E880] =	vst v63  }
0x2f: {  	_ =	swait.ge [sflag:s18], $0x3000  }
0x30: {  	[sflag:s18] =	ssyncset.done $0x0  }
0x31: {  	s14 =	rddreg [dreg:$0x5];
	[sflag:s18] =	ssyncadd.s32 $0xFFFFD000  }
0x32: {  	[tilespmem:s22], [sflag:$0x19] =	stream.linear.gather [hbm4b:s14+s3], $0x3000, $0x38;
	[tilespmem:$0x1E880] =	vst v63  }
0x33: {  	_ =	swait.ge [sflag:s18], $0x3000  }
0x34: {  	[sflag:s18] =	ssyncset.done $0x0  }
0x35: {  	[sflag:s18] =	ssyncadd.s32 $0xFFFFD000  }
0x36: {  	s15 =	simm.s32 $0x4F00;
	[bflag:$0x0] =	sbarrier.arrive $0xFFFF  }
0x37: {  	[tilespmem:s15], [sflag:$0x1] =	stream.indirect.gather [hbm4b:s4+s23], $0x20, s3, s23, $0xb8;
	[tilespmem:$0x1E880] =	vst v63  }
0x38: {  	s12 =	simm.s32 $0x5F00  }
0x39: {  	[tilespmem:s12], [sflag:$0x2] =	stream.indirect.gather [hbm4b:s4+s23], $0x20, s23, s23, $0xb8;
	[tilespmem:$0x1E880] =	vst v63  }
0x3a: {  	s13 =	simm.s32 $0x100;
	s12 =	simm.s32 $0x6F00  }
0x3b: {  	[tilespmem:s12], [sflag:$0x3] =	stream.indirect.gather [hbm4b:s4+s23], $0x20, s13, s23, $0xb8;
	[tilespmem:$0x1E880] =	vst v63  }
0x3c: {  	s14 =	simm.s32 $0x180;
	s15 =	simm.s32 $0x7F00  }
0x3d: {  	[tilespmem:s15], [sflag:$0x4] =	stream.indirect.gather [hbm4b:s4+s23], $0x20, s14, s23, $0xb8;
	[tilespmem:$0x1E880] =	vst v63  }
.Ltmp0:
0x3e: {  	_ = 	snop;
	(pc) =	sbr.rel .LBB2_2-.Ltmp0, $4  }
0x3f: {  	s11 =	simm.s32 $0xFFFFFFFA;
	s12 =	simm.s32 $0x200;
	s13 =	simm.s32 $0x8F00  }
0x40: {  	[tilespmem:s13], [sflag:$0x5] =	stream.indirect.gather [hbm4b:s4+s23], $0x20, s12, s23, $0xb8;
	[tilespmem:$0x1E880] =	vst v63  }
0x41: {  	s14 =	simm.s32 $0x280;
	s15 =	simm.s32 $0x9F00;
	s12 =	simm.s32 $0x300  }
0x42: {  	[tilespmem:s15], [sflag:$0x6] =	stream.indirect.gather [hbm4b:s4+s23], $0x20, s14, s23, $0xb8;
	[tilespmem:$0x1E880] =	vst v63  }
.LBB2_3:
0x43: {  	s15 =	smul.u32 $0xAB, s14;
	_ =	sdelay $0x1  }
0x44: {  	s15 =	sshrl.u32 s15, $0xB  }
0x45: {  	s15 =	sand.u32 $0x1F, s15  }
0x46: {  	s15 =	smul.u32 $0xC, s15;
	_ =	sdelay $0x1  }
0x47: {  	s15 =	ssub.s32 s14, s15  }
0x48: {  	s14 =	sand.u32 $0xFF, s15  }
0x49: {  	s15 =	sadd.s32 $0xD, s14  }
0x4a: {  	_ =	swait.ge [sflag:s15], $0x1000  }
0x4b: {  	[sflag:s15] =	ssyncset.done $0x0  }
0x4c: {  	[sflag:s15] =	ssyncadd.s32 $0xFFFFF000  }
.LBB2_6:
0x4d: {  	s15 =	sshll.u32 s14, $0xC  }
0x4e: {  	s14 =	sadd.s32 $0x1, s14;
	s15 =	sadd.s32 $0x4F00, s15  }
0x4f: {  	[tilespmem:s15], [sflag:s14] =	stream.indirect.gather [hbm4b:s4+s23], $0x20, s12, s23, $0xb8;
	[tilespmem:$0x1E880] =	vst v63  }
.LBB2_7:
0x50: {  	s14 =	smul.u32 $0xAB, s13;
	_ =	sdelay $0x1  }
0x51: {  	s14 =	sshrl.u32 s14, $0xB  }
0x52: {  	s14 =	sand.u32 $0x1F, s14  }
0x53: {  	s14 =	smul.u32 $0xC, s14;
	_ =	sdelay $0x1  }
0x54: {  	s14 =	ssub.s32 s13, s14  }
0x55: {  	s11 =	sadd.s32 $0x1, s11;
	s13 =	sand.u32 $0xFF, s14  }
0x56: {  	p0 =	sne.s32 s11, $0x49;
	s14 =	sadd.s32 $0x1, s13  }
.Ltmp1:
0x57: {  	_ =	swait.ge [sflag:s14], $0x1000;
	(pc) =	sbr.rel @!p0 .LBB2_8-.Ltmp1, $4  }
0x58: {  	s15 =	sshll.u32 s13, $0xC;
	[sflag:s14] =	ssyncset.done $0x0  }
0x59: {  	s13 =	sadd.s32 $0xD, s13;
	s15 =	sadd.s32 $0x4F00, s15;
	[sflag:s14] =	ssyncadd.s32 $0xFFFFF000  }
0x5a: {  	[spmem:s2] =	stream.indirect.scatter.add.f32 [tilespmem:s15], [sflag:s13], $0x20, s10, s23, $0xb8;
	[tilespmem:$0x1E880] =	vst v63  }
0x5b: {  	s12 =	sadd.s32 $0x80, s12;
	s10 =	sadd.s32 $0x80, s10  }
.LBB2_2:
0x5c: {  	p0 =	sgt.u32 s11, $0x42  }
.Ltmp2:
0x5d: {  	_ = 	snop;
	(pc) =	sbr.rel @!p0 .LBB2_3-.Ltmp2, $2  }
0x5e: {  	_ =	sdelay $0x2  }
0x5f: {  	s13 =	sadd.s32 $0x6, s11;
	s14 =	sadd.s32 $0xC, s11  }
0x60: {  	p0 =	sgt.u32 s13, $0x48  }
.Ltmp3:
0x61: {  	_ = 	snop;
	(pc) =	sbr.rel @p0 .LBB2_7-.Ltmp3, $1  }
0x62: {  	_ =	sdelay $0x3  }
0x63: {  	s15 =	smul.u32 $0xAB, s14;
	_ =	sdelay $0x1  }
0x64: {  	s15 =	sshrl.u32 s15, $0xB  }
.Ltmp4:
0x65: {  	s15 =	sand.u32 $0x1F, s15;
	(pc) =	sbr.rel .LBB2_6-.Ltmp4, $3  }
0x66: {  	s15 =	smul.u32 $0xC, s15;
	_ =	sdelay $0x1  }
0x67: {  	s15 =	ssub.s32 s14, s15  }
0x68: {  	s14 =	sand.u32 $0xFF, s15  }
.LBB2_8:
0x69: {  	_ =	swait.ge [sflag:s25], $0x1000  }
0x6a: {  	[sflag:s25] =	ssyncset.done $0x0  }
0x6b: {  	[sflag:s25] =	ssyncadd.s32 $0xFFFFF000  }
0x6c: {  	_ =	swait.ge [sflag:s26], $0x1000  }
0x6d: {  	[sflag:s26] =	ssyncset.done $0x0  }
0x6e: {  	[sflag:s26] =	ssyncadd.s32 $0xFFFFF000  }
0x6f: {  	_ =	swait.ge [sflag:s28], $0x1000  }
0x70: {  	[sflag:s28] =	ssyncset.done $0x0  }
0x71: {  	[sflag:s28] =	ssyncadd.s32 $0xFFFFF000  }
0x72: {  	_ =	swait.ge [sflag:s29], $0x1000  }
0x73: {  	[sflag:s29] =	ssyncset.done $0x0  }
0x74: {  	[sflag:s29] =	ssyncadd.s32 $0xFFFFF000  }
0x75: {  	_ =	swait.ge [sflag:s30], $0x1000  }
0x76: {  	[sflag:s30] =	ssyncset.done $0x0  }
0x77: {  	[sflag:s30] =	ssyncadd.s32 $0xFFFFF000  }
0x78: {  	_ =	swait.ge [sflag:s31], $0x1000  }
0x79: {  	[sflag:s31] =	ssyncset.done $0x0  }
0x7a: {  	[sflag:s31] =	ssyncadd.s32 $0xFFFFF000  }
0x7b: {  	_ =	swait.ge [sflag:s1], $0x1000  }
0x7c: {  	[sflag:s1] =	ssyncset.done $0x0  }
0x7d: {  	[sflag:s1] =	ssyncadd.s32 $0xFFFFF000  }
0x7e: {  	_ =	swait.ge [sflag:s0], $0x1000  }
0x7f: {  	[sflag:s0] =	ssyncset.done $0x0  }
0x80: {  	[sflag:s0] =	ssyncadd.s32 $0xFFFFF000  }
0x81: {  	_ =	swait.ge [sflag:s24], $0x1000  }
0x82: {  	[sflag:s24] =	ssyncset.done $0x0  }
0x83: {  	[sflag:s24] =	ssyncadd.s32 $0xFFFFF000  }
0x84: {  	_ =	swait.ge [sflag:s5], $0x1000  }
0x85: {  	[sflag:s5] =	ssyncset.done $0x0  }
0x86: {  	[sflag:s5] =	ssyncadd.s32 $0xFFFFF000  }
0x87: {  	s10 =	simm.s32 $0x0;
	_ =	swait.ge [sflag:s6], $0x1000  }
0x88: {  	v2 =	vmov s10;
	[sflag:s6] =	ssyncset.done $0x0  }
0x89: {  	[sflag:s6] =	ssyncadd.s32 $0xFFFFF000  }
0x8a: {  	_ =	swait.ge [sflag:s7], $0x1000  }
0x8b: {  	[sflag:s7] =	ssyncset.done $0x0  }
0x8c: {  	[sflag:s7] =	ssyncadd.s32 $0xFFFFF000  }
0x8d: {  	v2 =	vld.idx.msk [tilespmem:v2+s20+$0x0], $0xffff  }
0x8e: {  	s11 =	simm.s32 $0x10;
	v3 =	vor.u32 s10, v0  }
0x8f: {  	v4 =	vor.u32 s11, v0;
	_ =	sdelay $0x2  }
0x90: {  	v2 =	vshll.u32 v2, $0x5  }
0x91: {  	v3 =	vld.idx.msk [tilespmem:v3+s19+$0x0], $0xffff;
	v5 =	vor.u32 v0, v2  }
0x92: {  	v4 =	vld.idx.msk [tilespmem:v4+s19+$0x0], $0xffff;
	v2 =	vor.u32 v1, v2;
	_ =	sdelay $0x3  }
0x93: {  	[tilespmem:v5+s21+$0x0] =	vst.idx.add.f32.msk $0xffff, v3  }
0x94: {  	[tilespmem:v2+s21+$0x0] =	vst.idx.add.f32.msk $0xffff, v4  }
0x95: {  	v6 =	vld.idx.msk [tilespmem:v5+s22+$0x0], $0xffff;
	_ =	sdelay $0x4  }
0x96: {  	v3 =	vmax.f32 v6, v3  }
0x97: {  	[tilespmem:v5+s22+$0x0] =	vst.idx.msk $0xffff, v3  }
0x98: {  	v5 =	vld.idx.msk [tilespmem:v2+s22+$0x0], $0xffff;
	_ =	sdelay $0x1  }
0x99: {  	s12 =	simm.s32 $0x1  }
0x9a: {  	v3 =	vmov s12;
	_ =	sdelay $0x1  }
0x9b: {  	s11 =	simm.s32 $0x2;
	v4 =	vmax.f32 v5, v4  }
.LBB2_9:
0x9c: {  	p0 =	sne.s32 s11, $0x13F  }
0x9d: {  	[tilespmem:v2+s22+$0x0] =	vst.idx.msk $0xffff, v4;
	s10 =	sadd.s32 $0x20, s10;
	s12 =	smov.u32 s11;
	s11 =	sadd.s32 $0x1, s11  }
0x9e: {  	v2 =	vld.idx.msk [tilespmem:v3+s20+$0x0], $0xffff  }
0x9f: {  	v3 =	vor.u32 s10, v0;
	s13 =	sadd.s32 $0x10, s10  }
0xa0: {  	v4 =	vor.u32 s13, v0;
	_ =	sdelay $0x3  }
0xa1: {  	v2 =	vshll.u32 v2, $0x5;
	v3 =	vld.idx.msk [tilespmem:v3+s19+$0x0], $0xffff  }
0xa2: {  	v5 =	vor.u32 v0, v2;
	v4 =	vld.idx.msk [tilespmem:v4+s19+$0x0], $0xffff  }
0xa3: {  	v2 =	vor.u32 v1, v2;
	_ =	sdelay $0x3  }
0xa4: {  	[tilespmem:v5+s21+$0x0] =	vst.idx.add.f32.msk $0xffff, v3  }
0xa5: {  	[tilespmem:v2+s21+$0x0] =	vst.idx.add.f32.msk $0xffff, v4  }
0xa6: {  	v6 =	vld.idx.msk [tilespmem:v5+s22+$0x0], $0xffff;
	_ =	sdelay $0x5  }
0xa7: {  	v3 =	vmax.f32 v6, v3  }
0xa8: {  	[tilespmem:v5+s22+$0x0] =	vst.idx.msk $0xffff, v3  }
0xa9: {  	v5 =	vld.idx.msk [tilespmem:v2+s22+$0x0], $0xffff;
	_ =	sdelay $0x1  }
.Ltmp5:
0xaa: {  	(pc) =	sbr.rel @p0 .LBB2_9-.Ltmp5, $2  }
0xab: {  	v3 =	vmov s12;
	_ =	sdelay $0x2  }
0xac: {  	v4 =	vmax.f32 v5, v4  }
0xad: {  	_ =	sdelay $0x3  }
0xae: {  	[tilespmem:v2+s22+$0x0] =	vst.idx.msk $0xffff, v4  }
0xaf: {  	s10 =	sadd.s32 $0x20, s10;
	v2 =	vld.idx.msk [tilespmem:v3+s20+$0x0], $0xffff  }
0xb0: {  	v3 =	vor.u32 s10, v0;
	s10 =	sadd.s32 $0x10, s10  }
0xb1: {  	v63 =	vor.u32 s10, v0;
	_ =	sdelay $0x2  }
0xb2: {  	v2 =	vshll.u32 v2, $0x5  }
0xb3: {  	v3 =	vld.idx.msk [tilespmem:v3+s19+$0x0], $0xffff;
	v5 =	vor.u32 v0, v2  }
0xb4: {  	v4 =	vld.idx.msk [tilespmem:v63+s19+$0x0], $0xffff;
	v2 =	vor.u32 v1, v2;
	_ =	sdelay $0x3  }
0xb5: {  	[tilespmem:v5+s21+$0x0] =	vst.idx.add.f32.msk $0xffff, v3  }
0xb6: {  	[tilespmem:v2+s21+$0x0] =	vst.idx.add.f32.msk $0xffff, v4  }
0xb7: {  	v6 =	vld.idx.msk [tilespmem:v5+s22+$0x0], $0xffff;
	_ =	sdelay $0x4  }
0xb8: {  	v3 =	vmax.f32 v6, v3  }
0xb9: {  	[tilespmem:v5+s22+$0x0] =	vst.idx.msk $0xffff, v3  }
0xba: {  	v3 =	vld.idx.msk [tilespmem:v2+s22+$0x0], $0xffff;
	_ =	sdelay $0x4  }
0xbb: {  	v3 =	vmax.f32 v3, v4  }
0xbc: {  	[tilespmem:v2+s22+$0x0] =	vst.idx.msk $0xffff, v3  }
0xbd: {  	[bflag:$0x0] =	sbarrier.arrive $0xFFFF  }
0xbe: {  	s13 =	rddreg [dreg:$0xa]  }
0xbf: {  	[hbm:s13], [sflag:s8] =	dma.local [spmem:s17], $0xA00  }
0xc0: {  	_ =	swait.ge [sflag:s18], $0xA00  }
0xc1: {  	[sflag:s18] =	ssyncset.done $0x0  }
0xc2: {  	s14 =	rddreg [dreg:$0xb];
	[sflag:s18] =	ssyncadd.s32 $0xFFFFF600  }
0xc3: {  	[hbm4b:s14+s3] =	stream.linear.scatter [tilespmem:s21], [sflag:$0x19], $0x3000, $0x38;
	[tilespmem:$0x1E880] =	vst v63  }
0xc4: {  	s9 =	sadd.s32 $0x1, s9;
	_ =	swait.ge [sflag:s18], $0x3000  }
0xc5: {  	p0 =	sne.s32 s9, s16;
	[sflag:s18] =	ssyncset.done $0x0  }
.Ltmp6:
0xc6: {  	s15 =	rddreg [dreg:$0xc];
	[sflag:s18] =	ssyncadd.s32 $0xFFFFD000;
	(pc) =	sbr.rel @p0 .LBB2_1-.Ltmp6, $4  }
0xc7: {  	[hbm4b:s15+s3] =	stream.linear.scatter [tilespmem:s22], [sflag:$0x19], $0x3000, $0x38;
	[tilespmem:$0x1E880] =	vst v63  }
0xc8: {  	_ =	swait.ge [sflag:s18], $0x3000  }
0xc9: {  	[sflag:s18] =	ssyncset.done $0x0  }
0xca: {  	[sflag:s18] =	ssyncadd.s32 $0xFFFFD000  }
0xcb: {  	_ =	sfence.sel $0x180000  }
0xcc: {  	[bflag:$0x0] =	sbarrier.arrive $0xFFFF  }
0xcd: {  	_ =	strace $0x9000004D  }
0xce: {  	s0 =	stileid.u32;
	[bflag:$0x2] =	sbarrier.arrive $0xFFFF  }
0xcf: {  	p0 =	sne.s32 s0, $0x0;
	s0 =	rddreg [dreg:$0x2]  }
0xd0: {  	s0 =	sadd.s32 @!p0 $0x100000, s0  }
0xd1: {  	[sflag:s0] =	ssyncadd.tile.s32 @!p0 $0x1;
	_ =	shalt  }
.Lfunc_end2:
_tile_overlayer_lowered:
.L_overlay_start_2:
0xd2: {  	(tag) =	ssettag $0x2  }
0xd3: {  	s0 =	rddreg [dreg:$0x0];
	s2 =	stileid.u32  }
0xd4: {  	s1 =	rddreg [dreg:$0x1];
	p0 =	sne.s32 s2, $0x0  }
0xd5: {  	s3 =	rddreg [dreg:$0x2];
	[bflag:$0x3] =	sbarrier.arrive $0xFFFF;
	s2 =	simm.s32 @!p0 $0x1C19  }
0xd6: {  	[timem:s3], [sflag:s2] =	dma.local @!p0 [hbm:s0], s1  }
0xd7: {  	s0 =	simm.s32 @!p0 $0x19  }
0xd8: {  	_ =	swait.ge @!p0 [sflag:s0], s1  }
0xd9: {  	s1 =	ssub.s32 @!p0 $0x0, s1;
	[sflag:s0] =	ssyncset.done @!p0 $0x0  }
0xda: {  	[sflag:s0] =	ssyncadd.s32 @!p0 s1  }
0xdb: {  	[bflag:$0x3] =	sbarrier.arrive $0xFFFF  }
0xdc: {  	_ =	shalt  }

// kernel: kernel.20.cloned.1.call-start
scs
__scs_entry_jumppad:
0x0: {  	(pc) =	sbr.rel $0x88, $3  }
0x1: {  	(tag) =	ssettag $0x0;
	lr =	simm.s32 $0x1  }
0x2: {  	[smem:$0x3F92] =	sst lr;
	_ =	strace $0xD0000000  }
0x3: {  	_ = 	snop  }
0x4: {  	_ = 	snop  }
0x5: {  	_ = 	snop  }
0x6: {  	_ = 	snop  }
0x7: {  	_ = 	snop  }
__scs_overlays_trampoline_lowered:
0x8: {  	[smem:$0x3FA1] =	sst s0  }
0x9: {  	[smem:$0x3FA2] =	sst s1  }
0xa: {  	[smem:$0x3FA3] =	sst s2  }
0xb: {  	[smem:$0x3FA4] =	sst s3  }
0xc: {  	[smem:$0x3FA5] =	sst s4  }
0xd: {  	[smem:$0x3FA6] =	sst s5  }
0xe: {  	[smem:$0x3FA7] =	sst s6  }
0xf: {  	[smem:$0x3FA8] =	sst s7  }
0x10: {  	[smem:$0x3FA9] =	sst s8  }
0x11: {  	[smem:$0x3FAA] =	sst s9;
	s0 =	simm.s32 @!p0 $0x0  }
0x12: {  	s1 =	sld [smem:$0x3F90];
	s0 =	simm.s32 @p0 $0x1  }
0x13: {  	[smem:$0x3FAB] =	sst s0;
	s0 =	simm.s32 @!p1 $0x0  }
0x14: {  	s2 =	sld [smem:$0x3F8F];
	s0 =	simm.s32 @p1 $0x1  }
0x15: {  	[smem:$0x3FAC] =	sst s0;
	s0 =	simm.s32 @!p2 $0x0  }
0x16: {  	s3 =	sld [smem:$0x3FDB];
	s0 =	simm.s32 @p2 $0x1  }
0x17: {  	s4 =	simm.s32 $0x1BF5;
	[smem:$0x3FAE] =	sst s0  }
0x18: {  	s0 =	sld [smem:$0x3F91];
	_ =	swait.ge [sflag:s4], $0x0  }
0x19: {  	s7 =	sld [smem:$0x3F92]  }
0x1a: {  	s8 =	sadd.s32 $0xFFFFE003, lr  }
0x1b: {  	s9 =	sadd.s32 $0xFFFFFEF7, lr;
	s5 =	simm.s32 $0xFFFFFFFF;
	p2 =	slt.u32 s8, $0xFFFFF086  }
0x1c: {  	p1 =	slt.u32 s9, $0xF7A;
	s5 =	simm.s32 @!p2 $0x0  }
0x1d: {  	s5 =	simm.s32 @p1 $0x1;
	p0 =	seq.s32 s7, s2  }
0x1e: {  	s7 =	smul.u32 @!p0 $0xF7A, s2;
	p2 =	seq.s32 @!p0 s5, $0x0  }
0x1f: {  	s9 =	smul.u32 $0xF7A, s1;
	s8 =	simm.s32 @!p0 $0x1BF5;
	p2 =	por !p2, p0  }
0x20: {  	[sflag:s8] =	ssyncset.s32 @!p0 $0xFFFFF086;
	s6 =	sadd.s32 @!p0 s3, s7;
	s7 =	simm.s32 @!p0 $0x108  }
0x21: {  	s3 =	sadd.s32 s3, s9;
	s6 =	sadd.s32 @!p0 $0x88, s6;
	s7 =	simm.s32 @p2 $0x1082  }
0x22: {  	[simem:s7], [sflag:s8] =	dma.local @!p0 [hbm:s6], $0xF7A  }
0x23: {  	s9 =	sor.u32 $0xD0000000, s2;
	s6 =	simm.s32 $0x108;
	_ =	swait.ge @!p0 [sflag:s8], $0x0  }
0x24: {  	s3 =	sadd.s32 $0x88, s3;
	s6 =	simm.s32 @!p1 $0x1082;
	[sflag:s4] =	ssyncset.s32 $0xFFFFF086  }
0x25: {  	[simem:s6], [sflag:s4] =	dma.local [hbm:s3], $0xF7A  }
0x26: {  	[smem:$0x3F92] =	sst s1;
	(tag) =	ssettag s2;
	_ =	strace s9  }
0x27: {  	s1 =	sld [smem:$0x3FA2]  }
0x28: {  	s2 =	sld [smem:$0x3FA3]  }
0x29: {  	s4 =	sld [smem:$0x3FA5]  }
0x2a: {  	p0 =	seq.s32 s5, $0x0;
	s5 =	sld [smem:$0x3FA6]  }
0x2b: {  	s6 =	sld [smem:$0x3FA7]  }
0x2c: {  	s7 =	sld [smem:$0x3FA8]  }
0x2d: {  	s3 =	simm.s32 $0x108;
	s8 =	sld [smem:$0x3FA9]  }
0x2e: {  	s3 =	simm.s32 @!p0 $0x1082;
	s9 =	sld [smem:$0x3FAA]  }
0x2f: {  	lr =	sadd.s32 s0, s3;
	s0 =	sld [smem:$0x3FA1]  }
0x30: {  	s3 =	sld [smem:$0x3FA4]  }
0x31: {  	[smem:$0x3FAD] =	sst s10  }
0x32: {  	s10 =	sld [smem:$0x3FAB];
	_ =	sdelay $0x3  }
0x33: {  	p0 =	seq.s32 s10, $0x1;
	s10 =	sld [smem:$0x3FAD];
	_ =	sdelay $0x3  }
0x34: {  	[smem:$0x3FAD] =	sst s10  }
0x35: {  	s10 =	sld [smem:$0x3FAC];
	_ =	sdelay $0x3  }
0x36: {  	p1 =	seq.s32 s10, $0x1;
	s10 =	sld [smem:$0x3FAD];
	_ =	sdelay $0x3  }
0x37: {  	[smem:$0x3FAD] =	sst s10  }
0x38: {  	s10 =	sld [smem:$0x3FAE]  }
0x39: {  	_ = 	snop;
	(pc) =	sbr.ind lr, $3  }
0x3a: {  	_ = 	snop  }
0x3b: {  	_ = 	snop  }
0x3c: {  	p2 =	seq.s32 s10, $0x1;
	s10 =	sld [smem:$0x3FAD]  }
0x3d: {  	_ =	shalt  }
0x3e: {  	_ =	shalt  }
0x3f: {  	_ =	shalt  }
0x40: {  	_ =	shalt  }
0x41: {  	_ =	shalt  }
0x42: {  	_ =	shalt  }
0x43: {  	_ =	shalt  }
0x44: {  	_ =	shalt  }
0x45: {  	_ =	shalt  }
0x46: {  	_ =	shalt  }
0x47: {  	_ =	shalt  }
0x48: {  	_ =	shalt  }
0x49: {  	_ =	shalt  }
0x4a: {  	_ =	shalt  }
0x4b: {  	_ =	shalt  }
0x4c: {  	_ =	shalt  }
0x4d: {  	_ =	shalt  }
0x4e: {  	_ =	shalt  }
0x4f: {  	_ =	shalt  }
0x50: {  	_ =	shalt  }
0x51: {  	_ =	shalt  }
0x52: {  	_ =	shalt  }
0x53: {  	_ =	shalt  }
0x54: {  	_ =	shalt  }
0x55: {  	_ =	shalt  }
0x56: {  	_ =	shalt  }
0x57: {  	_ =	shalt  }
0x58: {  	_ =	shalt  }
0x59: {  	_ =	shalt  }
0x5a: {  	_ =	shalt  }
0x5b: {  	_ =	shalt  }
0x5c: {  	_ =	shalt  }
0x5d: {  	_ =	shalt  }
0x5e: {  	_ =	shalt  }
0x5f: {  	_ =	shalt  }
0x60: {  	_ =	shalt  }
0x61: {  	_ =	shalt  }
0x62: {  	_ =	shalt  }
0x63: {  	_ =	shalt  }
0x64: {  	_ =	shalt  }
0x65: {  	_ =	shalt  }
0x66: {  	_ =	shalt  }
0x67: {  	_ =	shalt  }
0x68: {  	_ =	shalt  }
0x69: {  	_ =	shalt  }
0x6a: {  	_ =	shalt  }
0x6b: {  	_ =	shalt  }
0x6c: {  	_ =	shalt  }
0x6d: {  	_ =	shalt  }
0x6e: {  	_ =	shalt  }
0x6f: {  	_ =	shalt  }
0x70: {  	_ =	shalt  }
0x71: {  	_ =	shalt  }
0x72: {  	_ =	shalt  }
0x73: {  	_ =	shalt  }
0x74: {  	_ =	shalt  }
0x75: {  	_ =	shalt  }
0x76: {  	_ =	shalt  }
0x77: {  	_ =	shalt  }
0x78: {  	_ =	shalt  }
0x79: {  	_ =	shalt  }
0x7a: {  	_ =	shalt  }
0x7b: {  	_ =	shalt  }
0x7c: {  	_ =	shalt  }
0x7d: {  	_ =	shalt  }
0x7e: {  	_ =	shalt  }
0x7f: {  	_ =	shalt  }
0x80: {  	_ =	shalt  }
0x81: {  	_ =	shalt  }
0x82: {  	_ =	shalt  }
0x83: {  	_ =	shalt  }
0x84: {  	_ =	shalt  }
0x85: {  	_ =	shalt  }
0x86: {  	_ =	shalt  }
0x87: {  	_ =	shalt  }
.Lfunc_end0:
.L_simem_size_0:
called_computation.3_lowered:
.L_overlay_start_0:
0x88: {  	s2 =	sld [smem:$0x3FD9]  }
0x89: {  	s3 =	sld [smem:$0x3FFE];
	_ =	sdelay $0x1  }
0x8a: {  	s1 =	srdreg.scid  }
0x8b: {  	s0 =	sand.u32 $0x1, s1  }
0x8c: {  	s16 =	sshll.u32 s0, $0xA;
	s2 =	sadd.s32 s3, s2  }
0x8d: {  	s2 =	sadd.s32 s2, s16  }
0x8e: {  	[smem:$0x3FB9] =	sst s2  }
0x8f: {  	_ = 	snop  }
0x90: {  	(tm) =	ssettm $0x1  }
0x91: {  	s17 =	sld [smem:$0x3FFB];
	_ =	sdelay $0x3  }
0x92: {  	_ =	strace s17  }
0x93: {  	s2 =	sld [smem:$0x3FFC];
	_ =	sdelay $0x3  }
0x94: {  	_ =	strace s2  }
0x95: {  	s2 =	sld [smem:$0x3FFD];
	_ =	sdelay $0x3  }
0x96: {  	_ =	strace s2  }
0x97: {  	_ =	strace $0x8FFFFFFF  }
0x98: {  	s18 =	sld [smem:$0x3FDB];
	_ =	sdelay $0x1  }
0x99: {  	s19 =	simm.s32 $_scs_section_size  }
0x9a: {  	s4 =	simm.s32 $_size__tile_overlayer_lowered;
	s5 =	simm.s32 $_tile_overlayer_lowered  }
0x9b: {  	s22 =	simm.s32 $0x1BFF;
	s21 =	sshll.u32 s5, $0x1;
	s2 =	sadd.s32 s19, s18  }
0x9c: {  	s6 =	simm.s32 $0x0;
	s20 =	sshll.u32 s4, $0x1;
	s4 =	sadd.s32 s21, s2  }
0x9d: {  	[timem:s6], [sflag:s22] =	dma.local [hbm:s4], s20  }
0x9e: {  	_ =	swait.ge [sflag:s22], s20  }
0x9f: {  	s3 =	ssub.s32 $0x0, s20;
	[sflag:s22] =	ssyncset.done $0x0  }
0xa0: {  	[sflag:s22] =	ssyncadd.s32 s3;
	_ =	sdelay $0x1  }
0xa1: {  	s23 =	simm.s32 $0x1B8B  }
0xa2: {  	_ =	swait.ge [sflag:s23], $0x1  }
0xa3: {  	[sflag:s23] =	ssyncset.done $0x0  }
0xa4: {  	s25 =	simm.s32 $0x1B8E;
	s24 =	sld [smem:$0x3FFE];
	[sflag:s23] =	ssyncadd.s32 $0xFFFFFFFF  }
0xa5: {  	s26 =	simm.s32 $execute0_lowered;
	[smem:$0x3FD2] =	sst s25  }
0xa6: {  	s4 =	sshll.u32 s26, $0x1;
	_ =	strace $0x8000004F;
	[dreg:$0x1] =	wrdreg $0xFFFFFFFF  }
0xa7: {  	s28 =	simm.s32 $_size_execute0_lowered;
	s2 =	sadd.s32 s2, s4;
	[dreg:$0x0] =	wrdreg $0x0  }
0xa8: {  	s4 =	sshll.u32 s28, $0x1;
	[dreg:$0x2] =	wrdreg s2  }
0xa9: {  	[dreg:$0x3] =	wrdreg s4  }
0xaa: {  	[dreg:$0x4] =	wrdreg $0xC0  }
0xab: {  	_ =	task [dreg:s6], $0x5FFFF  }
0xac: {  	[dreg:$0x1] =	wrdreg $0xFFFFFFFF  }
0xad: {  	[dreg:$0x0] =	wrdreg $0x60  }
0xae: {  	[dreg:$0x2] =	wrdreg s24  }
0xaf: {  	[dreg:$0x3] =	wrdreg $0x198800  }
0xb0: {  	[dreg:$0x4] =	wrdreg $0x9  }
0xb1: {  	_ =	task.clear_ibuf [dreg:s6], $0x5FFFF;
	_ =	strace $0x9000004F  }
0xb2: {  	s29 =	simm.s32 $0x9;
	_ =	strace $0x80000051  }
0xb3: {  	_ =	swait.ge [sflag:s29], $0x1  }
0xb4: {  	[sflag:s29] =	ssyncadd.s32 $0xFFFFFFFF  }
0xb5: {  	_ =	strace $0x90000051  }
0xb6: {  	_ =	sfence  }
0xb7: {  	s30 =	sld [smem:$0x0];
	_ =	sdelay $0x2  }
0xb8: {  	s31 =	sshll.u32 s1, $0xD;
	s1 =	sshrl.u32 s1, $0x2  }
0xb9: {  	s3 =	sand.u32 $0x4000, s31;
	s1 =	sadd.s32 s1, s30  }
0xba: {  	s0 =	sor.u32 s3, s0;
	s1 =	sshll.u32 s1, $0x11  }
0xbb: {  	s0 =	sor.u32 s1, s0  }
0xbc: {  	s0 =	sadd.s32 $0x8F2B, s0  }
0xbd: {  	[sflag:s0] =	ssyncadd.remote.s32 $0x1  }
0xbe: {  	_ =	sfence.sel $0xFFFF  }
0xbf: {  	[dreg:$0x0] =	wrdreg $0xFFFFFFFF;
	(pc) =	sbr.abs _section_cstart, $3  }
0xc0: {  	[dreg:$0x1] =	wrdreg $0xFFFFFFFF  }
0xc1: {  	_ =	task.clear_ibuf [dreg:s6], $0x2FFFF;
	_ =	strace $0x9FFFFFFF  }
0xc2: {  	(tm) =	ssettm $0x7FFFFFFF  }
0xc3: {  	_ =	shalt  }
tec
execute0_lowered:
.L_overlay_start_1:
0x0: {  	(tag) =	ssettag $0x1  }
0x1: {  	s0 =	srdreg.scid;
	s5 =	rddreg [dreg:$0x0]  }
0x2: {  	s12 =	stileid.u32;
	s2 =	rddreg [dreg:$0x1];
	s3 =	simm.s32 $0x0  }
0x3: {  	s28 =	simm.s32 $0x16;
	s29 =	simm.s32 $0x17;
	s30 =	simm.s32 $0x18  }
0x4: {  	s31 =	simm.s32 $0xD;
	s0 =	sand.u32 $0x1, s0;
	[smem:$0x7FF] =	sst s3  }
0x5: {  	s9 =	smul.u32 $0x5000, s12;
	s4 =	sadd.s32 $0x19800, s5;
	s11 =	sadd.s32 $0xE800, s5  }
0x6: {  	s15 =	sadd.s32 $0x2DE00, s5;
	s17 =	sadd.s32 $0x2D800, s5;
	s1 =	sshll.u32 s0, $0x4  }
0x7: {  	s21 =	sshll.u32 s12, $0x6;
	s10 =	smul.u32 $0x50000, s0;
	s1 =	sor.u32 s12, s1  }
0x8: {  	_ =	strace $0x80000050;
	[dreg:$0x3] =	wrdreg s11;
	s6 =	smul.u32 $0x4F0, s1  }
0x9: {  	[dreg:$0x4] =	wrdreg s15;
	s0 =	ssub.s32 $0x2, s0;
	s7 =	smul.u32 $0x500, s1  }
0xa: {  	[dreg:$0x5] =	wrdreg s17;
	s19 =	sshrl.u32 s0, $0x1;
	s8 =	smul.u32 $0x30, s1  }
0xb: {  	s20 =	sadd.s32 s9, s2;
	s16 =	sadd.s32 s9, s10;
	s1 =	smul.u32 $0x600, s1  }
0xc: {  	s0 =	ssub.s32 s0, s19;
	s17 =	sshrl.u32 s20, $0x3;
	s19 =	simm.s32 $0x10F00  }
0xd: {  	s20 =	simm.s32 $0x13700;
	s9 =	simm.s32 $0x0;
	s6 =	sadd.s32 s6, s5  }
0xe: {  	s7 =	sadd.s32 s7, s5;
	s14 =	sadd.s32 s8, s5;
	s8 =	sshrl.u32 s16, $0x3  }
0xf: {  	s1 =	sadd.s32 s1, s5;
	s16 =	smax.u32 s0, $0x1;
	s22 =	sadd.s32 $0xFA00, s6  }
0x10: {  	s0 =	simm.s32 $0xF;
	s6 =	sadd.s32 $0x4A00, s6;
	[dreg:$0x6] =	wrdreg s22  }
0x11: {  	s18 =	sadd.s32 s8, s5;
	s23 =	sadd.s32 $0x23800, s7;
	[dreg:$0x7] =	wrdreg s6  }
0x12: {  	s8 =	sor.u32 $0x1C19, s21;
	s24 =	sadd.s32 $0xF200, s14;
	[dreg:$0x8] =	wrdreg s23  }
0x13: {  	s26 =	sadd.s32 $0x2E400, s1;
	s1 =	sadd.s32 $0x5A400, s1;
	[dreg:$0x9] =	wrdreg s24  }
0x14: {  	s21 =	simm.s32 $0x13880;
	s5 =	simm.s32 $0x11;
	[dreg:$0xb] =	wrdreg s26  }
0x15: {  	s7 =	simm.s32 $0x13;
	s25 =	sadd.s32 $0x66400, s18;
	[dreg:$0xc] =	wrdreg s1  }
0x16: {  	s18 =	simm.s32 $0x19;
	s22 =	simm.s32 $0x16880;
	s23 =	simm.s32 $0x80  }
0x17: {  	v0 =	vlaneseq.u32;
	s26 =	simm.s32 $0x15;
	s1 =	simm.s32 $0xE;
	s24 =	simm.s32 $0x10  }
0x18: {  	v1 =	vor.u32 $0x10, v0;
	s6 =	simm.s32 $0x12;
	[dreg:$0xa] =	wrdreg s25;
	s25 =	simm.s32 $0x14  }
.LBB2_1:
0x19: {  	s10 =	rddreg [dreg:$0x3]  }
0x1a: {  	[spmem:s17], [sflag:s8] =	dma.local [hbm:s10], $0xA00  }
0x1b: {  	_ =	swait.ge [sflag:s18], $0xA00  }
0x1c: {  	[sflag:s18] =	ssyncset.done $0x0  }
0x1d: {  	s14 =	rddreg [dreg:$0x6];
	[sflag:s18] =	ssyncadd.s32 $0xFFFFF600  }
0x1e: {  	[tilespmem:s3], [sflag:$0x19] =	stream.linear.gather [hbm4b:s14+s3], $0x2780, $0x38;
	[tilespmem:$0x1E880] =	vst v63  }
0x1f: {  	_ =	swait.ge [sflag:s18], $0x2780  }
0x20: {  	[sflag:s18] =	ssyncset.done $0x0  }
0x21: {  	s10 =	simm.s32 $0x2780;
	s11 =	rddreg [dreg:$0x7];
	[sflag:s18] =	ssyncadd.s32 $0xFFFFD880  }
0x22: {  	[tilespmem:s10], [sflag:$0x19] =	stream.linear.gather [hbm4b:s11+s3], $0x2780, $0x38;
	[tilespmem:$0x1E880] =	vst v63  }
0x23: {  	_ =	swait.ge [sflag:s18], $0x2780  }
0x24: {  	[sflag:s18] =	ssyncset.done $0x0  }
0x25: {  	s15 =	rddreg [dreg:$0x8];
	[sflag:s18] =	ssyncadd.s32 $0xFFFFD880  }
0x26: {  	[tilespmem:s19], [sflag:$0x19] =	stream.linear.gather [hbm4b:s15+s3], $0x2800, $0x38;
	[tilespmem:$0x1E880] =	vst v63  }
0x27: {  	_ =	swait.ge [sflag:s18], $0x2800  }
0x28: {  	[sflag:s18] =	ssyncset.done $0x0  }
0x29: {  	s12 =	rddreg [dreg:$0x9];
	[sflag:s18] =	ssyncadd.s32 $0xFFFFD800  }
0x2a: {  	[tilespmem:s20], [sflag:$0x19] =	stream.linear.gather [hbm4b:s12+s3], $0x180, $0x38;
	[tilespmem:$0x1E880] =	vst v63  }
0x2b: {  	_ =	swait.ge [sflag:s18], $0x180  }
0x2c: {  	[sflag:s18] =	ssyncset.done $0x0  }
0x2d: {  	s13 =	rddreg [dreg:$0x4];
	[sflag:s18] =	ssyncadd.s32 $0xFFFFFE80  }
0x2e: {  	[tilespmem:s21], [sflag:$0x19] =	stream.linear.gather [hbm4b:s13+s3], $0x3000, $0x38;
	[tilespmem:$0x1E880] =	vst v63  }
0x2f: {  	_ =	swait.ge [sflag:s18], $0x3000  }
0x30: {  	[sflag:s18] =	ssyncset.done $0x0  }
0x31: {  	s14 =	rddreg [dreg:$0x5];
	[sflag:s18] =	ssyncadd.s32 $0xFFFFD000  }
0x32: {  	[tilespmem:s22], [sflag:$0x19] =	stream.linear.gather [hbm4b:s14+s3], $0x3000, $0x38;
	[tilespmem:$0x1E880] =	vst v63  }
0x33: {  	_ =	swait.ge [sflag:s18], $0x3000  }
0x34: {  	[sflag:s18] =	ssyncset.done $0x0  }
0x35: {  	[sflag:s18] =	ssyncadd.s32 $0xFFFFD000  }
0x36: {  	s15 =	simm.s32 $0x4F00;
	[bflag:$0x0] =	sbarrier.arrive $0xFFFF  }
0x37: {  	[tilespmem:s15], [sflag:$0x1] =	stream.indirect.gather [hbm4b:s4+s23], $0x20, s3, s23, $0xb8;
	[tilespmem:$0x1E880] =	vst v63  }
0x38: {  	s12 =	simm.s32 $0x5F00  }
0x39: {  	[tilespmem:s12], [sflag:$0x2] =	stream.indirect.gather [hbm4b:s4+s23], $0x20, s23, s23, $0xb8;
	[tilespmem:$0x1E880] =	vst v63  }
0x3a: {  	s13 =	simm.s32 $0x100;
	s12 =	simm.s32 $0x6F00  }
0x3b: {  	[tilespmem:s12], [sflag:$0x3] =	stream.indirect.gather [hbm4b:s4+s23], $0x20, s13, s23, $0xb8;
	[tilespmem:$0x1E880] =	vst v63  }
0x3c: {  	s14 =	simm.s32 $0x180;
	s15 =	simm.s32 $0x7F00  }
0x3d: {  	[tilespmem:s15], [sflag:$0x4] =	stream.indirect.gather [hbm4b:s4+s23], $0x20, s14, s23, $0xb8;
	[tilespmem:$0x1E880] =	vst v63  }
.Ltmp0:
0x3e: {  	_ = 	snop;
	(pc) =	sbr.rel .LBB2_2-.Ltmp0, $4  }
0x3f: {  	s11 =	simm.s32 $0xFFFFFFFA;
	s12 =	simm.s32 $0x200;
	s13 =	simm.s32 $0x8F00  }
0x40: {  	[tilespmem:s13], [sflag:$0x5] =	stream.indirect.gather [hbm4b:s4+s23], $0x20, s12, s23, $0xb8;
	[tilespmem:$0x1E880] =	vst v63  }
0x41: {  	s14 =	simm.s32 $0x280;
	s15 =	simm.s32 $0x9F00;
	s12 =	simm.s32 $0x300  }
0x42: {  	[tilespmem:s15], [sflag:$0x6] =	stream.indirect.gather [hbm4b:s4+s23], $0x20, s14, s23, $0xb8;
	[tilespmem:$0x1E880] =	vst v63  }
.LBB2_3:
0x43: {  	s15 =	smul.u32 $0xAB, s14;
	_ =	sdelay $0x1  }
0x44: {  	s15 =	sshrl.u32 s15, $0xB  }
0x45: {  	s15 =	sand.u32 $0x1F, s15  }
0x46: {  	s15 =	smul.u32 $0xC, s15;
	_ =	sdelay $0x1  }
0x47: {  	s15 =	ssub.s32 s14, s15  }
0x48: {  	s14 =	sand.u32 $0xFF, s15  }
0x49: {  	s15 =	sadd.s32 $0xD, s14  }
0x4a: {  	_ =	swait.ge [sflag:s15], $0x1000  }
0x4b: {  	[sflag:s15] =	ssyncset.done $0x0  }
0x4c: {  	[sflag:s15] =	ssyncadd.s32 $0xFFFFF000  }
.LBB2_6:
0x4d: {  	s15 =	sshll.u32 s14, $0xC  }
0x4e: {  	s14 =	sadd.s32 $0x1, s14;
	s15 =	sadd.s32 $0x4F00, s15  }
0x4f: {  	[tilespmem:s15], [sflag:s14] =	stream.indirect.gather [hbm4b:s4+s23], $0x20, s12, s23, $0xb8;
	[tilespmem:$0x1E880] =	vst v63  }
.LBB2_7:
0x50: {  	s14 =	smul.u32 $0xAB, s13;
	_ =	sdelay $0x1  }
0x51: {  	s14 =	sshrl.u32 s14, $0xB  }
0x52: {  	s14 =	sand.u32 $0x1F, s14  }
0x53: {  	s14 =	smul.u32 $0xC, s14;
	_ =	sdelay $0x1  }
0x54: {  	s14 =	ssub.s32 s13, s14  }
0x55: {  	s11 =	sadd.s32 $0x1, s11;
	s13 =	sand.u32 $0xFF, s14  }
0x56: {  	p0 =	sne.s32 s11, $0x49;
	s14 =	sadd.s32 $0x1, s13  }
.Ltmp1:
0x57: {  	_ =	swait.ge [sflag:s14], $0x1000;
	(pc) =	sbr.rel @!p0 .LBB2_8-.Ltmp1, $4  }
0x58: {  	s15 =	sshll.u32 s13, $0xC;
	[sflag:s14] =	ssyncset.done $0x0  }
0x59: {  	s13 =	sadd.s32 $0xD, s13;
	s15 =	sadd.s32 $0x4F00, s15;
	[sflag:s14] =	ssyncadd.s32 $0xFFFFF000  }
0x5a: {  	[spmem:s2] =	stream.indirect.scatter.add.f32 [tilespmem:s15], [sflag:s13], $0x20, s10, s23, $0xb8;
	[tilespmem:$0x1E880] =	vst v63  }
0x5b: {  	s12 =	sadd.s32 $0x80, s12;
	s10 =	sadd.s32 $0x80, s10  }
.LBB2_2:
0x5c: {  	p0 =	sgt.u32 s11, $0x42  }
.Ltmp2:
0x5d: {  	_ = 	snop;
	(pc) =	sbr.rel @!p0 .LBB2_3-.Ltmp2, $2  }
0x5e: {  	_ =	sdelay $0x2  }
0x5f: {  	s13 =	sadd.s32 $0x6, s11;
	s14 =	sadd.s32 $0xC, s11  }
0x60: {  	p0 =	sgt.u32 s13, $0x48  }
.Ltmp3:
0x61: {  	_ = 	snop;
	(pc) =	sbr.rel @p0 .LBB2_7-.Ltmp3, $1  }
0x62: {  	_ =	sdelay $0x3  }
0x63: {  	s15 =	smul.u32 $0xAB, s14;
	_ =	sdelay $0x1  }
0x64: {  	s15 =	sshrl.u32 s15, $0xB  }
.Ltmp4:
0x65: {  	s15 =	sand.u32 $0x1F, s15;
	(pc) =	sbr.rel .LBB2_6-.Ltmp4, $3  }
0x66: {  	s15 =	smul.u32 $0xC, s15;
	_ =	sdelay $0x1  }
0x67: {  	s15 =	ssub.s32 s14, s15  }
0x68: {  	s14 =	sand.u32 $0xFF, s15  }
.LBB2_8:
0x69: {  	_ =	swait.ge [sflag:s25], $0x1000  }
0x6a: {  	[sflag:s25] =	ssyncset.done $0x0  }
0x6b: {  	[sflag:s25] =	ssyncadd.s32 $0xFFFFF000  }
0x6c: {  	_ =	swait.ge [sflag:s26], $0x1000  }
0x6d: {  	[sflag:s26] =	ssyncset.done $0x0  }
0x6e: {  	[sflag:s26] =	ssyncadd.s32 $0xFFFFF000  }
0x6f: {  	_ =	swait.ge [sflag:s28], $0x1000  }
0x70: {  	[sflag:s28] =	ssyncset.done $0x0  }
0x71: {  	[sflag:s28] =	ssyncadd.s32 $0xFFFFF000  }
0x72: {  	_ =	swait.ge [sflag:s29], $0x1000  }
0x73: {  	[sflag:s29] =	ssyncset.done $0x0  }
0x74: {  	[sflag:s29] =	ssyncadd.s32 $0xFFFFF000  }
0x75: {  	_ =	swait.ge [sflag:s30], $0x1000  }
0x76: {  	[sflag:s30] =	ssyncset.done $0x0  }
0x77: {  	[sflag:s30] =	ssyncadd.s32 $0xFFFFF000  }
0x78: {  	_ =	swait.ge [sflag:s31], $0x1000  }
0x79: {  	[sflag:s31] =	ssyncset.done $0x0  }
0x7a: {  	[sflag:s31] =	ssyncadd.s32 $0xFFFFF000  }
0x7b: {  	_ =	swait.ge [sflag:s1], $0x1000  }
0x7c: {  	[sflag:s1] =	ssyncset.done $0x0  }
0x7d: {  	[sflag:s1] =	ssyncadd.s32 $0xFFFFF000  }
0x7e: {  	_ =	swait.ge [sflag:s0], $0x1000  }
0x7f: {  	[sflag:s0] =	ssyncset.done $0x0  }
0x80: {  	[sflag:s0] =	ssyncadd.s32 $0xFFFFF000  }
0x81: {  	_ =	swait.ge [sflag:s24], $0x1000  }
0x82: {  	[sflag:s24] =	ssyncset.done $0x0  }
0x83: {  	[sflag:s24] =	ssyncadd.s32 $0xFFFFF000  }
0x84: {  	_ =	swait.ge [sflag:s5], $0x1000  }
0x85: {  	[sflag:s5] =	ssyncset.done $0x0  }
0x86: {  	[sflag:s5] =	ssyncadd.s32 $0xFFFFF000  }
0x87: {  	s10 =	simm.s32 $0x0;
	_ =	swait.ge [sflag:s6], $0x1000  }
0x88: {  	v2 =	vmov s10;
	[sflag:s6] =	ssyncset.done $0x0  }
0x89: {  	[sflag:s6] =	ssyncadd.s32 $0xFFFFF000  }
0x8a: {  	_ =	swait.ge [sflag:s7], $0x1000  }
0x8b: {  	[sflag:s7] =	ssyncset.done $0x0  }
0x8c: {  	[sflag:s7] =	ssyncadd.s32 $0xFFFFF000  }
0x8d: {  	v2 =	vld.idx.msk [tilespmem:v2+s20+$0x0], $0xffff  }
0x8e: {  	s11 =	simm.s32 $0x10;
	v3 =	vor.u32 s10, v0  }
0x8f: {  	v4 =	vor.u32 s11, v0;
	_ =	sdelay $0x2  }
0x90: {  	v2 =	vshll.u32 v2, $0x5  }
0x91: {  	v3 =	vld.idx.msk [tilespmem:v3+s19+$0x0], $0xffff;
	v5 =	vor.u32 v0, v2  }
0x92: {  	v4 =	vld.idx.msk [tilespmem:v4+s19+$0x0], $0xffff;
	v2 =	vor.u32 v1, v2;
	_ =	sdelay $0x3  }
0x93: {  	[tilespmem:v5+s21+$0x0] =	vst.idx.add.f32.msk $0xffff, v3  }
0x94: {  	[tilespmem:v2+s21+$0x0] =	vst.idx.add.f32.msk $0xffff, v4  }
0x95: {  	v6 =	vld.idx.msk [tilespmem:v5+s22+$0x0], $0xffff;
	_ =	sdelay $0x4  }
0x96: {  	v3 =	vmax.f32 v6, v3  }
0x97: {  	[tilespmem:v5+s22+$0x0] =	vst.idx.msk $0xffff, v3  }
0x98: {  	v5 =	vld.idx.msk [tilespmem:v2+s22+$0x0], $0xffff;
	_ =	sdelay $0x1  }
0x99: {  	s12 =	simm.s32 $0x1  }
0x9a: {  	v3 =	vmov s12;
	_ =	sdelay $0x1  }
0x9b: {  	s11 =	simm.s32 $0x2;
	v4 =	vmax.f32 v5, v4  }
.LBB2_9:
0x9c: {  	p0 =	sne.s32 s11, $0x13F  }
0x9d: {  	[tilespmem:v2+s22+$0x0] =	vst.idx.msk $0xffff, v4;
	s10 =	sadd.s32 $0x20, s10;
	s12 =	smov.u32 s11;
	s11 =	sadd.s32 $0x1, s11  }
0x9e: {  	v2 =	vld.idx.msk [tilespmem:v3+s20+$0x0], $0xffff  }
0x9f: {  	v3 =	vor.u32 s10, v0;
	s13 =	sadd.s32 $0x10, s10  }
0xa0: {  	v4 =	vor.u32 s13, v0;
	_ =	sdelay $0x3  }
0xa1: {  	v2 =	vshll.u32 v2, $0x5;
	v3 =	vld.idx.msk [tilespmem:v3+s19+$0x0], $0xffff  }
0xa2: {  	v5 =	vor.u32 v0, v2;
	v4 =	vld.idx.msk [tilespmem:v4+s19+$0x0], $0xffff  }
0xa3: {  	v2 =	vor.u32 v1, v2;
	_ =	sdelay $0x3  }
0xa4: {  	[tilespmem:v5+s21+$0x0] =	vst.idx.add.f32.msk $0xffff, v3  }
0xa5: {  	[tilespmem:v2+s21+$0x0] =	vst.idx.add.f32.msk $0xffff, v4  }
0xa6: {  	v6 =	vld.idx.msk [tilespmem:v5+s22+$0x0], $0xffff;
	_ =	sdelay $0x5  }
0xa7: {  	v3 =	vmax.f32 v6, v3  }
0xa8: {  	[tilespmem:v5+s22+$0x0] =	vst.idx.msk $0xffff, v3  }
0xa9: {  	v5 =	vld.idx.msk [tilespmem:v2+s22+$0x0], $0xffff;
	_ =	sdelay $0x1  }
.Ltmp5:
0xaa: {  	(pc) =	sbr.rel @p0 .LBB2_9-.Ltmp5, $2  }
0xab: {  	v3 =	vmov s12;
	_ =	sdelay $0x2  }
0xac: {  	v4 =	vmax.f32 v5, v4  }
0xad: {  	_ =	sdelay $0x3  }
0xae: {  	[tilespmem:v2+s22+$0x0] =	vst.idx.msk $0xffff, v4  }
0xaf: {  	s10 =	sadd.s32 $0x20, s10;
	v2 =	vld.idx.msk [tilespmem:v3+s20+$0x0], $0xffff  }
0xb0: {  	v3 =	vor.u32 s10, v0;
	s10 =	sadd.s32 $0x10, s10  }
0xb1: {  	v63 =	vor.u32 s10, v0;
	_ =	sdelay $0x2  }
0xb2: {  	v2 =	vshll.u32 v2, $0x5  }
0xb3: {  	v3 =	vld.idx.msk [tilespmem:v3+s19+$0x0], $0xffff;
	v5 =	vor.u32 v0, v2  }
0xb4: {  	v4 =	vld.idx.msk [tilespmem:v63+s19+$0x0], $0xffff;
	v2 =	vor.u32 v1, v2;
	_ =	sdelay $0x3  }
0xb5: {  	[tilespmem:v5+s21+$0x0] =	vst.idx.add.f32.msk $0xffff, v3  }
0xb6: {  	[tilespmem:v2+s21+$0x0] =	vst.idx.add.f32.msk $0xffff, v4  }
0xb7: {  	v6 =	vld.idx.msk [tilespmem:v5+s22+$0x0], $0xffff;
	_ =	sdelay $0x4  }
0xb8: {  	v3 =	vmax.f32 v6, v3  }
0xb9: {  	[tilespmem:v5+s22+$0x0] =	vst.idx.msk $0xffff, v3  }
0xba: {  	v3 =	vld.idx.msk [tilespmem:v2+s22+$0x0], $0xffff;
	_ =	sdelay $0x4  }
0xbb: {  	v3 =	vmax.f32 v3, v4  }
0xbc: {  	[tilespmem:v2+s22+$0x0] =	vst.idx.msk $0xffff, v3  }
0xbd: {  	[bflag:$0x0] =	sbarrier.arrive $0xFFFF  }
0xbe: {  	s13 =	rddreg [dreg:$0xa]  }
0xbf: {  	[hbm:s13], [sflag:s8] =	dma.local [spmem:s17], $0xA00  }
0xc0: {  	_ =	swait.ge [sflag:s18], $0xA00  }
0xc1: {  	[sflag:s18] =	ssyncset.done $0x0  }
0xc2: {  	s14 =	rddreg [dreg:$0xb];
	[sflag:s18] =	ssyncadd.s32 $0xFFFFF600  }
0xc3: {  	[hbm4b:s14+s3] =	stream.linear.scatter [tilespmem:s21], [sflag:$0x19], $0x3000, $0x38;
	[tilespmem:$0x1E880] =	vst v63  }
0xc4: {  	s9 =	sadd.s32 $0x1, s9;
	_ =	swait.ge [sflag:s18], $0x3000  }
0xc5: {  	p0 =	sne.s32 s9, s16;
	[sflag:s18] =	ssyncset.done $0x0  }
.Ltmp6:
0xc6: {  	s15 =	rddreg [dreg:$0xc];
	[sflag:s18] =	ssyncadd.s32 $0xFFFFD000;
	(pc) =	sbr.rel @p0 .LBB2_1-.Ltmp6, $4  }
0xc7: {  	[hbm4b:s15+s3] =	stream.linear.scatter [tilespmem:s22], [sflag:$0x19], $0x3000, $0x38;
	[tilespmem:$0x1E880] =	vst v63  }
0xc8: {  	_ =	swait.ge [sflag:s18], $0x3000  }
0xc9: {  	[sflag:s18] =	ssyncset.done $0x0  }
0xca: {  	[sflag:s18] =	ssyncadd.s32 $0xFFFFD000  }
0xcb: {  	_ =	sfence.sel $0x180000  }
0xcc: {  	[bflag:$0x0] =	sbarrier.arrive $0xFFFF  }
0xcd: {  	_ =	strace $0x90000050  }
0xce: {  	s0 =	stileid.u32;
	[bflag:$0x2] =	sbarrier.arrive $0xFFFF  }
0xcf: {  	p0 =	sne.s32 s0, $0x0;
	s0 =	rddreg [dreg:$0x2]  }
0xd0: {  	s0 =	sadd.s32 @!p0 $0x100000, s0  }
0xd1: {  	[sflag:s0] =	ssyncadd.tile.s32 @!p0 $0x1;
	_ =	shalt  }
.Lfunc_end2:
_tile_overlayer_lowered:
.L_overlay_start_2:
0xd2: {  	(tag) =	ssettag $0x2  }
0xd3: {  	s0 =	rddreg [dreg:$0x0];
	s2 =	stileid.u32  }
0xd4: {  	s1 =	rddreg [dreg:$0x1];
	p0 =	sne.s32 s2, $0x0  }
0xd5: {  	s3 =	rddreg [dreg:$0x2];
	[bflag:$0x3] =	sbarrier.arrive $0xFFFF;
	s2 =	simm.s32 @!p0 $0x1C19  }
0xd6: {  	[timem:s3], [sflag:s2] =	dma.local @!p0 [hbm:s0], s1  }
0xd7: {  	s0 =	simm.s32 @!p0 $0x19  }
0xd8: {  	_ =	swait.ge @!p0 [sflag:s0], s1  }
0xd9: {  	s1 =	ssub.s32 @!p0 $0x0, s1;
	[sflag:s0] =	ssyncset.done @!p0 $0x0  }
0xda: {  	[sflag:s0] =	ssyncadd.s32 @!p0 s1  }
0xdb: {  	[bflag:$0x3] =	sbarrier.arrive $0xFFFF  }
0xdc: {  	_ =	shalt  }

// kernel: kernel.23.cloned.1.call-start
scs
__scs_entry_jumppad:
0x0: {  	(pc) =	sbr.rel $0x88, $3  }
0x1: {  	(tag) =	ssettag $0x0;
	lr =	simm.s32 $0x1  }
0x2: {  	[smem:$0x3F92] =	sst lr;
	_ =	strace $0xD0000000  }
0x3: {  	_ = 	snop  }
0x4: {  	_ = 	snop  }
0x5: {  	_ = 	snop  }
0x6: {  	_ = 	snop  }
0x7: {  	_ = 	snop  }
__scs_overlays_trampoline_lowered:
0x8: {  	[smem:$0x3FA1] =	sst s0  }
0x9: {  	[smem:$0x3FA2] =	sst s1  }
0xa: {  	[smem:$0x3FA3] =	sst s2  }
0xb: {  	[smem:$0x3FA4] =	sst s3  }
0xc: {  	[smem:$0x3FA5] =	sst s4  }
0xd: {  	[smem:$0x3FA6] =	sst s5  }
0xe: {  	[smem:$0x3FA7] =	sst s6  }
0xf: {  	[smem:$0x3FA8] =	sst s7  }
0x10: {  	[smem:$0x3FA9] =	sst s8  }
0x11: {  	[smem:$0x3FAA] =	sst s9;
	s0 =	simm.s32 @!p0 $0x0  }
0x12: {  	s1 =	sld [smem:$0x3F90];
	s0 =	simm.s32 @p0 $0x1  }
0x13: {  	[smem:$0x3FAB] =	sst s0;
	s0 =	simm.s32 @!p1 $0x0  }
0x14: {  	s2 =	sld [smem:$0x3F8F];
	s0 =	simm.s32 @p1 $0x1  }
0x15: {  	[smem:$0x3FAC] =	sst s0;
	s0 =	simm.s32 @!p2 $0x0  }
0x16: {  	s3 =	sld [smem:$0x3FDB];
	s0 =	simm.s32 @p2 $0x1  }
0x17: {  	s4 =	simm.s32 $0x1BF5;
	[smem:$0x3FAE] =	sst s0  }
0x18: {  	s0 =	sld [smem:$0x3F91];
	_ =	swait.ge [sflag:s4], $0x0  }
0x19: {  	s7 =	sld [smem:$0x3F92]  }
0x1a: {  	s8 =	sadd.s32 $0xFFFFE003, lr  }
0x1b: {  	s9 =	sadd.s32 $0xFFFFFEF7, lr;
	s5 =	simm.s32 $0xFFFFFFFF;
	p2 =	slt.u32 s8, $0xFFFFF086  }
0x1c: {  	p1 =	slt.u32 s9, $0xF7A;
	s5 =	simm.s32 @!p2 $0x0  }
0x1d: {  	s5 =	simm.s32 @p1 $0x1;
	p0 =	seq.s32 s7, s2  }
0x1e: {  	s7 =	smul.u32 @!p0 $0xF7A, s2;
	p2 =	seq.s32 @!p0 s5, $0x0  }
0x1f: {  	s9 =	smul.u32 $0xF7A, s1;
	s8 =	simm.s32 @!p0 $0x1BF5;
	p2 =	por !p2, p0  }
0x20: {  	[sflag:s8] =	ssyncset.s32 @!p0 $0xFFFFF086;
	s6 =	sadd.s32 @!p0 s3, s7;
	s7 =	simm.s32 @!p0 $0x108  }
0x21: {  	s3 =	sadd.s32 s3, s9;
	s6 =	sadd.s32 @!p0 $0x88, s6;
	s7 =	simm.s32 @p2 $0x1082  }
0x22: {  	[simem:s7], [sflag:s8] =	dma.local @!p0 [hbm:s6], $0xF7A  }
0x23: {  	s9 =	sor.u32 $0xD0000000, s2;
	s6 =	simm.s32 $0x108;
	_ =	swait.ge @!p0 [sflag:s8], $0x0  }
0x24: {  	s3 =	sadd.s32 $0x88, s3;
	s6 =	simm.s32 @!p1 $0x1082;
	[sflag:s4] =	ssyncset.s32 $0xFFFFF086  }
0x25: {  	[simem:s6], [sflag:s4] =	dma.local [hbm:s3], $0xF7A  }
0x26: {  	[smem:$0x3F92] =	sst s1;
	(tag) =	ssettag s2;
	_ =	strace s9  }
0x27: {  	s1 =	sld [smem:$0x3FA2]  }
0x28: {  	s2 =	sld [smem:$0x3FA3]  }
0x29: {  	s4 =	sld [smem:$0x3FA5]  }
0x2a: {  	p0 =	seq.s32 s5, $0x0;
	s5 =	sld [smem:$0x3FA6]  }
0x2b: {  	s6 =	sld [smem:$0x3FA7]  }
0x2c: {  	s7 =	sld [smem:$0x3FA8]  }
0x2d: {  	s3 =	simm.s32 $0x108;
	s8 =	sld [smem:$0x3FA9]  }
0x2e: {  	s3 =	simm.s32 @!p0 $0x1082;
	s9 =	sld [smem:$0x3FAA]  }
0x2f: {  	lr =	sadd.s32 s0, s3;
	s0 =	sld [smem:$0x3FA1]  }
0x30: {  	s3 =	sld [smem:$0x3FA4]  }
0x31: {  	[smem:$0x3FAD] =	sst s10  }
0x32: {  	s10 =	sld [smem:$0x3FAB];
	_ =	sdelay $0x3  }
0x33: {  	p0 =	seq.s32 s10, $0x1;
	s10 =	sld [smem:$0x3FAD];
	_ =	sdelay $0x3  }
0x34: {  	[smem:$0x3FAD] =	sst s10  }
0x35: {  	s10 =	sld [smem:$0x3FAC];
	_ =	sdelay $0x3  }
0x36: {  	p1 =	seq.s32 s10, $0x1;
	s10 =	sld [smem:$0x3FAD];
	_ =	sdelay $0x3  }
0x37: {  	[smem:$0x3FAD] =	sst s10  }
0x38: {  	s10 =	sld [smem:$0x3FAE]  }
0x39: {  	_ = 	snop;
	(pc) =	sbr.ind lr, $3  }
0x3a: {  	_ = 	snop  }
0x3b: {  	_ = 	snop  }
0x3c: {  	p2 =	seq.s32 s10, $0x1;
	s10 =	sld [smem:$0x3FAD]  }
0x3d: {  	_ =	shalt  }
0x3e: {  	_ =	shalt  }
0x3f: {  	_ =	shalt  }
0x40: {  	_ =	shalt  }
0x41: {  	_ =	shalt  }
0x42: {  	_ =	shalt  }
0x43: {  	_ =	shalt  }
0x44: {  	_ =	shalt  }
0x45: {  	_ =	shalt  }
0x46: {  	_ =	shalt  }
0x47: {  	_ =	shalt  }
0x48: {  	_ =	shalt  }
0x49: {  	_ =	shalt  }
0x4a: {  	_ =	shalt  }
0x4b: {  	_ =	shalt  }
0x4c: {  	_ =	shalt  }
0x4d: {  	_ =	shalt  }
0x4e: {  	_ =	shalt  }
0x4f: {  	_ =	shalt  }
0x50: {  	_ =	shalt  }
0x51: {  	_ =	shalt  }
0x52: {  	_ =	shalt  }
0x53: {  	_ =	shalt  }
0x54: {  	_ =	shalt  }
0x55: {  	_ =	shalt  }
0x56: {  	_ =	shalt  }
0x57: {  	_ =	shalt  }
0x58: {  	_ =	shalt  }
0x59: {  	_ =	shalt  }
0x5a: {  	_ =	shalt  }
0x5b: {  	_ =	shalt  }
0x5c: {  	_ =	shalt  }
0x5d: {  	_ =	shalt  }
0x5e: {  	_ =	shalt  }
0x5f: {  	_ =	shalt  }
0x60: {  	_ =	shalt  }
0x61: {  	_ =	shalt  }
0x62: {  	_ =	shalt  }
0x63: {  	_ =	shalt  }
0x64: {  	_ =	shalt  }
0x65: {  	_ =	shalt  }
0x66: {  	_ =	shalt  }
0x67: {  	_ =	shalt  }
0x68: {  	_ =	shalt  }
0x69: {  	_ =	shalt  }
0x6a: {  	_ =	shalt  }
0x6b: {  	_ =	shalt  }
0x6c: {  	_ =	shalt  }
0x6d: {  	_ =	shalt  }
0x6e: {  	_ =	shalt  }
0x6f: {  	_ =	shalt  }
0x70: {  	_ =	shalt  }
0x71: {  	_ =	shalt  }
0x72: {  	_ =	shalt  }
0x73: {  	_ =	shalt  }
0x74: {  	_ =	shalt  }
0x75: {  	_ =	shalt  }
0x76: {  	_ =	shalt  }
0x77: {  	_ =	shalt  }
0x78: {  	_ =	shalt  }
0x79: {  	_ =	shalt  }
0x7a: {  	_ =	shalt  }
0x7b: {  	_ =	shalt  }
0x7c: {  	_ =	shalt  }
0x7d: {  	_ =	shalt  }
0x7e: {  	_ =	shalt  }
0x7f: {  	_ =	shalt  }
0x80: {  	_ =	shalt  }
0x81: {  	_ =	shalt  }
0x82: {  	_ =	shalt  }
0x83: {  	_ =	shalt  }
0x84: {  	_ =	shalt  }
0x85: {  	_ =	shalt  }
0x86: {  	_ =	shalt  }
0x87: {  	_ =	shalt  }
.Lfunc_end0:
.L_simem_size_0:
called_computation.4_lowered:
.L_overlay_start_0:
0x88: {  	s2 =	sld [smem:$0x3FD9]  }
0x89: {  	s3 =	sld [smem:$0x3FFE];
	_ =	sdelay $0x1  }
0x8a: {  	s1 =	srdreg.scid  }
0x8b: {  	s0 =	sand.u32 $0x1, s1  }
0x8c: {  	s17 =	sshll.u32 s0, $0xA;
	s2 =	sadd.s32 s3, s2  }
0x8d: {  	s2 =	sadd.s32 s2, s17  }
0x8e: {  	[smem:$0x3FB9] =	sst s2  }
0x8f: {  	_ = 	snop  }
0x90: {  	s2 =	sld [smem:$0x3FD0];
	(tm) =	ssettm $0x1  }
0x91: {  	s18 =	sld [smem:$0x3FFB];
	_ =	sdelay $0x3  }
0x92: {  	_ =	strace s18  }
0x93: {  	s3 =	sld [smem:$0x3FFC];
	_ =	sdelay $0x3  }
0x94: {  	_ =	strace s3  }
0x95: {  	s3 =	sld [smem:$0x3FFD];
	_ =	sdelay $0x3  }
0x96: {  	_ =	strace s3  }
0x97: {  	_ =	strace $0x8FFFFFFF  }
0x98: {  	s19 =	sld [smem:$0x3FDB];
	_ =	sdelay $0x1  }
0x99: {  	s4 =	simm.s32 $_scs_section_size  }
0x9a: {  	s5 =	simm.s32 $_size__tile_overlayer_lowered;
	s6 =	simm.s32 $_tile_overlayer_lowered  }
0x9b: {  	s22 =	simm.s32 $0x1BFF;
	s21 =	sshll.u32 s6, $0x1;
	s3 =	sadd.s32 s4, s19  }
0x9c: {  	s7 =	simm.s32 $0x0;
	s20 =	sshll.u32 s5, $0x1;
	s5 =	sadd.s32 s21, s3  }
0x9d: {  	[timem:s7], [sflag:s22] =	dma.local [hbm:s5], s20  }
0x9e: {  	_ =	swait.ge [sflag:s22], s20  }
0x9f: {  	s4 =	ssub.s32 $0x0, s20;
	[sflag:s22] =	ssyncset.done $0x0  }
0xa0: {  	[sflag:s22] =	ssyncadd.s32 s4;
	_ =	sdelay $0x1  }
0xa1: {  	s23 =	simm.s32 $0x1B8B  }
0xa2: {  	_ =	swait.ge [sflag:s23], $0x1  }
0xa3: {  	[sflag:s23] =	ssyncset.done $0x0  }
0xa4: {  	s25 =	simm.s32 $0x1B8E;
	s24 =	sld [smem:$0x3FFE];
	[sflag:s23] =	ssyncadd.s32 $0xFFFFFFFF  }
0xa5: {  	s26 =	simm.s32 $execute0_lowered;
	[smem:$0x3FD2] =	sst s25  }
0xa6: {  	s5 =	sshll.u32 s26, $0x1;
	_ =	strace $0x80000052;
	[dreg:$0x1] =	wrdreg $0xFFFFFFFF  }
0xa7: {  	s28 =	simm.s32 $_size_execute0_lowered;
	s3 =	sadd.s32 s3, s5;
	[dreg:$0x0] =	wrdreg $0x0  }
0xa8: {  	s5 =	sshll.u32 s28, $0x1;
	[dreg:$0x2] =	wrdreg s3  }
0xa9: {  	[dreg:$0x3] =	wrdreg s5  }
0xaa: {  	[dreg:$0x4] =	wrdreg $0xC0  }
0xab: {  	_ =	task [dreg:s7], $0x5FFFF  }
0xac: {  	[dreg:$0x1] =	wrdreg $0xFFFFFFFF  }
0xad: {  	[dreg:$0x0] =	wrdreg $0x60  }
0xae: {  	[dreg:$0x2] =	wrdreg s24  }
0xaf: {  	[dreg:$0x3] =	wrdreg s2  }
0xb0: {  	[dreg:$0x4] =	wrdreg $0x9  }
0xb1: {  	_ =	task.clear_ibuf [dreg:s7], $0x5FFFF;
	_ =	strace $0x90000052  }
0xb2: {  	s29 =	simm.s32 $0x9;
	_ =	strace $0x80000054  }
0xb3: {  	_ =	swait.ge [sflag:s29], $0x1  }
0xb4: {  	[sflag:s29] =	ssyncadd.s32 $0xFFFFFFFF  }
0xb5: {  	_ =	strace $0x90000054  }
0xb6: {  	_ =	sfence  }
0xb7: {  	s30 =	sld [smem:$0x0];
	_ =	sdelay $0x2  }
0xb8: {  	s31 =	sshll.u32 s1, $0xD;
	s1 =	sshrl.u32 s1, $0x2  }
0xb9: {  	s3 =	sand.u32 $0x4000, s31;
	s1 =	sadd.s32 s1, s30  }
0xba: {  	s0 =	sor.u32 s3, s0;
	s1 =	sshll.u32 s1, $0x11  }
0xbb: {  	s0 =	sor.u32 s1, s0  }
0xbc: {  	s0 =	sadd.s32 $0x8F2B, s0  }
0xbd: {  	[sflag:s0] =	ssyncadd.remote.s32 $0x1  }
0xbe: {  	_ =	sfence.sel $0xFFFF  }
0xbf: {  	[dreg:$0x0] =	wrdreg $0xFFFFFFFF;
	(pc) =	sbr.abs _section_cstart, $3  }
0xc0: {  	[dreg:$0x1] =	wrdreg $0xFFFFFFFF  }
0xc1: {  	_ =	task.clear_ibuf [dreg:s7], $0x2FFFF;
	_ =	strace $0x9FFFFFFF  }
0xc2: {  	(tm) =	ssettm $0x7FFFFFFF  }
0xc3: {  	_ =	shalt  }
tec
execute0_lowered:
.L_overlay_start_1:
0x0: {  	(tag) =	ssettag $0x1  }
0x1: {  	s6 =	rddreg [dreg:$0x0]  }
0x2: {  	s0 =	srdreg.scid;
	s2 =	rddreg [dreg:$0x1];
	s3 =	simm.s32 $0x0  }
0x3: {  	s14 =	simm.s32 $0x1;
	s15 =	simm.s32 $0x2800;
	s16 =	simm.s32 $0x5000  }
0x4: {  	s17 =	simm.s32 $0x7800;
	s18 =	simm.s32 $0x7980;
	s19 =	simm.s32 $0x7A00  }
0x5: {  	s20 =	simm.s32 $0x7B80;
	s21 =	simm.s32 $0xAB80;
	s5 =	sand.u32 $0x1, s0  }
0x6: {  	s22 =	simm.s32 $0x0;
	s0 =	stileid.u32;
	s1 =	sshll.u32 s5, $0x4  }
0x7: {  	[smem:$0x7FF] =	sst s3;
	s30 =	ssub.s32 $0x2, s5;
	s4 =	sor.u32 s0, s1  }
0x8: {  	s5 =	sadd.s32 $0x2D800, s6;
	s1 =	rddreg [dreg:$0x2];
	s7 =	smul.u32 $0x2800, s4  }
0x9: {  	_ =	strace $0x80000053;
	s31 =	sshrl.u32 s30, $0x1;
	s29 =	smul.u32 $0x600, s4  }
0xa: {  	s8 =	smul.u32 $0x30, s4;
	s4 =	sadd.s32 $0x2DE00, s6;
	s13 =	ssub.s32 s30, s31  }
0xb: {  	s13 =	smax.u32 s13, $0x1;
	s7 =	sshrl.u32 s7, $0x3;
	s12 =	sadd.s32 s29, s6  }
0xc: {  	s10 =	sadd.s32 s8, s6;
	s9 =	sadd.s32 s7, s6;
	s11 =	sadd.s32 $0x7A400, s12  }
0xd: {  	v0 =	vlaneseq.u32;
	s12 =	sadd.s32 $0x86400, s12;
	s6 =	sadd.s32 $0x66400, s9;
	s7 =	sadd.s32 $0x70400, s9  }
0xe: {  	v1 =	vor.u32 $0x10, v0;
	s8 =	sadd.s32 $0x19800, s9;
	s9 =	sadd.s32 $0x3A400, s10;
	s10 =	sadd.s32 $0xF200, s10  }
.LBB2_1:
0xf: {  	[tilespmem:s3], [sflag:$0x1] =	stream.linear.gather [hbm4b:s6+s3], $0x2800, $0x38;
	[tilespmem:$0xDB80] =	vst v63  }
0x10: {  	_ =	swait.ge [sflag:s14], $0x2800  }
0x11: {  	[sflag:s14] =	ssyncset.done $0x0  }
0x12: {  	[sflag:s14] =	ssyncadd.s32 $0xFFFFD800  }
0x13: {  	[tilespmem:s15], [sflag:$0x1] =	stream.linear.gather [hbm4b:s7+s3], $0x2800, $0x38;
	[tilespmem:$0xDB80] =	vst v63  }
0x14: {  	_ =	swait.ge [sflag:s14], $0x2800  }
0x15: {  	[sflag:s14] =	ssyncset.done $0x0  }
0x16: {  	[sflag:s14] =	ssyncadd.s32 $0xFFFFD800  }
0x17: {  	[tilespmem:s16], [sflag:$0x1] =	stream.linear.gather [hbm4b:s8+s3], $0x2800, $0x38;
	[tilespmem:$0xDB80] =	vst v63  }
0x18: {  	_ =	swait.ge [sflag:s14], $0x2800  }
0x19: {  	[sflag:s14] =	ssyncset.done $0x0  }
0x1a: {  	[sflag:s14] =	ssyncadd.s32 $0xFFFFD800  }
0x1b: {  	[tilespmem:s17], [sflag:$0x1] =	stream.linear.gather [hbm4b:s9+s3], $0x180, $0x38;
	[tilespmem:$0xDB80] =	vst v63  }
0x1c: {  	_ =	swait.ge [sflag:s14], $0x180  }
0x1d: {  	[sflag:s14] =	ssyncset.done $0x0  }
0x1e: {  	[sflag:s14] =	ssyncadd.s32 $0xFFFFFE80  }
0x1f: {  	[tilespmem:s18], [sflag:$0x1] =	stream.linear.gather [hbm4b:s2+s3], $0x80, $0x38;
	[tilespmem:$0xDB80] =	vst v63  }
0x20: {  	_ =	swait.ge [sflag:s14], $0x80  }
0x21: {  	[sflag:s14] =	ssyncset.done $0x0  }
0x22: {  	[sflag:s14] =	ssyncadd.s32 $0xFFFFFF80  }
0x23: {  	[tilespmem:s19], [sflag:$0x1] =	stream.linear.gather [hbm4b:s10+s3], $0x180, $0x38;
	[tilespmem:$0xDB80] =	vst v63  }
0x24: {  	_ =	swait.ge [sflag:s14], $0x180  }
0x25: {  	[sflag:s14] =	ssyncset.done $0x0  }
0x26: {  	[sflag:s14] =	ssyncadd.s32 $0xFFFFFE80  }
0x27: {  	[tilespmem:s20], [sflag:$0x1] =	stream.linear.gather [hbm4b:s4+s3], $0x3000, $0x38;
	[tilespmem:$0xDB80] =	vst v63  }
0x28: {  	_ =	swait.ge [sflag:s14], $0x3000  }
0x29: {  	[sflag:s14] =	ssyncset.done $0x0  }
0x2a: {  	[sflag:s14] =	ssyncadd.s32 $0xFFFFD000  }
0x2b: {  	[tilespmem:s21], [sflag:$0x1] =	stream.linear.gather [hbm4b:s5+s3], $0x3000, $0x38;
	[tilespmem:$0xDB80] =	vst v63  }
0x2c: {  	v4 =	vor.u32 s3, v1;
	_ =	swait.ge [sflag:s14], $0x3000  }
0x2d: {  	[sflag:s14] =	ssyncset.done $0x0  }
0x2e: {  	v7 =	vor.u32 s3, v0;
	[sflag:s14] =	ssyncadd.s32 $0xFFFFD000  }
0x2f: {  	v2 =	vld.idx.msk [tilespmem:v0+s18+$0x0], $0xffff  }
0x30: {  	v3 =	vld.idx.msk [tilespmem:v1+s18+$0x0], $0xffff  }
0x31: {  	v11 =	vld.idx.msk [tilespmem:v4+s3+$0x0], $0xffff  }
0x32: {  	v12 =	vmov s3;
	v13 =	vld.idx.msk [tilespmem:v4+s15+$0x0], $0xffff  }
0x33: {  	v6 =	vld.idx.msk [tilespmem:v7+s3+$0x0], $0xffff  }
0x34: {  	v8 =	vld.idx.msk [tilespmem:v7+s15+$0x0], $0xffff  }
0x35: {  	v5 =	vld.idx.msk [tilespmem:v4+s16+$0x0], $0xffff  }
0x36: {  	v9 =	vld.idx.msk [tilespmem:v7+s16+$0x0], $0xffff  }
0x37: {  	s24 =	simm.s32 $0x20;
	v10 =	vld.idx.msk [tilespmem:v12+s19+$0x0], $0xffff  }
0x38: {  	s23 =	simm.s32 $0x1;
	s25 =	simm.s32 $0x2;
	v7 =	vld.idx.msk [tilespmem:v12+s17+$0x0], $0xffff;
	v4 =	vor.u32 s24, v0;
	v11 =	vadd.f32 v13, v11  }
.LBB2_2:
0x39: {  	p0 =	sne.s32 s25, $0x13F;
	v6 =	vadd.f32 v8, v6;
	s26 =	smov.u32 s25;
	s25 =	sadd.s32 $0x1, s25  }
0x3a: {  	_ = 	snop  }
0x3b: {  	v6 =	vadd.f32 v9, v6  }
0x3c: {  	v5 =	vadd.f32 v5, v11;
	v8 =	vshll.u32 v10, $0x5  }
0x3d: {  	v9 =	vor.u32 v0, v8;
	v6 =	vmul.f32 v6, v7  }
0x3e: {  	v5 =	vmul.f32 v5, v7;
	v7 =	vor.u32 v1, v8  }
0x3f: {  	v6 =	vadd.f32 v6, v2  }
0x40: {  	v5 =	vadd.f32 v5, v3  }
0x41: {  	v6 =	vmax.f32 v6, $0.0e+00  }
0x42: {  	v5 =	vmax.f32 v5, $0.0e+00;
	[tilespmem:v9+s20+$0x0] =	vst.idx.add.f32.msk $0xffff, v6  }
0x43: {  	[tilespmem:v7+s20+$0x0] =	vst.idx.add.f32.msk $0xffff, v5  }
0x44: {  	v8 =	vld.idx.msk [tilespmem:v9+s21+$0x0], $0xffff;
	_ =	sdelay $0x5  }
0x45: {  	v6 =	vmax.f32 v8, v6  }
0x46: {  	[tilespmem:v9+s21+$0x0] =	vst.idx.msk $0xffff, v6  }
0x47: {  	v6 =	vld.idx.msk [tilespmem:v7+s21+$0x0], $0xffff;
	_ =	sdelay $0x2  }
0x48: {  	v9 =	vor.u32 s24, v1;
	_ =	sdelay $0x2  }
0x49: {  	v5 =	vmax.f32 v6, v5  }
0x4a: {  	[tilespmem:v7+s21+$0x0] =	vst.idx.msk $0xffff, v5  }
0x4b: {  	v11 =	vld.idx.msk [tilespmem:v9+s3+$0x0], $0xffff  }
0x4c: {  	v7 =	vmov s23;
	s23 =	smov.u32 s26;
	v12 =	vld.idx.msk [tilespmem:v9+s15+$0x0], $0xffff  }
0x4d: {  	v6 =	vld.idx.msk [tilespmem:v4+s3+$0x0], $0xffff  }
0x4e: {  	v8 =	vld.idx.msk [tilespmem:v4+s15+$0x0], $0xffff  }
.Ltmp0:
0x4f: {  	v5 =	vld.idx.msk [tilespmem:v9+s16+$0x0], $0xffff;
	(pc) =	sbr.rel @p0 .LBB2_2-.Ltmp0, $4  }
0x50: {  	s24 =	sadd.s32 $0x20, s24;
	v9 =	vld.idx.msk [tilespmem:v4+s16+$0x0], $0xffff  }
0x51: {  	v10 =	vld.idx.msk [tilespmem:v7+s19+$0x0], $0xffff  }
0x52: {  	v11 =	vadd.f32 v12, v11;
	v7 =	vld.idx.msk [tilespmem:v7+s17+$0x0], $0xffff  }
0x53: {  	v4 =	vor.u32 s24, v0  }
0x54: {  	v6 =	vadd.f32 v8, v6;
	_ =	sdelay $0x1  }
0x55: {  	v6 =	vadd.f32 v9, v6  }
0x56: {  	v5 =	vadd.f32 v5, v11;
	v51 =	vshll.u32 v10, $0x5  }
0x57: {  	v52 =	vor.u32 v0, v51;
	v6 =	vmul.f32 v6, v7  }
0x58: {  	v5 =	vmul.f32 v5, v7;
	v53 =	vor.u32 v1, v51  }
0x59: {  	v6 =	vadd.f32 v6, v2  }
0x5a: {  	v5 =	vadd.f32 v5, v3  }
0x5b: {  	v6 =	vmax.f32 v6, $0.0e+00  }
0x5c: {  	v5 =	vmax.f32 v5, $0.0e+00;
	[tilespmem:v52+s20+$0x0] =	vst.idx.add.f32.msk $0xffff, v6  }
0x5d: {  	[tilespmem:v53+s20+$0x0] =	vst.idx.add.f32.msk $0xffff, v5  }
0x5e: {  	v54 =	vld.idx.msk [tilespmem:v52+s21+$0x0], $0xffff;
	_ =	sdelay $0x4  }
0x5f: {  	v6 =	vmax.f32 v54, v6  }
0x60: {  	[tilespmem:v52+s21+$0x0] =	vst.idx.msk $0xffff, v6  }
0x61: {  	v6 =	vld.idx.msk [tilespmem:v53+s21+$0x0], $0xffff;
	_ =	sdelay $0x1  }
0x62: {  	v55 =	vor.u32 s24, v1;
	_ =	sdelay $0x2  }
0x63: {  	v5 =	vmax.f32 v6, v5  }
0x64: {  	[tilespmem:v53+s21+$0x0] =	vst.idx.msk $0xffff, v5  }
0x65: {  	v5 =	vld.idx.msk [tilespmem:v55+s3+$0x0], $0xffff  }
0x66: {  	v56 =	vmov s23;
	v7 =	vld.idx.msk [tilespmem:v55+s15+$0x0], $0xffff  }
0x67: {  	v9 =	vld.idx.msk [tilespmem:v4+s3+$0x0], $0xffff  }
0x68: {  	v57 =	vld.idx.msk [tilespmem:v4+s15+$0x0], $0xffff  }
0x69: {  	v8 =	vld.idx.msk [tilespmem:v55+s16+$0x0], $0xffff  }
0x6a: {  	v58 =	vld.idx.msk [tilespmem:v4+s16+$0x0], $0xffff  }
0x6b: {  	v59 =	vld.idx.msk [tilespmem:v56+s19+$0x0], $0xffff  }
0x6c: {  	v6 =	vld.idx.msk [tilespmem:v56+s17+$0x0], $0xffff  }
0x6d: {  	v9 =	vadd.f32 v57, v9  }
0x6e: {  	v5 =	vadd.f32 v7, v5  }
0x6f: {  	v4 =	vadd.f32 v58, v9  }
0x70: {  	v60 =	vshll.u32 v59, $0x5;
	v5 =	vadd.f32 v8, v5  }
0x71: {  	v61 =	vor.u32 v0, v60;
	v4 =	vmul.f32 v4, v6  }
0x72: {  	v62 =	vor.u32 v1, v60;
	v5 =	vmul.f32 v5, v6  }
0x73: {  	v2 =	vadd.f32 v4, v2  }
0x74: {  	v3 =	vadd.f32 v5, v3  }
0x75: {  	v2 =	vmax.f32 v2, $0.0e+00  }
0x76: {  	v3 =	vmax.f32 v3, $0.0e+00;
	[tilespmem:v61+s20+$0x0] =	vst.idx.add.f32.msk $0xffff, v2  }
0x77: {  	[tilespmem:v62+s20+$0x0] =	vst.idx.add.f32.msk $0xffff, v3  }
0x78: {  	v63 =	vld.idx.msk [tilespmem:v61+s21+$0x0], $0xffff;
	_ =	sdelay $0x4  }
0x79: {  	v2 =	vmax.f32 v63, v2  }
0x7a: {  	[tilespmem:v61+s21+$0x0] =	vst.idx.msk $0xffff, v2  }
0x7b: {  	v2 =	vld.idx.msk [tilespmem:v62+s21+$0x0], $0xffff;
	_ =	sdelay $0x4  }
0x7c: {  	v2 =	vmax.f32 v2, v3  }
0x7d: {  	[tilespmem:v62+s21+$0x0] =	vst.idx.msk $0xffff, v2  }
0x7e: {  	[hbm4b:s11+s3] =	stream.linear.scatter [tilespmem:s20], [sflag:$0x1], $0x3000, $0x38;
	[tilespmem:$0xDB80] =	vst v63  }
0x7f: {  	s22 =	sadd.s32 $0x1, s22;
	_ =	swait.ge [sflag:s14], $0x3000  }
0x80: {  	p0 =	sne.s32 s22, s13;
	[sflag:s14] =	ssyncset.done $0x0  }
.Ltmp1:
0x81: {  	[sflag:s14] =	ssyncadd.s32 $0xFFFFD000;
	(pc) =	sbr.rel @p0 .LBB2_1-.Ltmp1, $4  }
0x82: {  	[hbm4b:s12+s3] =	stream.linear.scatter [tilespmem:s21], [sflag:$0x1], $0x3000, $0x38;
	[tilespmem:$0xDB80] =	vst v63  }
0x83: {  	_ =	swait.ge [sflag:s14], $0x3000  }
0x84: {  	[sflag:s14] =	ssyncset.done $0x0  }
0x85: {  	[sflag:s14] =	ssyncadd.s32 $0xFFFFD000  }
0x86: {  	_ =	sfence.sel $0x180000  }
0x87: {  	[bflag:$0x0] =	sbarrier.arrive $0xFFFF  }
0x88: {  	p0 =	sne.s32 s0, $0x0;
	_ =	strace $0x90000053  }
0x89: {  	s0 =	sadd.s32 @!p0 $0x100000, s1;
	[bflag:$0x2] =	sbarrier.arrive $0xFFFF  }
0x8a: {  	[sflag:s0] =	ssyncadd.tile.s32 @!p0 $0x1;
	_ =	shalt  }
.Lfunc_end2:
_tile_overlayer_lowered:
.L_overlay_start_2:
0x8b: {  	(tag) =	ssettag $0x2  }
0x8c: {  	s0 =	rddreg [dreg:$0x0];
	s2 =	stileid.u32  }
0x8d: {  	s1 =	rddreg [dreg:$0x1];
	p0 =	sne.s32 s2, $0x0  }
0x8e: {  	s3 =	rddreg [dreg:$0x2];
	[bflag:$0x3] =	sbarrier.arrive $0xFFFF;
	s2 =	simm.s32 @!p0 $0x1C01  }
0x8f: {  	[timem:s3], [sflag:s2] =	dma.local @!p0 [hbm:s0], s1  }
0x90: {  	s0 =	simm.s32 @!p0 $0x1  }
0x91: {  	_ =	swait.ge @!p0 [sflag:s0], s1  }
0x92: {  	s1 =	ssub.s32 @!p0 $0x0, s1;
	[sflag:s0] =	ssyncset.done @!p0 $0x0  }
0x93: {  	[sflag:s0] =	ssyncadd.s32 @!p0 s1  }
0x94: {  	[bflag:$0x3] =	sbarrier.arrive $0xFFFF  }
0x95: {  	_ =	shalt  }

</sc_bundles>
